<compile_context>
chip_gen: v7x
topology: tpu7x:2x2x1
jax: 0.10.2.dev20260603
libtpu: 0.0.44.dev20260713+nightly
codegen_flags: <defaults>
</compile_context>

<pallas_src>
import functools

import jax
import jax.numpy as jnp
from jax import lax
from jax.experimental import pallas as pl
from jax.experimental.pallas import tpu as pltpu
from jax.experimental.pallas import tpu_sc as plsc

_B = 4096
_K = 26
_V = 1000
_D = 64
_N = _B * _K
_NW = 32
_RPW = _N // _NW
_G = 128
_NG = _RPW // _G
_L = 16
_NBUF = 4


def _sc_gather(w_flat, kjt):
    mesh = plsc.VectorSubcoreMesh(
        core_axis_name="c", subcore_axis_name="s", num_cores=2, num_subcores=16
    )

    @functools.partial(
        pl.kernel,
        out_type=jax.ShapeDtypeStruct((_N, _D), jnp.float32),
        mesh=mesh,
        scratch_types=[
            pltpu.VMEM((_RPW,), jnp.int32),
            pltpu.VMEM((_NG, _G), jnp.int32),
            pltpu.VMEM((_NBUF, _G, _D), jnp.float32),
        ] + [pltpu.SemaphoreType.DMA] * (2 * _NBUF),
        compiler_params=pltpu.CompilerParams(use_tc_tiling_on_sc=False),
    )
    def k(w_hbm, kjt_hbm, out_hbm, kjt_v, idx_v, rows_v, *sems):
        nc = 2
        wid = lax.axis_index("s") * nc + lax.axis_index("c")
        base = wid * _RPW
        gsems = sems[:_NBUF]
        wsems = sems[_NBUF:]

        pltpu.sync_copy(kjt_hbm.at[pl.ds(base, _RPW)], kjt_v)

        def compute_row(r):
            def body(j, _):
                t0 = r * _G + j * _L
                tvec = lax.iota(jnp.int32, _L) + t0
                vals = jnp.clip(kjt_v[pl.ds(t0, _L)], 0, _V - 1)
                idx_v[r, pl.ds(lax.rem(t0, _G), _L)] = (
                    lax.rem(tvec, _K) * _V + vals
                )
                return 0

            lax.fori_loop(0, _G // _L, body, 0)

        def fire_gather(g, buf):
            return pltpu.async_copy(
                w_hbm.at[idx_v.at[g]], rows_v.at[buf], gsems[buf]
            )

        gc = [None] * _NBUF
        wc = [None] * _NBUF
        for g in range(_NBUF - 1):
            compute_row(g)
            gc[g] = fire_gather(g, g)
        for g in range(_NG):
            s = g % _NBUF
            gnext = g + _NBUF - 1
            if gnext < _NG:
                sn = gnext % _NBUF
                compute_row(gnext)
                if wc[sn] is not None:
                    wc[sn].wait()
                gc[sn] = fire_gather(gnext, sn)
            gc[s].wait()
            wc[s] = pltpu.async_copy(
                rows_v.at[s], out_hbm.at[pl.ds(base + g * _G, _G)], wsems[s]
            )
        for s in range(_NBUF):
            if wc[s] is not None:
                wc[s].wait()

    return k(w_flat, kjt)


def kernel(kjt, W):
    w_flat = W.reshape(_K * _V, _D)
    out = _sc_gather(w_flat, kjt.astype(jnp.int32))
    return out.reshape(_B, _K * _D)

# --- scband reference (transcript-rebuilt; emitter-appended) ---
"""Pipeline reference for scband-categorical-embedder-35115652612167 (READ-ONLY COPY).

The authoritative reference and input builder live on the scoring server;
editing this copy changes nothing except your own understanding.
"""

import jax, jax.numpy as jnp
import numpy as np

B = 4096
K = 26
V = 1000
D = 64

def setup_inputs(seed: int = 0) -> dict:
    key = jax.random.key(seed)
    k1, k2 = jax.random.split(key)
    # KJT values laid out as [batch, key] flattened: value index = batch_idx * K + key_idx
    kjt = jax.random.randint(k1, (B * K,), 0, V)
    # 26 embedding tables, each [V, D]; stacked into one array [K, V, D]
    W = jax.random.normal(k2, (K, V, D), dtype=jnp.float32) * 0.02
    return {"kjt": kjt, "W": W}

def reference(kjt, W):
    # _kjt_to_dict: values[batch_idx * K + key_idx] -> per-key index vector of length B,
    # clamped to [0, vocab_size-1]
    vals = kjt.reshape(B, K)
    vals = jnp.clip(vals, 0, V - 1)
    # per-key embedding lookup: emb[b, k] = W[k, vals[b, k]]  -> [B, K, D]
    emb = W[jnp.arange(K)[None, :], vals]
    # return_dict=False path: concat per-key embeddings along dim 1 -> [B, K * D]
    return emb.reshape(B, K * D)

if __name__ == "__main__":
    import jax
    _d = setup_inputs()
    print(jax.jit(kernel)(*tuple(_d.values())))

</pallas_src>

<mosaic_0001>
#map = affine_map<(d0, d1) -> (0, 0)>
#map1 = affine_map<(d0, d1) -> (0)>
module attributes {stable_mosaic.version = 14 : i64} {
  func.func @k(%arg0: i32, %arg1: i32, %arg2: memref<26000x64xf32, #tpu.memory_space<hbm>>, %arg3: memref<106496xi32, #tpu.memory_space<hbm>>, %arg4: memref<106496x64xf32, #tpu.memory_space<hbm>>, %arg5: memref<3328xi32, #tpu.memory_space<vmem>>, %arg6: memref<26x128xi32, #tpu.memory_space<vmem>>, %arg7: memref<4x128x64xf32, #tpu.memory_space<vmem>>, %arg8: memref<!tpu.dma_semaphore, #tpu.memory_space<semaphore_mem>>, %arg9: memref<!tpu.dma_semaphore, #tpu.memory_space<semaphore_mem>>, %arg10: memref<!tpu.dma_semaphore, #tpu.memory_space<semaphore_mem>>, %arg11: memref<!tpu.dma_semaphore, #tpu.memory_space<semaphore_mem>>, %arg12: memref<!tpu.dma_semaphore, #tpu.memory_space<semaphore_mem>>, %arg13: memref<!tpu.dma_semaphore, #tpu.memory_space<semaphore_mem>>, %arg14: memref<!tpu.dma_semaphore, #tpu.memory_space<semaphore_mem>>, %arg15: memref<!tpu.dma_semaphore, #tpu.memory_space<semaphore_mem>>) attributes {dimension_semantics = [#tpu.dimension_semantics<core_parallel>, #tpu.dimension_semantics<subcore_parallel>], iteration_bounds = array<i64: 2, 16>, scalar_prefetch = 0 : i64, scratch_operands = 11 : i64, tpu.core_type = #tpu.core_type<sc_vector_subcore>, window_params = [{transform_indices = #map}, {transform_indices = #map1}, {transform_indices = #map}]} {
    %mul3A = arith.constant 2 : i32
    %mul3A_0 = arith.muli %arg1, %mul3A : i32
    %add3A = arith.addi %mul3A_0, %arg0 : i32
    %mul3A_1 = arith.constant 3328 : i32
    %mul3A_2 = arith.muli %add3A, %mul3A_1 : i32
    "tpu.region"() ({
      %run_scoped3A = tpu.sem_alloc : memref<!tpu.dma_semaphore, #tpu.memory_space<semaphore_mem>>
      %dma_start3A_1534 = tpu.memref_slice %arg3[%mul3A_2] : memref<106496xi32, #tpu.memory_space<hbm>> -> memref<3328xi32, #tpu.memory_space<hbm>>
      %dma_start3A_1535 = tpu.memref_slice %arg3[%mul3A_2] : memref<106496xi32, #tpu.memory_space<hbm>> -> memref<3328xi32, #tpu.memory_space<hbm>>
      tpu.enqueue_dma source(%dma_start3A_1535 : memref<3328xi32, #tpu.memory_space<hbm>>) target(%arg5 : memref<3328xi32, #tpu.memory_space<vmem>>) target_semaphore(%run_scoped3A : memref<!tpu.dma_semaphore, #tpu.memory_space<semaphore_mem>>)
      %dma_wait3A_1536 = tpu.memref_slice %arg3[%mul3A_2] : memref<106496xi32, #tpu.memory_space<hbm>> -> memref<3328xi32, #tpu.memory_space<hbm>>
      %dma_wait3A_1537 = tpu.memref_slice %arg3[%mul3A_2] : memref<106496xi32, #tpu.memory_space<hbm>> -> memref<3328xi32, #tpu.memory_space<hbm>>
      tpu.wait_dma2 semaphore(%run_scoped3A : memref<!tpu.dma_semaphore, #tpu.memory_space<semaphore_mem>>) src(%dma_wait3A_1537 : memref<3328xi32, #tpu.memory_space<hbm>>) dst(%arg5 : memref<3328xi32, #tpu.memory_space<vmem>>)
      tpu.yield
    }) : () -> ()
    %scan3A = arith.constant 0 : i32
    %scan3A_3 = arith.constant 0 : i32
    %scan3A_4 = arith.constant 8 : i32
    %scan3A_5 = arith.addi %scan3A_3, %scan3A_4 : i32
    %scan3A_6 = arith.constant 1 : i32
    %scan3A_7 = scf.for %scan3A_1534 = %scan3A_3 to %scan3A_5 step %scan3A_6 iter_args(%scan3A_1535 = %scan3A) -> (i32)  : i32 {
      %mul3A_1536 = arith.constant 16 : i32
      %mul3A_1537 = arith.muli %scan3A_1534, %mul3A_1536 : i32
      %add3A_1538 = arith.constant 0 : i32
      %add3A_1539 = arith.addi %add3A_1538, %mul3A_1537 : i32
      %iota3A = tpu.iota {dimensions = array<i32: 0>} : vector<16xi32>
      %add3A_1540 = vector.broadcast %add3A_1539 : i32 to vector<16xi32>
      %add3A_1541 = arith.addi %iota3A, %add3A_1540 : vector<16xi32>
      %get3A = arith.index_cast %add3A_1539 : i32 to index
      %get3A_1542 = tpu.vector_load %arg5[%get3A] {strides = array<i32>} : memref<3328xi32, #tpu.memory_space<vmem>>, vector<16xi32>,
      %get3A_1543 = vector.shape_cast %get3A_1542 : vector<16xi32> to vector<16xi32>
      %jit3A = arith.constant 0 : i32
      %jit3A_1544 = arith.constant 999 : i32
      %max3A = vector.broadcast %jit3A : i32 to vector<16xi32>
      %max3A_1545 = arith.maxsi %max3A, %get3A_1543 : vector<16xi32>
      %min3A = vector.broadcast %jit3A_1544 : i32 to vector<16xi32>
      %min3A_1546 = arith.minsi %min3A, %max3A_1545 : vector<16xi32>
      %rem3A = arith.constant 26 : i32
      %rem3A_1547 = vector.broadcast %rem3A : i32 to vector<16xi32>
      %rem3A_1548 = arith.remsi %add3A_1541, %rem3A_1547 : vector<16xi32>
      %mul3A_1549 = arith.constant 1000 : i32
      %mul3A_1550 = vector.broadcast %mul3A_1549 : i32 to vector<16xi32>
      %mul3A_1551 = arith.muli %rem3A_1548, %mul3A_1550 : vector<16xi32>
      %add3A_1552 = arith.addi %mul3A_1551, %min3A_1546 : vector<16xi32>
      %rem3A_1553 = arith.constant 128 : i32
      %rem3A_1554 = arith.remsi %add3A_1539, %rem3A_1553 : i32
      %swap3A = arith.constant 0 : i32
      %swap3A_1555 = arith.index_cast %swap3A : i32 to index
      %swap3A_1556 = arith.index_cast %rem3A_1554 : i32 to index
      %swap3A_1557 = tpu.vector_load %arg6[%swap3A_1555, %swap3A_1556] {strides = array<i32>} : memref<26x128xi32, #tpu.memory_space<vmem>>, vector<1x16xi32>,
      %swap3A_1558 = vector.shape_cast %swap3A_1557 : vector<1x16xi32> to vector<16xi32>
      %swap3A_1559 = vector.shape_cast %add3A_1552 : vector<16xi32> to vector<1x16xi32>
      tpu.vector_store %arg6[%swap3A_1555, %swap3A_1556], %swap3A_1559 {strides = array<i32>} : memref<26x128xi32, #tpu.memory_space<vmem>>, vector<1x16xi32>,
      %scan3A_1560 = arith.constant 0 : i32
      scf.yield %scan3A_1560 : i32
    }
    %scan3A_8 = arith.constant 8 : i32
    %dma_start3A = arith.constant 0 : i32
    %dma_start3A_9 = arith.constant 0 : i32
    %dma_start3A_10 = arith.constant 0 : i32
    %dma_start3A_11 = arith.constant 0 : i32
    %dma_start3A_12 = tpu.memref_slice %arg7[%dma_start3A_9, %dma_start3A_10, %dma_start3A_11] : memref<4x128x64xf32, #tpu.memory_space<vmem>> -> memref<1x128x64xf32, #tpu.memory_space<vmem>>
    %dma_start3A_13 = tpu.memref_squeeze %dma_start3A_12 : memref<1x128x64xf32, #tpu.memory_space<vmem>> -> memref<128x64xf32, #tpu.memory_space<vmem>>
    %dma_start3A_14 = arith.constant 0 : i32
    %dma_start3A_15 = tpu.memref_slice %arg6[%dma_start3A, %dma_start3A_14] : memref<26x128xi32, #tpu.memory_space<vmem>> -> memref<1x128xi32, #tpu.memory_space<vmem>>
    %dma_start3A_16 = tpu.memref_squeeze %dma_start3A_15 : memref<1x128xi32, #tpu.memory_space<vmem>> -> memref<128xi32, #tpu.memory_space<vmem>>
    %dma_start3A_17 = arith.constant 0 : i32
    %dma_start3A_18 = arith.constant 0 : i32
    %dma_start3A_19 = tpu.memref_slice %arg2[%dma_start3A_17, %dma_start3A_18] : memref<26000x64xf32, #tpu.memory_space<hbm>> -> memref<26000x64xf32, #tpu.memory_space<hbm>>
    tpu.enqueue_indirect_dma source(%dma_start3A_19 : memref<26000x64xf32, #tpu.memory_space<hbm>>) target(%dma_start3A_13 : memref<128x64xf32, #tpu.memory_space<vmem>>) offsets(%dma_start3A_16 : memref<128xi32, #tpu.memory_space<vmem>>) semaphore(%arg8 : memref<!tpu.dma_semaphore, #tpu.memory_space<semaphore_mem>>)
    %scan3A_20 = arith.constant 0 : i32
    %scan3A_21 = arith.constant 0 : i32
    %scan3A_22 = arith.constant 8 : i32
    %scan3A_23 = arith.addi %scan3A_21, %scan3A_22 : i32
    %scan3A_24 = arith.constant 1 : i32
    %scan3A_25 = scf.for %scan3A_1534 = %scan3A_21 to %scan3A_23 step %scan3A_24 iter_args(%scan3A_1535 = %scan3A_20) -> (i32)  : i32 {
      %mul3A_1536 = arith.constant 16 : i32
      %mul3A_1537 = arith.muli %scan3A_1534, %mul3A_1536 : i32
      %add3A_1538 = arith.constant 128 : i32
      %add3A_1539 = arith.addi %add3A_1538, %mul3A_1537 : i32
      %iota3A = tpu.iota {dimensions = array<i32: 0>} : vector<16xi32>
      %add3A_1540 = vector.broadcast %add3A_1539 : i32 to vector<16xi32>
      %add3A_1541 = arith.addi %iota3A, %add3A_1540 : vector<16xi32>
      %get3A = arith.index_cast %add3A_1539 : i32 to index
      %get3A_1542 = tpu.vector_load %arg5[%get3A] {strides = array<i32>} : memref<3328xi32, #tpu.memory_space<vmem>>, vector<16xi32>,
      %get3A_1543 = vector.shape_cast %get3A_1542 : vector<16xi32> to vector<16xi32>
      %jit3A = arith.constant 0 : i32
      %jit3A_1544 = arith.constant 999 : i32
      %max3A = vector.broadcast %jit3A : i32 to vector<16xi32>
      %max3A_1545 = arith.maxsi %max3A, %get3A_1543 : vector<16xi32>
      %min3A = vector.broadcast %jit3A_1544 : i32 to vector<16xi32>
      %min3A_1546 = arith.minsi %min3A, %max3A_1545 : vector<16xi32>
      %rem3A = arith.constant 26 : i32
      %rem3A_1547 = vector.broadcast %rem3A : i32 to vector<16xi32>
      %rem3A_1548 = arith.remsi %add3A_1541, %rem3A_1547 : vector<16xi32>
      %mul3A_1549 = arith.constant 1000 : i32
      %mul3A_1550 = vector.broadcast %mul3A_1549 : i32 to vector<16xi32>
      %mul3A_1551 = arith.muli %rem3A_1548, %mul3A_1550 : vector<16xi32>
      %add3A_1552 = arith.addi %mul3A_1551, %min3A_1546 : vector<16xi32>
      %rem3A_1553 = arith.constant 128 : i32
      %rem3A_1554 = arith.remsi %add3A_1539, %rem3A_1553 : i32
      %swap3A = arith.constant 1 : i32
      %swap3A_1555 = arith.index_cast %swap3A : i32 to index
      %swap3A_1556 = arith.index_cast %rem3A_1554 : i32 to index
      %swap3A_1557 = tpu.vector_load %arg6[%swap3A_1555, %swap3A_1556] {strides = array<i32>} : memref<26x128xi32, #tpu.memory_space<vmem>>, vector<1x16xi32>,
      %swap3A_1558 = vector.shape_cast %swap3A_1557 : vector<1x16xi32> to vector<16xi32>
      %swap3A_1559 = vector.shape_cast %add3A_1552 : vector<16xi32> to vector<1x16xi32>
      tpu.vector_store %arg6[%swap3A_1555, %swap3A_1556], %swap3A_1559 {strides = array<i32>} : memref<26x128xi32, #tpu.memory_space<vmem>>, vector<1x16xi32>,
      %scan3A_1560 = arith.constant 0 : i32
      scf.yield %scan3A_1560 : i32
    }
    %scan3A_26 = arith.constant 8 : i32
    %dma_start3A_27 = arith.constant 1 : i32
    %dma_start3A_28 = arith.constant 1 : i32
    %dma_start3A_29 = arith.constant 0 : i32
    %dma_start3A_30 = arith.constant 0 : i32
    %dma_start3A_31 = tpu.memref_slice %arg7[%dma_start3A_28, %dma_start3A_29, %dma_start3A_30] : memref<4x128x64xf32, #tpu.memory_space<vmem>> -> memref<1x128x64xf32, #tpu.memory_space<vmem>>
    %dma_start3A_32 = tpu.memref_squeeze %dma_start3A_31 : memref<1x128x64xf32, #tpu.memory_space<vmem>> -> memref<128x64xf32, #tpu.memory_space<vmem>>
    %dma_start3A_33 = arith.constant 0 : i32
    %dma_start3A_34 = tpu.memref_slice %arg6[%dma_start3A_27, %dma_start3A_33] : memref<26x128xi32, #tpu.memory_space<vmem>> -> memref<1x128xi32, #tpu.memory_space<vmem>>
    %dma_start3A_35 = tpu.memref_squeeze %dma_start3A_34 : memref<1x128xi32, #tpu.memory_space<vmem>> -> memref<128xi32, #tpu.memory_space<vmem>>
    %dma_start3A_36 = arith.constant 0 : i32
    %dma_start3A_37 = arith.constant 0 : i32
    %dma_start3A_38 = tpu.memref_slice %arg2[%dma_start3A_36, %dma_start3A_37] : memref<26000x64xf32, #tpu.memory_space<hbm>> -> memref<26000x64xf32, #tpu.memory_space<hbm>>
    tpu.enqueue_indirect_dma source(%dma_start3A_38 : memref<26000x64xf32, #tpu.memory_space<hbm>>) target(%dma_start3A_32 : memref<128x64xf32, #tpu.memory_space<vmem>>) offsets(%dma_start3A_35 : memref<128xi32, #tpu.memory_space<vmem>>) semaphore(%arg9 : memref<!tpu.dma_semaphore, #tpu.memory_space<semaphore_mem>>)
    %scan3A_39 = arith.constant 0 : i32
    %scan3A_40 = arith.constant 0 : i32
    %scan3A_41 = arith.constant 8 : i32
    %scan3A_42 = arith.addi %scan3A_40, %scan3A_41 : i32
    %scan3A_43 = arith.constant 1 : i32
    %scan3A_44 = scf.for %scan3A_1534 = %scan3A_40 to %scan3A_42 step %scan3A_43 iter_args(%scan3A_1535 = %scan3A_39) -> (i32)  : i32 {
      %mul3A_1536 = arith.constant 16 : i32
      %mul3A_1537 = arith.muli %scan3A_1534, %mul3A_1536 : i32
      %add3A_1538 = arith.constant 256 : i32
      %add3A_1539 = arith.addi %add3A_1538, %mul3A_1537 : i32
      %iota3A = tpu.iota {dimensions = array<i32: 0>} : vector<16xi32>
      %add3A_1540 = vector.broadcast %add3A_1539 : i32 to vector<16xi32>
      %add3A_1541 = arith.addi %iota3A, %add3A_1540 : vector<16xi32>
      %get3A = arith.index_cast %add3A_1539 : i32 to index
      %get3A_1542 = tpu.vector_load %arg5[%get3A] {strides = array<i32>} : memref<3328xi32, #tpu.memory_space<vmem>>, vector<16xi32>,
      %get3A_1543 = vector.shape_cast %get3A_1542 : vector<16xi32> to vector<16xi32>
      %jit3A = arith.constant 0 : i32
      %jit3A_1544 = arith.constant 999 : i32
      %max3A = vector.broadcast %jit3A : i32 to vector<16xi32>
      %max3A_1545 = arith.maxsi %max3A, %get3A_1543 : vector<16xi32>
      %min3A = vector.broadcast %jit3A_1544 : i32 to vector<16xi32>
      %min3A_1546 = arith.minsi %min3A, %max3A_1545 : vector<16xi32>
      %rem3A = arith.constant 26 : i32
      %rem3A_1547 = vector.broadcast %rem3A : i32 to vector<16xi32>
      %rem3A_1548 = arith.remsi %add3A_1541, %rem3A_1547 : vector<16xi32>
      %mul3A_1549 = arith.constant 1000 : i32
      %mul3A_1550 = vector.broadcast %mul3A_1549 : i32 to vector<16xi32>
      %mul3A_1551 = arith.muli %rem3A_1548, %mul3A_1550 : vector<16xi32>
      %add3A_1552 = arith.addi %mul3A_1551, %min3A_1546 : vector<16xi32>
      %rem3A_1553 = arith.constant 128 : i32
      %rem3A_1554 = arith.remsi %add3A_1539, %rem3A_1553 : i32
      %swap3A = arith.constant 2 : i32
      %swap3A_1555 = arith.index_cast %swap3A : i32 to index
      %swap3A_1556 = arith.index_cast %rem3A_1554 : i32 to index
      %swap3A_1557 = tpu.vector_load %arg6[%swap3A_1555, %swap3A_1556] {strides = array<i32>} : memref<26x128xi32, #tpu.memory_space<vmem>>, vector<1x16xi32>,
      %swap3A_1558 = vector.shape_cast %swap3A_1557 : vector<1x16xi32> to vector<16xi32>
      %swap3A_1559 = vector.shape_cast %add3A_1552 : vector<16xi32> to vector<1x16xi32>
      tpu.vector_store %arg6[%swap3A_1555, %swap3A_1556], %swap3A_1559 {strides = array<i32>} : memref<26x128xi32, #tpu.memory_space<vmem>>, vector<1x16xi32>,
      %scan3A_1560 = arith.constant 0 : i32
      scf.yield %scan3A_1560 : i32
    }
    %scan3A_45 = arith.constant 8 : i32
    %dma_start3A_46 = arith.constant 2 : i32
    %dma_start3A_47 = arith.constant 2 : i32
    %dma_start3A_48 = arith.constant 0 : i32
    %dma_start3A_49 = arith.constant 0 : i32
    %dma_start3A_50 = tpu.memref_slice %arg7[%dma_start3A_47, %dma_start3A_48, %dma_start3A_49] : memref<4x128x64xf32, #tpu.memory_space<vmem>> -> memref<1x128x64xf32, #tpu.memory_space<vmem>>
    %dma_start3A_51 = tpu.memref_squeeze %dma_start3A_50 : memref<1x128x64xf32, #tpu.memory_space<vmem>> -> memref<128x64xf32, #tpu.memory_space<vmem>>
    %dma_start3A_52 = arith.constant 0 : i32
    %dma_start3A_53 = tpu.memref_slice %arg6[%dma_start3A_46, %dma_start3A_52] : memref<26x128xi32, #tpu.memory_space<vmem>> -> memref<1x128xi32, #tpu.memory_space<vmem>>
    %dma_start3A_54 = tpu.memref_squeeze %dma_start3A_53 : memref<1x128xi32, #tpu.memory_space<vmem>> -> memref<128xi32, #tpu.memory_space<vmem>>
    %dma_start3A_55 = arith.constant 0 : i32
    %dma_start3A_56 = arith.constant 0 : i32
    %dma_start3A_57 = tpu.memref_slice %arg2[%dma_start3A_55, %dma_start3A_56] : memref<26000x64xf32, #tpu.memory_space<hbm>> -> memref<26000x64xf32, #tpu.memory_space<hbm>>
    tpu.enqueue_indirect_dma source(%dma_start3A_57 : memref<26000x64xf32, #tpu.memory_space<hbm>>) target(%dma_start3A_51 : memref<128x64xf32, #tpu.memory_space<vmem>>) offsets(%dma_start3A_54 : memref<128xi32, #tpu.memory_space<vmem>>) semaphore(%arg10 : memref<!tpu.dma_semaphore, #tpu.memory_space<semaphore_mem>>)
    %scan3A_58 = arith.constant 0 : i32
    %scan3A_59 = arith.constant 0 : i32
    %scan3A_60 = arith.constant 8 : i32
    %scan3A_61 = arith.addi %scan3A_59, %scan3A_60 : i32
    %scan3A_62 = arith.constant 1 : i32
    %scan3A_63 = scf.for %scan3A_1534 = %scan3A_59 to %scan3A_61 step %scan3A_62 iter_args(%scan3A_1535 = %scan3A_58) -> (i32)  : i32 {
      %mul3A_1536 = arith.constant 16 : i32
      %mul3A_1537 = arith.muli %scan3A_1534, %mul3A_1536 : i32
      %add3A_1538 = arith.constant 384 : i32
      %add3A_1539 = arith.addi %add3A_1538, %mul3A_1537 : i32
      %iota3A = tpu.iota {dimensions = array<i32: 0>} : vector<16xi32>
      %add3A_1540 = vector.broadcast %add3A_1539 : i32 to vector<16xi32>
      %add3A_1541 = arith.addi %iota3A, %add3A_1540 : vector<16xi32>
      %get3A = arith.index_cast %add3A_1539 : i32 to index
      %get3A_1542 = tpu.vector_load %arg5[%get3A] {strides = array<i32>} : memref<3328xi32, #tpu.memory_space<vmem>>, vector<16xi32>,
      %get3A_1543 = vector.shape_cast %get3A_1542 : vector<16xi32> to vector<16xi32>
      %jit3A = arith.constant 0 : i32
      %jit3A_1544 = arith.constant 999 : i32
      %max3A = vector.broadcast %jit3A : i32 to vector<16xi32>
      %max3A_1545 = arith.maxsi %max3A, %get3A_1543 : vector<16xi32>
      %min3A = vector.broadcast %jit3A_1544 : i32 to vector<16xi32>
      %min3A_1546 = arith.minsi %min3A, %max3A_1545 : vector<16xi32>
      %rem3A = arith.constant 26 : i32
      %rem3A_1547 = vector.broadcast %rem3A : i32 to vector<16xi32>
      %rem3A_1548 = arith.remsi %add3A_1541, %rem3A_1547 : vector<16xi32>
      %mul3A_1549 = arith.constant 1000 : i32
      %mul3A_1550 = vector.broadcast %mul3A_1549 : i32 to vector<16xi32>
      %mul3A_1551 = arith.muli %rem3A_1548, %mul3A_1550 : vector<16xi32>
      %add3A_1552 = arith.addi %mul3A_1551, %min3A_1546 : vector<16xi32>
      %rem3A_1553 = arith.constant 128 : i32
      %rem3A_1554 = arith.remsi %add3A_1539, %rem3A_1553 : i32
      %swap3A = arith.constant 3 : i32
      %swap3A_1555 = arith.index_cast %swap3A : i32 to index
      %swap3A_1556 = arith.index_cast %rem3A_1554 : i32 to index
      %swap3A_1557 = tpu.vector_load %arg6[%swap3A_1555, %swap3A_1556] {strides = array<i32>} : memref<26x128xi32, #tpu.memory_space<vmem>>, vector<1x16xi32>,
      %swap3A_1558 = vector.shape_cast %swap3A_1557 : vector<1x16xi32> to vector<16xi32>
      %swap3A_1559 = vector.shape_cast %add3A_1552 : vector<16xi32> to vector<1x16xi32>
      tpu.vector_store %arg6[%swap3A_1555, %swap3A_1556], %swap3A_1559 {strides = array<i32>} : memref<26x128xi32, #tpu.memory_space<vmem>>, vector<1x16xi32>,
      %scan3A_1560 = arith.constant 0 : i32
      scf.yield %scan3A_1560 : i32
    }
    %scan3A_64 = arith.constant 8 : i32
    %dma_start3A_65 = arith.constant 3 : i32
    %dma_start3A_66 = arith.constant 3 : i32
    %dma_start3A_67 = arith.constant 0 : i32
    %dma_start3A_68 = arith.constant 0 : i32
    %dma_start3A_69 = tpu.memref_slice %arg7[%dma_start3A_66, %dma_start3A_67, %dma_start3A_68] : memref<4x128x64xf32, #tpu.memory_space<vmem>> -> memref<1x128x64xf32, #tpu.memory_space<vmem>>
    %dma_start3A_70 = tpu.memref_squeeze %dma_start3A_69 : memref<1x128x64xf32, #tpu.memory_space<vmem>> -> memref<128x64xf32, #tpu.memory_space<vmem>>
    %dma_start3A_71 = arith.constant 0 : i32
    %dma_start3A_72 = tpu.memref_slice %arg6[%dma_start3A_65, %dma_start3A_71] : memref<26x128xi32, #tpu.memory_space<vmem>> -> memref<1x128xi32, #tpu.memory_space<vmem>>
    %dma_start3A_73 = tpu.memref_squeeze %dma_start3A_72 : memref<1x128xi32, #tpu.memory_space<vmem>> -> memref<128xi32, #tpu.memory_space<vmem>>
    %dma_start3A_74 = arith.constant 0 : i32
    %dma_start3A_75 = arith.constant 0 : i32
    %dma_start3A_76 = tpu.memref_slice %arg2[%dma_start3A_74, %dma_start3A_75] : memref<26000x64xf32, #tpu.memory_space<hbm>> -> memref<26000x64xf32, #tpu.memory_space<hbm>>
    tpu.enqueue_indirect_dma source(%dma_start3A_76 : memref<26000x64xf32, #tpu.memory_space<hbm>>) target(%dma_start3A_70 : memref<128x64xf32, #tpu.memory_space<vmem>>) offsets(%dma_start3A_73 : memref<128xi32, #tpu.memory_space<vmem>>) semaphore(%arg11 : memref<!tpu.dma_semaphore, #tpu.memory_space<semaphore_mem>>)
    %dma_wait3A = arith.constant 0 : i32
    %dma_wait3A_77 = arith.constant 0 : i32
    %dma_wait3A_78 = arith.constant 0 : i32
    %dma_wait3A_79 = arith.constant 0 : i32
    %dma_wait3A_80 = tpu.memref_slice %arg7[%dma_wait3A_77, %dma_wait3A_78, %dma_wait3A_79] : memref<4x128x64xf32, #tpu.memory_space<vmem>> -> memref<1x128x64xf32, #tpu.memory_space<vmem>>
    %dma_wait3A_81 = tpu.memref_squeeze %dma_wait3A_80 : memref<1x128x64xf32, #tpu.memory_space<vmem>> -> memref<128x64xf32, #tpu.memory_space<vmem>>
    %dma_wait3A_82 = arith.constant 0 : i32
    %dma_wait3A_83 = tpu.memref_slice %arg6[%dma_wait3A, %dma_wait3A_82] : memref<26x128xi32, #tpu.memory_space<vmem>> -> memref<1x128xi32, #tpu.memory_space<vmem>>
    %dma_wait3A_84 = tpu.memref_squeeze %dma_wait3A_83 : memref<1x128xi32, #tpu.memory_space<vmem>> -> memref<128xi32, #tpu.memory_space<vmem>>
    %dma_wait3A_85 = arith.constant 0 : i32
    %dma_wait3A_86 = arith.constant 0 : i32
    %dma_wait3A_87 = tpu.memref_slice %arg2[%dma_wait3A_85, %dma_wait3A_86] : memref<26000x64xf32, #tpu.memory_space<hbm>> -> memref<26000x64xf32, #tpu.memory_space<hbm>>
    tpu.wait_indirect_dma semaphore(%arg8 : memref<!tpu.dma_semaphore, #tpu.memory_space<semaphore_mem>>) src(%dma_wait3A_87 : memref<26000x64xf32, #tpu.memory_space<hbm>>) dst(%dma_wait3A_81 : memref<128x64xf32, #tpu.memory_space<vmem>>)
    %add3A_88 = arith.constant 0 : i32
    %add3A_89 = arith.addi %mul3A_2, %add3A_88 : i32
    %dma_start3A_90 = arith.constant 0 : i32
    %dma_start3A_91 = arith.constant 0 : i32
    %dma_start3A_92 = arith.constant 0 : i32
    %dma_start3A_93 = tpu.memref_slice %arg7[%dma_start3A_90, %dma_start3A_91, %dma_start3A_92] : memref<4x128x64xf32, #tpu.memory_space<vmem>> -> memref<1x128x64xf32, #tpu.memory_space<vmem>>
    %dma_start3A_94 = tpu.memref_squeeze %dma_start3A_93 : memref<1x128x64xf32, #tpu.memory_space<vmem>> -> memref<128x64xf32, #tpu.memory_space<vmem>>
    %dma_start3A_95 = arith.constant 0 : i32
    %dma_start3A_96 = tpu.memref_slice %arg4[%add3A_89, %dma_start3A_95] : memref<106496x64xf32, #tpu.memory_space<hbm>> -> memref<128x64xf32, #tpu.memory_space<hbm>>
    %dma_start3A_97 = arith.constant 0 : i32
    %dma_start3A_98 = tpu.memref_slice %arg4[%add3A_89, %dma_start3A_97] : memref<106496x64xf32, #tpu.memory_space<hbm>> -> memref<128x64xf32, #tpu.memory_space<hbm>>
    %dma_start3A_99 = arith.constant 0 : i32
    %dma_start3A_100 = arith.constant 0 : i32
    %dma_start3A_101 = tpu.memref_slice %arg7[%dma_start3A_90, %dma_start3A_99, %dma_start3A_100] : memref<4x128x64xf32, #tpu.memory_space<vmem>> -> memref<1x128x64xf32, #tpu.memory_space<vmem>>
    %dma_start3A_102 = tpu.memref_squeeze %dma_start3A_101 : memref<1x128x64xf32, #tpu.memory_space<vmem>> -> memref<128x64xf32, #tpu.memory_space<vmem>>
    tpu.enqueue_dma source(%dma_start3A_102 : memref<128x64xf32, #tpu.memory_space<vmem>>) target(%dma_start3A_98 : memref<128x64xf32, #tpu.memory_space<hbm>>) target_semaphore(%arg12 : memref<!tpu.dma_semaphore, #tpu.memory_space<semaphore_mem>>)
    %scan3A_103 = arith.constant 0 : i32
    %scan3A_104 = arith.constant 0 : i32
    %scan3A_105 = arith.constant 8 : i32
    %scan3A_106 = arith.addi %scan3A_104, %scan3A_105 : i32
    %scan3A_107 = arith.constant 1 : i32
    %scan3A_108 = scf.for %scan3A_1534 = %scan3A_104 to %scan3A_106 step %scan3A_107 iter_args(%scan3A_1535 = %scan3A_103) -> (i32)  : i32 {
      %mul3A_1536 = arith.constant 16 : i32
      %mul3A_1537 = arith.muli %scan3A_1534, %mul3A_1536 : i32
      %add3A_1538 = arith.constant 512 : i32
      %add3A_1539 = arith.addi %add3A_1538, %mul3A_1537 : i32
      %iota3A = tpu.iota {dimensions = array<i32: 0>} : vector<16xi32>
      %add3A_1540 = vector.broadcast %add3A_1539 : i32 to vector<16xi32>
      %add3A_1541 = arith.addi %iota3A, %add3A_1540 : vector<16xi32>
      %get3A = arith.index_cast %add3A_1539 : i32 to index
      %get3A_1542 = tpu.vector_load %arg5[%get3A] {strides = array<i32>} : memref<3328xi32, #tpu.memory_space<vmem>>, vector<16xi32>,
      %get3A_1543 = vector.shape_cast %get3A_1542 : vector<16xi32> to vector<16xi32>
      %jit3A = arith.constant 0 : i32
      %jit3A_1544 = arith.constant 999 : i32
      %max3A = vector.broadcast %jit3A : i32 to vector<16xi32>
      %max3A_1545 = arith.maxsi %max3A, %get3A_1543 : vector<16xi32>
      %min3A = vector.broadcast %jit3A_1544 : i32 to vector<16xi32>
      %min3A_1546 = arith.minsi %min3A, %max3A_1545 : vector<16xi32>
      %rem3A = arith.constant 26 : i32
      %rem3A_1547 = vector.broadcast %rem3A : i32 to vector<16xi32>
      %rem3A_1548 = arith.remsi %add3A_1541, %rem3A_1547 : vector<16xi32>
      %mul3A_1549 = arith.constant 1000 : i32
      %mul3A_1550 = vector.broadcast %mul3A_1549 : i32 to vector<16xi32>
      %mul3A_1551 = arith.muli %rem3A_1548, %mul3A_1550 : vector<16xi32>
      %add3A_1552 = arith.addi %mul3A_1551, %min3A_1546 : vector<16xi32>
      %rem3A_1553 = arith.constant 128 : i32
      %rem3A_1554 = arith.remsi %add3A_1539, %rem3A_1553 : i32
      %swap3A = arith.constant 4 : i32
      %swap3A_1555 = arith.index_cast %swap3A : i32 to index
      %swap3A_1556 = arith.index_cast %rem3A_1554 : i32 to index
      %swap3A_1557 = tpu.vector_load %arg6[%swap3A_1555, %swap3A_1556] {strides = array<i32>} : memref<26x128xi32, #tpu.memory_space<vmem>>, vector<1x16xi32>,
      %swap3A_1558 = vector.shape_cast %swap3A_1557 : vector<1x16xi32> to vector<16xi32>
      %swap3A_1559 = vector.shape_cast %add3A_1552 : vector<16xi32> to vector<1x16xi32>
      tpu.vector_store %arg6[%swap3A_1555, %swap3A_1556], %swap3A_1559 {strides = array<i32>} : memref<26x128xi32, #tpu.memory_space<vmem>>, vector<1x16xi32>,
      %scan3A_1560 = arith.constant 0 : i32
      scf.yield %scan3A_1560 : i32
    }
    %scan3A_109 = arith.constant 8 : i32
    %dma_wait3A_110 = arith.constant 0 : i32
    %dma_wait3A_111 = arith.constant 0 : i32
    %dma_wait3A_112 = arith.constant 0 : i32
    %dma_wait3A_113 = tpu.memref_slice %arg7[%dma_wait3A_110, %dma_wait3A_111, %dma_wait3A_112] : memref<4x128x64xf32, #tpu.memory_space<vmem>> -> memref<1x128x64xf32, #tpu.memory_space<vmem>>
    %dma_wait3A_114 = tpu.memref_squeeze %dma_wait3A_113 : memref<1x128x64xf32, #tpu.memory_space<vmem>> -> memref<128x64xf32, #tpu.memory_space<vmem>>
    %dma_wait3A_115 = arith.constant 0 : i32
    %dma_wait3A_116 = tpu.memref_slice %arg4[%add3A_89, %dma_wait3A_115] : memref<106496x64xf32, #tpu.memory_space<hbm>> -> memref<128x64xf32, #tpu.memory_space<hbm>>
    %dma_wait3A_117 = arith.constant 0 : i32
    %dma_wait3A_118 = tpu.memref_slice %arg4[%add3A_89, %dma_wait3A_117] : memref<106496x64xf32, #tpu.memory_space<hbm>> -> memref<128x64xf32, #tpu.memory_space<hbm>>
    %dma_wait3A_119 = arith.constant 0 : i32
    %dma_wait3A_120 = arith.constant 0 : i32
    %dma_wait3A_121 = tpu.memref_slice %arg7[%dma_wait3A_110, %dma_wait3A_119, %dma_wait3A_120] : memref<4x128x64xf32, #tpu.memory_space<vmem>> -> memref<1x128x64xf32, #tpu.memory_space<vmem>>
    %dma_wait3A_122 = tpu.memref_squeeze %dma_wait3A_121 : memref<1x128x64xf32, #tpu.memory_space<vmem>> -> memref<128x64xf32, #tpu.memory_space<vmem>>
    tpu.wait_dma2 semaphore(%arg12 : memref<!tpu.dma_semaphore, #tpu.memory_space<semaphore_mem>>) src(%dma_wait3A_122 : memref<128x64xf32, #tpu.memory_space<vmem>>) dst(%dma_wait3A_118 : memref<128x64xf32, #tpu.memory_space<hbm>>)
    %dma_start3A_123 = arith.constant 4 : i32
    %dma_start3A_124 = arith.constant 0 : i32
    %dma_start3A_125 = arith.constant 0 : i32
    %dma_start3A_126 = arith.constant 0 : i32
    %dma_start3A_127 = tpu.memref_slice %arg7[%dma_start3A_124, %dma_start3A_125, %dma_start3A_126] : memref<4x128x64xf32, #tpu.memory_space<vmem>> -> memref<1x128x64xf32, #tpu.memory_space<vmem>>
    %dma_start3A_128 = tpu.memref_squeeze %dma_start3A_127 : memref<1x128x64xf32, #tpu.memory_space<vmem>> -> memref<128x64xf32, #tpu.memory_space<vmem>>
    %dma_start3A_129 = arith.constant 0 : i32
    %dma_start3A_130 = tpu.memref_slice %arg6[%dma_start3A_123, %dma_start3A_129] : memref<26x128xi32, #tpu.memory_space<vmem>> -> memref<1x128xi32, #tpu.memory_space<vmem>>
    %dma_start3A_131 = tpu.memref_squeeze %dma_start3A_130 : memref<1x128xi32, #tpu.memory_space<vmem>> -> memref<128xi32, #tpu.memory_space<vmem>>
    %dma_start3A_132 = arith.constant 0 : i32
    %dma_start3A_133 = arith.constant 0 : i32
    %dma_start3A_134 = tpu.memref_slice %arg2[%dma_start3A_132, %dma_start3A_133] : memref<26000x64xf32, #tpu.memory_space<hbm>> -> memref<26000x64xf32, #tpu.memory_space<hbm>>
    tpu.enqueue_indirect_dma source(%dma_start3A_134 : memref<26000x64xf32, #tpu.memory_space<hbm>>) target(%dma_start3A_128 : memref<128x64xf32, #tpu.memory_space<vmem>>) offsets(%dma_start3A_131 : memref<128xi32, #tpu.memory_space<vmem>>) semaphore(%arg8 : memref<!tpu.dma_semaphore, #tpu.memory_space<semaphore_mem>>)
    %dma_wait3A_135 = arith.constant 1 : i32
    %dma_wait3A_136 = arith.constant 1 : i32
    %dma_wait3A_137 = arith.constant 0 : i32
    %dma_wait3A_138 = arith.constant 0 : i32
    %dma_wait3A_139 = tpu.memref_slice %arg7[%dma_wait3A_136, %dma_wait3A_137, %dma_wait3A_138] : memref<4x128x64xf32, #tpu.memory_space<vmem>> -> memref<1x128x64xf32, #tpu.memory_space<vmem>>
    %dma_wait3A_140 = tpu.memref_squeeze %dma_wait3A_139 : memref<1x128x64xf32, #tpu.memory_space<vmem>> -> memref<128x64xf32, #tpu.memory_space<vmem>>
    %dma_wait3A_141 = arith.constant 0 : i32
    %dma_wait3A_142 = tpu.memref_slice %arg6[%dma_wait3A_135, %dma_wait3A_141] : memref<26x128xi32, #tpu.memory_space<vmem>> -> memref<1x128xi32, #tpu.memory_space<vmem>>
    %dma_wait3A_143 = tpu.memref_squeeze %dma_wait3A_142 : memref<1x128xi32, #tpu.memory_space<vmem>> -> memref<128xi32, #tpu.memory_space<vmem>>
    %dma_wait3A_144 = arith.constant 0 : i32
    %dma_wait3A_145 = arith.constant 0 : i32
    %dma_wait3A_146 = tpu.memref_slice %arg2[%dma_wait3A_144, %dma_wait3A_145] : memref<26000x64xf32, #tpu.memory_space<hbm>> -> memref<26000x64xf32, #tpu.memory_space<hbm>>
    tpu.wait_indirect_dma semaphore(%arg9 : memref<!tpu.dma_semaphore, #tpu.memory_space<semaphore_mem>>) src(%dma_wait3A_146 : memref<26000x64xf32, #tpu.memory_space<hbm>>) dst(%dma_wait3A_140 : memref<128x64xf32, #tpu.memory_space<vmem>>)
    %add3A_147 = arith.constant 128 : i32
    %add3A_148 = arith.addi %mul3A_2, %add3A_147 : i32
    %dma_start3A_149 = arith.constant 1 : i32
    %dma_start3A_150 = arith.constant 0 : i32
    %dma_start3A_151 = arith.constant 0 : i32
    %dma_start3A_152 = tpu.memref_slice %arg7[%dma_start3A_149, %dma_start3A_150, %dma_start3A_151] : memref<4x128x64xf32, #tpu.memory_space<vmem>> -> memref<1x128x64xf32, #tpu.memory_space<vmem>>
    %dma_start3A_153 = tpu.memref_squeeze %dma_start3A_152 : memref<1x128x64xf32, #tpu.memory_space<vmem>> -> memref<128x64xf32, #tpu.memory_space<vmem>>
    %dma_start3A_154 = arith.constant 0 : i32
    %dma_start3A_155 = tpu.memref_slice %arg4[%add3A_148, %dma_start3A_154] : memref<106496x64xf32, #tpu.memory_space<hbm>> -> memref<128x64xf32, #tpu.memory_space<hbm>>
    %dma_start3A_156 = arith.constant 0 : i32
    %dma_start3A_157 = tpu.memref_slice %arg4[%add3A_148, %dma_start3A_156] : memref<106496x64xf32, #tpu.memory_space<hbm>> -> memref<128x64xf32, #tpu.memory_space<hbm>>
    %dma_start3A_158 = arith.constant 0 : i32
    %dma_start3A_159 = arith.constant 0 : i32
    %dma_start3A_160 = tpu.memref_slice %arg7[%dma_start3A_149, %dma_start3A_158, %dma_start3A_159] : memref<4x128x64xf32, #tpu.memory_space<vmem>> -> memref<1x128x64xf32, #tpu.memory_space<vmem>>
    %dma_start3A_161 = tpu.memref_squeeze %dma_start3A_160 : memref<1x128x64xf32, #tpu.memory_space<vmem>> -> memref<128x64xf32, #tpu.memory_space<vmem>>
    tpu.enqueue_dma source(%dma_start3A_161 : memref<128x64xf32, #tpu.memory_space<vmem>>) target(%dma_start3A_157 : memref<128x64xf32, #tpu.memory_space<hbm>>) target_semaphore(%arg13 : memref<!tpu.dma_semaphore, #tpu.memory_space<semaphore_mem>>)
    %scan3A_162 = arith.constant 0 : i32
    %scan3A_163 = arith.constant 0 : i32
    %scan3A_164 = arith.constant 8 : i32
    %scan3A_165 = arith.addi %scan3A_163, %scan3A_164 : i32
    %scan3A_166 = arith.constant 1 : i32
    %scan3A_167 = scf.for %scan3A_1534 = %scan3A_163 to %scan3A_165 step %scan3A_166 iter_args(%scan3A_1535 = %scan3A_162) -> (i32)  : i32 {
      %mul3A_1536 = arith.constant 16 : i32
      %mul3A_1537 = arith.muli %scan3A_1534, %mul3A_1536 : i32
      %add3A_1538 = arith.constant 640 : i32
      %add3A_1539 = arith.addi %add3A_1538, %mul3A_1537 : i32
      %iota3A = tpu.iota {dimensions = array<i32: 0>} : vector<16xi32>
      %add3A_1540 = vector.broadcast %add3A_1539 : i32 to vector<16xi32>
      %add3A_1541 = arith.addi %iota3A, %add3A_1540 : vector<16xi32>
      %get3A = arith.index_cast %add3A_1539 : i32 to index
      %get3A_1542 = tpu.vector_load %arg5[%get3A] {strides = array<i32>} : memref<3328xi32, #tpu.memory_space<vmem>>, vector<16xi32>,
      %get3A_1543 = vector.shape_cast %get3A_1542 : vector<16xi32> to vector<16xi32>
      %jit3A = arith.constant 0 : i32
      %jit3A_1544 = arith.constant 999 : i32
      %max3A = vector.broadcast %jit3A : i32 to vector<16xi32>
      %max3A_1545 = arith.maxsi %max3A, %get3A_1543 : vector<16xi32>
      %min3A = vector.broadcast %jit3A_1544 : i32 to vector<16xi32>
      %min3A_1546 = arith.minsi %min3A, %max3A_1545 : vector<16xi32>
      %rem3A = arith.constant 26 : i32
      %rem3A_1547 = vector.broadcast %rem3A : i32 to vector<16xi32>
      %rem3A_1548 = arith.remsi %add3A_1541, %rem3A_1547 : vector<16xi32>
      %mul3A_1549 = arith.constant 1000 : i32
      %mul3A_1550 = vector.broadcast %mul3A_1549 : i32 to vector<16xi32>
      %mul3A_1551 = arith.muli %rem3A_1548, %mul3A_1550 : vector<16xi32>
      %add3A_1552 = arith.addi %mul3A_1551, %min3A_1546 : vector<16xi32>
      %rem3A_1553 = arith.constant 128 : i32
      %rem3A_1554 = arith.remsi %add3A_1539, %rem3A_1553 : i32
      %swap3A = arith.constant 5 : i32
      %swap3A_1555 = arith.index_cast %swap3A : i32 to index
      %swap3A_1556 = arith.index_cast %rem3A_1554 : i32 to index
      %swap3A_1557 = tpu.vector_load %arg6[%swap3A_1555, %swap3A_1556] {strides = array<i32>} : memref<26x128xi32, #tpu.memory_space<vmem>>, vector<1x16xi32>,
      %swap3A_1558 = vector.shape_cast %swap3A_1557 : vector<1x16xi32> to vector<16xi32>
      %swap3A_1559 = vector.shape_cast %add3A_1552 : vector<16xi32> to vector<1x16xi32>
      tpu.vector_store %arg6[%swap3A_1555, %swap3A_1556], %swap3A_1559 {strides = array<i32>} : memref<26x128xi32, #tpu.memory_space<vmem>>, vector<1x16xi32>,
      %scan3A_1560 = arith.constant 0 : i32
      scf.yield %scan3A_1560 : i32
    }
    %scan3A_168 = arith.constant 8 : i32
    %dma_wait3A_169 = arith.constant 1 : i32
    %dma_wait3A_170 = arith.constant 0 : i32
    %dma_wait3A_171 = arith.constant 0 : i32
    %dma_wait3A_172 = tpu.memref_slice %arg7[%dma_wait3A_169, %dma_wait3A_170, %dma_wait3A_171] : memref<4x128x64xf32, #tpu.memory_space<vmem>> -> memref<1x128x64xf32, #tpu.memory_space<vmem>>
    %dma_wait3A_173 = tpu.memref_squeeze %dma_wait3A_172 : memref<1x128x64xf32, #tpu.memory_space<vmem>> -> memref<128x64xf32, #tpu.memory_space<vmem>>
    %dma_wait3A_174 = arith.constant 0 : i32
    %dma_wait3A_175 = tpu.memref_slice %arg4[%add3A_148, %dma_wait3A_174] : memref<106496x64xf32, #tpu.memory_space<hbm>> -> memref<128x64xf32, #tpu.memory_space<hbm>>
    %dma_wait3A_176 = arith.constant 0 : i32
    %dma_wait3A_177 = tpu.memref_slice %arg4[%add3A_148, %dma_wait3A_176] : memref<106496x64xf32, #tpu.memory_space<hbm>> -> memref<128x64xf32, #tpu.memory_space<hbm>>
    %dma_wait3A_178 = arith.constant 0 : i32
    %dma_wait3A_179 = arith.constant 0 : i32
    %dma_wait3A_180 = tpu.memref_slice %arg7[%dma_wait3A_169, %dma_wait3A_178, %dma_wait3A_179] : memref<4x128x64xf32, #tpu.memory_space<vmem>> -> memref<1x128x64xf32, #tpu.memory_space<vmem>>
    %dma_wait3A_181 = tpu.memref_squeeze %dma_wait3A_180 : memref<1x128x64xf32, #tpu.memory_space<vmem>> -> memref<128x64xf32, #tpu.memory_space<vmem>>
    tpu.wait_dma2 semaphore(%arg13 : memref<!tpu.dma_semaphore, #tpu.memory_space<semaphore_mem>>) src(%dma_wait3A_181 : memref<128x64xf32, #tpu.memory_space<vmem>>) dst(%dma_wait3A_177 : memref<128x64xf32, #tpu.memory_space<hbm>>)
    %dma_start3A_182 = arith.constant 5 : i32
    %dma_start3A_183 = arith.constant 1 : i32
    %dma_start3A_184 = arith.constant 0 : i32
    %dma_start3A_185 = arith.constant 0 : i32
    %dma_start3A_186 = tpu.memref_slice %arg7[%dma_start3A_183, %dma_start3A_184, %dma_start3A_185] : memref<4x128x64xf32, #tpu.memory_space<vmem>> -> memref<1x128x64xf32, #tpu.memory_space<vmem>>
    %dma_start3A_187 = tpu.memref_squeeze %dma_start3A_186 : memref<1x128x64xf32, #tpu.memory_space<vmem>> -> memref<128x64xf32, #tpu.memory_space<vmem>>
    %dma_start3A_188 = arith.constant 0 : i32
    %dma_start3A_189 = tpu.memref_slice %arg6[%dma_start3A_182, %dma_start3A_188] : memref<26x128xi32, #tpu.memory_space<vmem>> -> memref<1x128xi32, #tpu.memory_space<vmem>>
    %dma_start3A_190 = tpu.memref_squeeze %dma_start3A_189 : memref<1x128xi32, #tpu.memory_space<vmem>> -> memref<128xi32, #tpu.memory_space<vmem>>
    %dma_start3A_191 = arith.constant 0 : i32
    %dma_start3A_192 = arith.constant 0 : i32
    %dma_start3A_193 = tpu.memref_slice %arg2[%dma_start3A_191, %dma_start3A_192] : memref<26000x64xf32, #tpu.memory_space<hbm>> -> memref<26000x64xf32, #tpu.memory_space<hbm>>
    tpu.enqueue_indirect_dma source(%dma_start3A_193 : memref<26000x64xf32, #tpu.memory_space<hbm>>) target(%dma_start3A_187 : memref<128x64xf32, #tpu.memory_space<vmem>>) offsets(%dma_start3A_190 : memref<128xi32, #tpu.memory_space<vmem>>) semaphore(%arg9 : memref<!tpu.dma_semaphore, #tpu.memory_space<semaphore_mem>>)
    %dma_wait3A_194 = arith.constant 2 : i32
    %dma_wait3A_195 = arith.constant 2 : i32
    %dma_wait3A_196 = arith.constant 0 : i32
    %dma_wait3A_197 = arith.constant 0 : i32
    %dma_wait3A_198 = tpu.memref_slice %arg7[%dma_wait3A_195, %dma_wait3A_196, %dma_wait3A_197] : memref<4x128x64xf32, #tpu.memory_space<vmem>> -> memref<1x128x64xf32, #tpu.memory_space<vmem>>
    %dma_wait3A_199 = tpu.memref_squeeze %dma_wait3A_198 : memref<1x128x64xf32, #tpu.memory_space<vmem>> -> memref<128x64xf32, #tpu.memory_space<vmem>>
    %dma_wait3A_200 = arith.constant 0 : i32
    %dma_wait3A_201 = tpu.memref_slice %arg6[%dma_wait3A_194, %dma_wait3A_200] : memref<26x128xi32, #tpu.memory_space<vmem>> -> memref<1x128xi32, #tpu.memory_space<vmem>>
    %dma_wait3A_202 = tpu.memref_squeeze %dma_wait3A_201 : memref<1x128xi32, #tpu.memory_space<vmem>> -> memref<128xi32, #tpu.memory_space<vmem>>
    %dma_wait3A_203 = arith.constant 0 : i32
    %dma_wait3A_204 = arith.constant 0 : i32
    %dma_wait3A_205 = tpu.memref_slice %arg2[%dma_wait3A_203, %dma_wait3A_204] : memref<26000x64xf32, #tpu.memory_space<hbm>> -> memref<26000x64xf32, #tpu.memory_space<hbm>>
    tpu.wait_indirect_dma semaphore(%arg10 : memref<!tpu.dma_semaphore, #tpu.memory_space<semaphore_mem>>) src(%dma_wait3A_205 : memref<26000x64xf32, #tpu.memory_space<hbm>>) dst(%dma_wait3A_199 : memref<128x64xf32, #tpu.memory_space<vmem>>)
    %add3A_206 = arith.constant 256 : i32
    %add3A_207 = arith.addi %mul3A_2, %add3A_206 : i32
    %dma_start3A_208 = arith.constant 2 : i32
    %dma_start3A_209 = arith.constant 0 : i32
    %dma_start3A_210 = arith.constant 0 : i32
    %dma_start3A_211 = tpu.memref_slice %arg7[%dma_start3A_208, %dma_start3A_209, %dma_start3A_210] : memref<4x128x64xf32, #tpu.memory_space<vmem>> -> memref<1x128x64xf32, #tpu.memory_space<vmem>>
    %dma_start3A_212 = tpu.memref_squeeze %dma_start3A_211 : memref<1x128x64xf32, #tpu.memory_space<vmem>> -> memref<128x64xf32, #tpu.memory_space<vmem>>
    %dma_start3A_213 = arith.constant 0 : i32
    %dma_start3A_214 = tpu.memref_slice %arg4[%add3A_207, %dma_start3A_213] : memref<106496x64xf32, #tpu.memory_space<hbm>> -> memref<128x64xf32, #tpu.memory_space<hbm>>
    %dma_start3A_215 = arith.constant 0 : i32
    %dma_start3A_216 = tpu.memref_slice %arg4[%add3A_207, %dma_start3A_215] : memref<106496x64xf32, #tpu.memory_space<hbm>> -> memref<128x64xf32, #tpu.memory_space<hbm>>
    %dma_start3A_217 = arith.constant 0 : i32
    %dma_start3A_218 = arith.constant 0 : i32
    %dma_start3A_219 = tpu.memref_slice %arg7[%dma_start3A_208, %dma_start3A_217, %dma_start3A_218] : memref<4x128x64xf32, #tpu.memory_space<vmem>> -> memref<1x128x64xf32, #tpu.memory_space<vmem>>
    %dma_start3A_220 = tpu.memref_squeeze %dma_start3A_219 : memref<1x128x64xf32, #tpu.memory_space<vmem>> -> memref<128x64xf32, #tpu.memory_space<vmem>>
    tpu.enqueue_dma source(%dma_start3A_220 : memref<128x64xf32, #tpu.memory_space<vmem>>) target(%dma_start3A_216 : memref<128x64xf32, #tpu.memory_space<hbm>>) target_semaphore(%arg14 : memref<!tpu.dma_semaphore, #tpu.memory_space<semaphore_mem>>)
    %scan3A_221 = arith.constant 0 : i32
    %scan3A_222 = arith.constant 0 : i32
    %scan3A_223 = arith.constant 8 : i32
    %scan3A_224 = arith.addi %scan3A_222, %scan3A_223 : i32
    %scan3A_225 = arith.constant 1 : i32
    %scan3A_226 = scf.for %scan3A_1534 = %scan3A_222 to %scan3A_224 step %scan3A_225 iter_args(%scan3A_1535 = %scan3A_221) -> (i32)  : i32 {
      %mul3A_1536 = arith.constant 16 : i32
      %mul3A_1537 = arith.muli %scan3A_1534, %mul3A_1536 : i32
      %add3A_1538 = arith.constant 768 : i32
      %add3A_1539 = arith.addi %add3A_1538, %mul3A_1537 : i32
      %iota3A = tpu.iota {dimensions = array<i32: 0>} : vector<16xi32>
      %add3A_1540 = vector.broadcast %add3A_1539 : i32 to vector<16xi32>
      %add3A_1541 = arith.addi %iota3A, %add3A_1540 : vector<16xi32>
      %get3A = arith.index_cast %add3A_1539 : i32 to index
      %get3A_1542 = tpu.vector_load %arg5[%get3A] {strides = array<i32>} : memref<3328xi32, #tpu.memory_space<vmem>>, vector<16xi32>,
      %get3A_1543 = vector.shape_cast %get3A_1542 : vector<16xi32> to vector<16xi32>
      %jit3A = arith.constant 0 : i32
      %jit3A_1544 = arith.constant 999 : i32
      %max3A = vector.broadcast %jit3A : i32 to vector<16xi32>
      %max3A_1545 = arith.maxsi %max3A, %get3A_1543 : vector<16xi32>
      %min3A = vector.broadcast %jit3A_1544 : i32 to vector<16xi32>
      %min3A_1546 = arith.minsi %min3A, %max3A_1545 : vector<16xi32>
      %rem3A = arith.constant 26 : i32
      %rem3A_1547 = vector.broadcast %rem3A : i32 to vector<16xi32>
      %rem3A_1548 = arith.remsi %add3A_1541, %rem3A_1547 : vector<16xi32>
      %mul3A_1549 = arith.constant 1000 : i32
      %mul3A_1550 = vector.broadcast %mul3A_1549 : i32 to vector<16xi32>
      %mul3A_1551 = arith.muli %rem3A_1548, %mul3A_1550 : vector<16xi32>
      %add3A_1552 = arith.addi %mul3A_1551, %min3A_1546 : vector<16xi32>
      %rem3A_1553 = arith.constant 128 : i32
      %rem3A_1554 = arith.remsi %add3A_1539, %rem3A_1553 : i32
      %swap3A = arith.constant 6 : i32
      %swap3A_1555 = arith.index_cast %swap3A : i32 to index
      %swap3A_1556 = arith.index_cast %rem3A_1554 : i32 to index
      %swap3A_1557 = tpu.vector_load %arg6[%swap3A_1555, %swap3A_1556] {strides = array<i32>} : memref<26x128xi32, #tpu.memory_space<vmem>>, vector<1x16xi32>,
      %swap3A_1558 = vector.shape_cast %swap3A_1557 : vector<1x16xi32> to vector<16xi32>
      %swap3A_1559 = vector.shape_cast %add3A_1552 : vector<16xi32> to vector<1x16xi32>
      tpu.vector_store %arg6[%swap3A_1555, %swap3A_1556], %swap3A_1559 {strides = array<i32>} : memref<26x128xi32, #tpu.memory_space<vmem>>, vector<1x16xi32>,
      %scan3A_1560 = arith.constant 0 : i32
      scf.yield %scan3A_1560 : i32
    }
    %scan3A_227 = arith.constant 8 : i32
    %dma_wait3A_228 = arith.constant 2 : i32
    %dma_wait3A_229 = arith.constant 0 : i32
    %dma_wait3A_230 = arith.constant 0 : i32
    %dma_wait3A_231 = tpu.memref_slice %arg7[%dma_wait3A_228, %dma_wait3A_229, %dma_wait3A_230] : memref<4x128x64xf32, #tpu.memory_space<vmem>> -> memref<1x128x64xf32, #tpu.memory_space<vmem>>
    %dma_wait3A_232 = tpu.memref_squeeze %dma_wait3A_231 : memref<1x128x64xf32, #tpu.memory_space<vmem>> -> memref<128x64xf32, #tpu.memory_space<vmem>>
    %dma_wait3A_233 = arith.constant 0 : i32
    %dma_wait3A_234 = tpu.memref_slice %arg4[%add3A_207, %dma_wait3A_233] : memref<106496x64xf32, #tpu.memory_space<hbm>> -> memref<128x64xf32, #tpu.memory_space<hbm>>
    %dma_wait3A_235 = arith.constant 0 : i32
    %dma_wait3A_236 = tpu.memref_slice %arg4[%add3A_207, %dma_wait3A_235] : memref<106496x64xf32, #tpu.memory_space<hbm>> -> memref<128x64xf32, #tpu.memory_space<hbm>>
    %dma_wait3A_237 = arith.constant 0 : i32
    %dma_wait3A_238 = arith.constant 0 : i32
    %dma_wait3A_239 = tpu.memref_slice %arg7[%dma_wait3A_228, %dma_wait3A_237, %dma_wait3A_238] : memref<4x128x64xf32, #tpu.memory_space<vmem>> -> memref<1x128x64xf32, #tpu.memory_space<vmem>>
    %dma_wait3A_240 = tpu.memref_squeeze %dma_wait3A_239 : memref<1x128x64xf32, #tpu.memory_space<vmem>> -> memref<128x64xf32, #tpu.memory_space<vmem>>
    tpu.wait_dma2 semaphore(%arg14 : memref<!tpu.dma_semaphore, #tpu.memory_space<semaphore_mem>>) src(%dma_wait3A_240 : memref<128x64xf32, #tpu.memory_space<vmem>>) dst(%dma_wait3A_236 : memref<128x64xf32, #tpu.memory_space<hbm>>)
    %dma_start3A_241 = arith.constant 6 : i32
    %dma_start3A_242 = arith.constant 2 : i32
    %dma_start3A_243 = arith.constant 0 : i32
    %dma_start3A_244 = arith.constant 0 : i32
    %dma_start3A_245 = tpu.memref_slice %arg7[%dma_start3A_242, %dma_start3A_243, %dma_start3A_244] : memref<4x128x64xf32, #tpu.memory_space<vmem>> -> memref<1x128x64xf32, #tpu.memory_space<vmem>>
    %dma_start3A_246 = tpu.memref_squeeze %dma_start3A_245 : memref<1x128x64xf32, #tpu.memory_space<vmem>> -> memref<128x64xf32, #tpu.memory_space<vmem>>
    %dma_start3A_247 = arith.constant 0 : i32
    %dma_start3A_248 = tpu.memref_slice %arg6[%dma_start3A_241, %dma_start3A_247] : memref<26x128xi32, #tpu.memory_space<vmem>> -> memref<1x128xi32, #tpu.memory_space<vmem>>
    %dma_start3A_249 = tpu.memref_squeeze %dma_start3A_248 : memref<1x128xi32, #tpu.memory_space<vmem>> -> memref<128xi32, #tpu.memory_space<vmem>>
    %dma_start3A_250 = arith.constant 0 : i32
    %dma_start3A_251 = arith.constant 0 : i32
    %dma_start3A_252 = tpu.memref_slice %arg2[%dma_start3A_250, %dma_start3A_251] : memref<26000x64xf32, #tpu.memory_space<hbm>> -> memref<26000x64xf32, #tpu.memory_space<hbm>>
    tpu.enqueue_indirect_dma source(%dma_start3A_252 : memref<26000x64xf32, #tpu.memory_space<hbm>>) target(%dma_start3A_246 : memref<128x64xf32, #tpu.memory_space<vmem>>) offsets(%dma_start3A_249 : memref<128xi32, #tpu.memory_space<vmem>>) semaphore(%arg10 : memref<!tpu.dma_semaphore, #tpu.memory_space<semaphore_mem>>)
    %dma_wait3A_253 = arith.constant 3 : i32
    %dma_wait3A_254 = arith.constant 3 : i32
    %dma_wait3A_255 = arith.constant 0 : i32
    %dma_wait3A_256 = arith.constant 0 : i32
    %dma_wait3A_257 = tpu.memref_slice %arg7[%dma_wait3A_254, %dma_wait3A_255, %dma_wait3A_256] : memref<4x128x64xf32, #tpu.memory_space<vmem>> -> memref<1x128x64xf32, #tpu.memory_space<vmem>>
    %dma_wait3A_258 = tpu.memref_squeeze %dma_wait3A_257 : memref<1x128x64xf32, #tpu.memory_space<vmem>> -> memref<128x64xf32, #tpu.memory_space<vmem>>
    %dma_wait3A_259 = arith.constant 0 : i32
    %dma_wait3A_260 = tpu.memref_slice %arg6[%dma_wait3A_253, %dma_wait3A_259] : memref<26x128xi32, #tpu.memory_space<vmem>> -> memref<1x128xi32, #tpu.memory_space<vmem>>
    %dma_wait3A_261 = tpu.memref_squeeze %dma_wait3A_260 : memref<1x128xi32, #tpu.memory_space<vmem>> -> memref<128xi32, #tpu.memory_space<vmem>>
    %dma_wait3A_262 = arith.constant 0 : i32
    %dma_wait3A_263 = arith.constant 0 : i32
    %dma_wait3A_264 = tpu.memref_slice %arg2[%dma_wait3A_262, %dma_wait3A_263] : memref<26000x64xf32, #tpu.memory_space<hbm>> -> memref<26000x64xf32, #tpu.memory_space<hbm>>
    tpu.wait_indirect_dma semaphore(%arg11 : memref<!tpu.dma_semaphore, #tpu.memory_space<semaphore_mem>>) src(%dma_wait3A_264 : memref<26000x64xf32, #tpu.memory_space<hbm>>) dst(%dma_wait3A_258 : memref<128x64xf32, #tpu.memory_space<vmem>>)
    %add3A_265 = arith.constant 384 : i32
    %add3A_266 = arith.addi %mul3A_2, %add3A_265 : i32
    %dma_start3A_267 = arith.constant 3 : i32
    %dma_start3A_268 = arith.constant 0 : i32
    %dma_start3A_269 = arith.constant 0 : i32
    %dma_start3A_270 = tpu.memref_slice %arg7[%dma_start3A_267, %dma_start3A_268, %dma_start3A_269] : memref<4x128x64xf32, #tpu.memory_space<vmem>> -> memref<1x128x64xf32, #tpu.memory_space<vmem>>
    %dma_start3A_271 = tpu.memref_squeeze %dma_start3A_270 : memref<1x128x64xf32, #tpu.memory_space<vmem>> -> memref<128x64xf32, #tpu.memory_space<vmem>>
    %dma_start3A_272 = arith.constant 0 : i32
    %dma_start3A_273 = tpu.memref_slice %arg4[%add3A_266, %dma_start3A_272] : memref<106496x64xf32, #tpu.memory_space<hbm>> -> memref<128x64xf32, #tpu.memory_space<hbm>>
    %dma_start3A_274 = arith.constant 0 : i32
    %dma_start3A_275 = tpu.memref_slice %arg4[%add3A_266, %dma_start3A_274] : memref<106496x64xf32, #tpu.memory_space<hbm>> -> memref<128x64xf32, #tpu.memory_space<hbm>>
    %dma_start3A_276 = arith.constant 0 : i32
    %dma_start3A_277 = arith.constant 0 : i32
    %dma_start3A_278 = tpu.memref_slice %arg7[%dma_start3A_267, %dma_start3A_276, %dma_start3A_277] : memref<4x128x64xf32, #tpu.memory_space<vmem>> -> memref<1x128x64xf32, #tpu.memory_space<vmem>>
    %dma_start3A_279 = tpu.memref_squeeze %dma_start3A_278 : memref<1x128x64xf32, #tpu.memory_space<vmem>> -> memref<128x64xf32, #tpu.memory_space<vmem>>
    tpu.enqueue_dma source(%dma_start3A_279 : memref<128x64xf32, #tpu.memory_space<vmem>>) target(%dma_start3A_275 : memref<128x64xf32, #tpu.memory_space<hbm>>) target_semaphore(%arg15 : memref<!tpu.dma_semaphore, #tpu.memory_space<semaphore_mem>>)
    %scan3A_280 = arith.constant 0 : i32
    %scan3A_281 = arith.constant 0 : i32
    %scan3A_282 = arith.constant 8 : i32
    %scan3A_283 = arith.addi %scan3A_281, %scan3A_282 : i32
    %scan3A_284 = arith.constant 1 : i32
    %scan3A_285 = scf.for %scan3A_1534 = %scan3A_281 to %scan3A_283 step %scan3A_284 iter_args(%scan3A_1535 = %scan3A_280) -> (i32)  : i32 {
      %mul3A_1536 = arith.constant 16 : i32
      %mul3A_1537 = arith.muli %scan3A_1534, %mul3A_1536 : i32
      %add3A_1538 = arith.constant 896 : i32
      %add3A_1539 = arith.addi %add3A_1538, %mul3A_1537 : i32
      %iota3A = tpu.iota {dimensions = array<i32: 0>} : vector<16xi32>
      %add3A_1540 = vector.broadcast %add3A_1539 : i32 to vector<16xi32>
      %add3A_1541 = arith.addi %iota3A, %add3A_1540 : vector<16xi32>
      %get3A = arith.index_cast %add3A_1539 : i32 to index
      %get3A_1542 = tpu.vector_load %arg5[%get3A] {strides = array<i32>} : memref<3328xi32, #tpu.memory_space<vmem>>, vector<16xi32>,
      %get3A_1543 = vector.shape_cast %get3A_1542 : vector<16xi32> to vector<16xi32>
      %jit3A = arith.constant 0 : i32
      %jit3A_1544 = arith.constant 999 : i32
      %max3A = vector.broadcast %jit3A : i32 to vector<16xi32>
      %max3A_1545 = arith.maxsi %max3A, %get3A_1543 : vector<16xi32>
      %min3A = vector.broadcast %jit3A_1544 : i32 to vector<16xi32>
      %min3A_1546 = arith.minsi %min3A, %max3A_1545 : vector<16xi32>
      %rem3A = arith.constant 26 : i32
      %rem3A_1547 = vector.broadcast %rem3A : i32 to vector<16xi32>
      %rem3A_1548 = arith.remsi %add3A_1541, %rem3A_1547 : vector<16xi32>
      %mul3A_1549 = arith.constant 1000 : i32
      %mul3A_1550 = vector.broadcast %mul3A_1549 : i32 to vector<16xi32>
      %mul3A_1551 = arith.muli %rem3A_1548, %mul3A_1550 : vector<16xi32>
      %add3A_1552 = arith.addi %mul3A_1551, %min3A_1546 : vector<16xi32>
      %rem3A_1553 = arith.constant 128 : i32
      %rem3A_1554 = arith.remsi %add3A_1539, %rem3A_1553 : i32
      %swap3A = arith.constant 7 : i32
      %swap3A_1555 = arith.index_cast %swap3A : i32 to index
      %swap3A_1556 = arith.index_cast %rem3A_1554 : i32 to index
      %swap3A_1557 = tpu.vector_load %arg6[%swap3A_1555, %swap3A_1556] {strides = array<i32>} : memref<26x128xi32, #tpu.memory_space<vmem>>, vector<1x16xi32>,
      %swap3A_1558 = vector.shape_cast %swap3A_1557 : vector<1x16xi32> to vector<16xi32>
      %swap3A_1559 = vector.shape_cast %add3A_1552 : vector<16xi32> to vector<1x16xi32>
      tpu.vector_store %arg6[%swap3A_1555, %swap3A_1556], %swap3A_1559 {strides = array<i32>} : memref<26x128xi32, #tpu.memory_space<vmem>>, vector<1x16xi32>,
      %scan3A_1560 = arith.constant 0 : i32
      scf.yield %scan3A_1560 : i32
    }
    %scan3A_286 = arith.constant 8 : i32
    %dma_wait3A_287 = arith.constant 3 : i32
    %dma_wait3A_288 = arith.constant 0 : i32
    %dma_wait3A_289 = arith.constant 0 : i32
    %dma_wait3A_290 = tpu.memref_slice %arg7[%dma_wait3A_287, %dma_wait3A_288, %dma_wait3A_289] : memref<4x128x64xf32, #tpu.memory_space<vmem>> -> memref<1x128x64xf32, #tpu.memory_space<vmem>>
    %dma_wait3A_291 = tpu.memref_squeeze %dma_wait3A_290 : memref<1x128x64xf32, #tpu.memory_space<vmem>> -> memref<128x64xf32, #tpu.memory_space<vmem>>
    %dma_wait3A_292 = arith.constant 0 : i32
    %dma_wait3A_293 = tpu.memref_slice %arg4[%add3A_266, %dma_wait3A_292] : memref<106496x64xf32, #tpu.memory_space<hbm>> -> memref<128x64xf32, #tpu.memory_space<hbm>>
    %dma_wait3A_294 = arith.constant 0 : i32
    %dma_wait3A_295 = tpu.memref_slice %arg4[%add3A_266, %dma_wait3A_294] : memref<106496x64xf32, #tpu.memory_space<hbm>> -> memref<128x64xf32, #tpu.memory_space<hbm>>
    %dma_wait3A_296 = arith.constant 0 : i32
    %dma_wait3A_297 = arith.constant 0 : i32
    %dma_wait3A_298 = tpu.memref_slice %arg7[%dma_wait3A_287, %dma_wait3A_296, %dma_wait3A_297] : memref<4x128x64xf32, #tpu.memory_space<vmem>> -> memref<1x128x64xf32, #tpu.memory_space<vmem>>
    %dma_wait3A_299 = tpu.memref_squeeze %dma_wait3A_298 : memref<1x128x64xf32, #tpu.memory_space<vmem>> -> memref<128x64xf32, #tpu.memory_space<vmem>>
    tpu.wait_dma2 semaphore(%arg15 : memref<!tpu.dma_semaphore, #tpu.memory_space<semaphore_mem>>) src(%dma_wait3A_299 : memref<128x64xf32, #tpu.memory_space<vmem>>) dst(%dma_wait3A_295 : memref<128x64xf32, #tpu.memory_space<hbm>>)
    %dma_start3A_300 = arith.constant 7 : i32
    %dma_start3A_301 = arith.constant 3 : i32
    %dma_start3A_302 = arith.constant 0 : i32
    %dma_start3A_303 = arith.constant 0 : i32
    %dma_start3A_304 = tpu.memref_slice %arg7[%dma_start3A_301, %dma_start3A_302, %dma_start3A_303] : memref<4x128x64xf32, #tpu.memory_space<vmem>> -> memref<1x128x64xf32, #tpu.memory_space<vmem>>
    %dma_start3A_305 = tpu.memref_squeeze %dma_start3A_304 : memref<1x128x64xf32, #tpu.memory_space<vmem>> -> memref<128x64xf32, #tpu.memory_space<vmem>>
    %dma_start3A_306 = arith.constant 0 : i32
    %dma_start3A_307 = tpu.memref_slice %arg6[%dma_start3A_300, %dma_start3A_306] : memref<26x128xi32, #tpu.memory_space<vmem>> -> memref<1x128xi32, #tpu.memory_space<vmem>>
    %dma_start3A_308 = tpu.memref_squeeze %dma_start3A_307 : memref<1x128xi32, #tpu.memory_space<vmem>> -> memref<128xi32, #tpu.memory_space<vmem>>
    %dma_start3A_309 = arith.constant 0 : i32
    %dma_start3A_310 = arith.constant 0 : i32
    %dma_start3A_311 = tpu.memref_slice %arg2[%dma_start3A_309, %dma_start3A_310] : memref<26000x64xf32, #tpu.memory_space<hbm>> -> memref<26000x64xf32, #tpu.memory_space<hbm>>
    tpu.enqueue_indirect_dma source(%dma_start3A_311 : memref<26000x64xf32, #tpu.memory_space<hbm>>) target(%dma_start3A_305 : memref<128x64xf32, #tpu.memory_space<vmem>>) offsets(%dma_start3A_308 : memref<128xi32, #tpu.memory_space<vmem>>) semaphore(%arg11 : memref<!tpu.dma_semaphore, #tpu.memory_space<semaphore_mem>>)
    %dma_wait3A_312 = arith.constant 4 : i32
    %dma_wait3A_313 = arith.constant 0 : i32
    %dma_wait3A_314 = arith.constant 0 : i32
    %dma_wait3A_315 = arith.constant 0 : i32
    %dma_wait3A_316 = tpu.memref_slice %arg7[%dma_wait3A_313, %dma_wait3A_314, %dma_wait3A_315] : memref<4x128x64xf32, #tpu.memory_space<vmem>> -> memref<1x128x64xf32, #tpu.memory_space<vmem>>
    %dma_wait3A_317 = tpu.memref_squeeze %dma_wait3A_316 : memref<1x128x64xf32, #tpu.memory_space<vmem>> -> memref<128x64xf32, #tpu.memory_space<vmem>>
    %dma_wait3A_318 = arith.constant 0 : i32
    %dma_wait3A_319 = tpu.memref_slice %arg6[%dma_wait3A_312, %dma_wait3A_318] : memref<26x128xi32, #tpu.memory_space<vmem>> -> memref<1x128xi32, #tpu.memory_space<vmem>>
    %dma_wait3A_320 = tpu.memref_squeeze %dma_wait3A_319 : memref<1x128xi32, #tpu.memory_space<vmem>> -> memref<128xi32, #tpu.memory_space<vmem>>
    %dma_wait3A_321 = arith.constant 0 : i32
    %dma_wait3A_322 = arith.constant 0 : i32
    %dma_wait3A_323 = tpu.memref_slice %arg2[%dma_wait3A_321, %dma_wait3A_322] : memref<26000x64xf32, #tpu.memory_space<hbm>> -> memref<26000x64xf32, #tpu.memory_space<hbm>>
    tpu.wait_indirect_dma semaphore(%arg8 : memref<!tpu.dma_semaphore, #tpu.memory_space<semaphore_mem>>) src(%dma_wait3A_323 : memref<26000x64xf32, #tpu.memory_space<hbm>>) dst(%dma_wait3A_317 : memref<128x64xf32, #tpu.memory_space<vmem>>)
    %add3A_324 = arith.constant 512 : i32
    %add3A_325 = arith.addi %mul3A_2, %add3A_324 : i32
    %dma_start3A_326 = arith.constant 0 : i32
    %dma_start3A_327 = arith.constant 0 : i32
    %dma_start3A_328 = arith.constant 0 : i32
    %dma_start3A_329 = tpu.memref_slice %arg7[%dma_start3A_326, %dma_start3A_327, %dma_start3A_328] : memref<4x128x64xf32, #tpu.memory_space<vmem>> -> memref<1x128x64xf32, #tpu.memory_space<vmem>>
    %dma_start3A_330 = tpu.memref_squeeze %dma_start3A_329 : memref<1x128x64xf32, #tpu.memory_space<vmem>> -> memref<128x64xf32, #tpu.memory_space<vmem>>
    %dma_start3A_331 = arith.constant 0 : i32
    %dma_start3A_332 = tpu.memref_slice %arg4[%add3A_325, %dma_start3A_331] : memref<106496x64xf32, #tpu.memory_space<hbm>> -> memref<128x64xf32, #tpu.memory_space<hbm>>
    %dma_start3A_333 = arith.constant 0 : i32
    %dma_start3A_334 = tpu.memref_slice %arg4[%add3A_325, %dma_start3A_333] : memref<106496x64xf32, #tpu.memory_space<hbm>> -> memref<128x64xf32, #tpu.memory_space<hbm>>
    %dma_start3A_335 = arith.constant 0 : i32
    %dma_start3A_336 = arith.constant 0 : i32
    %dma_start3A_337 = tpu.memref_slice %arg7[%dma_start3A_326, %dma_start3A_335, %dma_start3A_336] : memref<4x128x64xf32, #tpu.memory_space<vmem>> -> memref<1x128x64xf32, #tpu.memory_space<vmem>>
    %dma_start3A_338 = tpu.memref_squeeze %dma_start3A_337 : memref<1x128x64xf32, #tpu.memory_space<vmem>> -> memref<128x64xf32, #tpu.memory_space<vmem>>
    tpu.enqueue_dma source(%dma_start3A_338 : memref<128x64xf32, #tpu.memory_space<vmem>>) target(%dma_start3A_334 : memref<128x64xf32, #tpu.memory_space<hbm>>) target_semaphore(%arg12 : memref<!tpu.dma_semaphore, #tpu.memory_space<semaphore_mem>>)
    %scan3A_339 = arith.constant 0 : i32
    %scan3A_340 = arith.constant 0 : i32
    %scan3A_341 = arith.constant 8 : i32
    %scan3A_342 = arith.addi %scan3A_340, %scan3A_341 : i32
    %scan3A_343 = arith.constant 1 : i32
    %scan3A_344 = scf.for %scan3A_1534 = %scan3A_340 to %scan3A_342 step %scan3A_343 iter_args(%scan3A_1535 = %scan3A_339) -> (i32)  : i32 {
      %mul3A_1536 = arith.constant 16 : i32
      %mul3A_1537 = arith.muli %scan3A_1534, %mul3A_1536 : i32
      %add3A_1538 = arith.constant 1024 : i32
      %add3A_1539 = arith.addi %add3A_1538, %mul3A_1537 : i32
      %iota3A = tpu.iota {dimensions = array<i32: 0>} : vector<16xi32>
      %add3A_1540 = vector.broadcast %add3A_1539 : i32 to vector<16xi32>
      %add3A_1541 = arith.addi %iota3A, %add3A_1540 : vector<16xi32>
      %get3A = arith.index_cast %add3A_1539 : i32 to index
      %get3A_1542 = tpu.vector_load %arg5[%get3A] {strides = array<i32>} : memref<3328xi32, #tpu.memory_space<vmem>>, vector<16xi32>,
      %get3A_1543 = vector.shape_cast %get3A_1542 : vector<16xi32> to vector<16xi32>
      %jit3A = arith.constant 0 : i32
      %jit3A_1544 = arith.constant 999 : i32
      %max3A = vector.broadcast %jit3A : i32 to vector<16xi32>
      %max3A_1545 = arith.maxsi %max3A, %get3A_1543 : vector<16xi32>
      %min3A = vector.broadcast %jit3A_1544 : i32 to vector<16xi32>
      %min3A_1546 = arith.minsi %min3A, %max3A_1545 : vector<16xi32>
      %rem3A = arith.constant 26 : i32
      %rem3A_1547 = vector.broadcast %rem3A : i32 to vector<16xi32>
      %rem3A_1548 = arith.remsi %add3A_1541, %rem3A_1547 : vector<16xi32>
      %mul3A_1549 = arith.constant 1000 : i32
      %mul3A_1550 = vector.broadcast %mul3A_1549 : i32 to vector<16xi32>
      %mul3A_1551 = arith.muli %rem3A_1548, %mul3A_1550 : vector<16xi32>
      %add3A_1552 = arith.addi %mul3A_1551, %min3A_1546 : vector<16xi32>
      %rem3A_1553 = arith.constant 128 : i32
      %rem3A_1554 = arith.remsi %add3A_1539, %rem3A_1553 : i32
      %swap3A = arith.constant 8 : i32
      %swap3A_1555 = arith.index_cast %swap3A : i32 to index
      %swap3A_1556 = arith.index_cast %rem3A_1554 : i32 to index
      %swap3A_1557 = tpu.vector_load %arg6[%swap3A_1555, %swap3A_1556] {strides = array<i32>} : memref<26x128xi32, #tpu.memory_space<vmem>>, vector<1x16xi32>,
      %swap3A_1558 = vector.shape_cast %swap3A_1557 : vector<1x16xi32> to vector<16xi32>
      %swap3A_1559 = vector.shape_cast %add3A_1552 : vector<16xi32> to vector<1x16xi32>
      tpu.vector_store %arg6[%swap3A_1555, %swap3A_1556], %swap3A_1559 {strides = array<i32>} : memref<26x128xi32, #tpu.memory_space<vmem>>, vector<1x16xi32>,
      %scan3A_1560 = arith.constant 0 : i32
      scf.yield %scan3A_1560 : i32
    }
    %scan3A_345 = arith.constant 8 : i32
    %dma_wait3A_346 = arith.constant 0 : i32
    %dma_wait3A_347 = arith.constant 0 : i32
    %dma_wait3A_348 = arith.constant 0 : i32
    %dma_wait3A_349 = tpu.memref_slice %arg7[%dma_wait3A_346, %dma_wait3A_347, %dma_wait3A_348] : memref<4x128x64xf32, #tpu.memory_space<vmem>> -> memref<1x128x64xf32, #tpu.memory_space<vmem>>
    %dma_wait3A_350 = tpu.memref_squeeze %dma_wait3A_349 : memref<1x128x64xf32, #tpu.memory_space<vmem>> -> memref<128x64xf32, #tpu.memory_space<vmem>>
    %dma_wait3A_351 = arith.constant 0 : i32
    %dma_wait3A_352 = tpu.memref_slice %arg4[%add3A_325, %dma_wait3A_351] : memref<106496x64xf32, #tpu.memory_space<hbm>> -> memref<128x64xf32, #tpu.memory_space<hbm>>
    %dma_wait3A_353 = arith.constant 0 : i32
    %dma_wait3A_354 = tpu.memref_slice %arg4[%add3A_325, %dma_wait3A_353] : memref<106496x64xf32, #tpu.memory_space<hbm>> -> memref<128x64xf32, #tpu.memory_space<hbm>>
    %dma_wait3A_355 = arith.constant 0 : i32
    %dma_wait3A_356 = arith.constant 0 : i32
    %dma_wait3A_357 = tpu.memref_slice %arg7[%dma_wait3A_346, %dma_wait3A_355, %dma_wait3A_356] : memref<4x128x64xf32, #tpu.memory_space<vmem>> -> memref<1x128x64xf32, #tpu.memory_space<vmem>>
    %dma_wait3A_358 = tpu.memref_squeeze %dma_wait3A_357 : memref<1x128x64xf32, #tpu.memory_space<vmem>> -> memref<128x64xf32, #tpu.memory_space<vmem>>
    tpu.wait_dma2 semaphore(%arg12 : memref<!tpu.dma_semaphore, #tpu.memory_space<semaphore_mem>>) src(%dma_wait3A_358 : memref<128x64xf32, #tpu.memory_space<vmem>>) dst(%dma_wait3A_354 : memref<128x64xf32, #tpu.memory_space<hbm>>)
    %dma_start3A_359 = arith.constant 8 : i32
    %dma_start3A_360 = arith.constant 0 : i32
    %dma_start3A_361 = arith.constant 0 : i32
    %dma_start3A_362 = arith.constant 0 : i32
    %dma_start3A_363 = tpu.memref_slice %arg7[%dma_start3A_360, %dma_start3A_361, %dma_start3A_362] : memref<4x128x64xf32, #tpu.memory_space<vmem>> -> memref<1x128x64xf32, #tpu.memory_space<vmem>>
    %dma_start3A_364 = tpu.memref_squeeze %dma_start3A_363 : memref<1x128x64xf32, #tpu.memory_space<vmem>> -> memref<128x64xf32, #tpu.memory_space<vmem>>
    %dma_start3A_365 = arith.constant 0 : i32
    %dma_start3A_366 = tpu.memref_slice %arg6[%dma_start3A_359, %dma_start3A_365] : memref<26x128xi32, #tpu.memory_space<vmem>> -> memref<1x128xi32, #tpu.memory_space<vmem>>
    %dma_start3A_367 = tpu.memref_squeeze %dma_start3A_366 : memref<1x128xi32, #tpu.memory_space<vmem>> -> memref<128xi32, #tpu.memory_space<vmem>>
    %dma_start3A_368 = arith.constant 0 : i32
    %dma_start3A_369 = arith.constant 0 : i32
    %dma_start3A_370 = tpu.memref_slice %arg2[%dma_start3A_368, %dma_start3A_369] : memref<26000x64xf32, #tpu.memory_space<hbm>> -> memref<26000x64xf32, #tpu.memory_space<hbm>>
    tpu.enqueue_indirect_dma source(%dma_start3A_370 : memref<26000x64xf32, #tpu.memory_space<hbm>>) target(%dma_start3A_364 : memref<128x64xf32, #tpu.memory_space<vmem>>) offsets(%dma_start3A_367 : memref<128xi32, #tpu.memory_space<vmem>>) semaphore(%arg8 : memref<!tpu.dma_semaphore, #tpu.memory_space<semaphore_mem>>)
    %dma_wait3A_371 = arith.constant 5 : i32
    %dma_wait3A_372 = arith.constant 1 : i32
    %dma_wait3A_373 = arith.constant 0 : i32
    %dma_wait3A_374 = arith.constant 0 : i32
    %dma_wait3A_375 = tpu.memref_slice %arg7[%dma_wait3A_372, %dma_wait3A_373, %dma_wait3A_374] : memref<4x128x64xf32, #tpu.memory_space<vmem>> -> memref<1x128x64xf32, #tpu.memory_space<vmem>>
    %dma_wait3A_376 = tpu.memref_squeeze %dma_wait3A_375 : memref<1x128x64xf32, #tpu.memory_space<vmem>> -> memref<128x64xf32, #tpu.memory_space<vmem>>
    %dma_wait3A_377 = arith.constant 0 : i32
    %dma_wait3A_378 = tpu.memref_slice %arg6[%dma_wait3A_371, %dma_wait3A_377] : memref<26x128xi32, #tpu.memory_space<vmem>> -> memref<1x128xi32, #tpu.memory_space<vmem>>
    %dma_wait3A_379 = tpu.memref_squeeze %dma_wait3A_378 : memref<1x128xi32, #tpu.memory_space<vmem>> -> memref<128xi32, #tpu.memory_space<vmem>>
    %dma_wait3A_380 = arith.constant 0 : i32
    %dma_wait3A_381 = arith.constant 0 : i32
    %dma_wait3A_382 = tpu.memref_slice %arg2[%dma_wait3A_380, %dma_wait3A_381] : memref<26000x64xf32, #tpu.memory_space<hbm>> -> memref<26000x64xf32, #tpu.memory_space<hbm>>
    tpu.wait_indirect_dma semaphore(%arg9 : memref<!tpu.dma_semaphore, #tpu.memory_space<semaphore_mem>>) src(%dma_wait3A_382 : memref<26000x64xf32, #tpu.memory_space<hbm>>) dst(%dma_wait3A_376 : memref<128x64xf32, #tpu.memory_space<vmem>>)
    %add3A_383 = arith.constant 640 : i32
    %add3A_384 = arith.addi %mul3A_2, %add3A_383 : i32
    %dma_start3A_385 = arith.constant 1 : i32
    %dma_start3A_386 = arith.constant 0 : i32
    %dma_start3A_387 = arith.constant 0 : i32
    %dma_start3A_388 = tpu.memref_slice %arg7[%dma_start3A_385, %dma_start3A_386, %dma_start3A_387] : memref<4x128x64xf32, #tpu.memory_space<vmem>> -> memref<1x128x64xf32, #tpu.memory_space<vmem>>
    %dma_start3A_389 = tpu.memref_squeeze %dma_start3A_388 : memref<1x128x64xf32, #tpu.memory_space<vmem>> -> memref<128x64xf32, #tpu.memory_space<vmem>>
    %dma_start3A_390 = arith.constant 0 : i32
    %dma_start3A_391 = tpu.memref_slice %arg4[%add3A_384, %dma_start3A_390] : memref<106496x64xf32, #tpu.memory_space<hbm>> -> memref<128x64xf32, #tpu.memory_space<hbm>>
    %dma_start3A_392 = arith.constant 0 : i32
    %dma_start3A_393 = tpu.memref_slice %arg4[%add3A_384, %dma_start3A_392] : memref<106496x64xf32, #tpu.memory_space<hbm>> -> memref<128x64xf32, #tpu.memory_space<hbm>>
    %dma_start3A_394 = arith.constant 0 : i32
    %dma_start3A_395 = arith.constant 0 : i32
    %dma_start3A_396 = tpu.memref_slice %arg7[%dma_start3A_385, %dma_start3A_394, %dma_start3A_395] : memref<4x128x64xf32, #tpu.memory_space<vmem>> -> memref<1x128x64xf32, #tpu.memory_space<vmem>>
    %dma_start3A_397 = tpu.memref_squeeze %dma_start3A_396 : memref<1x128x64xf32, #tpu.memory_space<vmem>> -> memref<128x64xf32, #tpu.memory_space<vmem>>
    tpu.enqueue_dma source(%dma_start3A_397 : memref<128x64xf32, #tpu.memory_space<vmem>>) target(%dma_start3A_393 : memref<128x64xf32, #tpu.memory_space<hbm>>) target_semaphore(%arg13 : memref<!tpu.dma_semaphore, #tpu.memory_space<semaphore_mem>>)
    %scan3A_398 = arith.constant 0 : i32
    %scan3A_399 = arith.constant 0 : i32
    %scan3A_400 = arith.constant 8 : i32
    %scan3A_401 = arith.addi %scan3A_399, %scan3A_400 : i32
    %scan3A_402 = arith.constant 1 : i32
    %scan3A_403 = scf.for %scan3A_1534 = %scan3A_399 to %scan3A_401 step %scan3A_402 iter_args(%scan3A_1535 = %scan3A_398) -> (i32)  : i32 {
      %mul3A_1536 = arith.constant 16 : i32
      %mul3A_1537 = arith.muli %scan3A_1534, %mul3A_1536 : i32
      %add3A_1538 = arith.constant 1152 : i32
      %add3A_1539 = arith.addi %add3A_1538, %mul3A_1537 : i32
      %iota3A = tpu.iota {dimensions = array<i32: 0>} : vector<16xi32>
      %add3A_1540 = vector.broadcast %add3A_1539 : i32 to vector<16xi32>
      %add3A_1541 = arith.addi %iota3A, %add3A_1540 : vector<16xi32>
      %get3A = arith.index_cast %add3A_1539 : i32 to index
      %get3A_1542 = tpu.vector_load %arg5[%get3A] {strides = array<i32>} : memref<3328xi32, #tpu.memory_space<vmem>>, vector<16xi32>,
      %get3A_1543 = vector.shape_cast %get3A_1542 : vector<16xi32> to vector<16xi32>
      %jit3A = arith.constant 0 : i32
      %jit3A_1544 = arith.constant 999 : i32
      %max3A = vector.broadcast %jit3A : i32 to vector<16xi32>
      %max3A_1545 = arith.maxsi %max3A, %get3A_1543 : vector<16xi32>
      %min3A = vector.broadcast %jit3A_1544 : i32 to vector<16xi32>
      %min3A_1546 = arith.minsi %min3A, %max3A_1545 : vector<16xi32>
      %rem3A = arith.constant 26 : i32
      %rem3A_1547 = vector.broadcast %rem3A : i32 to vector<16xi32>
      %rem3A_1548 = arith.remsi %add3A_1541, %rem3A_1547 : vector<16xi32>
      %mul3A_1549 = arith.constant 1000 : i32
      %mul3A_1550 = vector.broadcast %mul3A_1549 : i32 to vector<16xi32>
      %mul3A_1551 = arith.muli %rem3A_1548, %mul3A_1550 : vector<16xi32>
      %add3A_1552 = arith.addi %mul3A_1551, %min3A_1546 : vector<16xi32>
      %rem3A_1553 = arith.constant 128 : i32
      %rem3A_1554 = arith.remsi %add3A_1539, %rem3A_1553 : i32
      %swap3A = arith.constant 9 : i32
      %swap3A_1555 = arith.index_cast %swap3A : i32 to index
      %swap3A_1556 = arith.index_cast %rem3A_1554 : i32 to index
      %swap3A_1557 = tpu.vector_load %arg6[%swap3A_1555, %swap3A_1556] {strides = array<i32>} : memref<26x128xi32, #tpu.memory_space<vmem>>, vector<1x16xi32>,
      %swap3A_1558 = vector.shape_cast %swap3A_1557 : vector<1x16xi32> to vector<16xi32>
      %swap3A_1559 = vector.shape_cast %add3A_1552 : vector<16xi32> to vector<1x16xi32>
      tpu.vector_store %arg6[%swap3A_1555, %swap3A_1556], %swap3A_1559 {strides = array<i32>} : memref<26x128xi32, #tpu.memory_space<vmem>>, vector<1x16xi32>,
      %scan3A_1560 = arith.constant 0 : i32
      scf.yield %scan3A_1560 : i32
    }
    %scan3A_404 = arith.constant 8 : i32
    %dma_wait3A_405 = arith.constant 1 : i32
    %dma_wait3A_406 = arith.constant 0 : i32
    %dma_wait3A_407 = arith.constant 0 : i32
    %dma_wait3A_408 = tpu.memref_slice %arg7[%dma_wait3A_405, %dma_wait3A_406, %dma_wait3A_407] : memref<4x128x64xf32, #tpu.memory_space<vmem>> -> memref<1x128x64xf32, #tpu.memory_space<vmem>>
    %dma_wait3A_409 = tpu.memref_squeeze %dma_wait3A_408 : memref<1x128x64xf32, #tpu.memory_space<vmem>> -> memref<128x64xf32, #tpu.memory_space<vmem>>
    %dma_wait3A_410 = arith.constant 0 : i32
    %dma_wait3A_411 = tpu.memref_slice %arg4[%add3A_384, %dma_wait3A_410] : memref<106496x64xf32, #tpu.memory_space<hbm>> -> memref<128x64xf32, #tpu.memory_space<hbm>>
    %dma_wait3A_412 = arith.constant 0 : i32
    %dma_wait3A_413 = tpu.memref_slice %arg4[%add3A_384, %dma_wait3A_412] : memref<106496x64xf32, #tpu.memory_space<hbm>> -> memref<128x64xf32, #tpu.memory_space<hbm>>
    %dma_wait3A_414 = arith.constant 0 : i32
    %dma_wait3A_415 = arith.constant 0 : i32
    %dma_wait3A_416 = tpu.memref_slice %arg7[%dma_wait3A_405, %dma_wait3A_414, %dma_wait3A_415] : memref<4x128x64xf32, #tpu.memory_space<vmem>> -> memref<1x128x64xf32, #tpu.memory_space<vmem>>
    %dma_wait3A_417 = tpu.memref_squeeze %dma_wait3A_416 : memref<1x128x64xf32, #tpu.memory_space<vmem>> -> memref<128x64xf32, #tpu.memory_space<vmem>>
    tpu.wait_dma2 semaphore(%arg13 : memref<!tpu.dma_semaphore, #tpu.memory_space<semaphore_mem>>) src(%dma_wait3A_417 : memref<128x64xf32, #tpu.memory_space<vmem>>) dst(%dma_wait3A_413 : memref<128x64xf32, #tpu.memory_space<hbm>>)
    %dma_start3A_418 = arith.constant 9 : i32
    %dma_start3A_419 = arith.constant 1 : i32
    %dma_start3A_420 = arith.constant 0 : i32
    %dma_start3A_421 = arith.constant 0 : i32
    %dma_start3A_422 = tpu.memref_slice %arg7[%dma_start3A_419, %dma_start3A_420, %dma_start3A_421] : memref<4x128x64xf32, #tpu.memory_space<vmem>> -> memref<1x128x64xf32, #tpu.memory_space<vmem>>
    %dma_start3A_423 = tpu.memref_squeeze %dma_start3A_422 : memref<1x128x64xf32, #tpu.memory_space<vmem>> -> memref<128x64xf32, #tpu.memory_space<vmem>>
    %dma_start3A_424 = arith.constant 0 : i32
    %dma_start3A_425 = tpu.memref_slice %arg6[%dma_start3A_418, %dma_start3A_424] : memref<26x128xi32, #tpu.memory_space<vmem>> -> memref<1x128xi32, #tpu.memory_space<vmem>>
    %dma_start3A_426 = tpu.memref_squeeze %dma_start3A_425 : memref<1x128xi32, #tpu.memory_space<vmem>> -> memref<128xi32, #tpu.memory_space<vmem>>
    %dma_start3A_427 = arith.constant 0 : i32
    %dma_start3A_428 = arith.constant 0 : i32
    %dma_start3A_429 = tpu.memref_slice %arg2[%dma_start3A_427, %dma_start3A_428] : memref<26000x64xf32, #tpu.memory_space<hbm>> -> memref<26000x64xf32, #tpu.memory_space<hbm>>
    tpu.enqueue_indirect_dma source(%dma_start3A_429 : memref<26000x64xf32, #tpu.memory_space<hbm>>) target(%dma_start3A_423 : memref<128x64xf32, #tpu.memory_space<vmem>>) offsets(%dma_start3A_426 : memref<128xi32, #tpu.memory_space<vmem>>) semaphore(%arg9 : memref<!tpu.dma_semaphore, #tpu.memory_space<semaphore_mem>>)
    %dma_wait3A_430 = arith.constant 6 : i32
    %dma_wait3A_431 = arith.constant 2 : i32
    %dma_wait3A_432 = arith.constant 0 : i32
    %dma_wait3A_433 = arith.constant 0 : i32
    %dma_wait3A_434 = tpu.memref_slice %arg7[%dma_wait3A_431, %dma_wait3A_432, %dma_wait3A_433] : memref<4x128x64xf32, #tpu.memory_space<vmem>> -> memref<1x128x64xf32, #tpu.memory_space<vmem>>
    %dma_wait3A_435 = tpu.memref_squeeze %dma_wait3A_434 : memref<1x128x64xf32, #tpu.memory_space<vmem>> -> memref<128x64xf32, #tpu.memory_space<vmem>>
    %dma_wait3A_436 = arith.constant 0 : i32
    %dma_wait3A_437 = tpu.memref_slice %arg6[%dma_wait3A_430, %dma_wait3A_436] : memref<26x128xi32, #tpu.memory_space<vmem>> -> memref<1x128xi32, #tpu.memory_space<vmem>>
    %dma_wait3A_438 = tpu.memref_squeeze %dma_wait3A_437 : memref<1x128xi32, #tpu.memory_space<vmem>> -> memref<128xi32, #tpu.memory_space<vmem>>
    %dma_wait3A_439 = arith.constant 0 : i32
    %dma_wait3A_440 = arith.constant 0 : i32
    %dma_wait3A_441 = tpu.memref_slice %arg2[%dma_wait3A_439, %dma_wait3A_440] : memref<26000x64xf32, #tpu.memory_space<hbm>> -> memref<26000x64xf32, #tpu.memory_space<hbm>>
    tpu.wait_indirect_dma semaphore(%arg10 : memref<!tpu.dma_semaphore, #tpu.memory_space<semaphore_mem>>) src(%dma_wait3A_441 : memref<26000x64xf32, #tpu.memory_space<hbm>>) dst(%dma_wait3A_435 : memref<128x64xf32, #tpu.memory_space<vmem>>)
    %add3A_442 = arith.constant 768 : i32
    %add3A_443 = arith.addi %mul3A_2, %add3A_442 : i32
    %dma_start3A_444 = arith.constant 2 : i32
    %dma_start3A_445 = arith.constant 0 : i32
    %dma_start3A_446 = arith.constant 0 : i32
    %dma_start3A_447 = tpu.memref_slice %arg7[%dma_start3A_444, %dma_start3A_445, %dma_start3A_446] : memref<4x128x64xf32, #tpu.memory_space<vmem>> -> memref<1x128x64xf32, #tpu.memory_space<vmem>>
    %dma_start3A_448 = tpu.memref_squeeze %dma_start3A_447 : memref<1x128x64xf32, #tpu.memory_space<vmem>> -> memref<128x64xf32, #tpu.memory_space<vmem>>
    %dma_start3A_449 = arith.constant 0 : i32
    %dma_start3A_450 = tpu.memref_slice %arg4[%add3A_443, %dma_start3A_449] : memref<106496x64xf32, #tpu.memory_space<hbm>> -> memref<128x64xf32, #tpu.memory_space<hbm>>
    %dma_start3A_451 = arith.constant 0 : i32
    %dma_start3A_452 = tpu.memref_slice %arg4[%add3A_443, %dma_start3A_451] : memref<106496x64xf32, #tpu.memory_space<hbm>> -> memref<128x64xf32, #tpu.memory_space<hbm>>
    %dma_start3A_453 = arith.constant 0 : i32
    %dma_start3A_454 = arith.constant 0 : i32
    %dma_start3A_455 = tpu.memref_slice %arg7[%dma_start3A_444, %dma_start3A_453, %dma_start3A_454] : memref<4x128x64xf32, #tpu.memory_space<vmem>> -> memref<1x128x64xf32, #tpu.memory_space<vmem>>
    %dma_start3A_456 = tpu.memref_squeeze %dma_start3A_455 : memref<1x128x64xf32, #tpu.memory_space<vmem>> -> memref<128x64xf32, #tpu.memory_space<vmem>>
    tpu.enqueue_dma source(%dma_start3A_456 : memref<128x64xf32, #tpu.memory_space<vmem>>) target(%dma_start3A_452 : memref<128x64xf32, #tpu.memory_space<hbm>>) target_semaphore(%arg14 : memref<!tpu.dma_semaphore, #tpu.memory_space<semaphore_mem>>)
    %scan3A_457 = arith.constant 0 : i32
    %scan3A_458 = arith.constant 0 : i32
    %scan3A_459 = arith.constant 8 : i32
    %scan3A_460 = arith.addi %scan3A_458, %scan3A_459 : i32
    %scan3A_461 = arith.constant 1 : i32
    %scan3A_462 = scf.for %scan3A_1534 = %scan3A_458 to %scan3A_460 step %scan3A_461 iter_args(%scan3A_1535 = %scan3A_457) -> (i32)  : i32 {
      %mul3A_1536 = arith.constant 16 : i32
      %mul3A_1537 = arith.muli %scan3A_1534, %mul3A_1536 : i32
      %add3A_1538 = arith.constant 1280 : i32
      %add3A_1539 = arith.addi %add3A_1538, %mul3A_1537 : i32
      %iota3A = tpu.iota {dimensions = array<i32: 0>} : vector<16xi32>
      %add3A_1540 = vector.broadcast %add3A_1539 : i32 to vector<16xi32>
      %add3A_1541 = arith.addi %iota3A, %add3A_1540 : vector<16xi32>
      %get3A = arith.index_cast %add3A_1539 : i32 to index
      %get3A_1542 = tpu.vector_load %arg5[%get3A] {strides = array<i32>} : memref<3328xi32, #tpu.memory_space<vmem>>, vector<16xi32>,
      %get3A_1543 = vector.shape_cast %get3A_1542 : vector<16xi32> to vector<16xi32>
      %jit3A = arith.constant 0 : i32
      %jit3A_1544 = arith.constant 999 : i32
      %max3A = vector.broadcast %jit3A : i32 to vector<16xi32>
      %max3A_1545 = arith.maxsi %max3A, %get3A_1543 : vector<16xi32>
      %min3A = vector.broadcast %jit3A_1544 : i32 to vector<16xi32>
      %min3A_1546 = arith.minsi %min3A, %max3A_1545 : vector<16xi32>
      %rem3A = arith.constant 26 : i32
      %rem3A_1547 = vector.broadcast %rem3A : i32 to vector<16xi32>
      %rem3A_1548 = arith.remsi %add3A_1541, %rem3A_1547 : vector<16xi32>
      %mul3A_1549 = arith.constant 1000 : i32
      %mul3A_1550 = vector.broadcast %mul3A_1549 : i32 to vector<16xi32>
      %mul3A_1551 = arith.muli %rem3A_1548, %mul3A_1550 : vector<16xi32>
      %add3A_1552 = arith.addi %mul3A_1551, %min3A_1546 : vector<16xi32>
      %rem3A_1553 = arith.constant 128 : i32
      %rem3A_1554 = arith.remsi %add3A_1539, %rem3A_1553 : i32
      %swap3A = arith.constant 10 : i32
      %swap3A_1555 = arith.index_cast %swap3A : i32 to index
      %swap3A_1556 = arith.index_cast %rem3A_1554 : i32 to index
      %swap3A_1557 = tpu.vector_load %arg6[%swap3A_1555, %swap3A_1556] {strides = array<i32>} : memref<26x128xi32, #tpu.memory_space<vmem>>, vector<1x16xi32>,
      %swap3A_1558 = vector.shape_cast %swap3A_1557 : vector<1x16xi32> to vector<16xi32>
      %swap3A_1559 = vector.shape_cast %add3A_1552 : vector<16xi32> to vector<1x16xi32>
      tpu.vector_store %arg6[%swap3A_1555, %swap3A_1556], %swap3A_1559 {strides = array<i32>} : memref<26x128xi32, #tpu.memory_space<vmem>>, vector<1x16xi32>,
      %scan3A_1560 = arith.constant 0 : i32
      scf.yield %scan3A_1560 : i32
    }
    %scan3A_463 = arith.constant 8 : i32
    %dma_wait3A_464 = arith.constant 2 : i32
    %dma_wait3A_465 = arith.constant 0 : i32
    %dma_wait3A_466 = arith.constant 0 : i32
    %dma_wait3A_467 = tpu.memref_slice %arg7[%dma_wait3A_464, %dma_wait3A_465, %dma_wait3A_466] : memref<4x128x64xf32, #tpu.memory_space<vmem>> -> memref<1x128x64xf32, #tpu.memory_space<vmem>>
    %dma_wait3A_468 = tpu.memref_squeeze %dma_wait3A_467 : memref<1x128x64xf32, #tpu.memory_space<vmem>> -> memref<128x64xf32, #tpu.memory_space<vmem>>
    %dma_wait3A_469 = arith.constant 0 : i32
    %dma_wait3A_470 = tpu.memref_slice %arg4[%add3A_443, %dma_wait3A_469] : memref<106496x64xf32, #tpu.memory_space<hbm>> -> memref<128x64xf32, #tpu.memory_space<hbm>>
    %dma_wait3A_471 = arith.constant 0 : i32
    %dma_wait3A_472 = tpu.memref_slice %arg4[%add3A_443, %dma_wait3A_471] : memref<106496x64xf32, #tpu.memory_space<hbm>> -> memref<128x64xf32, #tpu.memory_space<hbm>>
    %dma_wait3A_473 = arith.constant 0 : i32
    %dma_wait3A_474 = arith.constant 0 : i32
    %dma_wait3A_475 = tpu.memref_slice %arg7[%dma_wait3A_464, %dma_wait3A_473, %dma_wait3A_474] : memref<4x128x64xf32, #tpu.memory_space<vmem>> -> memref<1x128x64xf32, #tpu.memory_space<vmem>>
    %dma_wait3A_476 = tpu.memref_squeeze %dma_wait3A_475 : memref<1x128x64xf32, #tpu.memory_space<vmem>> -> memref<128x64xf32, #tpu.memory_space<vmem>>
    tpu.wait_dma2 semaphore(%arg14 : memref<!tpu.dma_semaphore, #tpu.memory_space<semaphore_mem>>) src(%dma_wait3A_476 : memref<128x64xf32, #tpu.memory_space<vmem>>) dst(%dma_wait3A_472 : memref<128x64xf32, #tpu.memory_space<hbm>>)
    %dma_start3A_477 = arith.constant 10 : i32
    %dma_start3A_478 = arith.constant 2 : i32
    %dma_start3A_479 = arith.constant 0 : i32
    %dma_start3A_480 = arith.constant 0 : i32
    %dma_start3A_481 = tpu.memref_slice %arg7[%dma_start3A_478, %dma_start3A_479, %dma_start3A_480] : memref<4x128x64xf32, #tpu.memory_space<vmem>> -> memref<1x128x64xf32, #tpu.memory_space<vmem>>
    %dma_start3A_482 = tpu.memref_squeeze %dma_start3A_481 : memref<1x128x64xf32, #tpu.memory_space<vmem>> -> memref<128x64xf32, #tpu.memory_space<vmem>>
    %dma_start3A_483 = arith.constant 0 : i32
    %dma_start3A_484 = tpu.memref_slice %arg6[%dma_start3A_477, %dma_start3A_483] : memref<26x128xi32, #tpu.memory_space<vmem>> -> memref<1x128xi32, #tpu.memory_space<vmem>>
    %dma_start3A_485 = tpu.memref_squeeze %dma_start3A_484 : memref<1x128xi32, #tpu.memory_space<vmem>> -> memref<128xi32, #tpu.memory_space<vmem>>
    %dma_start3A_486 = arith.constant 0 : i32
    %dma_start3A_487 = arith.constant 0 : i32
    %dma_start3A_488 = tpu.memref_slice %arg2[%dma_start3A_486, %dma_start3A_487] : memref<26000x64xf32, #tpu.memory_space<hbm>> -> memref<26000x64xf32, #tpu.memory_space<hbm>>
    tpu.enqueue_indirect_dma source(%dma_start3A_488 : memref<26000x64xf32, #tpu.memory_space<hbm>>) target(%dma_start3A_482 : memref<128x64xf32, #tpu.memory_space<vmem>>) offsets(%dma_start3A_485 : memref<128xi32, #tpu.memory_space<vmem>>) semaphore(%arg10 : memref<!tpu.dma_semaphore, #tpu.memory_space<semaphore_mem>>)
    %dma_wait3A_489 = arith.constant 7 : i32
    %dma_wait3A_490 = arith.constant 3 : i32
    %dma_wait3A_491 = arith.constant 0 : i32
    %dma_wait3A_492 = arith.constant 0 : i32
    %dma_wait3A_493 = tpu.memref_slice %arg7[%dma_wait3A_490, %dma_wait3A_491, %dma_wait3A_492] : memref<4x128x64xf32, #tpu.memory_space<vmem>> -> memref<1x128x64xf32, #tpu.memory_space<vmem>>
    %dma_wait3A_494 = tpu.memref_squeeze %dma_wait3A_493 : memref<1x128x64xf32, #tpu.memory_space<vmem>> -> memref<128x64xf32, #tpu.memory_space<vmem>>
    %dma_wait3A_495 = arith.constant 0 : i32
    %dma_wait3A_496 = tpu.memref_slice %arg6[%dma_wait3A_489, %dma_wait3A_495] : memref<26x128xi32, #tpu.memory_space<vmem>> -> memref<1x128xi32, #tpu.memory_space<vmem>>
    %dma_wait3A_497 = tpu.memref_squeeze %dma_wait3A_496 : memref<1x128xi32, #tpu.memory_space<vmem>> -> memref<128xi32, #tpu.memory_space<vmem>>
    %dma_wait3A_498 = arith.constant 0 : i32
    %dma_wait3A_499 = arith.constant 0 : i32
    %dma_wait3A_500 = tpu.memref_slice %arg2[%dma_wait3A_498, %dma_wait3A_499] : memref<26000x64xf32, #tpu.memory_space<hbm>> -> memref<26000x64xf32, #tpu.memory_space<hbm>>
    tpu.wait_indirect_dma semaphore(%arg11 : memref<!tpu.dma_semaphore, #tpu.memory_space<semaphore_mem>>) src(%dma_wait3A_500 : memref<26000x64xf32, #tpu.memory_space<hbm>>) dst(%dma_wait3A_494 : memref<128x64xf32, #tpu.memory_space<vmem>>)
    %add3A_501 = arith.constant 896 : i32
    %add3A_502 = arith.addi %mul3A_2, %add3A_501 : i32
    %dma_start3A_503 = arith.constant 3 : i32
    %dma_start3A_504 = arith.constant 0 : i32
    %dma_start3A_505 = arith.constant 0 : i32
    %dma_start3A_506 = tpu.memref_slice %arg7[%dma_start3A_503, %dma_start3A_504, %dma_start3A_505] : memref<4x128x64xf32, #tpu.memory_space<vmem>> -> memref<1x128x64xf32, #tpu.memory_space<vmem>>
    %dma_start3A_507 = tpu.memref_squeeze %dma_start3A_506 : memref<1x128x64xf32, #tpu.memory_space<vmem>> -> memref<128x64xf32, #tpu.memory_space<vmem>>
    %dma_start3A_508 = arith.constant 0 : i32
    %dma_start3A_509 = tpu.memref_slice %arg4[%add3A_502, %dma_start3A_508] : memref<106496x64xf32, #tpu.memory_space<hbm>> -> memref<128x64xf32, #tpu.memory_space<hbm>>
    %dma_start3A_510 = arith.constant 0 : i32
    %dma_start3A_511 = tpu.memref_slice %arg4[%add3A_502, %dma_start3A_510] : memref<106496x64xf32, #tpu.memory_space<hbm>> -> memref<128x64xf32, #tpu.memory_space<hbm>>
    %dma_start3A_512 = arith.constant 0 : i32
    %dma_start3A_513 = arith.constant 0 : i32
    %dma_start3A_514 = tpu.memref_slice %arg7[%dma_start3A_503, %dma_start3A_512, %dma_start3A_513] : memref<4x128x64xf32, #tpu.memory_space<vmem>> -> memref<1x128x64xf32, #tpu.memory_space<vmem>>
    %dma_start3A_515 = tpu.memref_squeeze %dma_start3A_514 : memref<1x128x64xf32, #tpu.memory_space<vmem>> -> memref<128x64xf32, #tpu.memory_space<vmem>>
    tpu.enqueue_dma source(%dma_start3A_515 : memref<128x64xf32, #tpu.memory_space<vmem>>) target(%dma_start3A_511 : memref<128x64xf32, #tpu.memory_space<hbm>>) target_semaphore(%arg15 : memref<!tpu.dma_semaphore, #tpu.memory_space<semaphore_mem>>)
    %scan3A_516 = arith.constant 0 : i32
    %scan3A_517 = arith.constant 0 : i32
    %scan3A_518 = arith.constant 8 : i32
    %scan3A_519 = arith.addi %scan3A_517, %scan3A_518 : i32
    %scan3A_520 = arith.constant 1 : i32
    %scan3A_521 = scf.for %scan3A_1534 = %scan3A_517 to %scan3A_519 step %scan3A_520 iter_args(%scan3A_1535 = %scan3A_516) -> (i32)  : i32 {
      %mul3A_1536 = arith.constant 16 : i32
      %mul3A_1537 = arith.muli %scan3A_1534, %mul3A_1536 : i32
      %add3A_1538 = arith.constant 1408 : i32
      %add3A_1539 = arith.addi %add3A_1538, %mul3A_1537 : i32
      %iota3A = tpu.iota {dimensions = array<i32: 0>} : vector<16xi32>
      %add3A_1540 = vector.broadcast %add3A_1539 : i32 to vector<16xi32>
      %add3A_1541 = arith.addi %iota3A, %add3A_1540 : vector<16xi32>
      %get3A = arith.index_cast %add3A_1539 : i32 to index
      %get3A_1542 = tpu.vector_load %arg5[%get3A] {strides = array<i32>} : memref<3328xi32, #tpu.memory_space<vmem>>, vector<16xi32>,
      %get3A_1543 = vector.shape_cast %get3A_1542 : vector<16xi32> to vector<16xi32>
      %jit3A = arith.constant 0 : i32
      %jit3A_1544 = arith.constant 999 : i32
      %max3A = vector.broadcast %jit3A : i32 to vector<16xi32>
      %max3A_1545 = arith.maxsi %max3A, %get3A_1543 : vector<16xi32>
      %min3A = vector.broadcast %jit3A_1544 : i32 to vector<16xi32>
      %min3A_1546 = arith.minsi %min3A, %max3A_1545 : vector<16xi32>
      %rem3A = arith.constant 26 : i32
      %rem3A_1547 = vector.broadcast %rem3A : i32 to vector<16xi32>
      %rem3A_1548 = arith.remsi %add3A_1541, %rem3A_1547 : vector<16xi32>
      %mul3A_1549 = arith.constant 1000 : i32
      %mul3A_1550 = vector.broadcast %mul3A_1549 : i32 to vector<16xi32>
      %mul3A_1551 = arith.muli %rem3A_1548, %mul3A_1550 : vector<16xi32>
      %add3A_1552 = arith.addi %mul3A_1551, %min3A_1546 : vector<16xi32>
      %rem3A_1553 = arith.constant 128 : i32
      %rem3A_1554 = arith.remsi %add3A_1539, %rem3A_1553 : i32
      %swap3A = arith.constant 11 : i32
      %swap3A_1555 = arith.index_cast %swap3A : i32 to index
      %swap3A_1556 = arith.index_cast %rem3A_1554 : i32 to index
      %swap3A_1557 = tpu.vector_load %arg6[%swap3A_1555, %swap3A_1556] {strides = array<i32>} : memref<26x128xi32, #tpu.memory_space<vmem>>, vector<1x16xi32>,
      %swap3A_1558 = vector.shape_cast %swap3A_1557 : vector<1x16xi32> to vector<16xi32>
      %swap3A_1559 = vector.shape_cast %add3A_1552 : vector<16xi32> to vector<1x16xi32>
      tpu.vector_store %arg6[%swap3A_1555, %swap3A_1556], %swap3A_1559 {strides = array<i32>} : memref<26x128xi32, #tpu.memory_space<vmem>>, vector<1x16xi32>,
      %scan3A_1560 = arith.constant 0 : i32
      scf.yield %scan3A_1560 : i32
    }
    %scan3A_522 = arith.constant 8 : i32
    %dma_wait3A_523 = arith.constant 3 : i32
    %dma_wait3A_524 = arith.constant 0 : i32
    %dma_wait3A_525 = arith.constant 0 : i32
    %dma_wait3A_526 = tpu.memref_slice %arg7[%dma_wait3A_523, %dma_wait3A_524, %dma_wait3A_525] : memref<4x128x64xf32, #tpu.memory_space<vmem>> -> memref<1x128x64xf32, #tpu.memory_space<vmem>>
    %dma_wait3A_527 = tpu.memref_squeeze %dma_wait3A_526 : memref<1x128x64xf32, #tpu.memory_space<vmem>> -> memref<128x64xf32, #tpu.memory_space<vmem>>
    %dma_wait3A_528 = arith.constant 0 : i32
    %dma_wait3A_529 = tpu.memref_slice %arg4[%add3A_502, %dma_wait3A_528] : memref<106496x64xf32, #tpu.memory_space<hbm>> -> memref<128x64xf32, #tpu.memory_space<hbm>>
    %dma_wait3A_530 = arith.constant 0 : i32
    %dma_wait3A_531 = tpu.memref_slice %arg4[%add3A_502, %dma_wait3A_530] : memref<106496x64xf32, #tpu.memory_space<hbm>> -> memref<128x64xf32, #tpu.memory_space<hbm>>
    %dma_wait3A_532 = arith.constant 0 : i32
    %dma_wait3A_533 = arith.constant 0 : i32
    %dma_wait3A_534 = tpu.memref_slice %arg7[%dma_wait3A_523, %dma_wait3A_532, %dma_wait3A_533] : memref<4x128x64xf32, #tpu.memory_space<vmem>> -> memref<1x128x64xf32, #tpu.memory_space<vmem>>
    %dma_wait3A_535 = tpu.memref_squeeze %dma_wait3A_534 : memref<1x128x64xf32, #tpu.memory_space<vmem>> -> memref<128x64xf32, #tpu.memory_space<vmem>>
    tpu.wait_dma2 semaphore(%arg15 : memref<!tpu.dma_semaphore, #tpu.memory_space<semaphore_mem>>) src(%dma_wait3A_535 : memref<128x64xf32, #tpu.memory_space<vmem>>) dst(%dma_wait3A_531 : memref<128x64xf32, #tpu.memory_space<hbm>>)
    %dma_start3A_536 = arith.constant 11 : i32
    %dma_start3A_537 = arith.constant 3 : i32
    %dma_start3A_538 = arith.constant 0 : i32
    %dma_start3A_539 = arith.constant 0 : i32
    %dma_start3A_540 = tpu.memref_slice %arg7[%dma_start3A_537, %dma_start3A_538, %dma_start3A_539] : memref<4x128x64xf32, #tpu.memory_space<vmem>> -> memref<1x128x64xf32, #tpu.memory_space<vmem>>
    %dma_start3A_541 = tpu.memref_squeeze %dma_start3A_540 : memref<1x128x64xf32, #tpu.memory_space<vmem>> -> memref<128x64xf32, #tpu.memory_space<vmem>>
    %dma_start3A_542 = arith.constant 0 : i32
    %dma_start3A_543 = tpu.memref_slice %arg6[%dma_start3A_536, %dma_start3A_542] : memref<26x128xi32, #tpu.memory_space<vmem>> -> memref<1x128xi32, #tpu.memory_space<vmem>>
    %dma_start3A_544 = tpu.memref_squeeze %dma_start3A_543 : memref<1x128xi32, #tpu.memory_space<vmem>> -> memref<128xi32, #tpu.memory_space<vmem>>
    %dma_start3A_545 = arith.constant 0 : i32
    %dma_start3A_546 = arith.constant 0 : i32
    %dma_start3A_547 = tpu.memref_slice %arg2[%dma_start3A_545, %dma_start3A_546] : memref<26000x64xf32, #tpu.memory_space<hbm>> -> memref<26000x64xf32, #tpu.memory_space<hbm>>
    tpu.enqueue_indirect_dma source(%dma_start3A_547 : memref<26000x64xf32, #tpu.memory_space<hbm>>) target(%dma_start3A_541 : memref<128x64xf32, #tpu.memory_space<vmem>>) offsets(%dma_start3A_544 : memref<128xi32, #tpu.memory_space<vmem>>) semaphore(%arg11 : memref<!tpu.dma_semaphore, #tpu.memory_space<semaphore_mem>>)
    %dma_wait3A_548 = arith.constant 8 : i32
    %dma_wait3A_549 = arith.constant 0 : i32
    %dma_wait3A_550 = arith.constant 0 : i32
    %dma_wait3A_551 = arith.constant 0 : i32
    %dma_wait3A_552 = tpu.memref_slice %arg7[%dma_wait3A_549, %dma_wait3A_550, %dma_wait3A_551] : memref<4x128x64xf32, #tpu.memory_space<vmem>> -> memref<1x128x64xf32, #tpu.memory_space<vmem>>
    %dma_wait3A_553 = tpu.memref_squeeze %dma_wait3A_552 : memref<1x128x64xf32, #tpu.memory_space<vmem>> -> memref<128x64xf32, #tpu.memory_space<vmem>>
    %dma_wait3A_554 = arith.constant 0 : i32
    %dma_wait3A_555 = tpu.memref_slice %arg6[%dma_wait3A_548, %dma_wait3A_554] : memref<26x128xi32, #tpu.memory_space<vmem>> -> memref<1x128xi32, #tpu.memory_space<vmem>>
    %dma_wait3A_556 = tpu.memref_squeeze %dma_wait3A_555 : memref<1x128xi32, #tpu.memory_space<vmem>> -> memref<128xi32, #tpu.memory_space<vmem>>
    %dma_wait3A_557 = arith.constant 0 : i32
    %dma_wait3A_558 = arith.constant 0 : i32
    %dma_wait3A_559 = tpu.memref_slice %arg2[%dma_wait3A_557, %dma_wait3A_558] : memref<26000x64xf32, #tpu.memory_space<hbm>> -> memref<26000x64xf32, #tpu.memory_space<hbm>>
    tpu.wait_indirect_dma semaphore(%arg8 : memref<!tpu.dma_semaphore, #tpu.memory_space<semaphore_mem>>) src(%dma_wait3A_559 : memref<26000x64xf32, #tpu.memory_space<hbm>>) dst(%dma_wait3A_553 : memref<128x64xf32, #tpu.memory_space<vmem>>)
    %add3A_560 = arith.constant 1024 : i32
    %add3A_561 = arith.addi %mul3A_2, %add3A_560 : i32
    %dma_start3A_562 = arith.constant 0 : i32
    %dma_start3A_563 = arith.constant 0 : i32
    %dma_start3A_564 = arith.constant 0 : i32
    %dma_start3A_565 = tpu.memref_slice %arg7[%dma_start3A_562, %dma_start3A_563, %dma_start3A_564] : memref<4x128x64xf32, #tpu.memory_space<vmem>> -> memref<1x128x64xf32, #tpu.memory_space<vmem>>
    %dma_start3A_566 = tpu.memref_squeeze %dma_start3A_565 : memref<1x128x64xf32, #tpu.memory_space<vmem>> -> memref<128x64xf32, #tpu.memory_space<vmem>>
    %dma_start3A_567 = arith.constant 0 : i32
    %dma_start3A_568 = tpu.memref_slice %arg4[%add3A_561, %dma_start3A_567] : memref<106496x64xf32, #tpu.memory_space<hbm>> -> memref<128x64xf32, #tpu.memory_space<hbm>>
    %dma_start3A_569 = arith.constant 0 : i32
    %dma_start3A_570 = tpu.memref_slice %arg4[%add3A_561, %dma_start3A_569] : memref<106496x64xf32, #tpu.memory_space<hbm>> -> memref<128x64xf32, #tpu.memory_space<hbm>>
    %dma_start3A_571 = arith.constant 0 : i32
    %dma_start3A_572 = arith.constant 0 : i32
    %dma_start3A_573 = tpu.memref_slice %arg7[%dma_start3A_562, %dma_start3A_571, %dma_start3A_572] : memref<4x128x64xf32, #tpu.memory_space<vmem>> -> memref<1x128x64xf32, #tpu.memory_space<vmem>>
    %dma_start3A_574 = tpu.memref_squeeze %dma_start3A_573 : memref<1x128x64xf32, #tpu.memory_space<vmem>> -> memref<128x64xf32, #tpu.memory_space<vmem>>
    tpu.enqueue_dma source(%dma_start3A_574 : memref<128x64xf32, #tpu.memory_space<vmem>>) target(%dma_start3A_570 : memref<128x64xf32, #tpu.memory_space<hbm>>) target_semaphore(%arg12 : memref<!tpu.dma_semaphore, #tpu.memory_space<semaphore_mem>>)
    %scan3A_575 = arith.constant 0 : i32
    %scan3A_576 = arith.constant 0 : i32
    %scan3A_577 = arith.constant 8 : i32
    %scan3A_578 = arith.addi %scan3A_576, %scan3A_577 : i32
    %scan3A_579 = arith.constant 1 : i32
    %scan3A_580 = scf.for %scan3A_1534 = %scan3A_576 to %scan3A_578 step %scan3A_579 iter_args(%scan3A_1535 = %scan3A_575) -> (i32)  : i32 {
      %mul3A_1536 = arith.constant 16 : i32
      %mul3A_1537 = arith.muli %scan3A_1534, %mul3A_1536 : i32
      %add3A_1538 = arith.constant 1536 : i32
      %add3A_1539 = arith.addi %add3A_1538, %mul3A_1537 : i32
      %iota3A = tpu.iota {dimensions = array<i32: 0>} : vector<16xi32>
      %add3A_1540 = vector.broadcast %add3A_1539 : i32 to vector<16xi32>
      %add3A_1541 = arith.addi %iota3A, %add3A_1540 : vector<16xi32>
      %get3A = arith.index_cast %add3A_1539 : i32 to index
      %get3A_1542 = tpu.vector_load %arg5[%get3A] {strides = array<i32>} : memref<3328xi32, #tpu.memory_space<vmem>>, vector<16xi32>,
      %get3A_1543 = vector.shape_cast %get3A_1542 : vector<16xi32> to vector<16xi32>
      %jit3A = arith.constant 0 : i32
      %jit3A_1544 = arith.constant 999 : i32
      %max3A = vector.broadcast %jit3A : i32 to vector<16xi32>
      %max3A_1545 = arith.maxsi %max3A, %get3A_1543 : vector<16xi32>
      %min3A = vector.broadcast %jit3A_1544 : i32 to vector<16xi32>
      %min3A_1546 = arith.minsi %min3A, %max3A_1545 : vector<16xi32>
      %rem3A = arith.constant 26 : i32
      %rem3A_1547 = vector.broadcast %rem3A : i32 to vector<16xi32>
      %rem3A_1548 = arith.remsi %add3A_1541, %rem3A_1547 : vector<16xi32>
      %mul3A_1549 = arith.constant 1000 : i32
      %mul3A_1550 = vector.broadcast %mul3A_1549 : i32 to vector<16xi32>
      %mul3A_1551 = arith.muli %rem3A_1548, %mul3A_1550 : vector<16xi32>
      %add3A_1552 = arith.addi %mul3A_1551, %min3A_1546 : vector<16xi32>
      %rem3A_1553 = arith.constant 128 : i32
      %rem3A_1554 = arith.remsi %add3A_1539, %rem3A_1553 : i32
      %swap3A = arith.constant 12 : i32
      %swap3A_1555 = arith.index_cast %swap3A : i32 to index
      %swap3A_1556 = arith.index_cast %rem3A_1554 : i32 to index
      %swap3A_1557 = tpu.vector_load %arg6[%swap3A_1555, %swap3A_1556] {strides = array<i32>} : memref<26x128xi32, #tpu.memory_space<vmem>>, vector<1x16xi32>,
      %swap3A_1558 = vector.shape_cast %swap3A_1557 : vector<1x16xi32> to vector<16xi32>
      %swap3A_1559 = vector.shape_cast %add3A_1552 : vector<16xi32> to vector<1x16xi32>
      tpu.vector_store %arg6[%swap3A_1555, %swap3A_1556], %swap3A_1559 {strides = array<i32>} : memref<26x128xi32, #tpu.memory_space<vmem>>, vector<1x16xi32>,
      %scan3A_1560 = arith.constant 0 : i32
      scf.yield %scan3A_1560 : i32
    }
    %scan3A_581 = arith.constant 8 : i32
    %dma_wait3A_582 = arith.constant 0 : i32
    %dma_wait3A_583 = arith.constant 0 : i32
    %dma_wait3A_584 = arith.constant 0 : i32
    %dma_wait3A_585 = tpu.memref_slice %arg7[%dma_wait3A_582, %dma_wait3A_583, %dma_wait3A_584] : memref<4x128x64xf32, #tpu.memory_space<vmem>> -> memref<1x128x64xf32, #tpu.memory_space<vmem>>
    %dma_wait3A_586 = tpu.memref_squeeze %dma_wait3A_585 : memref<1x128x64xf32, #tpu.memory_space<vmem>> -> memref<128x64xf32, #tpu.memory_space<vmem>>
    %dma_wait3A_587 = arith.constant 0 : i32
    %dma_wait3A_588 = tpu.memref_slice %arg4[%add3A_561, %dma_wait3A_587] : memref<106496x64xf32, #tpu.memory_space<hbm>> -> memref<128x64xf32, #tpu.memory_space<hbm>>
    %dma_wait3A_589 = arith.constant 0 : i32
    %dma_wait3A_590 = tpu.memref_slice %arg4[%add3A_561, %dma_wait3A_589] : memref<106496x64xf32, #tpu.memory_space<hbm>> -> memref<128x64xf32, #tpu.memory_space<hbm>>
    %dma_wait3A_591 = arith.constant 0 : i32
    %dma_wait3A_592 = arith.constant 0 : i32
    %dma_wait3A_593 = tpu.memref_slice %arg7[%dma_wait3A_582, %dma_wait3A_591, %dma_wait3A_592] : memref<4x128x64xf32, #tpu.memory_space<vmem>> -> memref<1x128x64xf32, #tpu.memory_space<vmem>>
    %dma_wait3A_594 = tpu.memref_squeeze %dma_wait3A_593 : memref<1x128x64xf32, #tpu.memory_space<vmem>> -> memref<128x64xf32, #tpu.memory_space<vmem>>
    tpu.wait_dma2 semaphore(%arg12 : memref<!tpu.dma_semaphore, #tpu.memory_space<semaphore_mem>>) src(%dma_wait3A_594 : memref<128x64xf32, #tpu.memory_space<vmem>>) dst(%dma_wait3A_590 : memref<128x64xf32, #tpu.memory_space<hbm>>)
    %dma_start3A_595 = arith.constant 12 : i32
    %dma_start3A_596 = arith.constant 0 : i32
    %dma_start3A_597 = arith.constant 0 : i32
    %dma_start3A_598 = arith.constant 0 : i32
    %dma_start3A_599 = tpu.memref_slice %arg7[%dma_start3A_596, %dma_start3A_597, %dma_start3A_598] : memref<4x128x64xf32, #tpu.memory_space<vmem>> -> memref<1x128x64xf32, #tpu.memory_space<vmem>>
    %dma_start3A_600 = tpu.memref_squeeze %dma_start3A_599 : memref<1x128x64xf32, #tpu.memory_space<vmem>> -> memref<128x64xf32, #tpu.memory_space<vmem>>
    %dma_start3A_601 = arith.constant 0 : i32
    %dma_start3A_602 = tpu.memref_slice %arg6[%dma_start3A_595, %dma_start3A_601] : memref<26x128xi32, #tpu.memory_space<vmem>> -> memref<1x128xi32, #tpu.memory_space<vmem>>
    %dma_start3A_603 = tpu.memref_squeeze %dma_start3A_602 : memref<1x128xi32, #tpu.memory_space<vmem>> -> memref<128xi32, #tpu.memory_space<vmem>>
    %dma_start3A_604 = arith.constant 0 : i32
    %dma_start3A_605 = arith.constant 0 : i32
    %dma_start3A_606 = tpu.memref_slice %arg2[%dma_start3A_604, %dma_start3A_605] : memref<26000x64xf32, #tpu.memory_space<hbm>> -> memref<26000x64xf32, #tpu.memory_space<hbm>>
    tpu.enqueue_indirect_dma source(%dma_start3A_606 : memref<26000x64xf32, #tpu.memory_space<hbm>>) target(%dma_start3A_600 : memref<128x64xf32, #tpu.memory_space<vmem>>) offsets(%dma_start3A_603 : memref<128xi32, #tpu.memory_space<vmem>>) semaphore(%arg8 : memref<!tpu.dma_semaphore, #tpu.memory_space<semaphore_mem>>)
    %dma_wait3A_607 = arith.constant 9 : i32
    %dma_wait3A_608 = arith.constant 1 : i32
    %dma_wait3A_609 = arith.constant 0 : i32
    %dma_wait3A_610 = arith.constant 0 : i32
    %dma_wait3A_611 = tpu.memref_slice %arg7[%dma_wait3A_608, %dma_wait3A_609, %dma_wait3A_610] : memref<4x128x64xf32, #tpu.memory_space<vmem>> -> memref<1x128x64xf32, #tpu.memory_space<vmem>>
    %dma_wait3A_612 = tpu.memref_squeeze %dma_wait3A_611 : memref<1x128x64xf32, #tpu.memory_space<vmem>> -> memref<128x64xf32, #tpu.memory_space<vmem>>
    %dma_wait3A_613 = arith.constant 0 : i32
    %dma_wait3A_614 = tpu.memref_slice %arg6[%dma_wait3A_607, %dma_wait3A_613] : memref<26x128xi32, #tpu.memory_space<vmem>> -> memref<1x128xi32, #tpu.memory_space<vmem>>
    %dma_wait3A_615 = tpu.memref_squeeze %dma_wait3A_614 : memref<1x128xi32, #tpu.memory_space<vmem>> -> memref<128xi32, #tpu.memory_space<vmem>>
    %dma_wait3A_616 = arith.constant 0 : i32
    %dma_wait3A_617 = arith.constant 0 : i32
    %dma_wait3A_618 = tpu.memref_slice %arg2[%dma_wait3A_616, %dma_wait3A_617] : memref<26000x64xf32, #tpu.memory_space<hbm>> -> memref<26000x64xf32, #tpu.memory_space<hbm>>
    tpu.wait_indirect_dma semaphore(%arg9 : memref<!tpu.dma_semaphore, #tpu.memory_space<semaphore_mem>>) src(%dma_wait3A_618 : memref<26000x64xf32, #tpu.memory_space<hbm>>) dst(%dma_wait3A_612 : memref<128x64xf32, #tpu.memory_space<vmem>>)
    %add3A_619 = arith.constant 1152 : i32
    %add3A_620 = arith.addi %mul3A_2, %add3A_619 : i32
    %dma_start3A_621 = arith.constant 1 : i32
    %dma_start3A_622 = arith.constant 0 : i32
    %dma_start3A_623 = arith.constant 0 : i32
    %dma_start3A_624 = tpu.memref_slice %arg7[%dma_start3A_621, %dma_start3A_622, %dma_start3A_623] : memref<4x128x64xf32, #tpu.memory_space<vmem>> -> memref<1x128x64xf32, #tpu.memory_space<vmem>>
    %dma_start3A_625 = tpu.memref_squeeze %dma_start3A_624 : memref<1x128x64xf32, #tpu.memory_space<vmem>> -> memref<128x64xf32, #tpu.memory_space<vmem>>
    %dma_start3A_626 = arith.constant 0 : i32
    %dma_start3A_627 = tpu.memref_slice %arg4[%add3A_620, %dma_start3A_626] : memref<106496x64xf32, #tpu.memory_space<hbm>> -> memref<128x64xf32, #tpu.memory_space<hbm>>
    %dma_start3A_628 = arith.constant 0 : i32
    %dma_start3A_629 = tpu.memref_slice %arg4[%add3A_620, %dma_start3A_628] : memref<106496x64xf32, #tpu.memory_space<hbm>> -> memref<128x64xf32, #tpu.memory_space<hbm>>
    %dma_start3A_630 = arith.constant 0 : i32
    %dma_start3A_631 = arith.constant 0 : i32
    %dma_start3A_632 = tpu.memref_slice %arg7[%dma_start3A_621, %dma_start3A_630, %dma_start3A_631] : memref<4x128x64xf32, #tpu.memory_space<vmem>> -> memref<1x128x64xf32, #tpu.memory_space<vmem>>
    %dma_start3A_633 = tpu.memref_squeeze %dma_start3A_632 : memref<1x128x64xf32, #tpu.memory_space<vmem>> -> memref<128x64xf32, #tpu.memory_space<vmem>>
    tpu.enqueue_dma source(%dma_start3A_633 : memref<128x64xf32, #tpu.memory_space<vmem>>) target(%dma_start3A_629 : memref<128x64xf32, #tpu.memory_space<hbm>>) target_semaphore(%arg13 : memref<!tpu.dma_semaphore, #tpu.memory_space<semaphore_mem>>)
    %scan3A_634 = arith.constant 0 : i32
    %scan3A_635 = arith.constant 0 : i32
    %scan3A_636 = arith.constant 8 : i32
    %scan3A_637 = arith.addi %scan3A_635, %scan3A_636 : i32
    %scan3A_638 = arith.constant 1 : i32
    %scan3A_639 = scf.for %scan3A_1534 = %scan3A_635 to %scan3A_637 step %scan3A_638 iter_args(%scan3A_1535 = %scan3A_634) -> (i32)  : i32 {
      %mul3A_1536 = arith.constant 16 : i32
      %mul3A_1537 = arith.muli %scan3A_1534, %mul3A_1536 : i32
      %add3A_1538 = arith.constant 1664 : i32
      %add3A_1539 = arith.addi %add3A_1538, %mul3A_1537 : i32
      %iota3A = tpu.iota {dimensions = array<i32: 0>} : vector<16xi32>
      %add3A_1540 = vector.broadcast %add3A_1539 : i32 to vector<16xi32>
      %add3A_1541 = arith.addi %iota3A, %add3A_1540 : vector<16xi32>
      %get3A = arith.index_cast %add3A_1539 : i32 to index
      %get3A_1542 = tpu.vector_load %arg5[%get3A] {strides = array<i32>} : memref<3328xi32, #tpu.memory_space<vmem>>, vector<16xi32>,
      %get3A_1543 = vector.shape_cast %get3A_1542 : vector<16xi32> to vector<16xi32>
      %jit3A = arith.constant 0 : i32
      %jit3A_1544 = arith.constant 999 : i32
      %max3A = vector.broadcast %jit3A : i32 to vector<16xi32>
      %max3A_1545 = arith.maxsi %max3A, %get3A_1543 : vector<16xi32>
      %min3A = vector.broadcast %jit3A_1544 : i32 to vector<16xi32>
      %min3A_1546 = arith.minsi %min3A, %max3A_1545 : vector<16xi32>
      %rem3A = arith.constant 26 : i32
      %rem3A_1547 = vector.broadcast %rem3A : i32 to vector<16xi32>
      %rem3A_1548 = arith.remsi %add3A_1541, %rem3A_1547 : vector<16xi32>
      %mul3A_1549 = arith.constant 1000 : i32
      %mul3A_1550 = vector.broadcast %mul3A_1549 : i32 to vector<16xi32>
      %mul3A_1551 = arith.muli %rem3A_1548, %mul3A_1550 : vector<16xi32>
      %add3A_1552 = arith.addi %mul3A_1551, %min3A_1546 : vector<16xi32>
      %rem3A_1553 = arith.constant 128 : i32
      %rem3A_1554 = arith.remsi %add3A_1539, %rem3A_1553 : i32
      %swap3A = arith.constant 13 : i32
      %swap3A_1555 = arith.index_cast %swap3A : i32 to index
      %swap3A_1556 = arith.index_cast %rem3A_1554 : i32 to index
      %swap3A_1557 = tpu.vector_load %arg6[%swap3A_1555, %swap3A_1556] {strides = array<i32>} : memref<26x128xi32, #tpu.memory_space<vmem>>, vector<1x16xi32>,
      %swap3A_1558 = vector.shape_cast %swap3A_1557 : vector<1x16xi32> to vector<16xi32>
      %swap3A_1559 = vector.shape_cast %add3A_1552 : vector<16xi32> to vector<1x16xi32>
      tpu.vector_store %arg6[%swap3A_1555, %swap3A_1556], %swap3A_1559 {strides = array<i32>} : memref<26x128xi32, #tpu.memory_space<vmem>>, vector<1x16xi32>,
      %scan3A_1560 = arith.constant 0 : i32
      scf.yield %scan3A_1560 : i32
    }
    %scan3A_640 = arith.constant 8 : i32
    %dma_wait3A_641 = arith.constant 1 : i32
    %dma_wait3A_642 = arith.constant 0 : i32
    %dma_wait3A_643 = arith.constant 0 : i32
    %dma_wait3A_644 = tpu.memref_slice %arg7[%dma_wait3A_641, %dma_wait3A_642, %dma_wait3A_643] : memref<4x128x64xf32, #tpu.memory_space<vmem>> -> memref<1x128x64xf32, #tpu.memory_space<vmem>>
    %dma_wait3A_645 = tpu.memref_squeeze %dma_wait3A_644 : memref<1x128x64xf32, #tpu.memory_space<vmem>> -> memref<128x64xf32, #tpu.memory_space<vmem>>
    %dma_wait3A_646 = arith.constant 0 : i32
    %dma_wait3A_647 = tpu.memref_slice %arg4[%add3A_620, %dma_wait3A_646] : memref<106496x64xf32, #tpu.memory_space<hbm>> -> memref<128x64xf32, #tpu.memory_space<hbm>>
    %dma_wait3A_648 = arith.constant 0 : i32
    %dma_wait3A_649 = tpu.memref_slice %arg4[%add3A_620, %dma_wait3A_648] : memref<106496x64xf32, #tpu.memory_space<hbm>> -> memref<128x64xf32, #tpu.memory_space<hbm>>
    %dma_wait3A_650 = arith.constant 0 : i32
    %dma_wait3A_651 = arith.constant 0 : i32
    %dma_wait3A_652 = tpu.memref_slice %arg7[%dma_wait3A_641, %dma_wait3A_650, %dma_wait3A_651] : memref<4x128x64xf32, #tpu.memory_space<vmem>> -> memref<1x128x64xf32, #tpu.memory_space<vmem>>
    %dma_wait3A_653 = tpu.memref_squeeze %dma_wait3A_652 : memref<1x128x64xf32, #tpu.memory_space<vmem>> -> memref<128x64xf32, #tpu.memory_space<vmem>>
    tpu.wait_dma2 semaphore(%arg13 : memref<!tpu.dma_semaphore, #tpu.memory_space<semaphore_mem>>) src(%dma_wait3A_653 : memref<128x64xf32, #tpu.memory_space<vmem>>) dst(%dma_wait3A_649 : memref<128x64xf32, #tpu.memory_space<hbm>>)
    %dma_start3A_654 = arith.constant 13 : i32
    %dma_start3A_655 = arith.constant 1 : i32
    %dma_start3A_656 = arith.constant 0 : i32
    %dma_start3A_657 = arith.constant 0 : i32
    %dma_start3A_658 = tpu.memref_slice %arg7[%dma_start3A_655, %dma_start3A_656, %dma_start3A_657] : memref<4x128x64xf32, #tpu.memory_space<vmem>> -> memref<1x128x64xf32, #tpu.memory_space<vmem>>
    %dma_start3A_659 = tpu.memref_squeeze %dma_start3A_658 : memref<1x128x64xf32, #tpu.memory_space<vmem>> -> memref<128x64xf32, #tpu.memory_space<vmem>>
    %dma_start3A_660 = arith.constant 0 : i32
    %dma_start3A_661 = tpu.memref_slice %arg6[%dma_start3A_654, %dma_start3A_660] : memref<26x128xi32, #tpu.memory_space<vmem>> -> memref<1x128xi32, #tpu.memory_space<vmem>>
    %dma_start3A_662 = tpu.memref_squeeze %dma_start3A_661 : memref<1x128xi32, #tpu.memory_space<vmem>> -> memref<128xi32, #tpu.memory_space<vmem>>
    %dma_start3A_663 = arith.constant 0 : i32
    %dma_start3A_664 = arith.constant 0 : i32
    %dma_start3A_665 = tpu.memref_slice %arg2[%dma_start3A_663, %dma_start3A_664] : memref<26000x64xf32, #tpu.memory_space<hbm>> -> memref<26000x64xf32, #tpu.memory_space<hbm>>
    tpu.enqueue_indirect_dma source(%dma_start3A_665 : memref<26000x64xf32, #tpu.memory_space<hbm>>) target(%dma_start3A_659 : memref<128x64xf32, #tpu.memory_space<vmem>>) offsets(%dma_start3A_662 : memref<128xi32, #tpu.memory_space<vmem>>) semaphore(%arg9 : memref<!tpu.dma_semaphore, #tpu.memory_space<semaphore_mem>>)
    %dma_wait3A_666 = arith.constant 10 : i32
    %dma_wait3A_667 = arith.constant 2 : i32
    %dma_wait3A_668 = arith.constant 0 : i32
    %dma_wait3A_669 = arith.constant 0 : i32
    %dma_wait3A_670 = tpu.memref_slice %arg7[%dma_wait3A_667, %dma_wait3A_668, %dma_wait3A_669] : memref<4x128x64xf32, #tpu.memory_space<vmem>> -> memref<1x128x64xf32, #tpu.memory_space<vmem>>
    %dma_wait3A_671 = tpu.memref_squeeze %dma_wait3A_670 : memref<1x128x64xf32, #tpu.memory_space<vmem>> -> memref<128x64xf32, #tpu.memory_space<vmem>>
    %dma_wait3A_672 = arith.constant 0 : i32
    %dma_wait3A_673 = tpu.memref_slice %arg6[%dma_wait3A_666, %dma_wait3A_672] : memref<26x128xi32, #tpu.memory_space<vmem>> -> memref<1x128xi32, #tpu.memory_space<vmem>>
    %dma_wait3A_674 = tpu.memref_squeeze %dma_wait3A_673 : memref<1x128xi32, #tpu.memory_space<vmem>> -> memref<128xi32, #tpu.memory_space<vmem>>
    %dma_wait3A_675 = arith.constant 0 : i32
    %dma_wait3A_676 = arith.constant 0 : i32
    %dma_wait3A_677 = tpu.memref_slice %arg2[%dma_wait3A_675, %dma_wait3A_676] : memref<26000x64xf32, #tpu.memory_space<hbm>> -> memref<26000x64xf32, #tpu.memory_space<hbm>>
    tpu.wait_indirect_dma semaphore(%arg10 : memref<!tpu.dma_semaphore, #tpu.memory_space<semaphore_mem>>) src(%dma_wait3A_677 : memref<26000x64xf32, #tpu.memory_space<hbm>>) dst(%dma_wait3A_671 : memref<128x64xf32, #tpu.memory_space<vmem>>)
    %add3A_678 = arith.constant 1280 : i32
    %add3A_679 = arith.addi %mul3A_2, %add3A_678 : i32
    %dma_start3A_680 = arith.constant 2 : i32
    %dma_start3A_681 = arith.constant 0 : i32
    %dma_start3A_682 = arith.constant 0 : i32
    %dma_start3A_683 = tpu.memref_slice %arg7[%dma_start3A_680, %dma_start3A_681, %dma_start3A_682] : memref<4x128x64xf32, #tpu.memory_space<vmem>> -> memref<1x128x64xf32, #tpu.memory_space<vmem>>
    %dma_start3A_684 = tpu.memref_squeeze %dma_start3A_683 : memref<1x128x64xf32, #tpu.memory_space<vmem>> -> memref<128x64xf32, #tpu.memory_space<vmem>>
    %dma_start3A_685 = arith.constant 0 : i32
    %dma_start3A_686 = tpu.memref_slice %arg4[%add3A_679, %dma_start3A_685] : memref<106496x64xf32, #tpu.memory_space<hbm>> -> memref<128x64xf32, #tpu.memory_space<hbm>>
    %dma_start3A_687 = arith.constant 0 : i32
    %dma_start3A_688 = tpu.memref_slice %arg4[%add3A_679, %dma_start3A_687] : memref<106496x64xf32, #tpu.memory_space<hbm>> -> memref<128x64xf32, #tpu.memory_space<hbm>>
    %dma_start3A_689 = arith.constant 0 : i32
    %dma_start3A_690 = arith.constant 0 : i32
    %dma_start3A_691 = tpu.memref_slice %arg7[%dma_start3A_680, %dma_start3A_689, %dma_start3A_690] : memref<4x128x64xf32, #tpu.memory_space<vmem>> -> memref<1x128x64xf32, #tpu.memory_space<vmem>>
    %dma_start3A_692 = tpu.memref_squeeze %dma_start3A_691 : memref<1x128x64xf32, #tpu.memory_space<vmem>> -> memref<128x64xf32, #tpu.memory_space<vmem>>
    tpu.enqueue_dma source(%dma_start3A_692 : memref<128x64xf32, #tpu.memory_space<vmem>>) target(%dma_start3A_688 : memref<128x64xf32, #tpu.memory_space<hbm>>) target_semaphore(%arg14 : memref<!tpu.dma_semaphore, #tpu.memory_space<semaphore_mem>>)
    %scan3A_693 = arith.constant 0 : i32
    %scan3A_694 = arith.constant 0 : i32
    %scan3A_695 = arith.constant 8 : i32
    %scan3A_696 = arith.addi %scan3A_694, %scan3A_695 : i32
    %scan3A_697 = arith.constant 1 : i32
    %scan3A_698 = scf.for %scan3A_1534 = %scan3A_694 to %scan3A_696 step %scan3A_697 iter_args(%scan3A_1535 = %scan3A_693) -> (i32)  : i32 {
      %mul3A_1536 = arith.constant 16 : i32
      %mul3A_1537 = arith.muli %scan3A_1534, %mul3A_1536 : i32
      %add3A_1538 = arith.constant 1792 : i32
      %add3A_1539 = arith.addi %add3A_1538, %mul3A_1537 : i32
      %iota3A = tpu.iota {dimensions = array<i32: 0>} : vector<16xi32>
      %add3A_1540 = vector.broadcast %add3A_1539 : i32 to vector<16xi32>
      %add3A_1541 = arith.addi %iota3A, %add3A_1540 : vector<16xi32>
      %get3A = arith.index_cast %add3A_1539 : i32 to index
      %get3A_1542 = tpu.vector_load %arg5[%get3A] {strides = array<i32>} : memref<3328xi32, #tpu.memory_space<vmem>>, vector<16xi32>,
      %get3A_1543 = vector.shape_cast %get3A_1542 : vector<16xi32> to vector<16xi32>
      %jit3A = arith.constant 0 : i32
      %jit3A_1544 = arith.constant 999 : i32
      %max3A = vector.broadcast %jit3A : i32 to vector<16xi32>
      %max3A_1545 = arith.maxsi %max3A, %get3A_1543 : vector<16xi32>
      %min3A = vector.broadcast %jit3A_1544 : i32 to vector<16xi32>
      %min3A_1546 = arith.minsi %min3A, %max3A_1545 : vector<16xi32>
      %rem3A = arith.constant 26 : i32
      %rem3A_1547 = vector.broadcast %rem3A : i32 to vector<16xi32>
      %rem3A_1548 = arith.remsi %add3A_1541, %rem3A_1547 : vector<16xi32>
      %mul3A_1549 = arith.constant 1000 : i32
      %mul3A_1550 = vector.broadcast %mul3A_1549 : i32 to vector<16xi32>
      %mul3A_1551 = arith.muli %rem3A_1548, %mul3A_1550 : vector<16xi32>
      %add3A_1552 = arith.addi %mul3A_1551, %min3A_1546 : vector<16xi32>
      %rem3A_1553 = arith.constant 128 : i32
      %rem3A_1554 = arith.remsi %add3A_1539, %rem3A_1553 : i32
      %swap3A = arith.constant 14 : i32
      %swap3A_1555 = arith.index_cast %swap3A : i32 to index
      %swap3A_1556 = arith.index_cast %rem3A_1554 : i32 to index
      %swap3A_1557 = tpu.vector_load %arg6[%swap3A_1555, %swap3A_1556] {strides = array<i32>} : memref<26x128xi32, #tpu.memory_space<vmem>>, vector<1x16xi32>,
      %swap3A_1558 = vector.shape_cast %swap3A_1557 : vector<1x16xi32> to vector<16xi32>
      %swap3A_1559 = vector.shape_cast %add3A_1552 : vector<16xi32> to vector<1x16xi32>
      tpu.vector_store %arg6[%swap3A_1555, %swap3A_1556], %swap3A_1559 {strides = array<i32>} : memref<26x128xi32, #tpu.memory_space<vmem>>, vector<1x16xi32>,
      %scan3A_1560 = arith.constant 0 : i32
      scf.yield %scan3A_1560 : i32
    }
    %scan3A_699 = arith.constant 8 : i32
    %dma_wait3A_700 = arith.constant 2 : i32
    %dma_wait3A_701 = arith.constant 0 : i32
    %dma_wait3A_702 = arith.constant 0 : i32
    %dma_wait3A_703 = tpu.memref_slice %arg7[%dma_wait3A_700, %dma_wait3A_701, %dma_wait3A_702] : memref<4x128x64xf32, #tpu.memory_space<vmem>> -> memref<1x128x64xf32, #tpu.memory_space<vmem>>
    %dma_wait3A_704 = tpu.memref_squeeze %dma_wait3A_703 : memref<1x128x64xf32, #tpu.memory_space<vmem>> -> memref<128x64xf32, #tpu.memory_space<vmem>>
    %dma_wait3A_705 = arith.constant 0 : i32
    %dma_wait3A_706 = tpu.memref_slice %arg4[%add3A_679, %dma_wait3A_705] : memref<106496x64xf32, #tpu.memory_space<hbm>> -> memref<128x64xf32, #tpu.memory_space<hbm>>
    %dma_wait3A_707 = arith.constant 0 : i32
    %dma_wait3A_708 = tpu.memref_slice %arg4[%add3A_679, %dma_wait3A_707] : memref<106496x64xf32, #tpu.memory_space<hbm>> -> memref<128x64xf32, #tpu.memory_space<hbm>>
    %dma_wait3A_709 = arith.constant 0 : i32
    %dma_wait3A_710 = arith.constant 0 : i32
    %dma_wait3A_711 = tpu.memref_slice %arg7[%dma_wait3A_700, %dma_wait3A_709, %dma_wait3A_710] : memref<4x128x64xf32, #tpu.memory_space<vmem>> -> memref<1x128x64xf32, #tpu.memory_space<vmem>>
    %dma_wait3A_712 = tpu.memref_squeeze %dma_wait3A_711 : memref<1x128x64xf32, #tpu.memory_space<vmem>> -> memref<128x64xf32, #tpu.memory_space<vmem>>
    tpu.wait_dma2 semaphore(%arg14 : memref<!tpu.dma_semaphore, #tpu.memory_space<semaphore_mem>>) src(%dma_wait3A_712 : memref<128x64xf32, #tpu.memory_space<vmem>>) dst(%dma_wait3A_708 : memref<128x64xf32, #tpu.memory_space<hbm>>)
    %dma_start3A_713 = arith.constant 14 : i32
    %dma_start3A_714 = arith.constant 2 : i32
    %dma_start3A_715 = arith.constant 0 : i32
    %dma_start3A_716 = arith.constant 0 : i32
    %dma_start3A_717 = tpu.memref_slice %arg7[%dma_start3A_714, %dma_start3A_715, %dma_start3A_716] : memref<4x128x64xf32, #tpu.memory_space<vmem>> -> memref<1x128x64xf32, #tpu.memory_space<vmem>>
    %dma_start3A_718 = tpu.memref_squeeze %dma_start3A_717 : memref<1x128x64xf32, #tpu.memory_space<vmem>> -> memref<128x64xf32, #tpu.memory_space<vmem>>
    %dma_start3A_719 = arith.constant 0 : i32
    %dma_start3A_720 = tpu.memref_slice %arg6[%dma_start3A_713, %dma_start3A_719] : memref<26x128xi32, #tpu.memory_space<vmem>> -> memref<1x128xi32, #tpu.memory_space<vmem>>
    %dma_start3A_721 = tpu.memref_squeeze %dma_start3A_720 : memref<1x128xi32, #tpu.memory_space<vmem>> -> memref<128xi32, #tpu.memory_space<vmem>>
    %dma_start3A_722 = arith.constant 0 : i32
    %dma_start3A_723 = arith.constant 0 : i32
    %dma_start3A_724 = tpu.memref_slice %arg2[%dma_start3A_722, %dma_start3A_723] : memref<26000x64xf32, #tpu.memory_space<hbm>> -> memref<26000x64xf32, #tpu.memory_space<hbm>>
    tpu.enqueue_indirect_dma source(%dma_start3A_724 : memref<26000x64xf32, #tpu.memory_space<hbm>>) target(%dma_start3A_718 : memref<128x64xf32, #tpu.memory_space<vmem>>) offsets(%dma_start3A_721 : memref<128xi32, #tpu.memory_space<vmem>>) semaphore(%arg10 : memref<!tpu.dma_semaphore, #tpu.memory_space<semaphore_mem>>)
    %dma_wait3A_725 = arith.constant 11 : i32
    %dma_wait3A_726 = arith.constant 3 : i32
    %dma_wait3A_727 = arith.constant 0 : i32
    %dma_wait3A_728 = arith.constant 0 : i32
    %dma_wait3A_729 = tpu.memref_slice %arg7[%dma_wait3A_726, %dma_wait3A_727, %dma_wait3A_728] : memref<4x128x64xf32, #tpu.memory_space<vmem>> -> memref<1x128x64xf32, #tpu.memory_space<vmem>>
    %dma_wait3A_730 = tpu.memref_squeeze %dma_wait3A_729 : memref<1x128x64xf32, #tpu.memory_space<vmem>> -> memref<128x64xf32, #tpu.memory_space<vmem>>
    %dma_wait3A_731 = arith.constant 0 : i32
    %dma_wait3A_732 = tpu.memref_slice %arg6[%dma_wait3A_725, %dma_wait3A_731] : memref<26x128xi32, #tpu.memory_space<vmem>> -> memref<1x128xi32, #tpu.memory_space<vmem>>
    %dma_wait3A_733 = tpu.memref_squeeze %dma_wait3A_732 : memref<1x128xi32, #tpu.memory_space<vmem>> -> memref<128xi32, #tpu.memory_space<vmem>>
    %dma_wait3A_734 = arith.constant 0 : i32
    %dma_wait3A_735 = arith.constant 0 : i32
    %dma_wait3A_736 = tpu.memref_slice %arg2[%dma_wait3A_734, %dma_wait3A_735] : memref<26000x64xf32, #tpu.memory_space<hbm>> -> memref<26000x64xf32, #tpu.memory_space<hbm>>
    tpu.wait_indirect_dma semaphore(%arg11 : memref<!tpu.dma_semaphore, #tpu.memory_space<semaphore_mem>>) src(%dma_wait3A_736 : memref<26000x64xf32, #tpu.memory_space<hbm>>) dst(%dma_wait3A_730 : memref<128x64xf32, #tpu.memory_space<vmem>>)
    %add3A_737 = arith.constant 1408 : i32
    %add3A_738 = arith.addi %mul3A_2, %add3A_737 : i32
    %dma_start3A_739 = arith.constant 3 : i32
    %dma_start3A_740 = arith.constant 0 : i32
    %dma_start3A_741 = arith.constant 0 : i32
    %dma_start3A_742 = tpu.memref_slice %arg7[%dma_start3A_739, %dma_start3A_740, %dma_start3A_741] : memref<4x128x64xf32, #tpu.memory_space<vmem>> -> memref<1x128x64xf32, #tpu.memory_space<vmem>>
    %dma_start3A_743 = tpu.memref_squeeze %dma_start3A_742 : memref<1x128x64xf32, #tpu.memory_space<vmem>> -> memref<128x64xf32, #tpu.memory_space<vmem>>
    %dma_start3A_744 = arith.constant 0 : i32
    %dma_start3A_745 = tpu.memref_slice %arg4[%add3A_738, %dma_start3A_744] : memref<106496x64xf32, #tpu.memory_space<hbm>> -> memref<128x64xf32, #tpu.memory_space<hbm>>
    %dma_start3A_746 = arith.constant 0 : i32
    %dma_start3A_747 = tpu.memref_slice %arg4[%add3A_738, %dma_start3A_746] : memref<106496x64xf32, #tpu.memory_space<hbm>> -> memref<128x64xf32, #tpu.memory_space<hbm>>
    %dma_start3A_748 = arith.constant 0 : i32
    %dma_start3A_749 = arith.constant 0 : i32
    %dma_start3A_750 = tpu.memref_slice %arg7[%dma_start3A_739, %dma_start3A_748, %dma_start3A_749] : memref<4x128x64xf32, #tpu.memory_space<vmem>> -> memref<1x128x64xf32, #tpu.memory_space<vmem>>
    %dma_start3A_751 = tpu.memref_squeeze %dma_start3A_750 : memref<1x128x64xf32, #tpu.memory_space<vmem>> -> memref<128x64xf32, #tpu.memory_space<vmem>>
    tpu.enqueue_dma source(%dma_start3A_751 : memref<128x64xf32, #tpu.memory_space<vmem>>) target(%dma_start3A_747 : memref<128x64xf32, #tpu.memory_space<hbm>>) target_semaphore(%arg15 : memref<!tpu.dma_semaphore, #tpu.memory_space<semaphore_mem>>)
    %scan3A_752 = arith.constant 0 : i32
    %scan3A_753 = arith.constant 0 : i32
    %scan3A_754 = arith.constant 8 : i32
    %scan3A_755 = arith.addi %scan3A_753, %scan3A_754 : i32
    %scan3A_756 = arith.constant 1 : i32
    %scan3A_757 = scf.for %scan3A_1534 = %scan3A_753 to %scan3A_755 step %scan3A_756 iter_args(%scan3A_1535 = %scan3A_752) -> (i32)  : i32 {
      %mul3A_1536 = arith.constant 16 : i32
      %mul3A_1537 = arith.muli %scan3A_1534, %mul3A_1536 : i32
      %add3A_1538 = arith.constant 1920 : i32
      %add3A_1539 = arith.addi %add3A_1538, %mul3A_1537 : i32
      %iota3A = tpu.iota {dimensions = array<i32: 0>} : vector<16xi32>
      %add3A_1540 = vector.broadcast %add3A_1539 : i32 to vector<16xi32>
      %add3A_1541 = arith.addi %iota3A, %add3A_1540 : vector<16xi32>
      %get3A = arith.index_cast %add3A_1539 : i32 to index
      %get3A_1542 = tpu.vector_load %arg5[%get3A] {strides = array<i32>} : memref<3328xi32, #tpu.memory_space<vmem>>, vector<16xi32>,
      %get3A_1543 = vector.shape_cast %get3A_1542 : vector<16xi32> to vector<16xi32>
      %jit3A = arith.constant 0 : i32
      %jit3A_1544 = arith.constant 999 : i32
      %max3A = vector.broadcast %jit3A : i32 to vector<16xi32>
      %max3A_1545 = arith.maxsi %max3A, %get3A_1543 : vector<16xi32>
      %min3A = vector.broadcast %jit3A_1544 : i32 to vector<16xi32>
      %min3A_1546 = arith.minsi %min3A, %max3A_1545 : vector<16xi32>
      %rem3A = arith.constant 26 : i32
      %rem3A_1547 = vector.broadcast %rem3A : i32 to vector<16xi32>
      %rem3A_1548 = arith.remsi %add3A_1541, %rem3A_1547 : vector<16xi32>
      %mul3A_1549 = arith.constant 1000 : i32
      %mul3A_1550 = vector.broadcast %mul3A_1549 : i32 to vector<16xi32>
      %mul3A_1551 = arith.muli %rem3A_1548, %mul3A_1550 : vector<16xi32>
      %add3A_1552 = arith.addi %mul3A_1551, %min3A_1546 : vector<16xi32>
      %rem3A_1553 = arith.constant 128 : i32
      %rem3A_1554 = arith.remsi %add3A_1539, %rem3A_1553 : i32
      %swap3A = arith.constant 15 : i32
      %swap3A_1555 = arith.index_cast %swap3A : i32 to index
      %swap3A_1556 = arith.index_cast %rem3A_1554 : i32 to index
      %swap3A_1557 = tpu.vector_load %arg6[%swap3A_1555, %swap3A_1556] {strides = array<i32>} : memref<26x128xi32, #tpu.memory_space<vmem>>, vector<1x16xi32>,
      %swap3A_1558 = vector.shape_cast %swap3A_1557 : vector<1x16xi32> to vector<16xi32>
      %swap3A_1559 = vector.shape_cast %add3A_1552 : vector<16xi32> to vector<1x16xi32>
      tpu.vector_store %arg6[%swap3A_1555, %swap3A_1556], %swap3A_1559 {strides = array<i32>} : memref<26x128xi32, #tpu.memory_space<vmem>>, vector<1x16xi32>,
      %scan3A_1560 = arith.constant 0 : i32
      scf.yield %scan3A_1560 : i32
    }
    %scan3A_758 = arith.constant 8 : i32
    %dma_wait3A_759 = arith.constant 3 : i32
    %dma_wait3A_760 = arith.constant 0 : i32
    %dma_wait3A_761 = arith.constant 0 : i32
    %dma_wait3A_762 = tpu.memref_slice %arg7[%dma_wait3A_759, %dma_wait3A_760, %dma_wait3A_761] : memref<4x128x64xf32, #tpu.memory_space<vmem>> -> memref<1x128x64xf32, #tpu.memory_space<vmem>>
    %dma_wait3A_763 = tpu.memref_squeeze %dma_wait3A_762 : memref<1x128x64xf32, #tpu.memory_space<vmem>> -> memref<128x64xf32, #tpu.memory_space<vmem>>
    %dma_wait3A_764 = arith.constant 0 : i32
    %dma_wait3A_765 = tpu.memref_slice %arg4[%add3A_738, %dma_wait3A_764] : memref<106496x64xf32, #tpu.memory_space<hbm>> -> memref<128x64xf32, #tpu.memory_space<hbm>>
    %dma_wait3A_766 = arith.constant 0 : i32
    %dma_wait3A_767 = tpu.memref_slice %arg4[%add3A_738, %dma_wait3A_766] : memref<106496x64xf32, #tpu.memory_space<hbm>> -> memref<128x64xf32, #tpu.memory_space<hbm>>
    %dma_wait3A_768 = arith.constant 0 : i32
    %dma_wait3A_769 = arith.constant 0 : i32
    %dma_wait3A_770 = tpu.memref_slice %arg7[%dma_wait3A_759, %dma_wait3A_768, %dma_wait3A_769] : memref<4x128x64xf32, #tpu.memory_space<vmem>> -> memref<1x128x64xf32, #tpu.memory_space<vmem>>
    %dma_wait3A_771 = tpu.memref_squeeze %dma_wait3A_770 : memref<1x128x64xf32, #tpu.memory_space<vmem>> -> memref<128x64xf32, #tpu.memory_space<vmem>>
    tpu.wait_dma2 semaphore(%arg15 : memref<!tpu.dma_semaphore, #tpu.memory_space<semaphore_mem>>) src(%dma_wait3A_771 : memref<128x64xf32, #tpu.memory_space<vmem>>) dst(%dma_wait3A_767 : memref<128x64xf32, #tpu.memory_space<hbm>>)
    %dma_start3A_772 = arith.constant 15 : i32
    %dma_start3A_773 = arith.constant 3 : i32
    %dma_start3A_774 = arith.constant 0 : i32
    %dma_start3A_775 = arith.constant 0 : i32
    %dma_start3A_776 = tpu.memref_slice %arg7[%dma_start3A_773, %dma_start3A_774, %dma_start3A_775] : memref<4x128x64xf32, #tpu.memory_space<vmem>> -> memref<1x128x64xf32, #tpu.memory_space<vmem>>
    %dma_start3A_777 = tpu.memref_squeeze %dma_start3A_776 : memref<1x128x64xf32, #tpu.memory_space<vmem>> -> memref<128x64xf32, #tpu.memory_space<vmem>>
    %dma_start3A_778 = arith.constant 0 : i32
    %dma_start3A_779 = tpu.memref_slice %arg6[%dma_start3A_772, %dma_start3A_778] : memref<26x128xi32, #tpu.memory_space<vmem>> -> memref<1x128xi32, #tpu.memory_space<vmem>>
    %dma_start3A_780 = tpu.memref_squeeze %dma_start3A_779 : memref<1x128xi32, #tpu.memory_space<vmem>> -> memref<128xi32, #tpu.memory_space<vmem>>
    %dma_start3A_781 = arith.constant 0 : i32
    %dma_start3A_782 = arith.constant 0 : i32
    %dma_start3A_783 = tpu.memref_slice %arg2[%dma_start3A_781, %dma_start3A_782] : memref<26000x64xf32, #tpu.memory_space<hbm>> -> memref<26000x64xf32, #tpu.memory_space<hbm>>
    tpu.enqueue_indirect_dma source(%dma_start3A_783 : memref<26000x64xf32, #tpu.memory_space<hbm>>) target(%dma_start3A_777 : memref<128x64xf32, #tpu.memory_space<vmem>>) offsets(%dma_start3A_780 : memref<128xi32, #tpu.memory_space<vmem>>) semaphore(%arg11 : memref<!tpu.dma_semaphore, #tpu.memory_space<semaphore_mem>>)
    %dma_wait3A_784 = arith.constant 12 : i32
    %dma_wait3A_785 = arith.constant 0 : i32
    %dma_wait3A_786 = arith.constant 0 : i32
    %dma_wait3A_787 = arith.constant 0 : i32
    %dma_wait3A_788 = tpu.memref_slice %arg7[%dma_wait3A_785, %dma_wait3A_786, %dma_wait3A_787] : memref<4x128x64xf32, #tpu.memory_space<vmem>> -> memref<1x128x64xf32, #tpu.memory_space<vmem>>
    %dma_wait3A_789 = tpu.memref_squeeze %dma_wait3A_788 : memref<1x128x64xf32, #tpu.memory_space<vmem>> -> memref<128x64xf32, #tpu.memory_space<vmem>>
    %dma_wait3A_790 = arith.constant 0 : i32
    %dma_wait3A_791 = tpu.memref_slice %arg6[%dma_wait3A_784, %dma_wait3A_790] : memref<26x128xi32, #tpu.memory_space<vmem>> -> memref<1x128xi32, #tpu.memory_space<vmem>>
    %dma_wait3A_792 = tpu.memref_squeeze %dma_wait3A_791 : memref<1x128xi32, #tpu.memory_space<vmem>> -> memref<128xi32, #tpu.memory_space<vmem>>
    %dma_wait3A_793 = arith.constant 0 : i32
    %dma_wait3A_794 = arith.constant 0 : i32
    %dma_wait3A_795 = tpu.memref_slice %arg2[%dma_wait3A_793, %dma_wait3A_794] : memref<26000x64xf32, #tpu.memory_space<hbm>> -> memref<26000x64xf32, #tpu.memory_space<hbm>>
    tpu.wait_indirect_dma semaphore(%arg8 : memref<!tpu.dma_semaphore, #tpu.memory_space<semaphore_mem>>) src(%dma_wait3A_795 : memref<26000x64xf32, #tpu.memory_space<hbm>>) dst(%dma_wait3A_789 : memref<128x64xf32, #tpu.memory_space<vmem>>)
    %add3A_796 = arith.constant 1536 : i32
    %add3A_797 = arith.addi %mul3A_2, %add3A_796 : i32
    %dma_start3A_798 = arith.constant 0 : i32
    %dma_start3A_799 = arith.constant 0 : i32
    %dma_start3A_800 = arith.constant 0 : i32
    %dma_start3A_801 = tpu.memref_slice %arg7[%dma_start3A_798, %dma_start3A_799, %dma_start3A_800] : memref<4x128x64xf32, #tpu.memory_space<vmem>> -> memref<1x128x64xf32, #tpu.memory_space<vmem>>
    %dma_start3A_802 = tpu.memref_squeeze %dma_start3A_801 : memref<1x128x64xf32, #tpu.memory_space<vmem>> -> memref<128x64xf32, #tpu.memory_space<vmem>>
    %dma_start3A_803 = arith.constant 0 : i32
    %dma_start3A_804 = tpu.memref_slice %arg4[%add3A_797, %dma_start3A_803] : memref<106496x64xf32, #tpu.memory_space<hbm>> -> memref<128x64xf32, #tpu.memory_space<hbm>>
    %dma_start3A_805 = arith.constant 0 : i32
    %dma_start3A_806 = tpu.memref_slice %arg4[%add3A_797, %dma_start3A_805] : memref<106496x64xf32, #tpu.memory_space<hbm>> -> memref<128x64xf32, #tpu.memory_space<hbm>>
    %dma_start3A_807 = arith.constant 0 : i32
    %dma_start3A_808 = arith.constant 0 : i32
    %dma_start3A_809 = tpu.memref_slice %arg7[%dma_start3A_798, %dma_start3A_807, %dma_start3A_808] : memref<4x128x64xf32, #tpu.memory_space<vmem>> -> memref<1x128x64xf32, #tpu.memory_space<vmem>>
    %dma_start3A_810 = tpu.memref_squeeze %dma_start3A_809 : memref<1x128x64xf32, #tpu.memory_space<vmem>> -> memref<128x64xf32, #tpu.memory_space<vmem>>
    tpu.enqueue_dma source(%dma_start3A_810 : memref<128x64xf32, #tpu.memory_space<vmem>>) target(%dma_start3A_806 : memref<128x64xf32, #tpu.memory_space<hbm>>) target_semaphore(%arg12 : memref<!tpu.dma_semaphore, #tpu.memory_space<semaphore_mem>>)
    %scan3A_811 = arith.constant 0 : i32
    %scan3A_812 = arith.constant 0 : i32
    %scan3A_813 = arith.constant 8 : i32
    %scan3A_814 = arith.addi %scan3A_812, %scan3A_813 : i32
    %scan3A_815 = arith.constant 1 : i32
    %scan3A_816 = scf.for %scan3A_1534 = %scan3A_812 to %scan3A_814 step %scan3A_815 iter_args(%scan3A_1535 = %scan3A_811) -> (i32)  : i32 {
      %mul3A_1536 = arith.constant 16 : i32
      %mul3A_1537 = arith.muli %scan3A_1534, %mul3A_1536 : i32
      %add3A_1538 = arith.constant 2048 : i32
      %add3A_1539 = arith.addi %add3A_1538, %mul3A_1537 : i32
      %iota3A = tpu.iota {dimensions = array<i32: 0>} : vector<16xi32>
      %add3A_1540 = vector.broadcast %add3A_1539 : i32 to vector<16xi32>
      %add3A_1541 = arith.addi %iota3A, %add3A_1540 : vector<16xi32>
      %get3A = arith.index_cast %add3A_1539 : i32 to index
      %get3A_1542 = tpu.vector_load %arg5[%get3A] {strides = array<i32>} : memref<3328xi32, #tpu.memory_space<vmem>>, vector<16xi32>,
      %get3A_1543 = vector.shape_cast %get3A_1542 : vector<16xi32> to vector<16xi32>
      %jit3A = arith.constant 0 : i32
      %jit3A_1544 = arith.constant 999 : i32
      %max3A = vector.broadcast %jit3A : i32 to vector<16xi32>
      %max3A_1545 = arith.maxsi %max3A, %get3A_1543 : vector<16xi32>
      %min3A = vector.broadcast %jit3A_1544 : i32 to vector<16xi32>
      %min3A_1546 = arith.minsi %min3A, %max3A_1545 : vector<16xi32>
      %rem3A = arith.constant 26 : i32
      %rem3A_1547 = vector.broadcast %rem3A : i32 to vector<16xi32>
      %rem3A_1548 = arith.remsi %add3A_1541, %rem3A_1547 : vector<16xi32>
      %mul3A_1549 = arith.constant 1000 : i32
      %mul3A_1550 = vector.broadcast %mul3A_1549 : i32 to vector<16xi32>
      %mul3A_1551 = arith.muli %rem3A_1548, %mul3A_1550 : vector<16xi32>
      %add3A_1552 = arith.addi %mul3A_1551, %min3A_1546 : vector<16xi32>
      %rem3A_1553 = arith.constant 128 : i32
      %rem3A_1554 = arith.remsi %add3A_1539, %rem3A_1553 : i32
      %swap3A = arith.constant 16 : i32
      %swap3A_1555 = arith.index_cast %swap3A : i32 to index
      %swap3A_1556 = arith.index_cast %rem3A_1554 : i32 to index
      %swap3A_1557 = tpu.vector_load %arg6[%swap3A_1555, %swap3A_1556] {strides = array<i32>} : memref<26x128xi32, #tpu.memory_space<vmem>>, vector<1x16xi32>,
      %swap3A_1558 = vector.shape_cast %swap3A_1557 : vector<1x16xi32> to vector<16xi32>
      %swap3A_1559 = vector.shape_cast %add3A_1552 : vector<16xi32> to vector<1x16xi32>
      tpu.vector_store %arg6[%swap3A_1555, %swap3A_1556], %swap3A_1559 {strides = array<i32>} : memref<26x128xi32, #tpu.memory_space<vmem>>, vector<1x16xi32>,
      %scan3A_1560 = arith.constant 0 : i32
      scf.yield %scan3A_1560 : i32
    }
    %scan3A_817 = arith.constant 8 : i32
    %dma_wait3A_818 = arith.constant 0 : i32
    %dma_wait3A_819 = arith.constant 0 : i32
    %dma_wait3A_820 = arith.constant 0 : i32
    %dma_wait3A_821 = tpu.memref_slice %arg7[%dma_wait3A_818, %dma_wait3A_819, %dma_wait3A_820] : memref<4x128x64xf32, #tpu.memory_space<vmem>> -> memref<1x128x64xf32, #tpu.memory_space<vmem>>
    %dma_wait3A_822 = tpu.memref_squeeze %dma_wait3A_821 : memref<1x128x64xf32, #tpu.memory_space<vmem>> -> memref<128x64xf32, #tpu.memory_space<vmem>>
    %dma_wait3A_823 = arith.constant 0 : i32
    %dma_wait3A_824 = tpu.memref_slice %arg4[%add3A_797, %dma_wait3A_823] : memref<106496x64xf32, #tpu.memory_space<hbm>> -> memref<128x64xf32, #tpu.memory_space<hbm>>
    %dma_wait3A_825 = arith.constant 0 : i32
    %dma_wait3A_826 = tpu.memref_slice %arg4[%add3A_797, %dma_wait3A_825] : memref<106496x64xf32, #tpu.memory_space<hbm>> -> memref<128x64xf32, #tpu.memory_space<hbm>>
    %dma_wait3A_827 = arith.constant 0 : i32
    %dma_wait3A_828 = arith.constant 0 : i32
    %dma_wait3A_829 = tpu.memref_slice %arg7[%dma_wait3A_818, %dma_wait3A_827, %dma_wait3A_828] : memref<4x128x64xf32, #tpu.memory_space<vmem>> -> memref<1x128x64xf32, #tpu.memory_space<vmem>>
    %dma_wait3A_830 = tpu.memref_squeeze %dma_wait3A_829 : memref<1x128x64xf32, #tpu.memory_space<vmem>> -> memref<128x64xf32, #tpu.memory_space<vmem>>
    tpu.wait_dma2 semaphore(%arg12 : memref<!tpu.dma_semaphore, #tpu.memory_space<semaphore_mem>>) src(%dma_wait3A_830 : memref<128x64xf32, #tpu.memory_space<vmem>>) dst(%dma_wait3A_826 : memref<128x64xf32, #tpu.memory_space<hbm>>)
    %dma_start3A_831 = arith.constant 16 : i32
    %dma_start3A_832 = arith.constant 0 : i32
    %dma_start3A_833 = arith.constant 0 : i32
    %dma_start3A_834 = arith.constant 0 : i32
    %dma_start3A_835 = tpu.memref_slice %arg7[%dma_start3A_832, %dma_start3A_833, %dma_start3A_834] : memref<4x128x64xf32, #tpu.memory_space<vmem>> -> memref<1x128x64xf32, #tpu.memory_space<vmem>>
    %dma_start3A_836 = tpu.memref_squeeze %dma_start3A_835 : memref<1x128x64xf32, #tpu.memory_space<vmem>> -> memref<128x64xf32, #tpu.memory_space<vmem>>
    %dma_start3A_837 = arith.constant 0 : i32
    %dma_start3A_838 = tpu.memref_slice %arg6[%dma_start3A_831, %dma_start3A_837] : memref<26x128xi32, #tpu.memory_space<vmem>> -> memref<1x128xi32, #tpu.memory_space<vmem>>
    %dma_start3A_839 = tpu.memref_squeeze %dma_start3A_838 : memref<1x128xi32, #tpu.memory_space<vmem>> -> memref<128xi32, #tpu.memory_space<vmem>>
    %dma_start3A_840 = arith.constant 0 : i32
    %dma_start3A_841 = arith.constant 0 : i32
    %dma_start3A_842 = tpu.memref_slice %arg2[%dma_start3A_840, %dma_start3A_841] : memref<26000x64xf32, #tpu.memory_space<hbm>> -> memref<26000x64xf32, #tpu.memory_space<hbm>>
    tpu.enqueue_indirect_dma source(%dma_start3A_842 : memref<26000x64xf32, #tpu.memory_space<hbm>>) target(%dma_start3A_836 : memref<128x64xf32, #tpu.memory_space<vmem>>) offsets(%dma_start3A_839 : memref<128xi32, #tpu.memory_space<vmem>>) semaphore(%arg8 : memref<!tpu.dma_semaphore, #tpu.memory_space<semaphore_mem>>)
    %dma_wait3A_843 = arith.constant 13 : i32
    %dma_wait3A_844 = arith.constant 1 : i32
    %dma_wait3A_845 = arith.constant 0 : i32
    %dma_wait3A_846 = arith.constant 0 : i32
    %dma_wait3A_847 = tpu.memref_slice %arg7[%dma_wait3A_844, %dma_wait3A_845, %dma_wait3A_846] : memref<4x128x64xf32, #tpu.memory_space<vmem>> -> memref<1x128x64xf32, #tpu.memory_space<vmem>>
    %dma_wait3A_848 = tpu.memref_squeeze %dma_wait3A_847 : memref<1x128x64xf32, #tpu.memory_space<vmem>> -> memref<128x64xf32, #tpu.memory_space<vmem>>
    %dma_wait3A_849 = arith.constant 0 : i32
    %dma_wait3A_850 = tpu.memref_slice %arg6[%dma_wait3A_843, %dma_wait3A_849] : memref<26x128xi32, #tpu.memory_space<vmem>> -> memref<1x128xi32, #tpu.memory_space<vmem>>
    %dma_wait3A_851 = tpu.memref_squeeze %dma_wait3A_850 : memref<1x128xi32, #tpu.memory_space<vmem>> -> memref<128xi32, #tpu.memory_space<vmem>>
    %dma_wait3A_852 = arith.constant 0 : i32
    %dma_wait3A_853 = arith.constant 0 : i32
    %dma_wait3A_854 = tpu.memref_slice %arg2[%dma_wait3A_852, %dma_wait3A_853] : memref<26000x64xf32, #tpu.memory_space<hbm>> -> memref<26000x64xf32, #tpu.memory_space<hbm>>
    tpu.wait_indirect_dma semaphore(%arg9 : memref<!tpu.dma_semaphore, #tpu.memory_space<semaphore_mem>>) src(%dma_wait3A_854 : memref<26000x64xf32, #tpu.memory_space<hbm>>) dst(%dma_wait3A_848 : memref<128x64xf32, #tpu.memory_space<vmem>>)
    %add3A_855 = arith.constant 1664 : i32
    %add3A_856 = arith.addi %mul3A_2, %add3A_855 : i32
    %dma_start3A_857 = arith.constant 1 : i32
    %dma_start3A_858 = arith.constant 0 : i32
    %dma_start3A_859 = arith.constant 0 : i32
    %dma_start3A_860 = tpu.memref_slice %arg7[%dma_start3A_857, %dma_start3A_858, %dma_start3A_859] : memref<4x128x64xf32, #tpu.memory_space<vmem>> -> memref<1x128x64xf32, #tpu.memory_space<vmem>>
    %dma_start3A_861 = tpu.memref_squeeze %dma_start3A_860 : memref<1x128x64xf32, #tpu.memory_space<vmem>> -> memref<128x64xf32, #tpu.memory_space<vmem>>
    %dma_start3A_862 = arith.constant 0 : i32
    %dma_start3A_863 = tpu.memref_slice %arg4[%add3A_856, %dma_start3A_862] : memref<106496x64xf32, #tpu.memory_space<hbm>> -> memref<128x64xf32, #tpu.memory_space<hbm>>
    %dma_start3A_864 = arith.constant 0 : i32
    %dma_start3A_865 = tpu.memref_slice %arg4[%add3A_856, %dma_start3A_864] : memref<106496x64xf32, #tpu.memory_space<hbm>> -> memref<128x64xf32, #tpu.memory_space<hbm>>
    %dma_start3A_866 = arith.constant 0 : i32
    %dma_start3A_867 = arith.constant 0 : i32
    %dma_start3A_868 = tpu.memref_slice %arg7[%dma_start3A_857, %dma_start3A_866, %dma_start3A_867] : memref<4x128x64xf32, #tpu.memory_space<vmem>> -> memref<1x128x64xf32, #tpu.memory_space<vmem>>
    %dma_start3A_869 = tpu.memref_squeeze %dma_start3A_868 : memref<1x128x64xf32, #tpu.memory_space<vmem>> -> memref<128x64xf32, #tpu.memory_space<vmem>>
    tpu.enqueue_dma source(%dma_start3A_869 : memref<128x64xf32, #tpu.memory_space<vmem>>) target(%dma_start3A_865 : memref<128x64xf32, #tpu.memory_space<hbm>>) target_semaphore(%arg13 : memref<!tpu.dma_semaphore, #tpu.memory_space<semaphore_mem>>)
    %scan3A_870 = arith.constant 0 : i32
    %scan3A_871 = arith.constant 0 : i32
    %scan3A_872 = arith.constant 8 : i32
    %scan3A_873 = arith.addi %scan3A_871, %scan3A_872 : i32
    %scan3A_874 = arith.constant 1 : i32
    %scan3A_875 = scf.for %scan3A_1534 = %scan3A_871 to %scan3A_873 step %scan3A_874 iter_args(%scan3A_1535 = %scan3A_870) -> (i32)  : i32 {
      %mul3A_1536 = arith.constant 16 : i32
      %mul3A_1537 = arith.muli %scan3A_1534, %mul3A_1536 : i32
      %add3A_1538 = arith.constant 2176 : i32
      %add3A_1539 = arith.addi %add3A_1538, %mul3A_1537 : i32
      %iota3A = tpu.iota {dimensions = array<i32: 0>} : vector<16xi32>
      %add3A_1540 = vector.broadcast %add3A_1539 : i32 to vector<16xi32>
      %add3A_1541 = arith.addi %iota3A, %add3A_1540 : vector<16xi32>
      %get3A = arith.index_cast %add3A_1539 : i32 to index
      %get3A_1542 = tpu.vector_load %arg5[%get3A] {strides = array<i32>} : memref<3328xi32, #tpu.memory_space<vmem>>, vector<16xi32>,
      %get3A_1543 = vector.shape_cast %get3A_1542 : vector<16xi32> to vector<16xi32>
      %jit3A = arith.constant 0 : i32
      %jit3A_1544 = arith.constant 999 : i32
      %max3A = vector.broadcast %jit3A : i32 to vector<16xi32>
      %max3A_1545 = arith.maxsi %max3A, %get3A_1543 : vector<16xi32>
      %min3A = vector.broadcast %jit3A_1544 : i32 to vector<16xi32>
      %min3A_1546 = arith.minsi %min3A, %max3A_1545 : vector<16xi32>
      %rem3A = arith.constant 26 : i32
      %rem3A_1547 = vector.broadcast %rem3A : i32 to vector<16xi32>
      %rem3A_1548 = arith.remsi %add3A_1541, %rem3A_1547 : vector<16xi32>
      %mul3A_1549 = arith.constant 1000 : i32
      %mul3A_1550 = vector.broadcast %mul3A_1549 : i32 to vector<16xi32>
      %mul3A_1551 = arith.muli %rem3A_1548, %mul3A_1550 : vector<16xi32>
      %add3A_1552 = arith.addi %mul3A_1551, %min3A_1546 : vector<16xi32>
      %rem3A_1553 = arith.constant 128 : i32
      %rem3A_1554 = arith.remsi %add3A_1539, %rem3A_1553 : i32
      %swap3A = arith.constant 17 : i32
      %swap3A_1555 = arith.index_cast %swap3A : i32 to index
      %swap3A_1556 = arith.index_cast %rem3A_1554 : i32 to index
      %swap3A_1557 = tpu.vector_load %arg6[%swap3A_1555, %swap3A_1556] {strides = array<i32>} : memref<26x128xi32, #tpu.memory_space<vmem>>, vector<1x16xi32>,
      %swap3A_1558 = vector.shape_cast %swap3A_1557 : vector<1x16xi32> to vector<16xi32>
      %swap3A_1559 = vector.shape_cast %add3A_1552 : vector<16xi32> to vector<1x16xi32>
      tpu.vector_store %arg6[%swap3A_1555, %swap3A_1556], %swap3A_1559 {strides = array<i32>} : memref<26x128xi32, #tpu.memory_space<vmem>>, vector<1x16xi32>,
      %scan3A_1560 = arith.constant 0 : i32
      scf.yield %scan3A_1560 : i32
    }
    %scan3A_876 = arith.constant 8 : i32
    %dma_wait3A_877 = arith.constant 1 : i32
    %dma_wait3A_878 = arith.constant 0 : i32
    %dma_wait3A_879 = arith.constant 0 : i32
    %dma_wait3A_880 = tpu.memref_slice %arg7[%dma_wait3A_877, %dma_wait3A_878, %dma_wait3A_879] : memref<4x128x64xf32, #tpu.memory_space<vmem>> -> memref<1x128x64xf32, #tpu.memory_space<vmem>>
    %dma_wait3A_881 = tpu.memref_squeeze %dma_wait3A_880 : memref<1x128x64xf32, #tpu.memory_space<vmem>> -> memref<128x64xf32, #tpu.memory_space<vmem>>
    %dma_wait3A_882 = arith.constant 0 : i32
    %dma_wait3A_883 = tpu.memref_slice %arg4[%add3A_856, %dma_wait3A_882] : memref<106496x64xf32, #tpu.memory_space<hbm>> -> memref<128x64xf32, #tpu.memory_space<hbm>>
    %dma_wait3A_884 = arith.constant 0 : i32
    %dma_wait3A_885 = tpu.memref_slice %arg4[%add3A_856, %dma_wait3A_884] : memref<106496x64xf32, #tpu.memory_space<hbm>> -> memref<128x64xf32, #tpu.memory_space<hbm>>
    %dma_wait3A_886 = arith.constant 0 : i32
    %dma_wait3A_887 = arith.constant 0 : i32
    %dma_wait3A_888 = tpu.memref_slice %arg7[%dma_wait3A_877, %dma_wait3A_886, %dma_wait3A_887] : memref<4x128x64xf32, #tpu.memory_space<vmem>> -> memref<1x128x64xf32, #tpu.memory_space<vmem>>
    %dma_wait3A_889 = tpu.memref_squeeze %dma_wait3A_888 : memref<1x128x64xf32, #tpu.memory_space<vmem>> -> memref<128x64xf32, #tpu.memory_space<vmem>>
    tpu.wait_dma2 semaphore(%arg13 : memref<!tpu.dma_semaphore, #tpu.memory_space<semaphore_mem>>) src(%dma_wait3A_889 : memref<128x64xf32, #tpu.memory_space<vmem>>) dst(%dma_wait3A_885 : memref<128x64xf32, #tpu.memory_space<hbm>>)
    %dma_start3A_890 = arith.constant 17 : i32
    %dma_start3A_891 = arith.constant 1 : i32
    %dma_start3A_892 = arith.constant 0 : i32
    %dma_start3A_893 = arith.constant 0 : i32
    %dma_start3A_894 = tpu.memref_slice %arg7[%dma_start3A_891, %dma_start3A_892, %dma_start3A_893] : memref<4x128x64xf32, #tpu.memory_space<vmem>> -> memref<1x128x64xf32, #tpu.memory_space<vmem>>
    %dma_start3A_895 = tpu.memref_squeeze %dma_start3A_894 : memref<1x128x64xf32, #tpu.memory_space<vmem>> -> memref<128x64xf32, #tpu.memory_space<vmem>>
    %dma_start3A_896 = arith.constant 0 : i32
    %dma_start3A_897 = tpu.memref_slice %arg6[%dma_start3A_890, %dma_start3A_896] : memref<26x128xi32, #tpu.memory_space<vmem>> -> memref<1x128xi32, #tpu.memory_space<vmem>>
    %dma_start3A_898 = tpu.memref_squeeze %dma_start3A_897 : memref<1x128xi32, #tpu.memory_space<vmem>> -> memref<128xi32, #tpu.memory_space<vmem>>
    %dma_start3A_899 = arith.constant 0 : i32
    %dma_start3A_900 = arith.constant 0 : i32
    %dma_start3A_901 = tpu.memref_slice %arg2[%dma_start3A_899, %dma_start3A_900] : memref<26000x64xf32, #tpu.memory_space<hbm>> -> memref<26000x64xf32, #tpu.memory_space<hbm>>
    tpu.enqueue_indirect_dma source(%dma_start3A_901 : memref<26000x64xf32, #tpu.memory_space<hbm>>) target(%dma_start3A_895 : memref<128x64xf32, #tpu.memory_space<vmem>>) offsets(%dma_start3A_898 : memref<128xi32, #tpu.memory_space<vmem>>) semaphore(%arg9 : memref<!tpu.dma_semaphore, #tpu.memory_space<semaphore_mem>>)
    %dma_wait3A_902 = arith.constant 14 : i32
    %dma_wait3A_903 = arith.constant 2 : i32
    %dma_wait3A_904 = arith.constant 0 : i32
    %dma_wait3A_905 = arith.constant 0 : i32
    %dma_wait3A_906 = tpu.memref_slice %arg7[%dma_wait3A_903, %dma_wait3A_904, %dma_wait3A_905] : memref<4x128x64xf32, #tpu.memory_space<vmem>> -> memref<1x128x64xf32, #tpu.memory_space<vmem>>
    %dma_wait3A_907 = tpu.memref_squeeze %dma_wait3A_906 : memref<1x128x64xf32, #tpu.memory_space<vmem>> -> memref<128x64xf32, #tpu.memory_space<vmem>>
    %dma_wait3A_908 = arith.constant 0 : i32
    %dma_wait3A_909 = tpu.memref_slice %arg6[%dma_wait3A_902, %dma_wait3A_908] : memref<26x128xi32, #tpu.memory_space<vmem>> -> memref<1x128xi32, #tpu.memory_space<vmem>>
    %dma_wait3A_910 = tpu.memref_squeeze %dma_wait3A_909 : memref<1x128xi32, #tpu.memory_space<vmem>> -> memref<128xi32, #tpu.memory_space<vmem>>
    %dma_wait3A_911 = arith.constant 0 : i32
    %dma_wait3A_912 = arith.constant 0 : i32
    %dma_wait3A_913 = tpu.memref_slice %arg2[%dma_wait3A_911, %dma_wait3A_912] : memref<26000x64xf32, #tpu.memory_space<hbm>> -> memref<26000x64xf32, #tpu.memory_space<hbm>>
    tpu.wait_indirect_dma semaphore(%arg10 : memref<!tpu.dma_semaphore, #tpu.memory_space<semaphore_mem>>) src(%dma_wait3A_913 : memref<26000x64xf32, #tpu.memory_space<hbm>>) dst(%dma_wait3A_907 : memref<128x64xf32, #tpu.memory_space<vmem>>)
    %add3A_914 = arith.constant 1792 : i32
    %add3A_915 = arith.addi %mul3A_2, %add3A_914 : i32
    %dma_start3A_916 = arith.constant 2 : i32
    %dma_start3A_917 = arith.constant 0 : i32
    %dma_start3A_918 = arith.constant 0 : i32
    %dma_start3A_919 = tpu.memref_slice %arg7[%dma_start3A_916, %dma_start3A_917, %dma_start3A_918] : memref<4x128x64xf32, #tpu.memory_space<vmem>> -> memref<1x128x64xf32, #tpu.memory_space<vmem>>
    %dma_start3A_920 = tpu.memref_squeeze %dma_start3A_919 : memref<1x128x64xf32, #tpu.memory_space<vmem>> -> memref<128x64xf32, #tpu.memory_space<vmem>>
    %dma_start3A_921 = arith.constant 0 : i32
    %dma_start3A_922 = tpu.memref_slice %arg4[%add3A_915, %dma_start3A_921] : memref<106496x64xf32, #tpu.memory_space<hbm>> -> memref<128x64xf32, #tpu.memory_space<hbm>>
    %dma_start3A_923 = arith.constant 0 : i32
    %dma_start3A_924 = tpu.memref_slice %arg4[%add3A_915, %dma_start3A_923] : memref<106496x64xf32, #tpu.memory_space<hbm>> -> memref<128x64xf32, #tpu.memory_space<hbm>>
    %dma_start3A_925 = arith.constant 0 : i32
    %dma_start3A_926 = arith.constant 0 : i32
    %dma_start3A_927 = tpu.memref_slice %arg7[%dma_start3A_916, %dma_start3A_925, %dma_start3A_926] : memref<4x128x64xf32, #tpu.memory_space<vmem>> -> memref<1x128x64xf32, #tpu.memory_space<vmem>>
    %dma_start3A_928 = tpu.memref_squeeze %dma_start3A_927 : memref<1x128x64xf32, #tpu.memory_space<vmem>> -> memref<128x64xf32, #tpu.memory_space<vmem>>
    tpu.enqueue_dma source(%dma_start3A_928 : memref<128x64xf32, #tpu.memory_space<vmem>>) target(%dma_start3A_924 : memref<128x64xf32, #tpu.memory_space<hbm>>) target_semaphore(%arg14 : memref<!tpu.dma_semaphore, #tpu.memory_space<semaphore_mem>>)
    %scan3A_929 = arith.constant 0 : i32
    %scan3A_930 = arith.constant 0 : i32
    %scan3A_931 = arith.constant 8 : i32
    %scan3A_932 = arith.addi %scan3A_930, %scan3A_931 : i32
    %scan3A_933 = arith.constant 1 : i32
    %scan3A_934 = scf.for %scan3A_1534 = %scan3A_930 to %scan3A_932 step %scan3A_933 iter_args(%scan3A_1535 = %scan3A_929) -> (i32)  : i32 {
      %mul3A_1536 = arith.constant 16 : i32
      %mul3A_1537 = arith.muli %scan3A_1534, %mul3A_1536 : i32
      %add3A_1538 = arith.constant 2304 : i32
      %add3A_1539 = arith.addi %add3A_1538, %mul3A_1537 : i32
      %iota3A = tpu.iota {dimensions = array<i32: 0>} : vector<16xi32>
      %add3A_1540 = vector.broadcast %add3A_1539 : i32 to vector<16xi32>
      %add3A_1541 = arith.addi %iota3A, %add3A_1540 : vector<16xi32>
      %get3A = arith.index_cast %add3A_1539 : i32 to index
      %get3A_1542 = tpu.vector_load %arg5[%get3A] {strides = array<i32>} : memref<3328xi32, #tpu.memory_space<vmem>>, vector<16xi32>,
      %get3A_1543 = vector.shape_cast %get3A_1542 : vector<16xi32> to vector<16xi32>
      %jit3A = arith.constant 0 : i32
      %jit3A_1544 = arith.constant 999 : i32
      %max3A = vector.broadcast %jit3A : i32 to vector<16xi32>
      %max3A_1545 = arith.maxsi %max3A, %get3A_1543 : vector<16xi32>
      %min3A = vector.broadcast %jit3A_1544 : i32 to vector<16xi32>
      %min3A_1546 = arith.minsi %min3A, %max3A_1545 : vector<16xi32>
      %rem3A = arith.constant 26 : i32
      %rem3A_1547 = vector.broadcast %rem3A : i32 to vector<16xi32>
      %rem3A_1548 = arith.remsi %add3A_1541, %rem3A_1547 : vector<16xi32>
      %mul3A_1549 = arith.constant 1000 : i32
      %mul3A_1550 = vector.broadcast %mul3A_1549 : i32 to vector<16xi32>
      %mul3A_1551 = arith.muli %rem3A_1548, %mul3A_1550 : vector<16xi32>
      %add3A_1552 = arith.addi %mul3A_1551, %min3A_1546 : vector<16xi32>
      %rem3A_1553 = arith.constant 128 : i32
      %rem3A_1554 = arith.remsi %add3A_1539, %rem3A_1553 : i32
      %swap3A = arith.constant 18 : i32
      %swap3A_1555 = arith.index_cast %swap3A : i32 to index
      %swap3A_1556 = arith.index_cast %rem3A_1554 : i32 to index
      %swap3A_1557 = tpu.vector_load %arg6[%swap3A_1555, %swap3A_1556] {strides = array<i32>} : memref<26x128xi32, #tpu.memory_space<vmem>>, vector<1x16xi32>,
      %swap3A_1558 = vector.shape_cast %swap3A_1557 : vector<1x16xi32> to vector<16xi32>
      %swap3A_1559 = vector.shape_cast %add3A_1552 : vector<16xi32> to vector<1x16xi32>
      tpu.vector_store %arg6[%swap3A_1555, %swap3A_1556], %swap3A_1559 {strides = array<i32>} : memref<26x128xi32, #tpu.memory_space<vmem>>, vector<1x16xi32>,
      %scan3A_1560 = arith.constant 0 : i32
      scf.yield %scan3A_1560 : i32
    }
    %scan3A_935 = arith.constant 8 : i32
    %dma_wait3A_936 = arith.constant 2 : i32
    %dma_wait3A_937 = arith.constant 0 : i32
    %dma_wait3A_938 = arith.constant 0 : i32
    %dma_wait3A_939 = tpu.memref_slice %arg7[%dma_wait3A_936, %dma_wait3A_937, %dma_wait3A_938] : memref<4x128x64xf32, #tpu.memory_space<vmem>> -> memref<1x128x64xf32, #tpu.memory_space<vmem>>
    %dma_wait3A_940 = tpu.memref_squeeze %dma_wait3A_939 : memref<1x128x64xf32, #tpu.memory_space<vmem>> -> memref<128x64xf32, #tpu.memory_space<vmem>>
    %dma_wait3A_941 = arith.constant 0 : i32
    %dma_wait3A_942 = tpu.memref_slice %arg4[%add3A_915, %dma_wait3A_941] : memref<106496x64xf32, #tpu.memory_space<hbm>> -> memref<128x64xf32, #tpu.memory_space<hbm>>
    %dma_wait3A_943 = arith.constant 0 : i32
    %dma_wait3A_944 = tpu.memref_slice %arg4[%add3A_915, %dma_wait3A_943] : memref<106496x64xf32, #tpu.memory_space<hbm>> -> memref<128x64xf32, #tpu.memory_space<hbm>>
    %dma_wait3A_945 = arith.constant 0 : i32
    %dma_wait3A_946 = arith.constant 0 : i32
    %dma_wait3A_947 = tpu.memref_slice %arg7[%dma_wait3A_936, %dma_wait3A_945, %dma_wait3A_946] : memref<4x128x64xf32, #tpu.memory_space<vmem>> -> memref<1x128x64xf32, #tpu.memory_space<vmem>>
    %dma_wait3A_948 = tpu.memref_squeeze %dma_wait3A_947 : memref<1x128x64xf32, #tpu.memory_space<vmem>> -> memref<128x64xf32, #tpu.memory_space<vmem>>
    tpu.wait_dma2 semaphore(%arg14 : memref<!tpu.dma_semaphore, #tpu.memory_space<semaphore_mem>>) src(%dma_wait3A_948 : memref<128x64xf32, #tpu.memory_space<vmem>>) dst(%dma_wait3A_944 : memref<128x64xf32, #tpu.memory_space<hbm>>)
    %dma_start3A_949 = arith.constant 18 : i32
    %dma_start3A_950 = arith.constant 2 : i32
    %dma_start3A_951 = arith.constant 0 : i32
    %dma_start3A_952 = arith.constant 0 : i32
    %dma_start3A_953 = tpu.memref_slice %arg7[%dma_start3A_950, %dma_start3A_951, %dma_start3A_952] : memref<4x128x64xf32, #tpu.memory_space<vmem>> -> memref<1x128x64xf32, #tpu.memory_space<vmem>>
    %dma_start3A_954 = tpu.memref_squeeze %dma_start3A_953 : memref<1x128x64xf32, #tpu.memory_space<vmem>> -> memref<128x64xf32, #tpu.memory_space<vmem>>
    %dma_start3A_955 = arith.constant 0 : i32
    %dma_start3A_956 = tpu.memref_slice %arg6[%dma_start3A_949, %dma_start3A_955] : memref<26x128xi32, #tpu.memory_space<vmem>> -> memref<1x128xi32, #tpu.memory_space<vmem>>
    %dma_start3A_957 = tpu.memref_squeeze %dma_start3A_956 : memref<1x128xi32, #tpu.memory_space<vmem>> -> memref<128xi32, #tpu.memory_space<vmem>>
    %dma_start3A_958 = arith.constant 0 : i32
    %dma_start3A_959 = arith.constant 0 : i32
    %dma_start3A_960 = tpu.memref_slice %arg2[%dma_start3A_958, %dma_start3A_959] : memref<26000x64xf32, #tpu.memory_space<hbm>> -> memref<26000x64xf32, #tpu.memory_space<hbm>>
    tpu.enqueue_indirect_dma source(%dma_start3A_960 : memref<26000x64xf32, #tpu.memory_space<hbm>>) target(%dma_start3A_954 : memref<128x64xf32, #tpu.memory_space<vmem>>) offsets(%dma_start3A_957 : memref<128xi32, #tpu.memory_space<vmem>>) semaphore(%arg10 : memref<!tpu.dma_semaphore, #tpu.memory_space<semaphore_mem>>)
    %dma_wait3A_961 = arith.constant 15 : i32
    %dma_wait3A_962 = arith.constant 3 : i32
    %dma_wait3A_963 = arith.constant 0 : i32
    %dma_wait3A_964 = arith.constant 0 : i32
    %dma_wait3A_965 = tpu.memref_slice %arg7[%dma_wait3A_962, %dma_wait3A_963, %dma_wait3A_964] : memref<4x128x64xf32, #tpu.memory_space<vmem>> -> memref<1x128x64xf32, #tpu.memory_space<vmem>>
    %dma_wait3A_966 = tpu.memref_squeeze %dma_wait3A_965 : memref<1x128x64xf32, #tpu.memory_space<vmem>> -> memref<128x64xf32, #tpu.memory_space<vmem>>
    %dma_wait3A_967 = arith.constant 0 : i32
    %dma_wait3A_968 = tpu.memref_slice %arg6[%dma_wait3A_961, %dma_wait3A_967] : memref<26x128xi32, #tpu.memory_space<vmem>> -> memref<1x128xi32, #tpu.memory_space<vmem>>
    %dma_wait3A_969 = tpu.memref_squeeze %dma_wait3A_968 : memref<1x128xi32, #tpu.memory_space<vmem>> -> memref<128xi32, #tpu.memory_space<vmem>>
    %dma_wait3A_970 = arith.constant 0 : i32
    %dma_wait3A_971 = arith.constant 0 : i32
    %dma_wait3A_972 = tpu.memref_slice %arg2[%dma_wait3A_970, %dma_wait3A_971] : memref<26000x64xf32, #tpu.memory_space<hbm>> -> memref<26000x64xf32, #tpu.memory_space<hbm>>
    tpu.wait_indirect_dma semaphore(%arg11 : memref<!tpu.dma_semaphore, #tpu.memory_space<semaphore_mem>>) src(%dma_wait3A_972 : memref<26000x64xf32, #tpu.memory_space<hbm>>) dst(%dma_wait3A_966 : memref<128x64xf32, #tpu.memory_space<vmem>>)
    %add3A_973 = arith.constant 1920 : i32
    %add3A_974 = arith.addi %mul3A_2, %add3A_973 : i32
    %dma_start3A_975 = arith.constant 3 : i32
    %dma_start3A_976 = arith.constant 0 : i32
    %dma_start3A_977 = arith.constant 0 : i32
    %dma_start3A_978 = tpu.memref_slice %arg7[%dma_start3A_975, %dma_start3A_976, %dma_start3A_977] : memref<4x128x64xf32, #tpu.memory_space<vmem>> -> memref<1x128x64xf32, #tpu.memory_space<vmem>>
    %dma_start3A_979 = tpu.memref_squeeze %dma_start3A_978 : memref<1x128x64xf32, #tpu.memory_space<vmem>> -> memref<128x64xf32, #tpu.memory_space<vmem>>
    %dma_start3A_980 = arith.constant 0 : i32
    %dma_start3A_981 = tpu.memref_slice %arg4[%add3A_974, %dma_start3A_980] : memref<106496x64xf32, #tpu.memory_space<hbm>> -> memref<128x64xf32, #tpu.memory_space<hbm>>
    %dma_start3A_982 = arith.constant 0 : i32
    %dma_start3A_983 = tpu.memref_slice %arg4[%add3A_974, %dma_start3A_982] : memref<106496x64xf32, #tpu.memory_space<hbm>> -> memref<128x64xf32, #tpu.memory_space<hbm>>
    %dma_start3A_984 = arith.constant 0 : i32
    %dma_start3A_985 = arith.constant 0 : i32
    %dma_start3A_986 = tpu.memref_slice %arg7[%dma_start3A_975, %dma_start3A_984, %dma_start3A_985] : memref<4x128x64xf32, #tpu.memory_space<vmem>> -> memref<1x128x64xf32, #tpu.memory_space<vmem>>
    %dma_start3A_987 = tpu.memref_squeeze %dma_start3A_986 : memref<1x128x64xf32, #tpu.memory_space<vmem>> -> memref<128x64xf32, #tpu.memory_space<vmem>>
    tpu.enqueue_dma source(%dma_start3A_987 : memref<128x64xf32, #tpu.memory_space<vmem>>) target(%dma_start3A_983 : memref<128x64xf32, #tpu.memory_space<hbm>>) target_semaphore(%arg15 : memref<!tpu.dma_semaphore, #tpu.memory_space<semaphore_mem>>)
    %scan3A_988 = arith.constant 0 : i32
    %scan3A_989 = arith.constant 0 : i32
    %scan3A_990 = arith.constant 8 : i32
    %scan3A_991 = arith.addi %scan3A_989, %scan3A_990 : i32
    %scan3A_992 = arith.constant 1 : i32
    %scan3A_993 = scf.for %scan3A_1534 = %scan3A_989 to %scan3A_991 step %scan3A_992 iter_args(%scan3A_1535 = %scan3A_988) -> (i32)  : i32 {
      %mul3A_1536 = arith.constant 16 : i32
      %mul3A_1537 = arith.muli %scan3A_1534, %mul3A_1536 : i32
      %add3A_1538 = arith.constant 2432 : i32
      %add3A_1539 = arith.addi %add3A_1538, %mul3A_1537 : i32
      %iota3A = tpu.iota {dimensions = array<i32: 0>} : vector<16xi32>
      %add3A_1540 = vector.broadcast %add3A_1539 : i32 to vector<16xi32>
      %add3A_1541 = arith.addi %iota3A, %add3A_1540 : vector<16xi32>
      %get3A = arith.index_cast %add3A_1539 : i32 to index
      %get3A_1542 = tpu.vector_load %arg5[%get3A] {strides = array<i32>} : memref<3328xi32, #tpu.memory_space<vmem>>, vector<16xi32>,
      %get3A_1543 = vector.shape_cast %get3A_1542 : vector<16xi32> to vector<16xi32>
      %jit3A = arith.constant 0 : i32
      %jit3A_1544 = arith.constant 999 : i32
      %max3A = vector.broadcast %jit3A : i32 to vector<16xi32>
      %max3A_1545 = arith.maxsi %max3A, %get3A_1543 : vector<16xi32>
      %min3A = vector.broadcast %jit3A_1544 : i32 to vector<16xi32>
      %min3A_1546 = arith.minsi %min3A, %max3A_1545 : vector<16xi32>
      %rem3A = arith.constant 26 : i32
      %rem3A_1547 = vector.broadcast %rem3A : i32 to vector<16xi32>
      %rem3A_1548 = arith.remsi %add3A_1541, %rem3A_1547 : vector<16xi32>
      %mul3A_1549 = arith.constant 1000 : i32
      %mul3A_1550 = vector.broadcast %mul3A_1549 : i32 to vector<16xi32>
      %mul3A_1551 = arith.muli %rem3A_1548, %mul3A_1550 : vector<16xi32>
      %add3A_1552 = arith.addi %mul3A_1551, %min3A_1546 : vector<16xi32>
      %rem3A_1553 = arith.constant 128 : i32
      %rem3A_1554 = arith.remsi %add3A_1539, %rem3A_1553 : i32
      %swap3A = arith.constant 19 : i32
      %swap3A_1555 = arith.index_cast %swap3A : i32 to index
      %swap3A_1556 = arith.index_cast %rem3A_1554 : i32 to index
      %swap3A_1557 = tpu.vector_load %arg6[%swap3A_1555, %swap3A_1556] {strides = array<i32>} : memref<26x128xi32, #tpu.memory_space<vmem>>, vector<1x16xi32>,
      %swap3A_1558 = vector.shape_cast %swap3A_1557 : vector<1x16xi32> to vector<16xi32>
      %swap3A_1559 = vector.shape_cast %add3A_1552 : vector<16xi32> to vector<1x16xi32>
      tpu.vector_store %arg6[%swap3A_1555, %swap3A_1556], %swap3A_1559 {strides = array<i32>} : memref<26x128xi32, #tpu.memory_space<vmem>>, vector<1x16xi32>,
      %scan3A_1560 = arith.constant 0 : i32
      scf.yield %scan3A_1560 : i32
    }
    %scan3A_994 = arith.constant 8 : i32
    %dma_wait3A_995 = arith.constant 3 : i32
    %dma_wait3A_996 = arith.constant 0 : i32
    %dma_wait3A_997 = arith.constant 0 : i32
    %dma_wait3A_998 = tpu.memref_slice %arg7[%dma_wait3A_995, %dma_wait3A_996, %dma_wait3A_997] : memref<4x128x64xf32, #tpu.memory_space<vmem>> -> memref<1x128x64xf32, #tpu.memory_space<vmem>>
    %dma_wait3A_999 = tpu.memref_squeeze %dma_wait3A_998 : memref<1x128x64xf32, #tpu.memory_space<vmem>> -> memref<128x64xf32, #tpu.memory_space<vmem>>
    %dma_wait3A_1000 = arith.constant 0 : i32
    %dma_wait3A_1001 = tpu.memref_slice %arg4[%add3A_974, %dma_wait3A_1000] : memref<106496x64xf32, #tpu.memory_space<hbm>> -> memref<128x64xf32, #tpu.memory_space<hbm>>
    %dma_wait3A_1002 = arith.constant 0 : i32
    %dma_wait3A_1003 = tpu.memref_slice %arg4[%add3A_974, %dma_wait3A_1002] : memref<106496x64xf32, #tpu.memory_space<hbm>> -> memref<128x64xf32, #tpu.memory_space<hbm>>
    %dma_wait3A_1004 = arith.constant 0 : i32
    %dma_wait3A_1005 = arith.constant 0 : i32
    %dma_wait3A_1006 = tpu.memref_slice %arg7[%dma_wait3A_995, %dma_wait3A_1004, %dma_wait3A_1005] : memref<4x128x64xf32, #tpu.memory_space<vmem>> -> memref<1x128x64xf32, #tpu.memory_space<vmem>>
    %dma_wait3A_1007 = tpu.memref_squeeze %dma_wait3A_1006 : memref<1x128x64xf32, #tpu.memory_space<vmem>> -> memref<128x64xf32, #tpu.memory_space<vmem>>
    tpu.wait_dma2 semaphore(%arg15 : memref<!tpu.dma_semaphore, #tpu.memory_space<semaphore_mem>>) src(%dma_wait3A_1007 : memref<128x64xf32, #tpu.memory_space<vmem>>) dst(%dma_wait3A_1003 : memref<128x64xf32, #tpu.memory_space<hbm>>)
    %dma_start3A_1008 = arith.constant 19 : i32
    %dma_start3A_1009 = arith.constant 3 : i32
    %dma_start3A_1010 = arith.constant 0 : i32
    %dma_start3A_1011 = arith.constant 0 : i32
    %dma_start3A_1012 = tpu.memref_slice %arg7[%dma_start3A_1009, %dma_start3A_1010, %dma_start3A_1011] : memref<4x128x64xf32, #tpu.memory_space<vmem>> -> memref<1x128x64xf32, #tpu.memory_space<vmem>>
    %dma_start3A_1013 = tpu.memref_squeeze %dma_start3A_1012 : memref<1x128x64xf32, #tpu.memory_space<vmem>> -> memref<128x64xf32, #tpu.memory_space<vmem>>
    %dma_start3A_1014 = arith.constant 0 : i32
    %dma_start3A_1015 = tpu.memref_slice %arg6[%dma_start3A_1008, %dma_start3A_1014] : memref<26x128xi32, #tpu.memory_space<vmem>> -> memref<1x128xi32, #tpu.memory_space<vmem>>
    %dma_start3A_1016 = tpu.memref_squeeze %dma_start3A_1015 : memref<1x128xi32, #tpu.memory_space<vmem>> -> memref<128xi32, #tpu.memory_space<vmem>>
    %dma_start3A_1017 = arith.constant 0 : i32
    %dma_start3A_1018 = arith.constant 0 : i32
    %dma_start3A_1019 = tpu.memref_slice %arg2[%dma_start3A_1017, %dma_start3A_1018] : memref<26000x64xf32, #tpu.memory_space<hbm>> -> memref<26000x64xf32, #tpu.memory_space<hbm>>
    tpu.enqueue_indirect_dma source(%dma_start3A_1019 : memref<26000x64xf32, #tpu.memory_space<hbm>>) target(%dma_start3A_1013 : memref<128x64xf32, #tpu.memory_space<vmem>>) offsets(%dma_start3A_1016 : memref<128xi32, #tpu.memory_space<vmem>>) semaphore(%arg11 : memref<!tpu.dma_semaphore, #tpu.memory_space<semaphore_mem>>)
    %dma_wait3A_1020 = arith.constant 16 : i32
    %dma_wait3A_1021 = arith.constant 0 : i32
    %dma_wait3A_1022 = arith.constant 0 : i32
    %dma_wait3A_1023 = arith.constant 0 : i32
    %dma_wait3A_1024 = tpu.memref_slice %arg7[%dma_wait3A_1021, %dma_wait3A_1022, %dma_wait3A_1023] : memref<4x128x64xf32, #tpu.memory_space<vmem>> -> memref<1x128x64xf32, #tpu.memory_space<vmem>>
    %dma_wait3A_1025 = tpu.memref_squeeze %dma_wait3A_1024 : memref<1x128x64xf32, #tpu.memory_space<vmem>> -> memref<128x64xf32, #tpu.memory_space<vmem>>
    %dma_wait3A_1026 = arith.constant 0 : i32
    %dma_wait3A_1027 = tpu.memref_slice %arg6[%dma_wait3A_1020, %dma_wait3A_1026] : memref<26x128xi32, #tpu.memory_space<vmem>> -> memref<1x128xi32, #tpu.memory_space<vmem>>
    %dma_wait3A_1028 = tpu.memref_squeeze %dma_wait3A_1027 : memref<1x128xi32, #tpu.memory_space<vmem>> -> memref<128xi32, #tpu.memory_space<vmem>>
    %dma_wait3A_1029 = arith.constant 0 : i32
    %dma_wait3A_1030 = arith.constant 0 : i32
    %dma_wait3A_1031 = tpu.memref_slice %arg2[%dma_wait3A_1029, %dma_wait3A_1030] : memref<26000x64xf32, #tpu.memory_space<hbm>> -> memref<26000x64xf32, #tpu.memory_space<hbm>>
    tpu.wait_indirect_dma semaphore(%arg8 : memref<!tpu.dma_semaphore, #tpu.memory_space<semaphore_mem>>) src(%dma_wait3A_1031 : memref<26000x64xf32, #tpu.memory_space<hbm>>) dst(%dma_wait3A_1025 : memref<128x64xf32, #tpu.memory_space<vmem>>)
    %add3A_1032 = arith.constant 2048 : i32
    %add3A_1033 = arith.addi %mul3A_2, %add3A_1032 : i32
    %dma_start3A_1034 = arith.constant 0 : i32
    %dma_start3A_1035 = arith.constant 0 : i32
    %dma_start3A_1036 = arith.constant 0 : i32
    %dma_start3A_1037 = tpu.memref_slice %arg7[%dma_start3A_1034, %dma_start3A_1035, %dma_start3A_1036] : memref<4x128x64xf32, #tpu.memory_space<vmem>> -> memref<1x128x64xf32, #tpu.memory_space<vmem>>
    %dma_start3A_1038 = tpu.memref_squeeze %dma_start3A_1037 : memref<1x128x64xf32, #tpu.memory_space<vmem>> -> memref<128x64xf32, #tpu.memory_space<vmem>>
    %dma_start3A_1039 = arith.constant 0 : i32
    %dma_start3A_1040 = tpu.memref_slice %arg4[%add3A_1033, %dma_start3A_1039] : memref<106496x64xf32, #tpu.memory_space<hbm>> -> memref<128x64xf32, #tpu.memory_space<hbm>>
    %dma_start3A_1041 = arith.constant 0 : i32
    %dma_start3A_1042 = tpu.memref_slice %arg4[%add3A_1033, %dma_start3A_1041] : memref<106496x64xf32, #tpu.memory_space<hbm>> -> memref<128x64xf32, #tpu.memory_space<hbm>>
    %dma_start3A_1043 = arith.constant 0 : i32
    %dma_start3A_1044 = arith.constant 0 : i32
    %dma_start3A_1045 = tpu.memref_slice %arg7[%dma_start3A_1034, %dma_start3A_1043, %dma_start3A_1044] : memref<4x128x64xf32, #tpu.memory_space<vmem>> -> memref<1x128x64xf32, #tpu.memory_space<vmem>>
    %dma_start3A_1046 = tpu.memref_squeeze %dma_start3A_1045 : memref<1x128x64xf32, #tpu.memory_space<vmem>> -> memref<128x64xf32, #tpu.memory_space<vmem>>
    tpu.enqueue_dma source(%dma_start3A_1046 : memref<128x64xf32, #tpu.memory_space<vmem>>) target(%dma_start3A_1042 : memref<128x64xf32, #tpu.memory_space<hbm>>) target_semaphore(%arg12 : memref<!tpu.dma_semaphore, #tpu.memory_space<semaphore_mem>>)
    %scan3A_1047 = arith.constant 0 : i32
    %scan3A_1048 = arith.constant 0 : i32
    %scan3A_1049 = arith.constant 8 : i32
    %scan3A_1050 = arith.addi %scan3A_1048, %scan3A_1049 : i32
    %scan3A_1051 = arith.constant 1 : i32
    %scan3A_1052 = scf.for %scan3A_1534 = %scan3A_1048 to %scan3A_1050 step %scan3A_1051 iter_args(%scan3A_1535 = %scan3A_1047) -> (i32)  : i32 {
      %mul3A_1536 = arith.constant 16 : i32
      %mul3A_1537 = arith.muli %scan3A_1534, %mul3A_1536 : i32
      %add3A_1538 = arith.constant 2560 : i32
      %add3A_1539 = arith.addi %add3A_1538, %mul3A_1537 : i32
      %iota3A = tpu.iota {dimensions = array<i32: 0>} : vector<16xi32>
      %add3A_1540 = vector.broadcast %add3A_1539 : i32 to vector<16xi32>
      %add3A_1541 = arith.addi %iota3A, %add3A_1540 : vector<16xi32>
      %get3A = arith.index_cast %add3A_1539 : i32 to index
      %get3A_1542 = tpu.vector_load %arg5[%get3A] {strides = array<i32>} : memref<3328xi32, #tpu.memory_space<vmem>>, vector<16xi32>,
      %get3A_1543 = vector.shape_cast %get3A_1542 : vector<16xi32> to vector<16xi32>
      %jit3A = arith.constant 0 : i32
      %jit3A_1544 = arith.constant 999 : i32
      %max3A = vector.broadcast %jit3A : i32 to vector<16xi32>
      %max3A_1545 = arith.maxsi %max3A, %get3A_1543 : vector<16xi32>
      %min3A = vector.broadcast %jit3A_1544 : i32 to vector<16xi32>
      %min3A_1546 = arith.minsi %min3A, %max3A_1545 : vector<16xi32>
      %rem3A = arith.constant 26 : i32
      %rem3A_1547 = vector.broadcast %rem3A : i32 to vector<16xi32>
      %rem3A_1548 = arith.remsi %add3A_1541, %rem3A_1547 : vector<16xi32>
      %mul3A_1549 = arith.constant 1000 : i32
      %mul3A_1550 = vector.broadcast %mul3A_1549 : i32 to vector<16xi32>
      %mul3A_1551 = arith.muli %rem3A_1548, %mul3A_1550 : vector<16xi32>
      %add3A_1552 = arith.addi %mul3A_1551, %min3A_1546 : vector<16xi32>
      %rem3A_1553 = arith.constant 128 : i32
      %rem3A_1554 = arith.remsi %add3A_1539, %rem3A_1553 : i32
      %swap3A = arith.constant 20 : i32
      %swap3A_1555 = arith.index_cast %swap3A : i32 to index
      %swap3A_1556 = arith.index_cast %rem3A_1554 : i32 to index
      %swap3A_1557 = tpu.vector_load %arg6[%swap3A_1555, %swap3A_1556] {strides = array<i32>} : memref<26x128xi32, #tpu.memory_space<vmem>>, vector<1x16xi32>,
      %swap3A_1558 = vector.shape_cast %swap3A_1557 : vector<1x16xi32> to vector<16xi32>
      %swap3A_1559 = vector.shape_cast %add3A_1552 : vector<16xi32> to vector<1x16xi32>
      tpu.vector_store %arg6[%swap3A_1555, %swap3A_1556], %swap3A_1559 {strides = array<i32>} : memref<26x128xi32, #tpu.memory_space<vmem>>, vector<1x16xi32>,
      %scan3A_1560 = arith.constant 0 : i32
      scf.yield %scan3A_1560 : i32
    }
    %scan3A_1053 = arith.constant 8 : i32
    %dma_wait3A_1054 = arith.constant 0 : i32
    %dma_wait3A_1055 = arith.constant 0 : i32
    %dma_wait3A_1056 = arith.constant 0 : i32
    %dma_wait3A_1057 = tpu.memref_slice %arg7[%dma_wait3A_1054, %dma_wait3A_1055, %dma_wait3A_1056] : memref<4x128x64xf32, #tpu.memory_space<vmem>> -> memref<1x128x64xf32, #tpu.memory_space<vmem>>
    %dma_wait3A_1058 = tpu.memref_squeeze %dma_wait3A_1057 : memref<1x128x64xf32, #tpu.memory_space<vmem>> -> memref<128x64xf32, #tpu.memory_space<vmem>>
    %dma_wait3A_1059 = arith.constant 0 : i32
    %dma_wait3A_1060 = tpu.memref_slice %arg4[%add3A_1033, %dma_wait3A_1059] : memref<106496x64xf32, #tpu.memory_space<hbm>> -> memref<128x64xf32, #tpu.memory_space<hbm>>
    %dma_wait3A_1061 = arith.constant 0 : i32
    %dma_wait3A_1062 = tpu.memref_slice %arg4[%add3A_1033, %dma_wait3A_1061] : memref<106496x64xf32, #tpu.memory_space<hbm>> -> memref<128x64xf32, #tpu.memory_space<hbm>>
    %dma_wait3A_1063 = arith.constant 0 : i32
    %dma_wait3A_1064 = arith.constant 0 : i32
    %dma_wait3A_1065 = tpu.memref_slice %arg7[%dma_wait3A_1054, %dma_wait3A_1063, %dma_wait3A_1064] : memref<4x128x64xf32, #tpu.memory_space<vmem>> -> memref<1x128x64xf32, #tpu.memory_space<vmem>>
    %dma_wait3A_1066 = tpu.memref_squeeze %dma_wait3A_1065 : memref<1x128x64xf32, #tpu.memory_space<vmem>> -> memref<128x64xf32, #tpu.memory_space<vmem>>
    tpu.wait_dma2 semaphore(%arg12 : memref<!tpu.dma_semaphore, #tpu.memory_space<semaphore_mem>>) src(%dma_wait3A_1066 : memref<128x64xf32, #tpu.memory_space<vmem>>) dst(%dma_wait3A_1062 : memref<128x64xf32, #tpu.memory_space<hbm>>)
    %dma_start3A_1067 = arith.constant 20 : i32
    %dma_start3A_1068 = arith.constant 0 : i32
    %dma_start3A_1069 = arith.constant 0 : i32
    %dma_start3A_1070 = arith.constant 0 : i32
    %dma_start3A_1071 = tpu.memref_slice %arg7[%dma_start3A_1068, %dma_start3A_1069, %dma_start3A_1070] : memref<4x128x64xf32, #tpu.memory_space<vmem>> -> memref<1x128x64xf32, #tpu.memory_space<vmem>>
    %dma_start3A_1072 = tpu.memref_squeeze %dma_start3A_1071 : memref<1x128x64xf32, #tpu.memory_space<vmem>> -> memref<128x64xf32, #tpu.memory_space<vmem>>
    %dma_start3A_1073 = arith.constant 0 : i32
    %dma_start3A_1074 = tpu.memref_slice %arg6[%dma_start3A_1067, %dma_start3A_1073] : memref<26x128xi32, #tpu.memory_space<vmem>> -> memref<1x128xi32, #tpu.memory_space<vmem>>
    %dma_start3A_1075 = tpu.memref_squeeze %dma_start3A_1074 : memref<1x128xi32, #tpu.memory_space<vmem>> -> memref<128xi32, #tpu.memory_space<vmem>>
    %dma_start3A_1076 = arith.constant 0 : i32
    %dma_start3A_1077 = arith.constant 0 : i32
    %dma_start3A_1078 = tpu.memref_slice %arg2[%dma_start3A_1076, %dma_start3A_1077] : memref<26000x64xf32, #tpu.memory_space<hbm>> -> memref<26000x64xf32, #tpu.memory_space<hbm>>
    tpu.enqueue_indirect_dma source(%dma_start3A_1078 : memref<26000x64xf32, #tpu.memory_space<hbm>>) target(%dma_start3A_1072 : memref<128x64xf32, #tpu.memory_space<vmem>>) offsets(%dma_start3A_1075 : memref<128xi32, #tpu.memory_space<vmem>>) semaphore(%arg8 : memref<!tpu.dma_semaphore, #tpu.memory_space<semaphore_mem>>)
    %dma_wait3A_1079 = arith.constant 17 : i32
    %dma_wait3A_1080 = arith.constant 1 : i32
    %dma_wait3A_1081 = arith.constant 0 : i32
    %dma_wait3A_1082 = arith.constant 0 : i32
    %dma_wait3A_1083 = tpu.memref_slice %arg7[%dma_wait3A_1080, %dma_wait3A_1081, %dma_wait3A_1082] : memref<4x128x64xf32, #tpu.memory_space<vmem>> -> memref<1x128x64xf32, #tpu.memory_space<vmem>>
    %dma_wait3A_1084 = tpu.memref_squeeze %dma_wait3A_1083 : memref<1x128x64xf32, #tpu.memory_space<vmem>> -> memref<128x64xf32, #tpu.memory_space<vmem>>
    %dma_wait3A_1085 = arith.constant 0 : i32
    %dma_wait3A_1086 = tpu.memref_slice %arg6[%dma_wait3A_1079, %dma_wait3A_1085] : memref<26x128xi32, #tpu.memory_space<vmem>> -> memref<1x128xi32, #tpu.memory_space<vmem>>
    %dma_wait3A_1087 = tpu.memref_squeeze %dma_wait3A_1086 : memref<1x128xi32, #tpu.memory_space<vmem>> -> memref<128xi32, #tpu.memory_space<vmem>>
    %dma_wait3A_1088 = arith.constant 0 : i32
    %dma_wait3A_1089 = arith.constant 0 : i32
    %dma_wait3A_1090 = tpu.memref_slice %arg2[%dma_wait3A_1088, %dma_wait3A_1089] : memref<26000x64xf32, #tpu.memory_space<hbm>> -> memref<26000x64xf32, #tpu.memory_space<hbm>>
    tpu.wait_indirect_dma semaphore(%arg9 : memref<!tpu.dma_semaphore, #tpu.memory_space<semaphore_mem>>) src(%dma_wait3A_1090 : memref<26000x64xf32, #tpu.memory_space<hbm>>) dst(%dma_wait3A_1084 : memref<128x64xf32, #tpu.memory_space<vmem>>)
    %add3A_1091 = arith.constant 2176 : i32
    %add3A_1092 = arith.addi %mul3A_2, %add3A_1091 : i32
    %dma_start3A_1093 = arith.constant 1 : i32
    %dma_start3A_1094 = arith.constant 0 : i32
    %dma_start3A_1095 = arith.constant 0 : i32
    %dma_start3A_1096 = tpu.memref_slice %arg7[%dma_start3A_1093, %dma_start3A_1094, %dma_start3A_1095] : memref<4x128x64xf32, #tpu.memory_space<vmem>> -> memref<1x128x64xf32, #tpu.memory_space<vmem>>
    %dma_start3A_1097 = tpu.memref_squeeze %dma_start3A_1096 : memref<1x128x64xf32, #tpu.memory_space<vmem>> -> memref<128x64xf32, #tpu.memory_space<vmem>>
    %dma_start3A_1098 = arith.constant 0 : i32
    %dma_start3A_1099 = tpu.memref_slice %arg4[%add3A_1092, %dma_start3A_1098] : memref<106496x64xf32, #tpu.memory_space<hbm>> -> memref<128x64xf32, #tpu.memory_space<hbm>>
    %dma_start3A_1100 = arith.constant 0 : i32
    %dma_start3A_1101 = tpu.memref_slice %arg4[%add3A_1092, %dma_start3A_1100] : memref<106496x64xf32, #tpu.memory_space<hbm>> -> memref<128x64xf32, #tpu.memory_space<hbm>>
    %dma_start3A_1102 = arith.constant 0 : i32
    %dma_start3A_1103 = arith.constant 0 : i32
    %dma_start3A_1104 = tpu.memref_slice %arg7[%dma_start3A_1093, %dma_start3A_1102, %dma_start3A_1103] : memref<4x128x64xf32, #tpu.memory_space<vmem>> -> memref<1x128x64xf32, #tpu.memory_space<vmem>>
    %dma_start3A_1105 = tpu.memref_squeeze %dma_start3A_1104 : memref<1x128x64xf32, #tpu.memory_space<vmem>> -> memref<128x64xf32, #tpu.memory_space<vmem>>
    tpu.enqueue_dma source(%dma_start3A_1105 : memref<128x64xf32, #tpu.memory_space<vmem>>) target(%dma_start3A_1101 : memref<128x64xf32, #tpu.memory_space<hbm>>) target_semaphore(%arg13 : memref<!tpu.dma_semaphore, #tpu.memory_space<semaphore_mem>>)
    %scan3A_1106 = arith.constant 0 : i32
    %scan3A_1107 = arith.constant 0 : i32
    %scan3A_1108 = arith.constant 8 : i32
    %scan3A_1109 = arith.addi %scan3A_1107, %scan3A_1108 : i32
    %scan3A_1110 = arith.constant 1 : i32
    %scan3A_1111 = scf.for %scan3A_1534 = %scan3A_1107 to %scan3A_1109 step %scan3A_1110 iter_args(%scan3A_1535 = %scan3A_1106) -> (i32)  : i32 {
      %mul3A_1536 = arith.constant 16 : i32
      %mul3A_1537 = arith.muli %scan3A_1534, %mul3A_1536 : i32
      %add3A_1538 = arith.constant 2688 : i32
      %add3A_1539 = arith.addi %add3A_1538, %mul3A_1537 : i32
      %iota3A = tpu.iota {dimensions = array<i32: 0>} : vector<16xi32>
      %add3A_1540 = vector.broadcast %add3A_1539 : i32 to vector<16xi32>
      %add3A_1541 = arith.addi %iota3A, %add3A_1540 : vector<16xi32>
      %get3A = arith.index_cast %add3A_1539 : i32 to index
      %get3A_1542 = tpu.vector_load %arg5[%get3A] {strides = array<i32>} : memref<3328xi32, #tpu.memory_space<vmem>>, vector<16xi32>,
      %get3A_1543 = vector.shape_cast %get3A_1542 : vector<16xi32> to vector<16xi32>
      %jit3A = arith.constant 0 : i32
      %jit3A_1544 = arith.constant 999 : i32
      %max3A = vector.broadcast %jit3A : i32 to vector<16xi32>
      %max3A_1545 = arith.maxsi %max3A, %get3A_1543 : vector<16xi32>
      %min3A = vector.broadcast %jit3A_1544 : i32 to vector<16xi32>
      %min3A_1546 = arith.minsi %min3A, %max3A_1545 : vector<16xi32>
      %rem3A = arith.constant 26 : i32
      %rem3A_1547 = vector.broadcast %rem3A : i32 to vector<16xi32>
      %rem3A_1548 = arith.remsi %add3A_1541, %rem3A_1547 : vector<16xi32>
      %mul3A_1549 = arith.constant 1000 : i32
      %mul3A_1550 = vector.broadcast %mul3A_1549 : i32 to vector<16xi32>
      %mul3A_1551 = arith.muli %rem3A_1548, %mul3A_1550 : vector<16xi32>
      %add3A_1552 = arith.addi %mul3A_1551, %min3A_1546 : vector<16xi32>
      %rem3A_1553 = arith.constant 128 : i32
      %rem3A_1554 = arith.remsi %add3A_1539, %rem3A_1553 : i32
      %swap3A = arith.constant 21 : i32
      %swap3A_1555 = arith.index_cast %swap3A : i32 to index
      %swap3A_1556 = arith.index_cast %rem3A_1554 : i32 to index
      %swap3A_1557 = tpu.vector_load %arg6[%swap3A_1555, %swap3A_1556] {strides = array<i32>} : memref<26x128xi32, #tpu.memory_space<vmem>>, vector<1x16xi32>,
      %swap3A_1558 = vector.shape_cast %swap3A_1557 : vector<1x16xi32> to vector<16xi32>
      %swap3A_1559 = vector.shape_cast %add3A_1552 : vector<16xi32> to vector<1x16xi32>
      tpu.vector_store %arg6[%swap3A_1555, %swap3A_1556], %swap3A_1559 {strides = array<i32>} : memref<26x128xi32, #tpu.memory_space<vmem>>, vector<1x16xi32>,
      %scan3A_1560 = arith.constant 0 : i32
      scf.yield %scan3A_1560 : i32
    }
    %scan3A_1112 = arith.constant 8 : i32
    %dma_wait3A_1113 = arith.constant 1 : i32
    %dma_wait3A_1114 = arith.constant 0 : i32
    %dma_wait3A_1115 = arith.constant 0 : i32
    %dma_wait3A_1116 = tpu.memref_slice %arg7[%dma_wait3A_1113, %dma_wait3A_1114, %dma_wait3A_1115] : memref<4x128x64xf32, #tpu.memory_space<vmem>> -> memref<1x128x64xf32, #tpu.memory_space<vmem>>
    %dma_wait3A_1117 = tpu.memref_squeeze %dma_wait3A_1116 : memref<1x128x64xf32, #tpu.memory_space<vmem>> -> memref<128x64xf32, #tpu.memory_space<vmem>>
    %dma_wait3A_1118 = arith.constant 0 : i32
    %dma_wait3A_1119 = tpu.memref_slice %arg4[%add3A_1092, %dma_wait3A_1118] : memref<106496x64xf32, #tpu.memory_space<hbm>> -> memref<128x64xf32, #tpu.memory_space<hbm>>
    %dma_wait3A_1120 = arith.constant 0 : i32
    %dma_wait3A_1121 = tpu.memref_slice %arg4[%add3A_1092, %dma_wait3A_1120] : memref<106496x64xf32, #tpu.memory_space<hbm>> -> memref<128x64xf32, #tpu.memory_space<hbm>>
    %dma_wait3A_1122 = arith.constant 0 : i32
    %dma_wait3A_1123 = arith.constant 0 : i32
    %dma_wait3A_1124 = tpu.memref_slice %arg7[%dma_wait3A_1113, %dma_wait3A_1122, %dma_wait3A_1123] : memref<4x128x64xf32, #tpu.memory_space<vmem>> -> memref<1x128x64xf32, #tpu.memory_space<vmem>>
    %dma_wait3A_1125 = tpu.memref_squeeze %dma_wait3A_1124 : memref<1x128x64xf32, #tpu.memory_space<vmem>> -> memref<128x64xf32, #tpu.memory_space<vmem>>
    tpu.wait_dma2 semaphore(%arg13 : memref<!tpu.dma_semaphore, #tpu.memory_space<semaphore_mem>>) src(%dma_wait3A_1125 : memref<128x64xf32, #tpu.memory_space<vmem>>) dst(%dma_wait3A_1121 : memref<128x64xf32, #tpu.memory_space<hbm>>)
    %dma_start3A_1126 = arith.constant 21 : i32
    %dma_start3A_1127 = arith.constant 1 : i32
    %dma_start3A_1128 = arith.constant 0 : i32
    %dma_start3A_1129 = arith.constant 0 : i32
    %dma_start3A_1130 = tpu.memref_slice %arg7[%dma_start3A_1127, %dma_start3A_1128, %dma_start3A_1129] : memref<4x128x64xf32, #tpu.memory_space<vmem>> -> memref<1x128x64xf32, #tpu.memory_space<vmem>>
    %dma_start3A_1131 = tpu.memref_squeeze %dma_start3A_1130 : memref<1x128x64xf32, #tpu.memory_space<vmem>> -> memref<128x64xf32, #tpu.memory_space<vmem>>
    %dma_start3A_1132 = arith.constant 0 : i32
    %dma_start3A_1133 = tpu.memref_slice %arg6[%dma_start3A_1126, %dma_start3A_1132] : memref<26x128xi32, #tpu.memory_space<vmem>> -> memref<1x128xi32, #tpu.memory_space<vmem>>
    %dma_start3A_1134 = tpu.memref_squeeze %dma_start3A_1133 : memref<1x128xi32, #tpu.memory_space<vmem>> -> memref<128xi32, #tpu.memory_space<vmem>>
    %dma_start3A_1135 = arith.constant 0 : i32
    %dma_start3A_1136 = arith.constant 0 : i32
    %dma_start3A_1137 = tpu.memref_slice %arg2[%dma_start3A_1135, %dma_start3A_1136] : memref<26000x64xf32, #tpu.memory_space<hbm>> -> memref<26000x64xf32, #tpu.memory_space<hbm>>
    tpu.enqueue_indirect_dma source(%dma_start3A_1137 : memref<26000x64xf32, #tpu.memory_space<hbm>>) target(%dma_start3A_1131 : memref<128x64xf32, #tpu.memory_space<vmem>>) offsets(%dma_start3A_1134 : memref<128xi32, #tpu.memory_space<vmem>>) semaphore(%arg9 : memref<!tpu.dma_semaphore, #tpu.memory_space<semaphore_mem>>)
    %dma_wait3A_1138 = arith.constant 18 : i32
    %dma_wait3A_1139 = arith.constant 2 : i32
    %dma_wait3A_1140 = arith.constant 0 : i32
    %dma_wait3A_1141 = arith.constant 0 : i32
    %dma_wait3A_1142 = tpu.memref_slice %arg7[%dma_wait3A_1139, %dma_wait3A_1140, %dma_wait3A_1141] : memref<4x128x64xf32, #tpu.memory_space<vmem>> -> memref<1x128x64xf32, #tpu.memory_space<vmem>>
    %dma_wait3A_1143 = tpu.memref_squeeze %dma_wait3A_1142 : memref<1x128x64xf32, #tpu.memory_space<vmem>> -> memref<128x64xf32, #tpu.memory_space<vmem>>
    %dma_wait3A_1144 = arith.constant 0 : i32
    %dma_wait3A_1145 = tpu.memref_slice %arg6[%dma_wait3A_1138, %dma_wait3A_1144] : memref<26x128xi32, #tpu.memory_space<vmem>> -> memref<1x128xi32, #tpu.memory_space<vmem>>
    %dma_wait3A_1146 = tpu.memref_squeeze %dma_wait3A_1145 : memref<1x128xi32, #tpu.memory_space<vmem>> -> memref<128xi32, #tpu.memory_space<vmem>>
    %dma_wait3A_1147 = arith.constant 0 : i32
    %dma_wait3A_1148 = arith.constant 0 : i32
    %dma_wait3A_1149 = tpu.memref_slice %arg2[%dma_wait3A_1147, %dma_wait3A_1148] : memref<26000x64xf32, #tpu.memory_space<hbm>> -> memref<26000x64xf32, #tpu.memory_space<hbm>>
    tpu.wait_indirect_dma semaphore(%arg10 : memref<!tpu.dma_semaphore, #tpu.memory_space<semaphore_mem>>) src(%dma_wait3A_1149 : memref<26000x64xf32, #tpu.memory_space<hbm>>) dst(%dma_wait3A_1143 : memref<128x64xf32, #tpu.memory_space<vmem>>)
    %add3A_1150 = arith.constant 2304 : i32
    %add3A_1151 = arith.addi %mul3A_2, %add3A_1150 : i32
    %dma_start3A_1152 = arith.constant 2 : i32
    %dma_start3A_1153 = arith.constant 0 : i32
    %dma_start3A_1154 = arith.constant 0 : i32
    %dma_start3A_1155 = tpu.memref_slice %arg7[%dma_start3A_1152, %dma_start3A_1153, %dma_start3A_1154] : memref<4x128x64xf32, #tpu.memory_space<vmem>> -> memref<1x128x64xf32, #tpu.memory_space<vmem>>
    %dma_start3A_1156 = tpu.memref_squeeze %dma_start3A_1155 : memref<1x128x64xf32, #tpu.memory_space<vmem>> -> memref<128x64xf32, #tpu.memory_space<vmem>>
    %dma_start3A_1157 = arith.constant 0 : i32
    %dma_start3A_1158 = tpu.memref_slice %arg4[%add3A_1151, %dma_start3A_1157] : memref<106496x64xf32, #tpu.memory_space<hbm>> -> memref<128x64xf32, #tpu.memory_space<hbm>>
    %dma_start3A_1159 = arith.constant 0 : i32
    %dma_start3A_1160 = tpu.memref_slice %arg4[%add3A_1151, %dma_start3A_1159] : memref<106496x64xf32, #tpu.memory_space<hbm>> -> memref<128x64xf32, #tpu.memory_space<hbm>>
    %dma_start3A_1161 = arith.constant 0 : i32
    %dma_start3A_1162 = arith.constant 0 : i32
    %dma_start3A_1163 = tpu.memref_slice %arg7[%dma_start3A_1152, %dma_start3A_1161, %dma_start3A_1162] : memref<4x128x64xf32, #tpu.memory_space<vmem>> -> memref<1x128x64xf32, #tpu.memory_space<vmem>>
    %dma_start3A_1164 = tpu.memref_squeeze %dma_start3A_1163 : memref<1x128x64xf32, #tpu.memory_space<vmem>> -> memref<128x64xf32, #tpu.memory_space<vmem>>
    tpu.enqueue_dma source(%dma_start3A_1164 : memref<128x64xf32, #tpu.memory_space<vmem>>) target(%dma_start3A_1160 : memref<128x64xf32, #tpu.memory_space<hbm>>) target_semaphore(%arg14 : memref<!tpu.dma_semaphore, #tpu.memory_space<semaphore_mem>>)
    %scan3A_1165 = arith.constant 0 : i32
    %scan3A_1166 = arith.constant 0 : i32
    %scan3A_1167 = arith.constant 8 : i32
    %scan3A_1168 = arith.addi %scan3A_1166, %scan3A_1167 : i32
    %scan3A_1169 = arith.constant 1 : i32
    %scan3A_1170 = scf.for %scan3A_1534 = %scan3A_1166 to %scan3A_1168 step %scan3A_1169 iter_args(%scan3A_1535 = %scan3A_1165) -> (i32)  : i32 {
      %mul3A_1536 = arith.constant 16 : i32
      %mul3A_1537 = arith.muli %scan3A_1534, %mul3A_1536 : i32
      %add3A_1538 = arith.constant 2816 : i32
      %add3A_1539 = arith.addi %add3A_1538, %mul3A_1537 : i32
      %iota3A = tpu.iota {dimensions = array<i32: 0>} : vector<16xi32>
      %add3A_1540 = vector.broadcast %add3A_1539 : i32 to vector<16xi32>
      %add3A_1541 = arith.addi %iota3A, %add3A_1540 : vector<16xi32>
      %get3A = arith.index_cast %add3A_1539 : i32 to index
      %get3A_1542 = tpu.vector_load %arg5[%get3A] {strides = array<i32>} : memref<3328xi32, #tpu.memory_space<vmem>>, vector<16xi32>,
      %get3A_1543 = vector.shape_cast %get3A_1542 : vector<16xi32> to vector<16xi32>
      %jit3A = arith.constant 0 : i32
      %jit3A_1544 = arith.constant 999 : i32
      %max3A = vector.broadcast %jit3A : i32 to vector<16xi32>
      %max3A_1545 = arith.maxsi %max3A, %get3A_1543 : vector<16xi32>
      %min3A = vector.broadcast %jit3A_1544 : i32 to vector<16xi32>
      %min3A_1546 = arith.minsi %min3A, %max3A_1545 : vector<16xi32>
      %rem3A = arith.constant 26 : i32
      %rem3A_1547 = vector.broadcast %rem3A : i32 to vector<16xi32>
      %rem3A_1548 = arith.remsi %add3A_1541, %rem3A_1547 : vector<16xi32>
      %mul3A_1549 = arith.constant 1000 : i32
      %mul3A_1550 = vector.broadcast %mul3A_1549 : i32 to vector<16xi32>
      %mul3A_1551 = arith.muli %rem3A_1548, %mul3A_1550 : vector<16xi32>
      %add3A_1552 = arith.addi %mul3A_1551, %min3A_1546 : vector<16xi32>
      %rem3A_1553 = arith.constant 128 : i32
      %rem3A_1554 = arith.remsi %add3A_1539, %rem3A_1553 : i32
      %swap3A = arith.constant 22 : i32
      %swap3A_1555 = arith.index_cast %swap3A : i32 to index
      %swap3A_1556 = arith.index_cast %rem3A_1554 : i32 to index
      %swap3A_1557 = tpu.vector_load %arg6[%swap3A_1555, %swap3A_1556] {strides = array<i32>} : memref<26x128xi32, #tpu.memory_space<vmem>>, vector<1x16xi32>,
      %swap3A_1558 = vector.shape_cast %swap3A_1557 : vector<1x16xi32> to vector<16xi32>
      %swap3A_1559 = vector.shape_cast %add3A_1552 : vector<16xi32> to vector<1x16xi32>
      tpu.vector_store %arg6[%swap3A_1555, %swap3A_1556], %swap3A_1559 {strides = array<i32>} : memref<26x128xi32, #tpu.memory_space<vmem>>, vector<1x16xi32>,
      %scan3A_1560 = arith.constant 0 : i32
      scf.yield %scan3A_1560 : i32
    }
    %scan3A_1171 = arith.constant 8 : i32
    %dma_wait3A_1172 = arith.constant 2 : i32
    %dma_wait3A_1173 = arith.constant 0 : i32
    %dma_wait3A_1174 = arith.constant 0 : i32
    %dma_wait3A_1175 = tpu.memref_slice %arg7[%dma_wait3A_1172, %dma_wait3A_1173, %dma_wait3A_1174] : memref<4x128x64xf32, #tpu.memory_space<vmem>> -> memref<1x128x64xf32, #tpu.memory_space<vmem>>
    %dma_wait3A_1176 = tpu.memref_squeeze %dma_wait3A_1175 : memref<1x128x64xf32, #tpu.memory_space<vmem>> -> memref<128x64xf32, #tpu.memory_space<vmem>>
    %dma_wait3A_1177 = arith.constant 0 : i32
    %dma_wait3A_1178 = tpu.memref_slice %arg4[%add3A_1151, %dma_wait3A_1177] : memref<106496x64xf32, #tpu.memory_space<hbm>> -> memref<128x64xf32, #tpu.memory_space<hbm>>
    %dma_wait3A_1179 = arith.constant 0 : i32
    %dma_wait3A_1180 = tpu.memref_slice %arg4[%add3A_1151, %dma_wait3A_1179] : memref<106496x64xf32, #tpu.memory_space<hbm>> -> memref<128x64xf32, #tpu.memory_space<hbm>>
    %dma_wait3A_1181 = arith.constant 0 : i32
    %dma_wait3A_1182 = arith.constant 0 : i32
    %dma_wait3A_1183 = tpu.memref_slice %arg7[%dma_wait3A_1172, %dma_wait3A_1181, %dma_wait3A_1182] : memref<4x128x64xf32, #tpu.memory_space<vmem>> -> memref<1x128x64xf32, #tpu.memory_space<vmem>>
    %dma_wait3A_1184 = tpu.memref_squeeze %dma_wait3A_1183 : memref<1x128x64xf32, #tpu.memory_space<vmem>> -> memref<128x64xf32, #tpu.memory_space<vmem>>
    tpu.wait_dma2 semaphore(%arg14 : memref<!tpu.dma_semaphore, #tpu.memory_space<semaphore_mem>>) src(%dma_wait3A_1184 : memref<128x64xf32, #tpu.memory_space<vmem>>) dst(%dma_wait3A_1180 : memref<128x64xf32, #tpu.memory_space<hbm>>)
    %dma_start3A_1185 = arith.constant 22 : i32
    %dma_start3A_1186 = arith.constant 2 : i32
    %dma_start3A_1187 = arith.constant 0 : i32
    %dma_start3A_1188 = arith.constant 0 : i32
    %dma_start3A_1189 = tpu.memref_slice %arg7[%dma_start3A_1186, %dma_start3A_1187, %dma_start3A_1188] : memref<4x128x64xf32, #tpu.memory_space<vmem>> -> memref<1x128x64xf32, #tpu.memory_space<vmem>>
    %dma_start3A_1190 = tpu.memref_squeeze %dma_start3A_1189 : memref<1x128x64xf32, #tpu.memory_space<vmem>> -> memref<128x64xf32, #tpu.memory_space<vmem>>
    %dma_start3A_1191 = arith.constant 0 : i32
    %dma_start3A_1192 = tpu.memref_slice %arg6[%dma_start3A_1185, %dma_start3A_1191] : memref<26x128xi32, #tpu.memory_space<vmem>> -> memref<1x128xi32, #tpu.memory_space<vmem>>
    %dma_start3A_1193 = tpu.memref_squeeze %dma_start3A_1192 : memref<1x128xi32, #tpu.memory_space<vmem>> -> memref<128xi32, #tpu.memory_space<vmem>>
    %dma_start3A_1194 = arith.constant 0 : i32
    %dma_start3A_1195 = arith.constant 0 : i32
    %dma_start3A_1196 = tpu.memref_slice %arg2[%dma_start3A_1194, %dma_start3A_1195] : memref<26000x64xf32, #tpu.memory_space<hbm>> -> memref<26000x64xf32, #tpu.memory_space<hbm>>
    tpu.enqueue_indirect_dma source(%dma_start3A_1196 : memref<26000x64xf32, #tpu.memory_space<hbm>>) target(%dma_start3A_1190 : memref<128x64xf32, #tpu.memory_space<vmem>>) offsets(%dma_start3A_1193 : memref<128xi32, #tpu.memory_space<vmem>>) semaphore(%arg10 : memref<!tpu.dma_semaphore, #tpu.memory_space<semaphore_mem>>)
    %dma_wait3A_1197 = arith.constant 19 : i32
    %dma_wait3A_1198 = arith.constant 3 : i32
    %dma_wait3A_1199 = arith.constant 0 : i32
    %dma_wait3A_1200 = arith.constant 0 : i32
    %dma_wait3A_1201 = tpu.memref_slice %arg7[%dma_wait3A_1198, %dma_wait3A_1199, %dma_wait3A_1200] : memref<4x128x64xf32, #tpu.memory_space<vmem>> -> memref<1x128x64xf32, #tpu.memory_space<vmem>>
    %dma_wait3A_1202 = tpu.memref_squeeze %dma_wait3A_1201 : memref<1x128x64xf32, #tpu.memory_space<vmem>> -> memref<128x64xf32, #tpu.memory_space<vmem>>
    %dma_wait3A_1203 = arith.constant 0 : i32
    %dma_wait3A_1204 = tpu.memref_slice %arg6[%dma_wait3A_1197, %dma_wait3A_1203] : memref<26x128xi32, #tpu.memory_space<vmem>> -> memref<1x128xi32, #tpu.memory_space<vmem>>
    %dma_wait3A_1205 = tpu.memref_squeeze %dma_wait3A_1204 : memref<1x128xi32, #tpu.memory_space<vmem>> -> memref<128xi32, #tpu.memory_space<vmem>>
    %dma_wait3A_1206 = arith.constant 0 : i32
    %dma_wait3A_1207 = arith.constant 0 : i32
    %dma_wait3A_1208 = tpu.memref_slice %arg2[%dma_wait3A_1206, %dma_wait3A_1207] : memref<26000x64xf32, #tpu.memory_space<hbm>> -> memref<26000x64xf32, #tpu.memory_space<hbm>>
    tpu.wait_indirect_dma semaphore(%arg11 : memref<!tpu.dma_semaphore, #tpu.memory_space<semaphore_mem>>) src(%dma_wait3A_1208 : memref<26000x64xf32, #tpu.memory_space<hbm>>) dst(%dma_wait3A_1202 : memref<128x64xf32, #tpu.memory_space<vmem>>)
    %add3A_1209 = arith.constant 2432 : i32
    %add3A_1210 = arith.addi %mul3A_2, %add3A_1209 : i32
    %dma_start3A_1211 = arith.constant 3 : i32
    %dma_start3A_1212 = arith.constant 0 : i32
    %dma_start3A_1213 = arith.constant 0 : i32
    %dma_start3A_1214 = tpu.memref_slice %arg7[%dma_start3A_1211, %dma_start3A_1212, %dma_start3A_1213] : memref<4x128x64xf32, #tpu.memory_space<vmem>> -> memref<1x128x64xf32, #tpu.memory_space<vmem>>
    %dma_start3A_1215 = tpu.memref_squeeze %dma_start3A_1214 : memref<1x128x64xf32, #tpu.memory_space<vmem>> -> memref<128x64xf32, #tpu.memory_space<vmem>>
    %dma_start3A_1216 = arith.constant 0 : i32
    %dma_start3A_1217 = tpu.memref_slice %arg4[%add3A_1210, %dma_start3A_1216] : memref<106496x64xf32, #tpu.memory_space<hbm>> -> memref<128x64xf32, #tpu.memory_space<hbm>>
    %dma_start3A_1218 = arith.constant 0 : i32
    %dma_start3A_1219 = tpu.memref_slice %arg4[%add3A_1210, %dma_start3A_1218] : memref<106496x64xf32, #tpu.memory_space<hbm>> -> memref<128x64xf32, #tpu.memory_space<hbm>>
    %dma_start3A_1220 = arith.constant 0 : i32
    %dma_start3A_1221 = arith.constant 0 : i32
    %dma_start3A_1222 = tpu.memref_slice %arg7[%dma_start3A_1211, %dma_start3A_1220, %dma_start3A_1221] : memref<4x128x64xf32, #tpu.memory_space<vmem>> -> memref<1x128x64xf32, #tpu.memory_space<vmem>>
    %dma_start3A_1223 = tpu.memref_squeeze %dma_start3A_1222 : memref<1x128x64xf32, #tpu.memory_space<vmem>> -> memref<128x64xf32, #tpu.memory_space<vmem>>
    tpu.enqueue_dma source(%dma_start3A_1223 : memref<128x64xf32, #tpu.memory_space<vmem>>) target(%dma_start3A_1219 : memref<128x64xf32, #tpu.memory_space<hbm>>) target_semaphore(%arg15 : memref<!tpu.dma_semaphore, #tpu.memory_space<semaphore_mem>>)
    %scan3A_1224 = arith.constant 0 : i32
    %scan3A_1225 = arith.constant 0 : i32
    %scan3A_1226 = arith.constant 8 : i32
    %scan3A_1227 = arith.addi %scan3A_1225, %scan3A_1226 : i32
    %scan3A_1228 = arith.constant 1 : i32
    %scan3A_1229 = scf.for %scan3A_1534 = %scan3A_1225 to %scan3A_1227 step %scan3A_1228 iter_args(%scan3A_1535 = %scan3A_1224) -> (i32)  : i32 {
      %mul3A_1536 = arith.constant 16 : i32
      %mul3A_1537 = arith.muli %scan3A_1534, %mul3A_1536 : i32
      %add3A_1538 = arith.constant 2944 : i32
      %add3A_1539 = arith.addi %add3A_1538, %mul3A_1537 : i32
      %iota3A = tpu.iota {dimensions = array<i32: 0>} : vector<16xi32>
      %add3A_1540 = vector.broadcast %add3A_1539 : i32 to vector<16xi32>
      %add3A_1541 = arith.addi %iota3A, %add3A_1540 : vector<16xi32>
      %get3A = arith.index_cast %add3A_1539 : i32 to index
      %get3A_1542 = tpu.vector_load %arg5[%get3A] {strides = array<i32>} : memref<3328xi32, #tpu.memory_space<vmem>>, vector<16xi32>,
      %get3A_1543 = vector.shape_cast %get3A_1542 : vector<16xi32> to vector<16xi32>
      %jit3A = arith.constant 0 : i32
      %jit3A_1544 = arith.constant 999 : i32
      %max3A = vector.broadcast %jit3A : i32 to vector<16xi32>
      %max3A_1545 = arith.maxsi %max3A, %get3A_1543 : vector<16xi32>
      %min3A = vector.broadcast %jit3A_1544 : i32 to vector<16xi32>
      %min3A_1546 = arith.minsi %min3A, %max3A_1545 : vector<16xi32>
      %rem3A = arith.constant 26 : i32
      %rem3A_1547 = vector.broadcast %rem3A : i32 to vector<16xi32>
      %rem3A_1548 = arith.remsi %add3A_1541, %rem3A_1547 : vector<16xi32>
      %mul3A_1549 = arith.constant 1000 : i32
      %mul3A_1550 = vector.broadcast %mul3A_1549 : i32 to vector<16xi32>
      %mul3A_1551 = arith.muli %rem3A_1548, %mul3A_1550 : vector<16xi32>
      %add3A_1552 = arith.addi %mul3A_1551, %min3A_1546 : vector<16xi32>
      %rem3A_1553 = arith.constant 128 : i32
      %rem3A_1554 = arith.remsi %add3A_1539, %rem3A_1553 : i32
      %swap3A = arith.constant 23 : i32
      %swap3A_1555 = arith.index_cast %swap3A : i32 to index
      %swap3A_1556 = arith.index_cast %rem3A_1554 : i32 to index
      %swap3A_1557 = tpu.vector_load %arg6[%swap3A_1555, %swap3A_1556] {strides = array<i32>} : memref<26x128xi32, #tpu.memory_space<vmem>>, vector<1x16xi32>,
      %swap3A_1558 = vector.shape_cast %swap3A_1557 : vector<1x16xi32> to vector<16xi32>
      %swap3A_1559 = vector.shape_cast %add3A_1552 : vector<16xi32> to vector<1x16xi32>
      tpu.vector_store %arg6[%swap3A_1555, %swap3A_1556], %swap3A_1559 {strides = array<i32>} : memref<26x128xi32, #tpu.memory_space<vmem>>, vector<1x16xi32>,
      %scan3A_1560 = arith.constant 0 : i32
      scf.yield %scan3A_1560 : i32
    }
    %scan3A_1230 = arith.constant 8 : i32
    %dma_wait3A_1231 = arith.constant 3 : i32
    %dma_wait3A_1232 = arith.constant 0 : i32
    %dma_wait3A_1233 = arith.constant 0 : i32
    %dma_wait3A_1234 = tpu.memref_slice %arg7[%dma_wait3A_1231, %dma_wait3A_1232, %dma_wait3A_1233] : memref<4x128x64xf32, #tpu.memory_space<vmem>> -> memref<1x128x64xf32, #tpu.memory_space<vmem>>
    %dma_wait3A_1235 = tpu.memref_squeeze %dma_wait3A_1234 : memref<1x128x64xf32, #tpu.memory_space<vmem>> -> memref<128x64xf32, #tpu.memory_space<vmem>>
    %dma_wait3A_1236 = arith.constant 0 : i32
    %dma_wait3A_1237 = tpu.memref_slice %arg4[%add3A_1210, %dma_wait3A_1236] : memref<106496x64xf32, #tpu.memory_space<hbm>> -> memref<128x64xf32, #tpu.memory_space<hbm>>
    %dma_wait3A_1238 = arith.constant 0 : i32
    %dma_wait3A_1239 = tpu.memref_slice %arg4[%add3A_1210, %dma_wait3A_1238] : memref<106496x64xf32, #tpu.memory_space<hbm>> -> memref<128x64xf32, #tpu.memory_space<hbm>>
    %dma_wait3A_1240 = arith.constant 0 : i32
    %dma_wait3A_1241 = arith.constant 0 : i32
    %dma_wait3A_1242 = tpu.memref_slice %arg7[%dma_wait3A_1231, %dma_wait3A_1240, %dma_wait3A_1241] : memref<4x128x64xf32, #tpu.memory_space<vmem>> -> memref<1x128x64xf32, #tpu.memory_space<vmem>>
    %dma_wait3A_1243 = tpu.memref_squeeze %dma_wait3A_1242 : memref<1x128x64xf32, #tpu.memory_space<vmem>> -> memref<128x64xf32, #tpu.memory_space<vmem>>
    tpu.wait_dma2 semaphore(%arg15 : memref<!tpu.dma_semaphore, #tpu.memory_space<semaphore_mem>>) src(%dma_wait3A_1243 : memref<128x64xf32, #tpu.memory_space<vmem>>) dst(%dma_wait3A_1239 : memref<128x64xf32, #tpu.memory_space<hbm>>)
    %dma_start3A_1244 = arith.constant 23 : i32
    %dma_start3A_1245 = arith.constant 3 : i32
    %dma_start3A_1246 = arith.constant 0 : i32
    %dma_start3A_1247 = arith.constant 0 : i32
    %dma_start3A_1248 = tpu.memref_slice %arg7[%dma_start3A_1245, %dma_start3A_1246, %dma_start3A_1247] : memref<4x128x64xf32, #tpu.memory_space<vmem>> -> memref<1x128x64xf32, #tpu.memory_space<vmem>>
    %dma_start3A_1249 = tpu.memref_squeeze %dma_start3A_1248 : memref<1x128x64xf32, #tpu.memory_space<vmem>> -> memref<128x64xf32, #tpu.memory_space<vmem>>
    %dma_start3A_1250 = arith.constant 0 : i32
    %dma_start3A_1251 = tpu.memref_slice %arg6[%dma_start3A_1244, %dma_start3A_1250] : memref<26x128xi32, #tpu.memory_space<vmem>> -> memref<1x128xi32, #tpu.memory_space<vmem>>
    %dma_start3A_1252 = tpu.memref_squeeze %dma_start3A_1251 : memref<1x128xi32, #tpu.memory_space<vmem>> -> memref<128xi32, #tpu.memory_space<vmem>>
    %dma_start3A_1253 = arith.constant 0 : i32
    %dma_start3A_1254 = arith.constant 0 : i32
    %dma_start3A_1255 = tpu.memref_slice %arg2[%dma_start3A_1253, %dma_start3A_1254] : memref<26000x64xf32, #tpu.memory_space<hbm>> -> memref<26000x64xf32, #tpu.memory_space<hbm>>
    tpu.enqueue_indirect_dma source(%dma_start3A_1255 : memref<26000x64xf32, #tpu.memory_space<hbm>>) target(%dma_start3A_1249 : memref<128x64xf32, #tpu.memory_space<vmem>>) offsets(%dma_start3A_1252 : memref<128xi32, #tpu.memory_space<vmem>>) semaphore(%arg11 : memref<!tpu.dma_semaphore, #tpu.memory_space<semaphore_mem>>)
    %dma_wait3A_1256 = arith.constant 20 : i32
    %dma_wait3A_1257 = arith.constant 0 : i32
    %dma_wait3A_1258 = arith.constant 0 : i32
    %dma_wait3A_1259 = arith.constant 0 : i32
    %dma_wait3A_1260 = tpu.memref_slice %arg7[%dma_wait3A_1257, %dma_wait3A_1258, %dma_wait3A_1259] : memref<4x128x64xf32, #tpu.memory_space<vmem>> -> memref<1x128x64xf32, #tpu.memory_space<vmem>>
    %dma_wait3A_1261 = tpu.memref_squeeze %dma_wait3A_1260 : memref<1x128x64xf32, #tpu.memory_space<vmem>> -> memref<128x64xf32, #tpu.memory_space<vmem>>
    %dma_wait3A_1262 = arith.constant 0 : i32
    %dma_wait3A_1263 = tpu.memref_slice %arg6[%dma_wait3A_1256, %dma_wait3A_1262] : memref<26x128xi32, #tpu.memory_space<vmem>> -> memref<1x128xi32, #tpu.memory_space<vmem>>
    %dma_wait3A_1264 = tpu.memref_squeeze %dma_wait3A_1263 : memref<1x128xi32, #tpu.memory_space<vmem>> -> memref<128xi32, #tpu.memory_space<vmem>>
    %dma_wait3A_1265 = arith.constant 0 : i32
    %dma_wait3A_1266 = arith.constant 0 : i32
    %dma_wait3A_1267 = tpu.memref_slice %arg2[%dma_wait3A_1265, %dma_wait3A_1266] : memref<26000x64xf32, #tpu.memory_space<hbm>> -> memref<26000x64xf32, #tpu.memory_space<hbm>>
    tpu.wait_indirect_dma semaphore(%arg8 : memref<!tpu.dma_semaphore, #tpu.memory_space<semaphore_mem>>) src(%dma_wait3A_1267 : memref<26000x64xf32, #tpu.memory_space<hbm>>) dst(%dma_wait3A_1261 : memref<128x64xf32, #tpu.memory_space<vmem>>)
    %add3A_1268 = arith.constant 2560 : i32
    %add3A_1269 = arith.addi %mul3A_2, %add3A_1268 : i32
    %dma_start3A_1270 = arith.constant 0 : i32
    %dma_start3A_1271 = arith.constant 0 : i32
    %dma_start3A_1272 = arith.constant 0 : i32
    %dma_start3A_1273 = tpu.memref_slice %arg7[%dma_start3A_1270, %dma_start3A_1271, %dma_start3A_1272] : memref<4x128x64xf32, #tpu.memory_space<vmem>> -> memref<1x128x64xf32, #tpu.memory_space<vmem>>
    %dma_start3A_1274 = tpu.memref_squeeze %dma_start3A_1273 : memref<1x128x64xf32, #tpu.memory_space<vmem>> -> memref<128x64xf32, #tpu.memory_space<vmem>>
    %dma_start3A_1275 = arith.constant 0 : i32
    %dma_start3A_1276 = tpu.memref_slice %arg4[%add3A_1269, %dma_start3A_1275] : memref<106496x64xf32, #tpu.memory_space<hbm>> -> memref<128x64xf32, #tpu.memory_space<hbm>>
    %dma_start3A_1277 = arith.constant 0 : i32
    %dma_start3A_1278 = tpu.memref_slice %arg4[%add3A_1269, %dma_start3A_1277] : memref<106496x64xf32, #tpu.memory_space<hbm>> -> memref<128x64xf32, #tpu.memory_space<hbm>>
    %dma_start3A_1279 = arith.constant 0 : i32
    %dma_start3A_1280 = arith.constant 0 : i32
    %dma_start3A_1281 = tpu.memref_slice %arg7[%dma_start3A_1270, %dma_start3A_1279, %dma_start3A_1280] : memref<4x128x64xf32, #tpu.memory_space<vmem>> -> memref<1x128x64xf32, #tpu.memory_space<vmem>>
    %dma_start3A_1282 = tpu.memref_squeeze %dma_start3A_1281 : memref<1x128x64xf32, #tpu.memory_space<vmem>> -> memref<128x64xf32, #tpu.memory_space<vmem>>
    tpu.enqueue_dma source(%dma_start3A_1282 : memref<128x64xf32, #tpu.memory_space<vmem>>) target(%dma_start3A_1278 : memref<128x64xf32, #tpu.memory_space<hbm>>) target_semaphore(%arg12 : memref<!tpu.dma_semaphore, #tpu.memory_space<semaphore_mem>>)
    %scan3A_1283 = arith.constant 0 : i32
    %scan3A_1284 = arith.constant 0 : i32
    %scan3A_1285 = arith.constant 8 : i32
    %scan3A_1286 = arith.addi %scan3A_1284, %scan3A_1285 : i32
    %scan3A_1287 = arith.constant 1 : i32
    %scan3A_1288 = scf.for %scan3A_1534 = %scan3A_1284 to %scan3A_1286 step %scan3A_1287 iter_args(%scan3A_1535 = %scan3A_1283) -> (i32)  : i32 {
      %mul3A_1536 = arith.constant 16 : i32
      %mul3A_1537 = arith.muli %scan3A_1534, %mul3A_1536 : i32
      %add3A_1538 = arith.constant 3072 : i32
      %add3A_1539 = arith.addi %add3A_1538, %mul3A_1537 : i32
      %iota3A = tpu.iota {dimensions = array<i32: 0>} : vector<16xi32>
      %add3A_1540 = vector.broadcast %add3A_1539 : i32 to vector<16xi32>
      %add3A_1541 = arith.addi %iota3A, %add3A_1540 : vector<16xi32>
      %get3A = arith.index_cast %add3A_1539 : i32 to index
      %get3A_1542 = tpu.vector_load %arg5[%get3A] {strides = array<i32>} : memref<3328xi32, #tpu.memory_space<vmem>>, vector<16xi32>,
      %get3A_1543 = vector.shape_cast %get3A_1542 : vector<16xi32> to vector<16xi32>
      %jit3A = arith.constant 0 : i32
      %jit3A_1544 = arith.constant 999 : i32
      %max3A = vector.broadcast %jit3A : i32 to vector<16xi32>
      %max3A_1545 = arith.maxsi %max3A, %get3A_1543 : vector<16xi32>
      %min3A = vector.broadcast %jit3A_1544 : i32 to vector<16xi32>
      %min3A_1546 = arith.minsi %min3A, %max3A_1545 : vector<16xi32>
      %rem3A = arith.constant 26 : i32
      %rem3A_1547 = vector.broadcast %rem3A : i32 to vector<16xi32>
      %rem3A_1548 = arith.remsi %add3A_1541, %rem3A_1547 : vector<16xi32>
      %mul3A_1549 = arith.constant 1000 : i32
      %mul3A_1550 = vector.broadcast %mul3A_1549 : i32 to vector<16xi32>
      %mul3A_1551 = arith.muli %rem3A_1548, %mul3A_1550 : vector<16xi32>
      %add3A_1552 = arith.addi %mul3A_1551, %min3A_1546 : vector<16xi32>
      %rem3A_1553 = arith.constant 128 : i32
      %rem3A_1554 = arith.remsi %add3A_1539, %rem3A_1553 : i32
      %swap3A = arith.constant 24 : i32
      %swap3A_1555 = arith.index_cast %swap3A : i32 to index
      %swap3A_1556 = arith.index_cast %rem3A_1554 : i32 to index
      %swap3A_1557 = tpu.vector_load %arg6[%swap3A_1555, %swap3A_1556] {strides = array<i32>} : memref<26x128xi32, #tpu.memory_space<vmem>>, vector<1x16xi32>,
      %swap3A_1558 = vector.shape_cast %swap3A_1557 : vector<1x16xi32> to vector<16xi32>
      %swap3A_1559 = vector.shape_cast %add3A_1552 : vector<16xi32> to vector<1x16xi32>
      tpu.vector_store %arg6[%swap3A_1555, %swap3A_1556], %swap3A_1559 {strides = array<i32>} : memref<26x128xi32, #tpu.memory_space<vmem>>, vector<1x16xi32>,
      %scan3A_1560 = arith.constant 0 : i32
      scf.yield %scan3A_1560 : i32
    }
    %scan3A_1289 = arith.constant 8 : i32
    %dma_wait3A_1290 = arith.constant 0 : i32
    %dma_wait3A_1291 = arith.constant 0 : i32
    %dma_wait3A_1292 = arith.constant 0 : i32
    %dma_wait3A_1293 = tpu.memref_slice %arg7[%dma_wait3A_1290, %dma_wait3A_1291, %dma_wait3A_1292] : memref<4x128x64xf32, #tpu.memory_space<vmem>> -> memref<1x128x64xf32, #tpu.memory_space<vmem>>
    %dma_wait3A_1294 = tpu.memref_squeeze %dma_wait3A_1293 : memref<1x128x64xf32, #tpu.memory_space<vmem>> -> memref<128x64xf32, #tpu.memory_space<vmem>>
    %dma_wait3A_1295 = arith.constant 0 : i32
    %dma_wait3A_1296 = tpu.memref_slice %arg4[%add3A_1269, %dma_wait3A_1295] : memref<106496x64xf32, #tpu.memory_space<hbm>> -> memref<128x64xf32, #tpu.memory_space<hbm>>
    %dma_wait3A_1297 = arith.constant 0 : i32
    %dma_wait3A_1298 = tpu.memref_slice %arg4[%add3A_1269, %dma_wait3A_1297] : memref<106496x64xf32, #tpu.memory_space<hbm>> -> memref<128x64xf32, #tpu.memory_space<hbm>>
    %dma_wait3A_1299 = arith.constant 0 : i32
    %dma_wait3A_1300 = arith.constant 0 : i32
    %dma_wait3A_1301 = tpu.memref_slice %arg7[%dma_wait3A_1290, %dma_wait3A_1299, %dma_wait3A_1300] : memref<4x128x64xf32, #tpu.memory_space<vmem>> -> memref<1x128x64xf32, #tpu.memory_space<vmem>>
    %dma_wait3A_1302 = tpu.memref_squeeze %dma_wait3A_1301 : memref<1x128x64xf32, #tpu.memory_space<vmem>> -> memref<128x64xf32, #tpu.memory_space<vmem>>
    tpu.wait_dma2 semaphore(%arg12 : memref<!tpu.dma_semaphore, #tpu.memory_space<semaphore_mem>>) src(%dma_wait3A_1302 : memref<128x64xf32, #tpu.memory_space<vmem>>) dst(%dma_wait3A_1298 : memref<128x64xf32, #tpu.memory_space<hbm>>)
    %dma_start3A_1303 = arith.constant 24 : i32
    %dma_start3A_1304 = arith.constant 0 : i32
    %dma_start3A_1305 = arith.constant 0 : i32
    %dma_start3A_1306 = arith.constant 0 : i32
    %dma_start3A_1307 = tpu.memref_slice %arg7[%dma_start3A_1304, %dma_start3A_1305, %dma_start3A_1306] : memref<4x128x64xf32, #tpu.memory_space<vmem>> -> memref<1x128x64xf32, #tpu.memory_space<vmem>>
    %dma_start3A_1308 = tpu.memref_squeeze %dma_start3A_1307 : memref<1x128x64xf32, #tpu.memory_space<vmem>> -> memref<128x64xf32, #tpu.memory_space<vmem>>
    %dma_start3A_1309 = arith.constant 0 : i32
    %dma_start3A_1310 = tpu.memref_slice %arg6[%dma_start3A_1303, %dma_start3A_1309] : memref<26x128xi32, #tpu.memory_space<vmem>> -> memref<1x128xi32, #tpu.memory_space<vmem>>
    %dma_start3A_1311 = tpu.memref_squeeze %dma_start3A_1310 : memref<1x128xi32, #tpu.memory_space<vmem>> -> memref<128xi32, #tpu.memory_space<vmem>>
    %dma_start3A_1312 = arith.constant 0 : i32
    %dma_start3A_1313 = arith.constant 0 : i32
    %dma_start3A_1314 = tpu.memref_slice %arg2[%dma_start3A_1312, %dma_start3A_1313] : memref<26000x64xf32, #tpu.memory_space<hbm>> -> memref<26000x64xf32, #tpu.memory_space<hbm>>
    tpu.enqueue_indirect_dma source(%dma_start3A_1314 : memref<26000x64xf32, #tpu.memory_space<hbm>>) target(%dma_start3A_1308 : memref<128x64xf32, #tpu.memory_space<vmem>>) offsets(%dma_start3A_1311 : memref<128xi32, #tpu.memory_space<vmem>>) semaphore(%arg8 : memref<!tpu.dma_semaphore, #tpu.memory_space<semaphore_mem>>)
    %dma_wait3A_1315 = arith.constant 21 : i32
    %dma_wait3A_1316 = arith.constant 1 : i32
    %dma_wait3A_1317 = arith.constant 0 : i32
    %dma_wait3A_1318 = arith.constant 0 : i32
    %dma_wait3A_1319 = tpu.memref_slice %arg7[%dma_wait3A_1316, %dma_wait3A_1317, %dma_wait3A_1318] : memref<4x128x64xf32, #tpu.memory_space<vmem>> -> memref<1x128x64xf32, #tpu.memory_space<vmem>>
    %dma_wait3A_1320 = tpu.memref_squeeze %dma_wait3A_1319 : memref<1x128x64xf32, #tpu.memory_space<vmem>> -> memref<128x64xf32, #tpu.memory_space<vmem>>
    %dma_wait3A_1321 = arith.constant 0 : i32
    %dma_wait3A_1322 = tpu.memref_slice %arg6[%dma_wait3A_1315, %dma_wait3A_1321] : memref<26x128xi32, #tpu.memory_space<vmem>> -> memref<1x128xi32, #tpu.memory_space<vmem>>
    %dma_wait3A_1323 = tpu.memref_squeeze %dma_wait3A_1322 : memref<1x128xi32, #tpu.memory_space<vmem>> -> memref<128xi32, #tpu.memory_space<vmem>>
    %dma_wait3A_1324 = arith.constant 0 : i32
    %dma_wait3A_1325 = arith.constant 0 : i32
    %dma_wait3A_1326 = tpu.memref_slice %arg2[%dma_wait3A_1324, %dma_wait3A_1325] : memref<26000x64xf32, #tpu.memory_space<hbm>> -> memref<26000x64xf32, #tpu.memory_space<hbm>>
    tpu.wait_indirect_dma semaphore(%arg9 : memref<!tpu.dma_semaphore, #tpu.memory_space<semaphore_mem>>) src(%dma_wait3A_1326 : memref<26000x64xf32, #tpu.memory_space<hbm>>) dst(%dma_wait3A_1320 : memref<128x64xf32, #tpu.memory_space<vmem>>)
    %add3A_1327 = arith.constant 2688 : i32
    %add3A_1328 = arith.addi %mul3A_2, %add3A_1327 : i32
    %dma_start3A_1329 = arith.constant 1 : i32
    %dma_start3A_1330 = arith.constant 0 : i32
    %dma_start3A_1331 = arith.constant 0 : i32
    %dma_start3A_1332 = tpu.memref_slice %arg7[%dma_start3A_1329, %dma_start3A_1330, %dma_start3A_1331] : memref<4x128x64xf32, #tpu.memory_space<vmem>> -> memref<1x128x64xf32, #tpu.memory_space<vmem>>
    %dma_start3A_1333 = tpu.memref_squeeze %dma_start3A_1332 : memref<1x128x64xf32, #tpu.memory_space<vmem>> -> memref<128x64xf32, #tpu.memory_space<vmem>>
    %dma_start3A_1334 = arith.constant 0 : i32
    %dma_start3A_1335 = tpu.memref_slice %arg4[%add3A_1328, %dma_start3A_1334] : memref<106496x64xf32, #tpu.memory_space<hbm>> -> memref<128x64xf32, #tpu.memory_space<hbm>>
    %dma_start3A_1336 = arith.constant 0 : i32
    %dma_start3A_1337 = tpu.memref_slice %arg4[%add3A_1328, %dma_start3A_1336] : memref<106496x64xf32, #tpu.memory_space<hbm>> -> memref<128x64xf32, #tpu.memory_space<hbm>>
    %dma_start3A_1338 = arith.constant 0 : i32
    %dma_start3A_1339 = arith.constant 0 : i32
    %dma_start3A_1340 = tpu.memref_slice %arg7[%dma_start3A_1329, %dma_start3A_1338, %dma_start3A_1339] : memref<4x128x64xf32, #tpu.memory_space<vmem>> -> memref<1x128x64xf32, #tpu.memory_space<vmem>>
    %dma_start3A_1341 = tpu.memref_squeeze %dma_start3A_1340 : memref<1x128x64xf32, #tpu.memory_space<vmem>> -> memref<128x64xf32, #tpu.memory_space<vmem>>
    tpu.enqueue_dma source(%dma_start3A_1341 : memref<128x64xf32, #tpu.memory_space<vmem>>) target(%dma_start3A_1337 : memref<128x64xf32, #tpu.memory_space<hbm>>) target_semaphore(%arg13 : memref<!tpu.dma_semaphore, #tpu.memory_space<semaphore_mem>>)
    %scan3A_1342 = arith.constant 0 : i32
    %scan3A_1343 = arith.constant 0 : i32
    %scan3A_1344 = arith.constant 8 : i32
    %scan3A_1345 = arith.addi %scan3A_1343, %scan3A_1344 : i32
    %scan3A_1346 = arith.constant 1 : i32
    %scan3A_1347 = scf.for %scan3A_1534 = %scan3A_1343 to %scan3A_1345 step %scan3A_1346 iter_args(%scan3A_1535 = %scan3A_1342) -> (i32)  : i32 {
      %mul3A_1536 = arith.constant 16 : i32
      %mul3A_1537 = arith.muli %scan3A_1534, %mul3A_1536 : i32
      %add3A_1538 = arith.constant 3200 : i32
      %add3A_1539 = arith.addi %add3A_1538, %mul3A_1537 : i32
      %iota3A = tpu.iota {dimensions = array<i32: 0>} : vector<16xi32>
      %add3A_1540 = vector.broadcast %add3A_1539 : i32 to vector<16xi32>
      %add3A_1541 = arith.addi %iota3A, %add3A_1540 : vector<16xi32>
      %get3A = arith.index_cast %add3A_1539 : i32 to index
      %get3A_1542 = tpu.vector_load %arg5[%get3A] {strides = array<i32>} : memref<3328xi32, #tpu.memory_space<vmem>>, vector<16xi32>,
      %get3A_1543 = vector.shape_cast %get3A_1542 : vector<16xi32> to vector<16xi32>
      %jit3A = arith.constant 0 : i32
      %jit3A_1544 = arith.constant 999 : i32
      %max3A = vector.broadcast %jit3A : i32 to vector<16xi32>
      %max3A_1545 = arith.maxsi %max3A, %get3A_1543 : vector<16xi32>
      %min3A = vector.broadcast %jit3A_1544 : i32 to vector<16xi32>
      %min3A_1546 = arith.minsi %min3A, %max3A_1545 : vector<16xi32>
      %rem3A = arith.constant 26 : i32
      %rem3A_1547 = vector.broadcast %rem3A : i32 to vector<16xi32>
      %rem3A_1548 = arith.remsi %add3A_1541, %rem3A_1547 : vector<16xi32>
      %mul3A_1549 = arith.constant 1000 : i32
      %mul3A_1550 = vector.broadcast %mul3A_1549 : i32 to vector<16xi32>
      %mul3A_1551 = arith.muli %rem3A_1548, %mul3A_1550 : vector<16xi32>
      %add3A_1552 = arith.addi %mul3A_1551, %min3A_1546 : vector<16xi32>
      %rem3A_1553 = arith.constant 128 : i32
      %rem3A_1554 = arith.remsi %add3A_1539, %rem3A_1553 : i32
      %swap3A = arith.constant 25 : i32
      %swap3A_1555 = arith.index_cast %swap3A : i32 to index
      %swap3A_1556 = arith.index_cast %rem3A_1554 : i32 to index
      %swap3A_1557 = tpu.vector_load %arg6[%swap3A_1555, %swap3A_1556] {strides = array<i32>} : memref<26x128xi32, #tpu.memory_space<vmem>>, vector<1x16xi32>,
      %swap3A_1558 = vector.shape_cast %swap3A_1557 : vector<1x16xi32> to vector<16xi32>
      %swap3A_1559 = vector.shape_cast %add3A_1552 : vector<16xi32> to vector<1x16xi32>
      tpu.vector_store %arg6[%swap3A_1555, %swap3A_1556], %swap3A_1559 {strides = array<i32>} : memref<26x128xi32, #tpu.memory_space<vmem>>, vector<1x16xi32>,
      %scan3A_1560 = arith.constant 0 : i32
      scf.yield %scan3A_1560 : i32
    }
    %scan3A_1348 = arith.constant 8 : i32
    %dma_wait3A_1349 = arith.constant 1 : i32
    %dma_wait3A_1350 = arith.constant 0 : i32
    %dma_wait3A_1351 = arith.constant 0 : i32
    %dma_wait3A_1352 = tpu.memref_slice %arg7[%dma_wait3A_1349, %dma_wait3A_1350, %dma_wait3A_1351] : memref<4x128x64xf32, #tpu.memory_space<vmem>> -> memref<1x128x64xf32, #tpu.memory_space<vmem>>
    %dma_wait3A_1353 = tpu.memref_squeeze %dma_wait3A_1352 : memref<1x128x64xf32, #tpu.memory_space<vmem>> -> memref<128x64xf32, #tpu.memory_space<vmem>>
    %dma_wait3A_1354 = arith.constant 0 : i32
    %dma_wait3A_1355 = tpu.memref_slice %arg4[%add3A_1328, %dma_wait3A_1354] : memref<106496x64xf32, #tpu.memory_space<hbm>> -> memref<128x64xf32, #tpu.memory_space<hbm>>
    %dma_wait3A_1356 = arith.constant 0 : i32
    %dma_wait3A_1357 = tpu.memref_slice %arg4[%add3A_1328, %dma_wait3A_1356] : memref<106496x64xf32, #tpu.memory_space<hbm>> -> memref<128x64xf32, #tpu.memory_space<hbm>>
    %dma_wait3A_1358 = arith.constant 0 : i32
    %dma_wait3A_1359 = arith.constant 0 : i32
    %dma_wait3A_1360 = tpu.memref_slice %arg7[%dma_wait3A_1349, %dma_wait3A_1358, %dma_wait3A_1359] : memref<4x128x64xf32, #tpu.memory_space<vmem>> -> memref<1x128x64xf32, #tpu.memory_space<vmem>>
    %dma_wait3A_1361 = tpu.memref_squeeze %dma_wait3A_1360 : memref<1x128x64xf32, #tpu.memory_space<vmem>> -> memref<128x64xf32, #tpu.memory_space<vmem>>
    tpu.wait_dma2 semaphore(%arg13 : memref<!tpu.dma_semaphore, #tpu.memory_space<semaphore_mem>>) src(%dma_wait3A_1361 : memref<128x64xf32, #tpu.memory_space<vmem>>) dst(%dma_wait3A_1357 : memref<128x64xf32, #tpu.memory_space<hbm>>)
    %dma_start3A_1362 = arith.constant 25 : i32
    %dma_start3A_1363 = arith.constant 1 : i32
    %dma_start3A_1364 = arith.constant 0 : i32
    %dma_start3A_1365 = arith.constant 0 : i32
    %dma_start3A_1366 = tpu.memref_slice %arg7[%dma_start3A_1363, %dma_start3A_1364, %dma_start3A_1365] : memref<4x128x64xf32, #tpu.memory_space<vmem>> -> memref<1x128x64xf32, #tpu.memory_space<vmem>>
    %dma_start3A_1367 = tpu.memref_squeeze %dma_start3A_1366 : memref<1x128x64xf32, #tpu.memory_space<vmem>> -> memref<128x64xf32, #tpu.memory_space<vmem>>
    %dma_start3A_1368 = arith.constant 0 : i32
    %dma_start3A_1369 = tpu.memref_slice %arg6[%dma_start3A_1362, %dma_start3A_1368] : memref<26x128xi32, #tpu.memory_space<vmem>> -> memref<1x128xi32, #tpu.memory_space<vmem>>
    %dma_start3A_1370 = tpu.memref_squeeze %dma_start3A_1369 : memref<1x128xi32, #tpu.memory_space<vmem>> -> memref<128xi32, #tpu.memory_space<vmem>>
    %dma_start3A_1371 = arith.constant 0 : i32
    %dma_start3A_1372 = arith.constant 0 : i32
    %dma_start3A_1373 = tpu.memref_slice %arg2[%dma_start3A_1371, %dma_start3A_1372] : memref<26000x64xf32, #tpu.memory_space<hbm>> -> memref<26000x64xf32, #tpu.memory_space<hbm>>
    tpu.enqueue_indirect_dma source(%dma_start3A_1373 : memref<26000x64xf32, #tpu.memory_space<hbm>>) target(%dma_start3A_1367 : memref<128x64xf32, #tpu.memory_space<vmem>>) offsets(%dma_start3A_1370 : memref<128xi32, #tpu.memory_space<vmem>>) semaphore(%arg9 : memref<!tpu.dma_semaphore, #tpu.memory_space<semaphore_mem>>)
    %dma_wait3A_1374 = arith.constant 22 : i32
    %dma_wait3A_1375 = arith.constant 2 : i32
    %dma_wait3A_1376 = arith.constant 0 : i32
    %dma_wait3A_1377 = arith.constant 0 : i32
    %dma_wait3A_1378 = tpu.memref_slice %arg7[%dma_wait3A_1375, %dma_wait3A_1376, %dma_wait3A_1377] : memref<4x128x64xf32, #tpu.memory_space<vmem>> -> memref<1x128x64xf32, #tpu.memory_space<vmem>>
    %dma_wait3A_1379 = tpu.memref_squeeze %dma_wait3A_1378 : memref<1x128x64xf32, #tpu.memory_space<vmem>> -> memref<128x64xf32, #tpu.memory_space<vmem>>
    %dma_wait3A_1380 = arith.constant 0 : i32
    %dma_wait3A_1381 = tpu.memref_slice %arg6[%dma_wait3A_1374, %dma_wait3A_1380] : memref<26x128xi32, #tpu.memory_space<vmem>> -> memref<1x128xi32, #tpu.memory_space<vmem>>
    %dma_wait3A_1382 = tpu.memref_squeeze %dma_wait3A_1381 : memref<1x128xi32, #tpu.memory_space<vmem>> -> memref<128xi32, #tpu.memory_space<vmem>>
    %dma_wait3A_1383 = arith.constant 0 : i32
    %dma_wait3A_1384 = arith.constant 0 : i32
    %dma_wait3A_1385 = tpu.memref_slice %arg2[%dma_wait3A_1383, %dma_wait3A_1384] : memref<26000x64xf32, #tpu.memory_space<hbm>> -> memref<26000x64xf32, #tpu.memory_space<hbm>>
    tpu.wait_indirect_dma semaphore(%arg10 : memref<!tpu.dma_semaphore, #tpu.memory_space<semaphore_mem>>) src(%dma_wait3A_1385 : memref<26000x64xf32, #tpu.memory_space<hbm>>) dst(%dma_wait3A_1379 : memref<128x64xf32, #tpu.memory_space<vmem>>)
    %add3A_1386 = arith.constant 2816 : i32
    %add3A_1387 = arith.addi %mul3A_2, %add3A_1386 : i32
    %dma_start3A_1388 = arith.constant 2 : i32
    %dma_start3A_1389 = arith.constant 0 : i32
    %dma_start3A_1390 = arith.constant 0 : i32
    %dma_start3A_1391 = tpu.memref_slice %arg7[%dma_start3A_1388, %dma_start3A_1389, %dma_start3A_1390] : memref<4x128x64xf32, #tpu.memory_space<vmem>> -> memref<1x128x64xf32, #tpu.memory_space<vmem>>
    %dma_start3A_1392 = tpu.memref_squeeze %dma_start3A_1391 : memref<1x128x64xf32, #tpu.memory_space<vmem>> -> memref<128x64xf32, #tpu.memory_space<vmem>>
    %dma_start3A_1393 = arith.constant 0 : i32
    %dma_start3A_1394 = tpu.memref_slice %arg4[%add3A_1387, %dma_start3A_1393] : memref<106496x64xf32, #tpu.memory_space<hbm>> -> memref<128x64xf32, #tpu.memory_space<hbm>>
    %dma_start3A_1395 = arith.constant 0 : i32
    %dma_start3A_1396 = tpu.memref_slice %arg4[%add3A_1387, %dma_start3A_1395] : memref<106496x64xf32, #tpu.memory_space<hbm>> -> memref<128x64xf32, #tpu.memory_space<hbm>>
    %dma_start3A_1397 = arith.constant 0 : i32
    %dma_start3A_1398 = arith.constant 0 : i32
    %dma_start3A_1399 = tpu.memref_slice %arg7[%dma_start3A_1388, %dma_start3A_1397, %dma_start3A_1398] : memref<4x128x64xf32, #tpu.memory_space<vmem>> -> memref<1x128x64xf32, #tpu.memory_space<vmem>>
    %dma_start3A_1400 = tpu.memref_squeeze %dma_start3A_1399 : memref<1x128x64xf32, #tpu.memory_space<vmem>> -> memref<128x64xf32, #tpu.memory_space<vmem>>
    tpu.enqueue_dma source(%dma_start3A_1400 : memref<128x64xf32, #tpu.memory_space<vmem>>) target(%dma_start3A_1396 : memref<128x64xf32, #tpu.memory_space<hbm>>) target_semaphore(%arg14 : memref<!tpu.dma_semaphore, #tpu.memory_space<semaphore_mem>>)
    %dma_wait3A_1401 = arith.constant 23 : i32
    %dma_wait3A_1402 = arith.constant 3 : i32
    %dma_wait3A_1403 = arith.constant 0 : i32
    %dma_wait3A_1404 = arith.constant 0 : i32
    %dma_wait3A_1405 = tpu.memref_slice %arg7[%dma_wait3A_1402, %dma_wait3A_1403, %dma_wait3A_1404] : memref<4x128x64xf32, #tpu.memory_space<vmem>> -> memref<1x128x64xf32, #tpu.memory_space<vmem>>
    %dma_wait3A_1406 = tpu.memref_squeeze %dma_wait3A_1405 : memref<1x128x64xf32, #tpu.memory_space<vmem>> -> memref<128x64xf32, #tpu.memory_space<vmem>>
    %dma_wait3A_1407 = arith.constant 0 : i32
    %dma_wait3A_1408 = tpu.memref_slice %arg6[%dma_wait3A_1401, %dma_wait3A_1407] : memref<26x128xi32, #tpu.memory_space<vmem>> -> memref<1x128xi32, #tpu.memory_space<vmem>>
    %dma_wait3A_1409 = tpu.memref_squeeze %dma_wait3A_1408 : memref<1x128xi32, #tpu.memory_space<vmem>> -> memref<128xi32, #tpu.memory_space<vmem>>
    %dma_wait3A_1410 = arith.constant 0 : i32
    %dma_wait3A_1411 = arith.constant 0 : i32
    %dma_wait3A_1412 = tpu.memref_slice %arg2[%dma_wait3A_1410, %dma_wait3A_1411] : memref<26000x64xf32, #tpu.memory_space<hbm>> -> memref<26000x64xf32, #tpu.memory_space<hbm>>
    tpu.wait_indirect_dma semaphore(%arg11 : memref<!tpu.dma_semaphore, #tpu.memory_space<semaphore_mem>>) src(%dma_wait3A_1412 : memref<26000x64xf32, #tpu.memory_space<hbm>>) dst(%dma_wait3A_1406 : memref<128x64xf32, #tpu.memory_space<vmem>>)
    %add3A_1413 = arith.constant 2944 : i32
    %add3A_1414 = arith.addi %mul3A_2, %add3A_1413 : i32
    %dma_start3A_1415 = arith.constant 3 : i32
    %dma_start3A_1416 = arith.constant 0 : i32
    %dma_start3A_1417 = arith.constant 0 : i32
    %dma_start3A_1418 = tpu.memref_slice %arg7[%dma_start3A_1415, %dma_start3A_1416, %dma_start3A_1417] : memref<4x128x64xf32, #tpu.memory_space<vmem>> -> memref<1x128x64xf32, #tpu.memory_space<vmem>>
    %dma_start3A_1419 = tpu.memref_squeeze %dma_start3A_1418 : memref<1x128x64xf32, #tpu.memory_space<vmem>> -> memref<128x64xf32, #tpu.memory_space<vmem>>
    %dma_start3A_1420 = arith.constant 0 : i32
    %dma_start3A_1421 = tpu.memref_slice %arg4[%add3A_1414, %dma_start3A_1420] : memref<106496x64xf32, #tpu.memory_space<hbm>> -> memref<128x64xf32, #tpu.memory_space<hbm>>
    %dma_start3A_1422 = arith.constant 0 : i32
    %dma_start3A_1423 = tpu.memref_slice %arg4[%add3A_1414, %dma_start3A_1422] : memref<106496x64xf32, #tpu.memory_space<hbm>> -> memref<128x64xf32, #tpu.memory_space<hbm>>
    %dma_start3A_1424 = arith.constant 0 : i32
    %dma_start3A_1425 = arith.constant 0 : i32
    %dma_start3A_1426 = tpu.memref_slice %arg7[%dma_start3A_1415, %dma_start3A_1424, %dma_start3A_1425] : memref<4x128x64xf32, #tpu.memory_space<vmem>> -> memref<1x128x64xf32, #tpu.memory_space<vmem>>
    %dma_start3A_1427 = tpu.memref_squeeze %dma_start3A_1426 : memref<1x128x64xf32, #tpu.memory_space<vmem>> -> memref<128x64xf32, #tpu.memory_space<vmem>>
    tpu.enqueue_dma source(%dma_start3A_1427 : memref<128x64xf32, #tpu.memory_space<vmem>>) target(%dma_start3A_1423 : memref<128x64xf32, #tpu.memory_space<hbm>>) target_semaphore(%arg15 : memref<!tpu.dma_semaphore, #tpu.memory_space<semaphore_mem>>)
    %dma_wait3A_1428 = arith.constant 24 : i32
    %dma_wait3A_1429 = arith.constant 0 : i32
    %dma_wait3A_1430 = arith.constant 0 : i32
    %dma_wait3A_1431 = arith.constant 0 : i32
    %dma_wait3A_1432 = tpu.memref_slice %arg7[%dma_wait3A_1429, %dma_wait3A_1430, %dma_wait3A_1431] : memref<4x128x64xf32, #tpu.memory_space<vmem>> -> memref<1x128x64xf32, #tpu.memory_space<vmem>>
    %dma_wait3A_1433 = tpu.memref_squeeze %dma_wait3A_1432 : memref<1x128x64xf32, #tpu.memory_space<vmem>> -> memref<128x64xf32, #tpu.memory_space<vmem>>
    %dma_wait3A_1434 = arith.constant 0 : i32
    %dma_wait3A_1435 = tpu.memref_slice %arg6[%dma_wait3A_1428, %dma_wait3A_1434] : memref<26x128xi32, #tpu.memory_space<vmem>> -> memref<1x128xi32, #tpu.memory_space<vmem>>
    %dma_wait3A_1436 = tpu.memref_squeeze %dma_wait3A_1435 : memref<1x128xi32, #tpu.memory_space<vmem>> -> memref<128xi32, #tpu.memory_space<vmem>>
    %dma_wait3A_1437 = arith.constant 0 : i32
    %dma_wait3A_1438 = arith.constant 0 : i32
    %dma_wait3A_1439 = tpu.memref_slice %arg2[%dma_wait3A_1437, %dma_wait3A_1438] : memref<26000x64xf32, #tpu.memory_space<hbm>> -> memref<26000x64xf32, #tpu.memory_space<hbm>>
    tpu.wait_indirect_dma semaphore(%arg8 : memref<!tpu.dma_semaphore, #tpu.memory_space<semaphore_mem>>) src(%dma_wait3A_1439 : memref<26000x64xf32, #tpu.memory_space<hbm>>) dst(%dma_wait3A_1433 : memref<128x64xf32, #tpu.memory_space<vmem>>)
    %add3A_1440 = arith.constant 3072 : i32
    %add3A_1441 = arith.addi %mul3A_2, %add3A_1440 : i32
    %dma_start3A_1442 = arith.constant 0 : i32
    %dma_start3A_1443 = arith.constant 0 : i32
    %dma_start3A_1444 = arith.constant 0 : i32
    %dma_start3A_1445 = tpu.memref_slice %arg7[%dma_start3A_1442, %dma_start3A_1443, %dma_start3A_1444] : memref<4x128x64xf32, #tpu.memory_space<vmem>> -> memref<1x128x64xf32, #tpu.memory_space<vmem>>
    %dma_start3A_1446 = tpu.memref_squeeze %dma_start3A_1445 : memref<1x128x64xf32, #tpu.memory_space<vmem>> -> memref<128x64xf32, #tpu.memory_space<vmem>>
    %dma_start3A_1447 = arith.constant 0 : i32
    %dma_start3A_1448 = tpu.memref_slice %arg4[%add3A_1441, %dma_start3A_1447] : memref<106496x64xf32, #tpu.memory_space<hbm>> -> memref<128x64xf32, #tpu.memory_space<hbm>>
    %dma_start3A_1449 = arith.constant 0 : i32
    %dma_start3A_1450 = tpu.memref_slice %arg4[%add3A_1441, %dma_start3A_1449] : memref<106496x64xf32, #tpu.memory_space<hbm>> -> memref<128x64xf32, #tpu.memory_space<hbm>>
    %dma_start3A_1451 = arith.constant 0 : i32
    %dma_start3A_1452 = arith.constant 0 : i32
    %dma_start3A_1453 = tpu.memref_slice %arg7[%dma_start3A_1442, %dma_start3A_1451, %dma_start3A_1452] : memref<4x128x64xf32, #tpu.memory_space<vmem>> -> memref<1x128x64xf32, #tpu.memory_space<vmem>>
    %dma_start3A_1454 = tpu.memref_squeeze %dma_start3A_1453 : memref<1x128x64xf32, #tpu.memory_space<vmem>> -> memref<128x64xf32, #tpu.memory_space<vmem>>
    tpu.enqueue_dma source(%dma_start3A_1454 : memref<128x64xf32, #tpu.memory_space<vmem>>) target(%dma_start3A_1450 : memref<128x64xf32, #tpu.memory_space<hbm>>) target_semaphore(%arg12 : memref<!tpu.dma_semaphore, #tpu.memory_space<semaphore_mem>>)
    %dma_wait3A_1455 = arith.constant 25 : i32
    %dma_wait3A_1456 = arith.constant 1 : i32
    %dma_wait3A_1457 = arith.constant 0 : i32
    %dma_wait3A_1458 = arith.constant 0 : i32
    %dma_wait3A_1459 = tpu.memref_slice %arg7[%dma_wait3A_1456, %dma_wait3A_1457, %dma_wait3A_1458] : memref<4x128x64xf32, #tpu.memory_space<vmem>> -> memref<1x128x64xf32, #tpu.memory_space<vmem>>
    %dma_wait3A_1460 = tpu.memref_squeeze %dma_wait3A_1459 : memref<1x128x64xf32, #tpu.memory_space<vmem>> -> memref<128x64xf32, #tpu.memory_space<vmem>>
    %dma_wait3A_1461 = arith.constant 0 : i32
    %dma_wait3A_1462 = tpu.memref_slice %arg6[%dma_wait3A_1455, %dma_wait3A_1461] : memref<26x128xi32, #tpu.memory_space<vmem>> -> memref<1x128xi32, #tpu.memory_space<vmem>>
    %dma_wait3A_1463 = tpu.memref_squeeze %dma_wait3A_1462 : memref<1x128xi32, #tpu.memory_space<vmem>> -> memref<128xi32, #tpu.memory_space<vmem>>
    %dma_wait3A_1464 = arith.constant 0 : i32
    %dma_wait3A_1465 = arith.constant 0 : i32
    %dma_wait3A_1466 = tpu.memref_slice %arg2[%dma_wait3A_1464, %dma_wait3A_1465] : memref<26000x64xf32, #tpu.memory_space<hbm>> -> memref<26000x64xf32, #tpu.memory_space<hbm>>
    tpu.wait_indirect_dma semaphore(%arg9 : memref<!tpu.dma_semaphore, #tpu.memory_space<semaphore_mem>>) src(%dma_wait3A_1466 : memref<26000x64xf32, #tpu.memory_space<hbm>>) dst(%dma_wait3A_1460 : memref<128x64xf32, #tpu.memory_space<vmem>>)
    %add3A_1467 = arith.constant 3200 : i32
    %add3A_1468 = arith.addi %mul3A_2, %add3A_1467 : i32
    %dma_start3A_1469 = arith.constant 1 : i32
    %dma_start3A_1470 = arith.constant 0 : i32
    %dma_start3A_1471 = arith.constant 0 : i32
    %dma_start3A_1472 = tpu.memref_slice %arg7[%dma_start3A_1469, %dma_start3A_1470, %dma_start3A_1471] : memref<4x128x64xf32, #tpu.memory_space<vmem>> -> memref<1x128x64xf32, #tpu.memory_space<vmem>>
    %dma_start3A_1473 = tpu.memref_squeeze %dma_start3A_1472 : memref<1x128x64xf32, #tpu.memory_space<vmem>> -> memref<128x64xf32, #tpu.memory_space<vmem>>
    %dma_start3A_1474 = arith.constant 0 : i32
    %dma_start3A_1475 = tpu.memref_slice %arg4[%add3A_1468, %dma_start3A_1474] : memref<106496x64xf32, #tpu.memory_space<hbm>> -> memref<128x64xf32, #tpu.memory_space<hbm>>
    %dma_start3A_1476 = arith.constant 0 : i32
    %dma_start3A_1477 = tpu.memref_slice %arg4[%add3A_1468, %dma_start3A_1476] : memref<106496x64xf32, #tpu.memory_space<hbm>> -> memref<128x64xf32, #tpu.memory_space<hbm>>
    %dma_start3A_1478 = arith.constant 0 : i32
    %dma_start3A_1479 = arith.constant 0 : i32
    %dma_start3A_1480 = tpu.memref_slice %arg7[%dma_start3A_1469, %dma_start3A_1478, %dma_start3A_1479] : memref<4x128x64xf32, #tpu.memory_space<vmem>> -> memref<1x128x64xf32, #tpu.memory_space<vmem>>
    %dma_start3A_1481 = tpu.memref_squeeze %dma_start3A_1480 : memref<1x128x64xf32, #tpu.memory_space<vmem>> -> memref<128x64xf32, #tpu.memory_space<vmem>>
    tpu.enqueue_dma source(%dma_start3A_1481 : memref<128x64xf32, #tpu.memory_space<vmem>>) target(%dma_start3A_1477 : memref<128x64xf32, #tpu.memory_space<hbm>>) target_semaphore(%arg13 : memref<!tpu.dma_semaphore, #tpu.memory_space<semaphore_mem>>)
    %dma_wait3A_1482 = arith.constant 0 : i32
    %dma_wait3A_1483 = arith.constant 0 : i32
    %dma_wait3A_1484 = arith.constant 0 : i32
    %dma_wait3A_1485 = tpu.memref_slice %arg7[%dma_wait3A_1482, %dma_wait3A_1483, %dma_wait3A_1484] : memref<4x128x64xf32, #tpu.memory_space<vmem>> -> memref<1x128x64xf32, #tpu.memory_space<vmem>>
    %dma_wait3A_1486 = tpu.memref_squeeze %dma_wait3A_1485 : memref<1x128x64xf32, #tpu.memory_space<vmem>> -> memref<128x64xf32, #tpu.memory_space<vmem>>
    %dma_wait3A_1487 = arith.constant 0 : i32
    %dma_wait3A_1488 = tpu.memref_slice %arg4[%add3A_1441, %dma_wait3A_1487] : memref<106496x64xf32, #tpu.memory_space<hbm>> -> memref<128x64xf32, #tpu.memory_space<hbm>>
    %dma_wait3A_1489 = arith.constant 0 : i32
    %dma_wait3A_1490 = tpu.memref_slice %arg4[%add3A_1441, %dma_wait3A_1489] : memref<106496x64xf32, #tpu.memory_space<hbm>> -> memref<128x64xf32, #tpu.memory_space<hbm>>
    %dma_wait3A_1491 = arith.constant 0 : i32
    %dma_wait3A_1492 = arith.constant 0 : i32
    %dma_wait3A_1493 = tpu.memref_slice %arg7[%dma_wait3A_1482, %dma_wait3A_1491, %dma_wait3A_1492] : memref<4x128x64xf32, #tpu.memory_space<vmem>> -> memref<1x128x64xf32, #tpu.memory_space<vmem>>
    %dma_wait3A_1494 = tpu.memref_squeeze %dma_wait3A_1493 : memref<1x128x64xf32, #tpu.memory_space<vmem>> -> memref<128x64xf32, #tpu.memory_space<vmem>>
    tpu.wait_dma2 semaphore(%arg12 : memref<!tpu.dma_semaphore, #tpu.memory_space<semaphore_mem>>) src(%dma_wait3A_1494 : memref<128x64xf32, #tpu.memory_space<vmem>>) dst(%dma_wait3A_1490 : memref<128x64xf32, #tpu.memory_space<hbm>>)
    %dma_wait3A_1495 = arith.constant 1 : i32
    %dma_wait3A_1496 = arith.constant 0 : i32
    %dma_wait3A_1497 = arith.constant 0 : i32
    %dma_wait3A_1498 = tpu.memref_slice %arg7[%dma_wait3A_1495, %dma_wait3A_1496, %dma_wait3A_1497] : memref<4x128x64xf32, #tpu.memory_space<vmem>> -> memref<1x128x64xf32, #tpu.memory_space<vmem>>
    %dma_wait3A_1499 = tpu.memref_squeeze %dma_wait3A_1498 : memref<1x128x64xf32, #tpu.memory_space<vmem>> -> memref<128x64xf32, #tpu.memory_space<vmem>>
    %dma_wait3A_1500 = arith.constant 0 : i32
    %dma_wait3A_1501 = tpu.memref_slice %arg4[%add3A_1468, %dma_wait3A_1500] : memref<106496x64xf32, #tpu.memory_space<hbm>> -> memref<128x64xf32, #tpu.memory_space<hbm>>
    %dma_wait3A_1502 = arith.constant 0 : i32
    %dma_wait3A_1503 = tpu.memref_slice %arg4[%add3A_1468, %dma_wait3A_1502] : memref<106496x64xf32, #tpu.memory_space<hbm>> -> memref<128x64xf32, #tpu.memory_space<hbm>>
    %dma_wait3A_1504 = arith.constant 0 : i32
    %dma_wait3A_1505 = arith.constant 0 : i32
    %dma_wait3A_1506 = tpu.memref_slice %arg7[%dma_wait3A_1495, %dma_wait3A_1504, %dma_wait3A_1505] : memref<4x128x64xf32, #tpu.memory_space<vmem>> -> memref<1x128x64xf32, #tpu.memory_space<vmem>>
    %dma_wait3A_1507 = tpu.memref_squeeze %dma_wait3A_1506 : memref<1x128x64xf32, #tpu.memory_space<vmem>> -> memref<128x64xf32, #tpu.memory_space<vmem>>
    tpu.wait_dma2 semaphore(%arg13 : memref<!tpu.dma_semaphore, #tpu.memory_space<semaphore_mem>>) src(%dma_wait3A_1507 : memref<128x64xf32, #tpu.memory_space<vmem>>) dst(%dma_wait3A_1503 : memref<128x64xf32, #tpu.memory_space<hbm>>)
    %dma_wait3A_1508 = arith.constant 2 : i32
    %dma_wait3A_1509 = arith.constant 0 : i32
    %dma_wait3A_1510 = arith.constant 0 : i32
    %dma_wait3A_1511 = tpu.memref_slice %arg7[%dma_wait3A_1508, %dma_wait3A_1509, %dma_wait3A_1510] : memref<4x128x64xf32, #tpu.memory_space<vmem>> -> memref<1x128x64xf32, #tpu.memory_space<vmem>>
    %dma_wait3A_1512 = tpu.memref_squeeze %dma_wait3A_1511 : memref<1x128x64xf32, #tpu.memory_space<vmem>> -> memref<128x64xf32, #tpu.memory_space<vmem>>
    %dma_wait3A_1513 = arith.constant 0 : i32
    %dma_wait3A_1514 = tpu.memref_slice %arg4[%add3A_1387, %dma_wait3A_1513] : memref<106496x64xf32, #tpu.memory_space<hbm>> -> memref<128x64xf32, #tpu.memory_space<hbm>>
    %dma_wait3A_1515 = arith.constant 0 : i32
    %dma_wait3A_1516 = tpu.memref_slice %arg4[%add3A_1387, %dma_wait3A_1515] : memref<106496x64xf32, #tpu.memory_space<hbm>> -> memref<128x64xf32, #tpu.memory_space<hbm>>
    %dma_wait3A_1517 = arith.constant 0 : i32
    %dma_wait3A_1518 = arith.constant 0 : i32
    %dma_wait3A_1519 = tpu.memref_slice %arg7[%dma_wait3A_1508, %dma_wait3A_1517, %dma_wait3A_1518] : memref<4x128x64xf32, #tpu.memory_space<vmem>> -> memref<1x128x64xf32, #tpu.memory_space<vmem>>
    %dma_wait3A_1520 = tpu.memref_squeeze %dma_wait3A_1519 : memref<1x128x64xf32, #tpu.memory_space<vmem>> -> memref<128x64xf32, #tpu.memory_space<vmem>>
    tpu.wait_dma2 semaphore(%arg14 : memref<!tpu.dma_semaphore, #tpu.memory_space<semaphore_mem>>) src(%dma_wait3A_1520 : memref<128x64xf32, #tpu.memory_space<vmem>>) dst(%dma_wait3A_1516 : memref<128x64xf32, #tpu.memory_space<hbm>>)
    %dma_wait3A_1521 = arith.constant 3 : i32
    %dma_wait3A_1522 = arith.constant 0 : i32
    %dma_wait3A_1523 = arith.constant 0 : i32
    %dma_wait3A_1524 = tpu.memref_slice %arg7[%dma_wait3A_1521, %dma_wait3A_1522, %dma_wait3A_1523] : memref<4x128x64xf32, #tpu.memory_space<vmem>> -> memref<1x128x64xf32, #tpu.memory_space<vmem>>
    %dma_wait3A_1525 = tpu.memref_squeeze %dma_wait3A_1524 : memref<1x128x64xf32, #tpu.memory_space<vmem>> -> memref<128x64xf32, #tpu.memory_space<vmem>>
    %dma_wait3A_1526 = arith.constant 0 : i32
    %dma_wait3A_1527 = tpu.memref_slice %arg4[%add3A_1414, %dma_wait3A_1526] : memref<106496x64xf32, #tpu.memory_space<hbm>> -> memref<128x64xf32, #tpu.memory_space<hbm>>
    %dma_wait3A_1528 = arith.constant 0 : i32
    %dma_wait3A_1529 = tpu.memref_slice %arg4[%add3A_1414, %dma_wait3A_1528] : memref<106496x64xf32, #tpu.memory_space<hbm>> -> memref<128x64xf32, #tpu.memory_space<hbm>>
    %dma_wait3A_1530 = arith.constant 0 : i32
    %dma_wait3A_1531 = arith.constant 0 : i32
    %dma_wait3A_1532 = tpu.memref_slice %arg7[%dma_wait3A_1521, %dma_wait3A_1530, %dma_wait3A_1531] : memref<4x128x64xf32, #tpu.memory_space<vmem>> -> memref<1x128x64xf32, #tpu.memory_space<vmem>>
    %dma_wait3A_1533 = tpu.memref_squeeze %dma_wait3A_1532 : memref<1x128x64xf32, #tpu.memory_space<vmem>> -> memref<128x64xf32, #tpu.memory_space<vmem>>
    tpu.wait_dma2 semaphore(%arg15 : memref<!tpu.dma_semaphore, #tpu.memory_space<semaphore_mem>>) src(%dma_wait3A_1533 : memref<128x64xf32, #tpu.memory_space<vmem>>) dst(%dma_wait3A_1529 : memref<128x64xf32, #tpu.memory_space<hbm>>)
    return
  }
}

</mosaic_0001>

<sc_bundles>
// kernel: kernel.3.cloned.1.call-start
scs
__scs_entry_jumppad:
0x0: {  	(pc) =	sbr.rel $0x88, $3  }
0x1: {  	(tag) =	ssettag $0x0;
	lr =	simm.s32 $0x1  }
0x2: {  	[smem:$0x3F9F] =	sst lr;
	_ =	strace $0xD0000000  }
0x3: {  	_ = 	snop  }
0x4: {  	_ = 	snop  }
0x5: {  	_ = 	snop  }
0x6: {  	_ = 	snop  }
0x7: {  	_ = 	snop  }
__scs_overlays_trampoline_lowered:
0x8: {  	[smem:$0x3FAE] =	sst s0  }
0x9: {  	[smem:$0x3FAF] =	sst s1  }
0xa: {  	[smem:$0x3FB0] =	sst s2  }
0xb: {  	[smem:$0x3FB1] =	sst s3  }
0xc: {  	[smem:$0x3FB2] =	sst s4  }
0xd: {  	[smem:$0x3FB3] =	sst s5  }
0xe: {  	[smem:$0x3FB4] =	sst s6  }
0xf: {  	[smem:$0x3FB5] =	sst s7  }
0x10: {  	[smem:$0x3FB6] =	sst s8  }
0x11: {  	[smem:$0x3FB7] =	sst s9;
	s0 =	simm.s32 @!p0 $0x0  }
0x12: {  	s1 =	sld [smem:$0x3F9D];
	s0 =	simm.s32 @p0 $0x1  }
0x13: {  	[smem:$0x3FB8] =	sst s0;
	s0 =	simm.s32 @!p1 $0x0  }
0x14: {  	s2 =	sld [smem:$0x3F9C];
	s0 =	simm.s32 @p1 $0x1  }
0x15: {  	[smem:$0x3FB9] =	sst s0;
	s0 =	simm.s32 @!p2 $0x0  }
0x16: {  	s3 =	sld [smem:$0x3FDB];
	s0 =	simm.s32 @p2 $0x1  }
0x17: {  	s4 =	simm.s32 $0x1BF5;
	[smem:$0x3FBB] =	sst s0  }
0x18: {  	s0 =	sld [smem:$0x3F9E];
	_ =	swait.ge [sflag:s4], $0x0  }
0x19: {  	s7 =	sld [smem:$0x3F9F]  }
0x1a: {  	s8 =	sadd.s32 $0xFFFFE003, lr  }
0x1b: {  	s9 =	sadd.s32 $0xFFFFFEF7, lr;
	s5 =	simm.s32 $0xFFFFFFFF;
	p2 =	slt.u32 s8, $0xFFFFF086  }
0x1c: {  	p1 =	slt.u32 s9, $0xF7A;
	s5 =	simm.s32 @!p2 $0x0  }
0x1d: {  	s5 =	simm.s32 @p1 $0x1;
	p0 =	seq.s32 s7, s2  }
0x1e: {  	s7 =	smul.u32 @!p0 $0xF7A, s2;
	p2 =	seq.s32 @!p0 s5, $0x0  }
0x1f: {  	s9 =	smul.u32 $0xF7A, s1;
	s8 =	simm.s32 @!p0 $0x1BF5;
	p2 =	por !p2, p0  }
0x20: {  	[sflag:s8] =	ssyncset.s32 @!p0 $0xFFFFF086;
	s6 =	sadd.s32 @!p0 s3, s7;
	s7 =	simm.s32 @!p0 $0x108  }
0x21: {  	s3 =	sadd.s32 s3, s9;
	s6 =	sadd.s32 @!p0 $0x88, s6;
	s7 =	simm.s32 @p2 $0x1082  }
0x22: {  	[simem:s7], [sflag:s8] =	dma.local @!p0 [hbm:s6], $0xF7A  }
0x23: {  	s9 =	sor.u32 $0xD0000000, s2;
	s6 =	simm.s32 $0x108;
	_ =	swait.ge @!p0 [sflag:s8], $0x0  }
0x24: {  	s3 =	sadd.s32 $0x88, s3;
	s6 =	simm.s32 @!p1 $0x1082;
	[sflag:s4] =	ssyncset.s32 $0xFFFFF086  }
0x25: {  	[simem:s6], [sflag:s4] =	dma.local [hbm:s3], $0xF7A  }
0x26: {  	[smem:$0x3F9F] =	sst s1;
	(tag) =	ssettag s2;
	_ =	strace s9  }
0x27: {  	s1 =	sld [smem:$0x3FAF]  }
0x28: {  	s2 =	sld [smem:$0x3FB0]  }
0x29: {  	s4 =	sld [smem:$0x3FB2]  }
0x2a: {  	p0 =	seq.s32 s5, $0x0;
	s5 =	sld [smem:$0x3FB3]  }
0x2b: {  	s6 =	sld [smem:$0x3FB4]  }
0x2c: {  	s7 =	sld [smem:$0x3FB5]  }
0x2d: {  	s3 =	simm.s32 $0x108;
	s8 =	sld [smem:$0x3FB6]  }
0x2e: {  	s3 =	simm.s32 @!p0 $0x1082;
	s9 =	sld [smem:$0x3FB7]  }
0x2f: {  	lr =	sadd.s32 s0, s3;
	s0 =	sld [smem:$0x3FAE]  }
0x30: {  	s3 =	sld [smem:$0x3FB1]  }
0x31: {  	[smem:$0x3FBA] =	sst s10  }
0x32: {  	s10 =	sld [smem:$0x3FB8];
	_ =	sdelay $0x3  }
0x33: {  	p0 =	seq.s32 s10, $0x1;
	s10 =	sld [smem:$0x3FBA];
	_ =	sdelay $0x3  }
0x34: {  	[smem:$0x3FBA] =	sst s10  }
0x35: {  	s10 =	sld [smem:$0x3FB9];
	_ =	sdelay $0x3  }
0x36: {  	p1 =	seq.s32 s10, $0x1;
	s10 =	sld [smem:$0x3FBA];
	_ =	sdelay $0x3  }
0x37: {  	[smem:$0x3FBA] =	sst s10  }
0x38: {  	s10 =	sld [smem:$0x3FBB]  }
0x39: {  	_ = 	snop;
	(pc) =	sbr.ind lr, $3  }
0x3a: {  	_ = 	snop  }
0x3b: {  	_ = 	snop  }
0x3c: {  	p2 =	seq.s32 s10, $0x1;
	s10 =	sld [smem:$0x3FBA]  }
0x3d: {  	_ =	shalt  }
0x3e: {  	_ =	shalt  }
0x3f: {  	_ =	shalt  }
0x40: {  	_ =	shalt  }
0x41: {  	_ =	shalt  }
0x42: {  	_ =	shalt  }
0x43: {  	_ =	shalt  }
0x44: {  	_ =	shalt  }
0x45: {  	_ =	shalt  }
0x46: {  	_ =	shalt  }
0x47: {  	_ =	shalt  }
0x48: {  	_ =	shalt  }
0x49: {  	_ =	shalt  }
0x4a: {  	_ =	shalt  }
0x4b: {  	_ =	shalt  }
0x4c: {  	_ =	shalt  }
0x4d: {  	_ =	shalt  }
0x4e: {  	_ =	shalt  }
0x4f: {  	_ =	shalt  }
0x50: {  	_ =	shalt  }
0x51: {  	_ =	shalt  }
0x52: {  	_ =	shalt  }
0x53: {  	_ =	shalt  }
0x54: {  	_ =	shalt  }
0x55: {  	_ =	shalt  }
0x56: {  	_ =	shalt  }
0x57: {  	_ =	shalt  }
0x58: {  	_ =	shalt  }
0x59: {  	_ =	shalt  }
0x5a: {  	_ =	shalt  }
0x5b: {  	_ =	shalt  }
0x5c: {  	_ =	shalt  }
0x5d: {  	_ =	shalt  }
0x5e: {  	_ =	shalt  }
0x5f: {  	_ =	shalt  }
0x60: {  	_ =	shalt  }
0x61: {  	_ =	shalt  }
0x62: {  	_ =	shalt  }
0x63: {  	_ =	shalt  }
0x64: {  	_ =	shalt  }
0x65: {  	_ =	shalt  }
0x66: {  	_ =	shalt  }
0x67: {  	_ =	shalt  }
0x68: {  	_ =	shalt  }
0x69: {  	_ =	shalt  }
0x6a: {  	_ =	shalt  }
0x6b: {  	_ =	shalt  }
0x6c: {  	_ =	shalt  }
0x6d: {  	_ =	shalt  }
0x6e: {  	_ =	shalt  }
0x6f: {  	_ =	shalt  }
0x70: {  	_ =	shalt  }
0x71: {  	_ =	shalt  }
0x72: {  	_ =	shalt  }
0x73: {  	_ =	shalt  }
0x74: {  	_ =	shalt  }
0x75: {  	_ =	shalt  }
0x76: {  	_ =	shalt  }
0x77: {  	_ =	shalt  }
0x78: {  	_ =	shalt  }
0x79: {  	_ =	shalt  }
0x7a: {  	_ =	shalt  }
0x7b: {  	_ =	shalt  }
0x7c: {  	_ =	shalt  }
0x7d: {  	_ =	shalt  }
0x7e: {  	_ =	shalt  }
0x7f: {  	_ =	shalt  }
0x80: {  	_ =	shalt  }
0x81: {  	_ =	shalt  }
0x82: {  	_ =	shalt  }
0x83: {  	_ =	shalt  }
0x84: {  	_ =	shalt  }
0x85: {  	_ =	shalt  }
0x86: {  	_ =	shalt  }
0x87: {  	_ =	shalt  }
.Lfunc_end0:
.L_simem_size_0:
called_computation_lowered:
.L_overlay_start_0:
0x88: {  	s2 =	sld [smem:$0x3FD9]  }
0x89: {  	s3 =	sld [smem:$0x3FFE];
	_ =	sdelay $0x1  }
0x8a: {  	s1 =	srdreg.scid  }
0x8b: {  	s0 =	sand.u32 $0x1, s1  }
0x8c: {  	s17 =	sshll.u32 s0, $0xA;
	s2 =	sadd.s32 s3, s2  }
0x8d: {  	s2 =	sadd.s32 s2, s17  }
0x8e: {  	[smem:$0x3FC6] =	sst s2  }
0x8f: {  	_ = 	snop  }
0x90: {  	s2 =	sld [smem:$0x3FC9]  }
0x91: {  	s18 =	sld [smem:$0x3FD0];
	(tm) =	ssettm $0x1  }
0x92: {  	s4 =	sld [smem:$0x3FFB];
	_ =	sdelay $0x3  }
0x93: {  	_ =	strace s4  }
0x94: {  	s4 =	sld [smem:$0x3FFC];
	_ =	sdelay $0x3  }
0x95: {  	_ =	strace s4  }
0x96: {  	s4 =	sld [smem:$0x3FFD];
	_ =	sdelay $0x3  }
0x97: {  	_ =	strace s4  }
0x98: {  	_ =	strace $0x8FFFFFFF  }
0x99: {  	s19 =	sld [smem:$0x3FDB];
	_ =	sdelay $0x1  }
0x9a: {  	s5 =	simm.s32 $_scs_section_size  }
0x9b: {  	s6 =	simm.s32 $_size__tile_overlayer_lowered;
	s7 =	simm.s32 $_tile_overlayer_lowered  }
0x9c: {  	s22 =	simm.s32 $0x1BFF;
	s21 =	sshll.u32 s7, $0x1;
	s4 =	sadd.s32 s5, s19  }
0x9d: {  	s8 =	simm.s32 $0x0;
	s20 =	sshll.u32 s6, $0x1;
	s6 =	sadd.s32 s21, s4  }
0x9e: {  	[timem:s8], [sflag:s22] =	dma.local [hbm:s6], s20  }
0x9f: {  	_ =	swait.ge [sflag:s22], s20  }
0xa0: {  	s5 =	ssub.s32 $0x0, s20;
	[sflag:s22] =	ssyncset.done $0x0  }
0xa1: {  	[sflag:s22] =	ssyncadd.s32 s5;
	_ =	sdelay $0x1  }
0xa2: {  	s23 =	simm.s32 $0x1B8B  }
0xa3: {  	_ =	swait.ge [sflag:s23], $0x1  }
0xa4: {  	[sflag:s23] =	ssyncset.done $0x0  }
0xa5: {  	s25 =	simm.s32 $0x1B8E;
	s24 =	sld [smem:$0x3FFE];
	[sflag:s23] =	ssyncadd.s32 $0xFFFFFFFF  }
0xa6: {  	s26 =	simm.s32 $execute0_lowered;
	[smem:$0x3FD2] =	sst s25  }
0xa7: {  	s6 =	sshll.u32 s26, $0x1;
	_ =	strace $0x80000046;
	[dreg:$0x1] =	wrdreg $0xFFFFFFFF  }
0xa8: {  	s28 =	simm.s32 $_size_execute0_lowered;
	s4 =	sadd.s32 s4, s6;
	[dreg:$0x0] =	wrdreg $0x0  }
0xa9: {  	s6 =	sshll.u32 s28, $0x1;
	[dreg:$0x2] =	wrdreg s4  }
0xaa: {  	[dreg:$0x3] =	wrdreg s6  }
0xab: {  	[dreg:$0x4] =	wrdreg $0xC0  }
0xac: {  	_ =	task [dreg:s8], $0x5FFFF  }
0xad: {  	[dreg:$0x1] =	wrdreg $0xFFFFFFFF  }
0xae: {  	[dreg:$0x0] =	wrdreg $0x60  }
0xaf: {  	[dreg:$0x2] =	wrdreg s18  }
0xb0: {  	[dreg:$0x3] =	wrdreg s2  }
0xb1: {  	[dreg:$0x4] =	wrdreg s24  }
0xb2: {  	[dreg:$0x5] =	wrdreg $0x9  }
0xb3: {  	_ =	task.clear_ibuf [dreg:s8], $0x6FFFF;
	_ =	strace $0x90000046  }
0xb4: {  	s29 =	simm.s32 $0x9;
	_ =	strace $0x80000048  }
0xb5: {  	_ =	swait.ge [sflag:s29], $0x1  }
0xb6: {  	[sflag:s29] =	ssyncadd.s32 $0xFFFFFFFF  }
0xb7: {  	_ =	strace $0x90000048  }
0xb8: {  	_ =	sfence  }
0xb9: {  	s30 =	sld [smem:$0x0];
	_ =	sdelay $0x2  }
0xba: {  	s31 =	sshll.u32 s1, $0xD;
	s1 =	sshrl.u32 s1, $0x2  }
0xbb: {  	s3 =	sand.u32 $0x4000, s31;
	s1 =	sadd.s32 s1, s30  }
0xbc: {  	s0 =	sor.u32 s3, s0;
	s1 =	sshll.u32 s1, $0x11  }
0xbd: {  	s0 =	sor.u32 s1, s0  }
0xbe: {  	s0 =	sadd.s32 $0x8F2B, s0  }
0xbf: {  	[sflag:s0] =	ssyncadd.remote.s32 $0x1  }
0xc0: {  	_ =	sfence.sel $0xFFFF  }
0xc1: {  	[dreg:$0x0] =	wrdreg $0xFFFFFFFF;
	(pc) =	sbr.abs _section_cstart, $3  }
0xc2: {  	[dreg:$0x1] =	wrdreg $0xFFFFFFFF  }
0xc3: {  	_ =	task.clear_ibuf [dreg:s8], $0x2FFFF;
	_ =	strace $0x9FFFFFFF  }
0xc4: {  	(tm) =	ssettm $0x7FFFFFFF  }
0xc5: {  	_ =	shalt  }
tec
execute0_lowered:
.L_overlay_start_1:
0x0: {  	(tag) =	ssettag $0x1  }
0x1: {  	s2 =	srdreg.scid;
	s3 =	stileid.u32  }
0x2: {  	s2 =	sand.u32 $0x1, s2;
	s5 =	sshll.u32 s3, $0x1  }
0x3: {  	s1 =	rddreg [dreg:$0x0];
	s5 =	sor.u32 s2, s5  }
0x4: {  	s0 =	rddreg [dreg:$0x1];
	s6 =	smul.u32 $0x34000, s5  }
0x5: {  	s4 =	rddreg [dreg:$0x2];
	s9 =	simm.s32 $0x7A00;
	s7 =	smul.u32 $0x1A0, s5  }
0x6: {  	s3 =	simm.s32 $0x0;
	s4 =	sadd.s32 $0x400, s4;
	s6 =	sshrl.u32 s6, $0x3  }
0x7: {  	[smem:$0x7FF] =	sst s3;
	s0 =	sadd.s32 s0, s7;
	s6 =	sadd.s32 s4, s6  }
0x8: {  	_ =	strace $0x80000047;
	[dreg:$0x4] =	wrdreg s0;
	s11 =	sadd.s32 $0x800, s6  }
0x9: {  	s10 =	simm.s32 $0x1;
	s12 =	sadd.s32 $0xC00, s6;
	[dreg:$0x5] =	wrdreg s11  }
0xa: {  	s2 =	ssub.s32 $0x2, s2;
	s13 =	sadd.s32 $0x1000, s6;
	[dreg:$0x6] =	wrdreg s12  }
0xb: {  	s8 =	sshrl.u32 s2, $0x1;
	s14 =	sadd.s32 $0x1400, s6;
	[dreg:$0x7] =	wrdreg s13  }
0xc: {  	s5 =	smul.u32 $0x6800, s5;
	s15 =	sadd.s32 $0x1800, s6;
	[dreg:$0x8] =	wrdreg s14  }
0xd: {  	s2 =	ssub.s32 s2, s8;
	s16 =	sadd.s32 $0x1C00, s6;
	[dreg:$0x9] =	wrdreg s15  }
0xe: {  	s8 =	simm.s32 $0x5A00;
	s17 =	sadd.s32 $0x2000, s6;
	[dreg:$0xa] =	wrdreg s16  }
0xf: {  	s5 =	sadd.s32 s4, s5;
	s18 =	sadd.s32 $0x2400, s6;
	[dreg:$0xb] =	wrdreg s17  }
0x10: {  	s31 =	smax.u32 s2, $0x1;
	s19 =	sadd.s32 $0x2800, s6;
	[dreg:$0xc] =	wrdreg s18  }
0x11: {  	s7 =	simm.s32 $0x3A00;
	s20 =	sadd.s32 $0x2C00, s6;
	[dreg:$0xd] =	wrdreg s19  }
0x12: {  	s2 =	sadd.s32 $0x400, s5;
	s21 =	sadd.s32 $0x3000, s6;
	[dreg:$0xe] =	wrdreg s20  }
0x13: {  	s0 =	simm.s32 $0x9;
	s22 =	sadd.s32 $0x3400, s6;
	[dreg:$0xf] =	wrdreg s21  }
0x14: {  	s4 =	simm.s32 $0x1A00;
	s23 =	sadd.s32 $0x3800, s6;
	[dreg:$0x10] =	wrdreg s22  }
0x15: {  	s24 =	sadd.s32 $0x3C00, s6;
	s25 =	sadd.s32 $0x4000, s6;
	[dreg:$0x11] =	wrdreg s23  }
0x16: {  	s26 =	sadd.s32 $0x4400, s6;
	s28 =	sadd.s32 $0x5C00, s6;
	[dreg:$0x12] =	wrdreg s24  }
0x17: {  	s29 =	sadd.s32 $0x6000, s6;
	s30 =	sadd.s32 $0x6400, s6;
	[dreg:$0x13] =	wrdreg s25  }
0x18: {  	[dreg:$0x14] =	wrdreg s26;
	s22 =	sadd.s32 $0x4800, s6;
	s23 =	sadd.s32 $0x4C00, s6  }
0x19: {  	s24 =	sadd.s32 $0x5000, s6;
	s25 =	sadd.s32 $0x5400, s6;
	s26 =	sadd.s32 $0x5800, s6  }
0x1a: {  	s6 =	simm.s32 $0x80;
	s11 =	simm.s32 $0x5;
	s12 =	simm.s32 $0x2  }
0x1b: {  	s13 =	simm.s32 $0x6;
	s14 =	simm.s32 $0x3;
	s15 =	simm.s32 $0x7  }
0x1c: {  	v0 =	vlaneseq.u32;
	s16 =	simm.s32 $0x4;
	s17 =	simm.s32 $0x8;
	s18 =	simm.s32 $0x0  }
.LBB2_1:
0x1d: {  	s19 =	rddreg [dreg:$0x4]  }
0x1e: {  	[tilespmem:s3], [sflag:$0x9] =	stream.linear.gather [hbm4b:s19+s3], $0xD00, $0x38;
	[tilespmem:$0x9A00] =	vst v63  }
0x1f: {  	_ =	swait.ge [sflag:s0], $0xD00  }
0x20: {  	[sflag:s0] =	ssyncset.done $0x0  }
0x21: {  	v1 =	vor.u32 s3, v0;
	[sflag:s0] =	ssyncadd.s32 $0xFFFFF300  }
0x22: {  	v3 =	vmulhi.u32 $0x4EC4EC4F, v1;
	v2 =	vld [tilespmem:s3+$0x0];
	_ =	sdelay $0x1  }
0x23: {  	v3 =	vshrl.u32 v3, $0x3  }
0x24: {  	v3 =	vmul.u32 $0x1A, v3;
	_ =	sdelay $0x1  }
0x25: {  	v1 =	vsub.s32 v1, v3;
	vm0 =	vgt.s32 v2, $0x0  }
0x26: {  	v1 =	vmul.u32 $0x3E8, v1;
	v2 =	vnsel vm0, $0x0, v2  }
0x27: {  	v2 =	vmin.u32 v2, $0x3E7  }
0x28: {  	s20 =	simm.s32 $0x10;
	s19 =	simm.s32 $0xD00;
	v2 =	vadd.s32 v1, v2  }
0x29: {  	s21 =	simm.s32 $0x20;
	v1 =	vor.u32 s20, v0;
	[tilespmem:s19+$0x0] =	vst v2;
	s19 =	simm.s32 $0xD00  }
.LBB2_2:
0x2a: {  	p0 =	sne.s32 s21, $0x70;
	v2 =	vld [tilespmem:s20+$0x0];
	v3 =	vmulhi.u32 $0x4EC4EC4F, v1;
	_ =	sdelay $0x1  }
0x2b: {  	v3 =	vshrl.u32 v3, $0x3  }
0x2c: {  	v3 =	vmul.u32 $0x1A, v3;
	_ =	sdelay $0x1  }
.Ltmp0:
0x2d: {  	vm0 =	vgt.s32 v2, $0x0;
	v1 =	vsub.s32 v1, v3;
	(pc) =	sbr.rel @p0 .LBB2_2-.Ltmp0, $4  }
0x2e: {  	v2 =	vnsel vm0, $0x0, v2;
	v1 =	vmul.u32 $0x3E8, v1  }
0x2f: {  	v2 =	vmin.u32 v2, $0x3E7  }
0x30: {  	s19 =	sadd.s32 $0x10, s19;
	v2 =	vadd.s32 v1, v2  }
0x31: {  	s20 =	sadd.s32 $0x10, s20;
	v1 =	vor.u32 s21, v0;
	s21 =	sadd.s32 $0x10, s21;
	[tilespmem:s19+$0x0] =	vst v2  }
0x32: {  	v2 =	vld [tilespmem:s20+$0x0];
	v3 =	vmulhi.u32 $0x4EC4EC4F, v1;
	_ =	sdelay $0x1  }
0x33: {  	v3 =	vshrl.u32 v3, $0x3  }
0x34: {  	v3 =	vmul.u32 $0x1A, v3;
	_ =	sdelay $0x1  }
0x35: {  	vm0 =	vgt.s32 v2, $0x0;
	v1 =	vsub.s32 v1, v3  }
0x36: {  	v2 =	vnsel vm0, $0x0, v2;
	v1 =	vmul.u32 $0x3E8, v1  }
0x37: {  	v2 =	vmin.u32 v2, $0x3E7  }
0x38: {  	s19 =	sadd.s32 $0x10, s19;
	v1 =	vadd.s32 v1, v2  }
0x39: {  	s21 =	simm.s32 $0xD00;
	[tilespmem:s19+$0x0] =	vst v1;
	s19 =	simm.s32 $0x80  }
0x3a: {  	[tilespmem:s4], [sflag:$0x1] =	stream.indirect.gather [hbm4b:s1+s19], $0x40, s21, s19, $0xb8;
	v1 =	vor.u32 s19, v0;
	[tilespmem:$0x9A00] =	vst v63  }
0x3b: {  	v2 =	vld [tilespmem:s19+$0x0];
	v3 =	vmulhi.u32 $0x4EC4EC4F, v1;
	_ =	sdelay $0x1  }
0x3c: {  	v3 =	vshrl.u32 v3, $0x3  }
0x3d: {  	v3 =	vmul.u32 $0x1A, v3;
	_ =	sdelay $0x1  }
0x3e: {  	vm15 =	vgt.s32 v2, $0x0;
	v1 =	vsub.s32 v1, v3  }
0x3f: {  	v2 =	vnsel vm15, $0x0, v2;
	v1 =	vmul.u32 $0x3E8, v1  }
0x40: {  	v2 =	vmin.u32 v2, $0x3E7  }
0x41: {  	s20 =	simm.s32 $0x90;
	s19 =	simm.s32 $0xD80;
	v2 =	vadd.s32 v1, v2  }
0x42: {  	s21 =	simm.s32 $0xA0;
	v1 =	vor.u32 s20, v0;
	[tilespmem:s19+$0x0] =	vst v2  }
.LBB2_4:
0x43: {  	p0 =	sne.s32 s21, $0xF0;
	v2 =	vld [tilespmem:s20+$0x0];
	v3 =	vmulhi.u32 $0x4EC4EC4F, v1;
	_ =	sdelay $0x1  }
0x44: {  	v3 =	vshrl.u32 v3, $0x3  }
0x45: {  	v3 =	vmul.u32 $0x1A, v3;
	_ =	sdelay $0x1  }
.Ltmp1:
0x46: {  	vm0 =	vgt.s32 v2, $0x0;
	v1 =	vsub.s32 v1, v3;
	(pc) =	sbr.rel @p0 .LBB2_4-.Ltmp1, $4  }
0x47: {  	v2 =	vnsel vm0, $0x0, v2;
	v1 =	vmul.u32 $0x3E8, v1  }
0x48: {  	v2 =	vmin.u32 v2, $0x3E7  }
0x49: {  	s19 =	sadd.s32 $0x10, s19;
	v2 =	vadd.s32 v1, v2  }
0x4a: {  	s20 =	sadd.s32 $0x10, s20;
	v1 =	vor.u32 s21, v0;
	s21 =	sadd.s32 $0x10, s21;
	[tilespmem:s19+$0x0] =	vst v2  }
0x4b: {  	v2 =	vld [tilespmem:s20+$0x0];
	v3 =	vmulhi.u32 $0x4EC4EC4F, v1;
	_ =	sdelay $0x1  }
0x4c: {  	v3 =	vshrl.u32 v3, $0x3  }
0x4d: {  	v3 =	vmul.u32 $0x1A, v3;
	_ =	sdelay $0x1  }
0x4e: {  	vm0 =	vgt.s32 v2, $0x0;
	v1 =	vsub.s32 v1, v3  }
0x4f: {  	v2 =	vnsel vm0, $0x0, v2;
	v1 =	vmul.u32 $0x3E8, v1  }
0x50: {  	v2 =	vmin.u32 v2, $0x3E7  }
0x51: {  	s19 =	sadd.s32 $0x10, s19;
	v1 =	vadd.s32 v1, v2  }
0x52: {  	s21 =	simm.s32 $0xD80;
	[tilespmem:s19+$0x0] =	vst v1;
	s19 =	simm.s32 $0x100  }
0x53: {  	[tilespmem:s7], [sflag:$0x2] =	stream.indirect.gather [hbm4b:s1+s6], $0x40, s21, s6, $0xb8;
	v1 =	vor.u32 s19, v0;
	[tilespmem:$0x9A00] =	vst v63  }
0x54: {  	v2 =	vld [tilespmem:s19+$0x0];
	v3 =	vmulhi.u32 $0x4EC4EC4F, v1;
	_ =	sdelay $0x1  }
0x55: {  	v3 =	vshrl.u32 v3, $0x3  }
0x56: {  	v3 =	vmul.u32 $0x1A, v3;
	_ =	sdelay $0x1  }
0x57: {  	vm15 =	vgt.s32 v2, $0x0;
	v1 =	vsub.s32 v1, v3  }
0x58: {  	v2 =	vnsel vm15, $0x0, v2;
	v1 =	vmul.u32 $0x3E8, v1  }
0x59: {  	v2 =	vmin.u32 v2, $0x3E7  }
0x5a: {  	s20 =	simm.s32 $0x110;
	s19 =	simm.s32 $0xE00;
	v2 =	vadd.s32 v1, v2  }
0x5b: {  	s21 =	simm.s32 $0x120;
	v1 =	vor.u32 s20, v0;
	[tilespmem:s19+$0x0] =	vst v2  }
.LBB2_6:
0x5c: {  	p0 =	sne.s32 s21, $0x170;
	v2 =	vld [tilespmem:s20+$0x0];
	v3 =	vmulhi.u32 $0x4EC4EC4F, v1;
	_ =	sdelay $0x1  }
0x5d: {  	v3 =	vshrl.u32 v3, $0x3  }
0x5e: {  	v3 =	vmul.u32 $0x1A, v3;
	_ =	sdelay $0x1  }
.Ltmp2:
0x5f: {  	vm0 =	vgt.s32 v2, $0x0;
	v1 =	vsub.s32 v1, v3;
	(pc) =	sbr.rel @p0 .LBB2_6-.Ltmp2, $4  }
0x60: {  	v2 =	vnsel vm0, $0x0, v2;
	v1 =	vmul.u32 $0x3E8, v1  }
0x61: {  	v2 =	vmin.u32 v2, $0x3E7  }
0x62: {  	s19 =	sadd.s32 $0x10, s19;
	v2 =	vadd.s32 v1, v2  }
0x63: {  	s20 =	sadd.s32 $0x10, s20;
	v1 =	vor.u32 s21, v0;
	s21 =	sadd.s32 $0x10, s21;
	[tilespmem:s19+$0x0] =	vst v2  }
0x64: {  	v2 =	vld [tilespmem:s20+$0x0];
	v3 =	vmulhi.u32 $0x4EC4EC4F, v1;
	_ =	sdelay $0x1  }
0x65: {  	v3 =	vshrl.u32 v3, $0x3  }
0x66: {  	v3 =	vmul.u32 $0x1A, v3;
	_ =	sdelay $0x1  }
0x67: {  	vm0 =	vgt.s32 v2, $0x0;
	v1 =	vsub.s32 v1, v3  }
0x68: {  	v2 =	vnsel vm0, $0x0, v2;
	v1 =	vmul.u32 $0x3E8, v1  }
0x69: {  	v2 =	vmin.u32 v2, $0x3E7  }
0x6a: {  	s19 =	sadd.s32 $0x10, s19;
	v1 =	vadd.s32 v1, v2  }
0x6b: {  	s21 =	simm.s32 $0xE00;
	[tilespmem:s19+$0x0] =	vst v1;
	s19 =	simm.s32 $0x180  }
0x6c: {  	[tilespmem:s8], [sflag:$0x3] =	stream.indirect.gather [hbm4b:s1+s6], $0x40, s21, s6, $0xb8;
	v1 =	vor.u32 s19, v0;
	[tilespmem:$0x9A00] =	vst v63  }
0x6d: {  	v2 =	vld [tilespmem:s19+$0x0];
	v3 =	vmulhi.u32 $0x4EC4EC4F, v1;
	_ =	sdelay $0x1  }
0x6e: {  	v3 =	vshrl.u32 v3, $0x3  }
0x6f: {  	v3 =	vmul.u32 $0x1A, v3;
	_ =	sdelay $0x1  }
0x70: {  	vm15 =	vgt.s32 v2, $0x0;
	v1 =	vsub.s32 v1, v3  }
0x71: {  	v2 =	vnsel vm15, $0x0, v2;
	v1 =	vmul.u32 $0x3E8, v1  }
0x72: {  	v2 =	vmin.u32 v2, $0x3E7  }
0x73: {  	s20 =	simm.s32 $0x190;
	s19 =	simm.s32 $0xE80;
	v2 =	vadd.s32 v1, v2  }
0x74: {  	s21 =	simm.s32 $0x1A0;
	v1 =	vor.u32 s20, v0;
	[tilespmem:s19+$0x0] =	vst v2  }
.LBB2_8:
0x75: {  	p0 =	sne.s32 s21, $0x1F0;
	v2 =	vld [tilespmem:s20+$0x0];
	v3 =	vmulhi.u32 $0x4EC4EC4F, v1;
	_ =	sdelay $0x1  }
0x76: {  	v3 =	vshrl.u32 v3, $0x3  }
0x77: {  	v3 =	vmul.u32 $0x1A, v3;
	_ =	sdelay $0x1  }
.Ltmp3:
0x78: {  	vm0 =	vgt.s32 v2, $0x0;
	v1 =	vsub.s32 v1, v3;
	(pc) =	sbr.rel @p0 .LBB2_8-.Ltmp3, $4  }
0x79: {  	v2 =	vnsel vm0, $0x0, v2;
	v1 =	vmul.u32 $0x3E8, v1  }
0x7a: {  	v2 =	vmin.u32 v2, $0x3E7  }
0x7b: {  	s19 =	sadd.s32 $0x10, s19;
	v2 =	vadd.s32 v1, v2  }
0x7c: {  	s20 =	sadd.s32 $0x10, s20;
	v1 =	vor.u32 s21, v0;
	s21 =	sadd.s32 $0x10, s21;
	[tilespmem:s19+$0x0] =	vst v2  }
0x7d: {  	v2 =	vld [tilespmem:s20+$0x0];
	v3 =	vmulhi.u32 $0x4EC4EC4F, v1;
	_ =	sdelay $0x1  }
0x7e: {  	v3 =	vshrl.u32 v3, $0x3  }
0x7f: {  	v3 =	vmul.u32 $0x1A, v3;
	_ =	sdelay $0x1  }
0x80: {  	vm0 =	vgt.s32 v2, $0x0;
	v1 =	vsub.s32 v1, v3  }
0x81: {  	v2 =	vnsel vm0, $0x0, v2;
	v1 =	vmul.u32 $0x3E8, v1  }
0x82: {  	v2 =	vmin.u32 v2, $0x3E7  }
0x83: {  	s19 =	sadd.s32 $0x10, s19;
	v1 =	vadd.s32 v1, v2  }
0x84: {  	s20 =	simm.s32 $0xE80;
	[tilespmem:s19+$0x0] =	vst v1  }
0x85: {  	[tilespmem:s9], [sflag:$0x4] =	stream.indirect.gather [hbm4b:s1+s6], $0x40, s20, s6, $0xb8;
	[tilespmem:$0x9A00] =	vst v63  }
0x86: {  	_ =	swait.ge [sflag:s10], $0x2000  }
0x87: {  	[sflag:s10] =	ssyncset.done $0x0  }
0x88: {  	s21 =	simm.s32 $0x200;
	[sflag:s10] =	ssyncadd.s32 $0xFFFFE000  }
0x89: {  	v1 =	vor.u32 s21, v0;
	[hbm4b:s5+s3] =	stream.linear.scatter [tilespmem:s4], [sflag:$0x5], $0x2000, $0x38;
	[tilespmem:$0x9A00] =	vst v63  }
0x8a: {  	v3 =	vmulhi.u32 $0x4EC4EC4F, v1;
	v2 =	vld [tilespmem:s21+$0x0];
	_ =	sdelay $0x1  }
0x8b: {  	v3 =	vshrl.u32 v3, $0x3  }
0x8c: {  	v3 =	vmul.u32 $0x1A, v3;
	_ =	sdelay $0x1  }
0x8d: {  	v1 =	vsub.s32 v1, v3;
	vm15 =	vgt.s32 v2, $0x0  }
0x8e: {  	v1 =	vmul.u32 $0x3E8, v1;
	v2 =	vnsel vm15, $0x0, v2  }
0x8f: {  	v2 =	vmin.u32 v2, $0x3E7  }
0x90: {  	s19 =	simm.s32 $0xF00;
	s20 =	simm.s32 $0x210;
	v2 =	vadd.s32 v1, v2  }
0x91: {  	s21 =	simm.s32 $0x220;
	v1 =	vor.u32 s20, v0;
	[tilespmem:s19+$0x0] =	vst v2  }
.LBB2_10:
0x92: {  	p0 =	sne.s32 s21, $0x270;
	v2 =	vld [tilespmem:s20+$0x0];
	v3 =	vmulhi.u32 $0x4EC4EC4F, v1;
	_ =	sdelay $0x1  }
0x93: {  	v3 =	vshrl.u32 v3, $0x3  }
0x94: {  	v3 =	vmul.u32 $0x1A, v3;
	_ =	sdelay $0x1  }
.Ltmp4:
0x95: {  	vm0 =	vgt.s32 v2, $0x0;
	v1 =	vsub.s32 v1, v3;
	(pc) =	sbr.rel @p0 .LBB2_10-.Ltmp4, $4  }
0x96: {  	v2 =	vnsel vm0, $0x0, v2;
	v1 =	vmul.u32 $0x3E8, v1  }
0x97: {  	v2 =	vmin.u32 v2, $0x3E7  }
0x98: {  	s19 =	sadd.s32 $0x10, s19;
	v2 =	vadd.s32 v1, v2  }
0x99: {  	s20 =	sadd.s32 $0x10, s20;
	v1 =	vor.u32 s21, v0;
	s21 =	sadd.s32 $0x10, s21;
	[tilespmem:s19+$0x0] =	vst v2  }
0x9a: {  	v2 =	vld [tilespmem:s20+$0x0];
	v3 =	vmulhi.u32 $0x4EC4EC4F, v1;
	_ =	sdelay $0x1  }
0x9b: {  	v3 =	vshrl.u32 v3, $0x3  }
0x9c: {  	v3 =	vmul.u32 $0x1A, v3;
	_ =	sdelay $0x1  }
0x9d: {  	vm0 =	vgt.s32 v2, $0x0;
	v1 =	vsub.s32 v1, v3  }
0x9e: {  	v2 =	vnsel vm0, $0x0, v2;
	v1 =	vmul.u32 $0x3E8, v1  }
0x9f: {  	v2 =	vmin.u32 v2, $0x3E7  }
0xa0: {  	s19 =	sadd.s32 $0x10, s19;
	v1 =	vadd.s32 v1, v2  }
0xa1: {  	[tilespmem:s19+$0x0] =	vst v1  }
0xa2: {  	_ =	swait.ge [sflag:s11], $0x2000  }
0xa3: {  	[sflag:s11] =	ssyncset.done $0x0  }
0xa4: {  	s20 =	simm.s32 $0xF00;
	[sflag:s11] =	ssyncadd.s32 $0xFFFFE000  }
0xa5: {  	[tilespmem:s4], [sflag:$0x1] =	stream.indirect.gather [hbm4b:s1+s6], $0x40, s20, s6, $0xb8;
	[tilespmem:$0x9A00] =	vst v63  }
0xa6: {  	_ =	swait.ge [sflag:s12], $0x2000  }
0xa7: {  	[sflag:s12] =	ssyncset.done $0x0  }
0xa8: {  	s21 =	simm.s32 $0x280;
	[sflag:s12] =	ssyncadd.s32 $0xFFFFE000  }
0xa9: {  	v1 =	vor.u32 s21, v0;
	[hbm4b:s2+s3] =	stream.linear.scatter [tilespmem:s7], [sflag:$0x6], $0x2000, $0x38;
	[tilespmem:$0x9A00] =	vst v63  }
0xaa: {  	v3 =	vmulhi.u32 $0x4EC4EC4F, v1;
	v2 =	vld [tilespmem:s21+$0x0];
	_ =	sdelay $0x1  }
0xab: {  	v3 =	vshrl.u32 v3, $0x3  }
0xac: {  	v3 =	vmul.u32 $0x1A, v3;
	_ =	sdelay $0x1  }
0xad: {  	v1 =	vsub.s32 v1, v3;
	vm15 =	vgt.s32 v2, $0x0  }
0xae: {  	v1 =	vmul.u32 $0x3E8, v1;
	v2 =	vnsel vm15, $0x0, v2  }
0xaf: {  	v2 =	vmin.u32 v2, $0x3E7  }
0xb0: {  	s19 =	simm.s32 $0xF80;
	s20 =	simm.s32 $0x290;
	v2 =	vadd.s32 v1, v2  }
0xb1: {  	s21 =	simm.s32 $0x2A0;
	v1 =	vor.u32 s20, v0;
	[tilespmem:s19+$0x0] =	vst v2  }
.LBB2_12:
0xb2: {  	p0 =	sne.s32 s21, $0x2F0;
	v2 =	vld [tilespmem:s20+$0x0];
	v3 =	vmulhi.u32 $0x4EC4EC4F, v1;
	_ =	sdelay $0x1  }
0xb3: {  	v3 =	vshrl.u32 v3, $0x3  }
0xb4: {  	v3 =	vmul.u32 $0x1A, v3;
	_ =	sdelay $0x1  }
.Ltmp5:
0xb5: {  	vm0 =	vgt.s32 v2, $0x0;
	v1 =	vsub.s32 v1, v3;
	(pc) =	sbr.rel @p0 .LBB2_12-.Ltmp5, $4  }
0xb6: {  	v2 =	vnsel vm0, $0x0, v2;
	v1 =	vmul.u32 $0x3E8, v1  }
0xb7: {  	v2 =	vmin.u32 v2, $0x3E7  }
0xb8: {  	s19 =	sadd.s32 $0x10, s19;
	v2 =	vadd.s32 v1, v2  }
0xb9: {  	s20 =	sadd.s32 $0x10, s20;
	v1 =	vor.u32 s21, v0;
	s21 =	sadd.s32 $0x10, s21;
	[tilespmem:s19+$0x0] =	vst v2  }
0xba: {  	v2 =	vld [tilespmem:s20+$0x0];
	v3 =	vmulhi.u32 $0x4EC4EC4F, v1;
	_ =	sdelay $0x1  }
0xbb: {  	v3 =	vshrl.u32 v3, $0x3  }
0xbc: {  	v3 =	vmul.u32 $0x1A, v3;
	_ =	sdelay $0x1  }
0xbd: {  	vm0 =	vgt.s32 v2, $0x0;
	v1 =	vsub.s32 v1, v3  }
0xbe: {  	v2 =	vnsel vm0, $0x0, v2;
	v1 =	vmul.u32 $0x3E8, v1  }
0xbf: {  	v2 =	vmin.u32 v2, $0x3E7  }
0xc0: {  	s19 =	sadd.s32 $0x10, s19;
	v1 =	vadd.s32 v1, v2  }
0xc1: {  	[tilespmem:s19+$0x0] =	vst v1  }
0xc2: {  	_ =	swait.ge [sflag:s13], $0x2000  }
0xc3: {  	[sflag:s13] =	ssyncset.done $0x0  }
0xc4: {  	s20 =	simm.s32 $0xF80;
	[sflag:s13] =	ssyncadd.s32 $0xFFFFE000  }
0xc5: {  	[tilespmem:s7], [sflag:$0x2] =	stream.indirect.gather [hbm4b:s1+s6], $0x40, s20, s6, $0xb8;
	[tilespmem:$0x9A00] =	vst v63  }
0xc6: {  	_ =	swait.ge [sflag:s14], $0x2000  }
0xc7: {  	[sflag:s14] =	ssyncset.done $0x0  }
0xc8: {  	s19 =	simm.s32 $0x300;
	s21 =	rddreg [dreg:$0x5];
	[sflag:s14] =	ssyncadd.s32 $0xFFFFE000  }
0xc9: {  	v1 =	vor.u32 s19, v0;
	[hbm4b:s21+s3] =	stream.linear.scatter [tilespmem:s8], [sflag:$0x7], $0x2000, $0x38;
	[tilespmem:$0x9A00] =	vst v63  }
0xca: {  	v3 =	vmulhi.u32 $0x4EC4EC4F, v1;
	v2 =	vld [tilespmem:s19+$0x0];
	_ =	sdelay $0x1  }
0xcb: {  	v3 =	vshrl.u32 v3, $0x3  }
0xcc: {  	v3 =	vmul.u32 $0x1A, v3;
	_ =	sdelay $0x1  }
0xcd: {  	v1 =	vsub.s32 v1, v3;
	vm15 =	vgt.s32 v2, $0x0  }
0xce: {  	v1 =	vmul.u32 $0x3E8, v1;
	v2 =	vnsel vm15, $0x0, v2  }
0xcf: {  	v2 =	vmin.u32 v2, $0x3E7  }
0xd0: {  	s20 =	simm.s32 $0x310;
	s19 =	simm.s32 $0x1000;
	v2 =	vadd.s32 v1, v2  }
0xd1: {  	s21 =	simm.s32 $0x320;
	v1 =	vor.u32 s20, v0;
	[tilespmem:s19+$0x0] =	vst v2  }
.LBB2_14:
0xd2: {  	p0 =	sne.s32 s21, $0x370;
	v2 =	vld [tilespmem:s20+$0x0];
	v3 =	vmulhi.u32 $0x4EC4EC4F, v1;
	_ =	sdelay $0x1  }
0xd3: {  	v3 =	vshrl.u32 v3, $0x3  }
0xd4: {  	v3 =	vmul.u32 $0x1A, v3;
	_ =	sdelay $0x1  }
.Ltmp6:
0xd5: {  	vm0 =	vgt.s32 v2, $0x0;
	v1 =	vsub.s32 v1, v3;
	(pc) =	sbr.rel @p0 .LBB2_14-.Ltmp6, $4  }
0xd6: {  	v2 =	vnsel vm0, $0x0, v2;
	v1 =	vmul.u32 $0x3E8, v1  }
0xd7: {  	v2 =	vmin.u32 v2, $0x3E7  }
0xd8: {  	s19 =	sadd.s32 $0x10, s19;
	v2 =	vadd.s32 v1, v2  }
0xd9: {  	s20 =	sadd.s32 $0x10, s20;
	v1 =	vor.u32 s21, v0;
	s21 =	sadd.s32 $0x10, s21;
	[tilespmem:s19+$0x0] =	vst v2  }
0xda: {  	v2 =	vld [tilespmem:s20+$0x0];
	v3 =	vmulhi.u32 $0x4EC4EC4F, v1;
	_ =	sdelay $0x1  }
0xdb: {  	v3 =	vshrl.u32 v3, $0x3  }
0xdc: {  	v3 =	vmul.u32 $0x1A, v3;
	_ =	sdelay $0x1  }
0xdd: {  	vm0 =	vgt.s32 v2, $0x0;
	v1 =	vsub.s32 v1, v3  }
0xde: {  	v2 =	vnsel vm0, $0x0, v2;
	v1 =	vmul.u32 $0x3E8, v1  }
0xdf: {  	v2 =	vmin.u32 v2, $0x3E7  }
0xe0: {  	s19 =	sadd.s32 $0x10, s19;
	v1 =	vadd.s32 v1, v2  }
0xe1: {  	[tilespmem:s19+$0x0] =	vst v1  }
0xe2: {  	_ =	swait.ge [sflag:s15], $0x2000  }
0xe3: {  	[sflag:s15] =	ssyncset.done $0x0  }
0xe4: {  	s20 =	simm.s32 $0x1000;
	[sflag:s15] =	ssyncadd.s32 $0xFFFFE000  }
0xe5: {  	[tilespmem:s8], [sflag:$0x3] =	stream.indirect.gather [hbm4b:s1+s6], $0x40, s20, s6, $0xb8;
	[tilespmem:$0x9A00] =	vst v63  }
0xe6: {  	_ =	swait.ge [sflag:s16], $0x2000  }
0xe7: {  	[sflag:s16] =	ssyncset.done $0x0  }
0xe8: {  	s19 =	simm.s32 $0x380;
	s21 =	rddreg [dreg:$0x6];
	[sflag:s16] =	ssyncadd.s32 $0xFFFFE000  }
0xe9: {  	v1 =	vor.u32 s19, v0;
	[hbm4b:s21+s3] =	stream.linear.scatter [tilespmem:s9], [sflag:$0x8], $0x2000, $0x38;
	[tilespmem:$0x9A00] =	vst v63  }
0xea: {  	v3 =	vmulhi.u32 $0x4EC4EC4F, v1;
	v2 =	vld [tilespmem:s19+$0x0];
	_ =	sdelay $0x1  }
0xeb: {  	v3 =	vshrl.u32 v3, $0x3  }
0xec: {  	v3 =	vmul.u32 $0x1A, v3;
	_ =	sdelay $0x1  }
0xed: {  	v1 =	vsub.s32 v1, v3;
	vm15 =	vgt.s32 v2, $0x0  }
0xee: {  	v1 =	vmul.u32 $0x3E8, v1;
	v2 =	vnsel vm15, $0x0, v2  }
0xef: {  	v2 =	vmin.u32 v2, $0x3E7  }
0xf0: {  	s20 =	simm.s32 $0x390;
	s19 =	simm.s32 $0x1080;
	v2 =	vadd.s32 v1, v2  }
0xf1: {  	s21 =	simm.s32 $0x3A0;
	v1 =	vor.u32 s20, v0;
	[tilespmem:s19+$0x0] =	vst v2  }
.LBB2_16:
0xf2: {  	p0 =	sne.s32 s21, $0x3F0;
	v2 =	vld [tilespmem:s20+$0x0];
	v3 =	vmulhi.u32 $0x4EC4EC4F, v1;
	_ =	sdelay $0x1  }
0xf3: {  	v3 =	vshrl.u32 v3, $0x3  }
0xf4: {  	v3 =	vmul.u32 $0x1A, v3;
	_ =	sdelay $0x1  }
.Ltmp7:
0xf5: {  	vm0 =	vgt.s32 v2, $0x0;
	v1 =	vsub.s32 v1, v3;
	(pc) =	sbr.rel @p0 .LBB2_16-.Ltmp7, $4  }
0xf6: {  	v2 =	vnsel vm0, $0x0, v2;
	v1 =	vmul.u32 $0x3E8, v1  }
0xf7: {  	v2 =	vmin.u32 v2, $0x3E7  }
0xf8: {  	s19 =	sadd.s32 $0x10, s19;
	v2 =	vadd.s32 v1, v2  }
0xf9: {  	s20 =	sadd.s32 $0x10, s20;
	v1 =	vor.u32 s21, v0;
	s21 =	sadd.s32 $0x10, s21;
	[tilespmem:s19+$0x0] =	vst v2  }
0xfa: {  	v2 =	vld [tilespmem:s20+$0x0];
	v3 =	vmulhi.u32 $0x4EC4EC4F, v1;
	_ =	sdelay $0x1  }
0xfb: {  	v3 =	vshrl.u32 v3, $0x3  }
0xfc: {  	v3 =	vmul.u32 $0x1A, v3;
	_ =	sdelay $0x1  }
0xfd: {  	vm0 =	vgt.s32 v2, $0x0;
	v1 =	vsub.s32 v1, v3  }
0xfe: {  	v2 =	vnsel vm0, $0x0, v2;
	v1 =	vmul.u32 $0x3E8, v1  }
0xff: {  	v2 =	vmin.u32 v2, $0x3E7  }
0x100: {  	s19 =	sadd.s32 $0x10, s19;
	v1 =	vadd.s32 v1, v2  }
0x101: {  	[tilespmem:s19+$0x0] =	vst v1  }
0x102: {  	_ =	swait.ge [sflag:s17], $0x2000  }
0x103: {  	[sflag:s17] =	ssyncset.done $0x0  }
0x104: {  	s20 =	simm.s32 $0x1080;
	[sflag:s17] =	ssyncadd.s32 $0xFFFFE000  }
0x105: {  	[tilespmem:s9], [sflag:$0x4] =	stream.indirect.gather [hbm4b:s1+s6], $0x40, s20, s6, $0xb8;
	[tilespmem:$0x9A00] =	vst v63  }
0x106: {  	_ =	swait.ge [sflag:s10], $0x2000  }
0x107: {  	[sflag:s10] =	ssyncset.done $0x0  }
0x108: {  	s19 =	simm.s32 $0x400;
	s21 =	rddreg [dreg:$0x7];
	[sflag:s10] =	ssyncadd.s32 $0xFFFFE000  }
0x109: {  	v1 =	vor.u32 s19, v0;
	[hbm4b:s21+s3] =	stream.linear.scatter [tilespmem:s4], [sflag:$0x5], $0x2000, $0x38;
	[tilespmem:$0x9A00] =	vst v63  }
0x10a: {  	v3 =	vmulhi.u32 $0x4EC4EC4F, v1;
	v2 =	vld [tilespmem:s19+$0x0];
	_ =	sdelay $0x1  }
0x10b: {  	v3 =	vshrl.u32 v3, $0x3  }
0x10c: {  	v3 =	vmul.u32 $0x1A, v3;
	_ =	sdelay $0x1  }
0x10d: {  	v1 =	vsub.s32 v1, v3;
	vm15 =	vgt.s32 v2, $0x0  }
0x10e: {  	v1 =	vmul.u32 $0x3E8, v1;
	v2 =	vnsel vm15, $0x0, v2  }
0x10f: {  	v2 =	vmin.u32 v2, $0x3E7  }
0x110: {  	s20 =	simm.s32 $0x410;
	s19 =	simm.s32 $0x1100;
	v2 =	vadd.s32 v1, v2  }
0x111: {  	s21 =	simm.s32 $0x420;
	v1 =	vor.u32 s20, v0;
	[tilespmem:s19+$0x0] =	vst v2  }
.LBB2_18:
0x112: {  	p0 =	sne.s32 s21, $0x470;
	v2 =	vld [tilespmem:s20+$0x0];
	v3 =	vmulhi.u32 $0x4EC4EC4F, v1;
	_ =	sdelay $0x1  }
0x113: {  	v3 =	vshrl.u32 v3, $0x3  }
0x114: {  	v3 =	vmul.u32 $0x1A, v3;
	_ =	sdelay $0x1  }
.Ltmp8:
0x115: {  	vm0 =	vgt.s32 v2, $0x0;
	v1 =	vsub.s32 v1, v3;
	(pc) =	sbr.rel @p0 .LBB2_18-.Ltmp8, $4  }
0x116: {  	v2 =	vnsel vm0, $0x0, v2;
	v1 =	vmul.u32 $0x3E8, v1  }
0x117: {  	v2 =	vmin.u32 v2, $0x3E7  }
0x118: {  	s19 =	sadd.s32 $0x10, s19;
	v2 =	vadd.s32 v1, v2  }
0x119: {  	s20 =	sadd.s32 $0x10, s20;
	v1 =	vor.u32 s21, v0;
	s21 =	sadd.s32 $0x10, s21;
	[tilespmem:s19+$0x0] =	vst v2  }
0x11a: {  	v2 =	vld [tilespmem:s20+$0x0];
	v3 =	vmulhi.u32 $0x4EC4EC4F, v1;
	_ =	sdelay $0x1  }
0x11b: {  	v3 =	vshrl.u32 v3, $0x3  }
0x11c: {  	v3 =	vmul.u32 $0x1A, v3;
	_ =	sdelay $0x1  }
0x11d: {  	vm0 =	vgt.s32 v2, $0x0;
	v1 =	vsub.s32 v1, v3  }
0x11e: {  	v2 =	vnsel vm0, $0x0, v2;
	v1 =	vmul.u32 $0x3E8, v1  }
0x11f: {  	v2 =	vmin.u32 v2, $0x3E7  }
0x120: {  	s19 =	sadd.s32 $0x10, s19;
	v1 =	vadd.s32 v1, v2  }
0x121: {  	[tilespmem:s19+$0x0] =	vst v1  }
0x122: {  	_ =	swait.ge [sflag:s11], $0x2000  }
0x123: {  	[sflag:s11] =	ssyncset.done $0x0  }
0x124: {  	s20 =	simm.s32 $0x1100;
	[sflag:s11] =	ssyncadd.s32 $0xFFFFE000  }
0x125: {  	[tilespmem:s4], [sflag:$0x1] =	stream.indirect.gather [hbm4b:s1+s6], $0x40, s20, s6, $0xb8;
	[tilespmem:$0x9A00] =	vst v63  }
0x126: {  	_ =	swait.ge [sflag:s12], $0x2000  }
0x127: {  	[sflag:s12] =	ssyncset.done $0x0  }
0x128: {  	s19 =	simm.s32 $0x480;
	s21 =	rddreg [dreg:$0x8];
	[sflag:s12] =	ssyncadd.s32 $0xFFFFE000  }
0x129: {  	v1 =	vor.u32 s19, v0;
	[hbm4b:s21+s3] =	stream.linear.scatter [tilespmem:s7], [sflag:$0x6], $0x2000, $0x38;
	[tilespmem:$0x9A00] =	vst v63  }
0x12a: {  	v3 =	vmulhi.u32 $0x4EC4EC4F, v1;
	v2 =	vld [tilespmem:s19+$0x0];
	_ =	sdelay $0x1  }
0x12b: {  	v3 =	vshrl.u32 v3, $0x3  }
0x12c: {  	v3 =	vmul.u32 $0x1A, v3;
	_ =	sdelay $0x1  }
0x12d: {  	v1 =	vsub.s32 v1, v3;
	vm15 =	vgt.s32 v2, $0x0  }
0x12e: {  	v1 =	vmul.u32 $0x3E8, v1;
	v2 =	vnsel vm15, $0x0, v2  }
0x12f: {  	v2 =	vmin.u32 v2, $0x3E7  }
0x130: {  	s20 =	simm.s32 $0x490;
	s19 =	simm.s32 $0x1180;
	v2 =	vadd.s32 v1, v2  }
0x131: {  	s21 =	simm.s32 $0x4A0;
	v1 =	vor.u32 s20, v0;
	[tilespmem:s19+$0x0] =	vst v2  }
.LBB2_20:
0x132: {  	p0 =	sne.s32 s21, $0x4F0;
	v2 =	vld [tilespmem:s20+$0x0];
	v3 =	vmulhi.u32 $0x4EC4EC4F, v1;
	_ =	sdelay $0x1  }
0x133: {  	v3 =	vshrl.u32 v3, $0x3  }
0x134: {  	v3 =	vmul.u32 $0x1A, v3;
	_ =	sdelay $0x1  }
.Ltmp9:
0x135: {  	vm0 =	vgt.s32 v2, $0x0;
	v1 =	vsub.s32 v1, v3;
	(pc) =	sbr.rel @p0 .LBB2_20-.Ltmp9, $4  }
0x136: {  	v2 =	vnsel vm0, $0x0, v2;
	v1 =	vmul.u32 $0x3E8, v1  }
0x137: {  	v2 =	vmin.u32 v2, $0x3E7  }
0x138: {  	s19 =	sadd.s32 $0x10, s19;
	v2 =	vadd.s32 v1, v2  }
0x139: {  	s20 =	sadd.s32 $0x10, s20;
	v1 =	vor.u32 s21, v0;
	s21 =	sadd.s32 $0x10, s21;
	[tilespmem:s19+$0x0] =	vst v2  }
0x13a: {  	v2 =	vld [tilespmem:s20+$0x0];
	v3 =	vmulhi.u32 $0x4EC4EC4F, v1;
	_ =	sdelay $0x1  }
0x13b: {  	v3 =	vshrl.u32 v3, $0x3  }
0x13c: {  	v3 =	vmul.u32 $0x1A, v3;
	_ =	sdelay $0x1  }
0x13d: {  	vm0 =	vgt.s32 v2, $0x0;
	v1 =	vsub.s32 v1, v3  }
0x13e: {  	v2 =	vnsel vm0, $0x0, v2;
	v1 =	vmul.u32 $0x3E8, v1  }
0x13f: {  	v2 =	vmin.u32 v2, $0x3E7  }
0x140: {  	s19 =	sadd.s32 $0x10, s19;
	v1 =	vadd.s32 v1, v2  }
0x141: {  	[tilespmem:s19+$0x0] =	vst v1  }
0x142: {  	_ =	swait.ge [sflag:s13], $0x2000  }
0x143: {  	[sflag:s13] =	ssyncset.done $0x0  }
0x144: {  	s20 =	simm.s32 $0x1180;
	[sflag:s13] =	ssyncadd.s32 $0xFFFFE000  }
0x145: {  	[tilespmem:s7], [sflag:$0x2] =	stream.indirect.gather [hbm4b:s1+s6], $0x40, s20, s6, $0xb8;
	[tilespmem:$0x9A00] =	vst v63  }
0x146: {  	_ =	swait.ge [sflag:s14], $0x2000  }
0x147: {  	[sflag:s14] =	ssyncset.done $0x0  }
0x148: {  	s19 =	simm.s32 $0x500;
	s21 =	rddreg [dreg:$0x9];
	[sflag:s14] =	ssyncadd.s32 $0xFFFFE000  }
0x149: {  	v1 =	vor.u32 s19, v0;
	[hbm4b:s21+s3] =	stream.linear.scatter [tilespmem:s8], [sflag:$0x7], $0x2000, $0x38;
	[tilespmem:$0x9A00] =	vst v63  }
0x14a: {  	v3 =	vmulhi.u32 $0x4EC4EC4F, v1;
	v2 =	vld [tilespmem:s19+$0x0];
	_ =	sdelay $0x1  }
0x14b: {  	v3 =	vshrl.u32 v3, $0x3  }
0x14c: {  	v3 =	vmul.u32 $0x1A, v3;
	_ =	sdelay $0x1  }
0x14d: {  	v1 =	vsub.s32 v1, v3;
	vm15 =	vgt.s32 v2, $0x0  }
0x14e: {  	v1 =	vmul.u32 $0x3E8, v1;
	v2 =	vnsel vm15, $0x0, v2  }
0x14f: {  	v2 =	vmin.u32 v2, $0x3E7  }
0x150: {  	s20 =	simm.s32 $0x510;
	s19 =	simm.s32 $0x1200;
	v2 =	vadd.s32 v1, v2  }
0x151: {  	s21 =	simm.s32 $0x520;
	v1 =	vor.u32 s20, v0;
	[tilespmem:s19+$0x0] =	vst v2  }
.LBB2_22:
0x152: {  	p0 =	sne.s32 s21, $0x570;
	v2 =	vld [tilespmem:s20+$0x0];
	v3 =	vmulhi.u32 $0x4EC4EC4F, v1;
	_ =	sdelay $0x1  }
0x153: {  	v3 =	vshrl.u32 v3, $0x3  }
0x154: {  	v3 =	vmul.u32 $0x1A, v3;
	_ =	sdelay $0x1  }
.Ltmp10:
0x155: {  	vm0 =	vgt.s32 v2, $0x0;
	v1 =	vsub.s32 v1, v3;
	(pc) =	sbr.rel @p0 .LBB2_22-.Ltmp10, $4  }
0x156: {  	v2 =	vnsel vm0, $0x0, v2;
	v1 =	vmul.u32 $0x3E8, v1  }
0x157: {  	v2 =	vmin.u32 v2, $0x3E7  }
0x158: {  	s19 =	sadd.s32 $0x10, s19;
	v2 =	vadd.s32 v1, v2  }
0x159: {  	s20 =	sadd.s32 $0x10, s20;
	v1 =	vor.u32 s21, v0;
	s21 =	sadd.s32 $0x10, s21;
	[tilespmem:s19+$0x0] =	vst v2  }
0x15a: {  	v2 =	vld [tilespmem:s20+$0x0];
	v3 =	vmulhi.u32 $0x4EC4EC4F, v1;
	_ =	sdelay $0x1  }
0x15b: {  	v3 =	vshrl.u32 v3, $0x3  }
0x15c: {  	v3 =	vmul.u32 $0x1A, v3;
	_ =	sdelay $0x1  }
0x15d: {  	vm0 =	vgt.s32 v2, $0x0;
	v1 =	vsub.s32 v1, v3  }
0x15e: {  	v2 =	vnsel vm0, $0x0, v2;
	v1 =	vmul.u32 $0x3E8, v1  }
0x15f: {  	v2 =	vmin.u32 v2, $0x3E7  }
0x160: {  	s19 =	sadd.s32 $0x10, s19;
	v1 =	vadd.s32 v1, v2  }
0x161: {  	[tilespmem:s19+$0x0] =	vst v1  }
0x162: {  	_ =	swait.ge [sflag:s15], $0x2000  }
0x163: {  	[sflag:s15] =	ssyncset.done $0x0  }
0x164: {  	s20 =	simm.s32 $0x1200;
	[sflag:s15] =	ssyncadd.s32 $0xFFFFE000  }
0x165: {  	[tilespmem:s8], [sflag:$0x3] =	stream.indirect.gather [hbm4b:s1+s6], $0x40, s20, s6, $0xb8;
	[tilespmem:$0x9A00] =	vst v63  }
0x166: {  	_ =	swait.ge [sflag:s16], $0x2000  }
0x167: {  	[sflag:s16] =	ssyncset.done $0x0  }
0x168: {  	s19 =	simm.s32 $0x580;
	s21 =	rddreg [dreg:$0xa];
	[sflag:s16] =	ssyncadd.s32 $0xFFFFE000  }
0x169: {  	v1 =	vor.u32 s19, v0;
	[hbm4b:s21+s3] =	stream.linear.scatter [tilespmem:s9], [sflag:$0x8], $0x2000, $0x38;
	[tilespmem:$0x9A00] =	vst v63  }
0x16a: {  	v3 =	vmulhi.u32 $0x4EC4EC4F, v1;
	v2 =	vld [tilespmem:s19+$0x0];
	_ =	sdelay $0x1  }
0x16b: {  	v3 =	vshrl.u32 v3, $0x3  }
0x16c: {  	v3 =	vmul.u32 $0x1A, v3;
	_ =	sdelay $0x1  }
0x16d: {  	v1 =	vsub.s32 v1, v3;
	vm15 =	vgt.s32 v2, $0x0  }
0x16e: {  	v1 =	vmul.u32 $0x3E8, v1;
	v2 =	vnsel vm15, $0x0, v2  }
0x16f: {  	v2 =	vmin.u32 v2, $0x3E7  }
0x170: {  	s20 =	simm.s32 $0x590;
	s19 =	simm.s32 $0x1280;
	v2 =	vadd.s32 v1, v2  }
0x171: {  	s21 =	simm.s32 $0x5A0;
	v1 =	vor.u32 s20, v0;
	[tilespmem:s19+$0x0] =	vst v2  }
.LBB2_24:
0x172: {  	p0 =	sne.s32 s21, $0x5F0;
	v2 =	vld [tilespmem:s20+$0x0];
	v3 =	vmulhi.u32 $0x4EC4EC4F, v1;
	_ =	sdelay $0x1  }
0x173: {  	v3 =	vshrl.u32 v3, $0x3  }
0x174: {  	v3 =	vmul.u32 $0x1A, v3;
	_ =	sdelay $0x1  }
.Ltmp11:
0x175: {  	vm0 =	vgt.s32 v2, $0x0;
	v1 =	vsub.s32 v1, v3;
	(pc) =	sbr.rel @p0 .LBB2_24-.Ltmp11, $4  }
0x176: {  	v2 =	vnsel vm0, $0x0, v2;
	v1 =	vmul.u32 $0x3E8, v1  }
0x177: {  	v2 =	vmin.u32 v2, $0x3E7  }
0x178: {  	s19 =	sadd.s32 $0x10, s19;
	v2 =	vadd.s32 v1, v2  }
0x179: {  	s20 =	sadd.s32 $0x10, s20;
	v1 =	vor.u32 s21, v0;
	s21 =	sadd.s32 $0x10, s21;
	[tilespmem:s19+$0x0] =	vst v2  }
0x17a: {  	v2 =	vld [tilespmem:s20+$0x0];
	v3 =	vmulhi.u32 $0x4EC4EC4F, v1;
	_ =	sdelay $0x1  }
0x17b: {  	v3 =	vshrl.u32 v3, $0x3  }
0x17c: {  	v3 =	vmul.u32 $0x1A, v3;
	_ =	sdelay $0x1  }
0x17d: {  	vm0 =	vgt.s32 v2, $0x0;
	v1 =	vsub.s32 v1, v3  }
0x17e: {  	v2 =	vnsel vm0, $0x0, v2;
	v1 =	vmul.u32 $0x3E8, v1  }
0x17f: {  	v2 =	vmin.u32 v2, $0x3E7  }
0x180: {  	s19 =	sadd.s32 $0x10, s19;
	v1 =	vadd.s32 v1, v2  }
0x181: {  	[tilespmem:s19+$0x0] =	vst v1  }
0x182: {  	_ =	swait.ge [sflag:s17], $0x2000  }
0x183: {  	[sflag:s17] =	ssyncset.done $0x0  }
0x184: {  	s20 =	simm.s32 $0x1280;
	[sflag:s17] =	ssyncadd.s32 $0xFFFFE000  }
0x185: {  	[tilespmem:s9], [sflag:$0x4] =	stream.indirect.gather [hbm4b:s1+s6], $0x40, s20, s6, $0xb8;
	[tilespmem:$0x9A00] =	vst v63  }
0x186: {  	_ =	swait.ge [sflag:s10], $0x2000  }
0x187: {  	[sflag:s10] =	ssyncset.done $0x0  }
0x188: {  	s19 =	simm.s32 $0x600;
	s21 =	rddreg [dreg:$0xb];
	[sflag:s10] =	ssyncadd.s32 $0xFFFFE000  }
0x189: {  	v1 =	vor.u32 s19, v0;
	[hbm4b:s21+s3] =	stream.linear.scatter [tilespmem:s4], [sflag:$0x5], $0x2000, $0x38;
	[tilespmem:$0x9A00] =	vst v63  }
0x18a: {  	v3 =	vmulhi.u32 $0x4EC4EC4F, v1;
	v2 =	vld [tilespmem:s19+$0x0];
	_ =	sdelay $0x1  }
0x18b: {  	v3 =	vshrl.u32 v3, $0x3  }
0x18c: {  	v3 =	vmul.u32 $0x1A, v3;
	_ =	sdelay $0x1  }
0x18d: {  	v1 =	vsub.s32 v1, v3;
	vm15 =	vgt.s32 v2, $0x0  }
0x18e: {  	v1 =	vmul.u32 $0x3E8, v1;
	v2 =	vnsel vm15, $0x0, v2  }
0x18f: {  	v2 =	vmin.u32 v2, $0x3E7  }
0x190: {  	s20 =	simm.s32 $0x610;
	s19 =	simm.s32 $0x1300;
	v2 =	vadd.s32 v1, v2  }
0x191: {  	s21 =	simm.s32 $0x620;
	v1 =	vor.u32 s20, v0;
	[tilespmem:s19+$0x0] =	vst v2  }
.LBB2_26:
0x192: {  	p0 =	sne.s32 s21, $0x670;
	v2 =	vld [tilespmem:s20+$0x0];
	v3 =	vmulhi.u32 $0x4EC4EC4F, v1;
	_ =	sdelay $0x1  }
0x193: {  	v3 =	vshrl.u32 v3, $0x3  }
0x194: {  	v3 =	vmul.u32 $0x1A, v3;
	_ =	sdelay $0x1  }
.Ltmp12:
0x195: {  	vm0 =	vgt.s32 v2, $0x0;
	v1 =	vsub.s32 v1, v3;
	(pc) =	sbr.rel @p0 .LBB2_26-.Ltmp12, $4  }
0x196: {  	v2 =	vnsel vm0, $0x0, v2;
	v1 =	vmul.u32 $0x3E8, v1  }
0x197: {  	v2 =	vmin.u32 v2, $0x3E7  }
0x198: {  	s19 =	sadd.s32 $0x10, s19;
	v2 =	vadd.s32 v1, v2  }
0x199: {  	s20 =	sadd.s32 $0x10, s20;
	v1 =	vor.u32 s21, v0;
	s21 =	sadd.s32 $0x10, s21;
	[tilespmem:s19+$0x0] =	vst v2  }
0x19a: {  	v2 =	vld [tilespmem:s20+$0x0];
	v3 =	vmulhi.u32 $0x4EC4EC4F, v1;
	_ =	sdelay $0x1  }
0x19b: {  	v3 =	vshrl.u32 v3, $0x3  }
0x19c: {  	v3 =	vmul.u32 $0x1A, v3;
	_ =	sdelay $0x1  }
0x19d: {  	vm0 =	vgt.s32 v2, $0x0;
	v1 =	vsub.s32 v1, v3  }
0x19e: {  	v2 =	vnsel vm0, $0x0, v2;
	v1 =	vmul.u32 $0x3E8, v1  }
0x19f: {  	v2 =	vmin.u32 v2, $0x3E7  }
0x1a0: {  	s19 =	sadd.s32 $0x10, s19;
	v1 =	vadd.s32 v1, v2  }
0x1a1: {  	[tilespmem:s19+$0x0] =	vst v1  }
0x1a2: {  	_ =	swait.ge [sflag:s11], $0x2000  }
0x1a3: {  	[sflag:s11] =	ssyncset.done $0x0  }
0x1a4: {  	s20 =	simm.s32 $0x1300;
	[sflag:s11] =	ssyncadd.s32 $0xFFFFE000  }
0x1a5: {  	[tilespmem:s4], [sflag:$0x1] =	stream.indirect.gather [hbm4b:s1+s6], $0x40, s20, s6, $0xb8;
	[tilespmem:$0x9A00] =	vst v63  }
0x1a6: {  	_ =	swait.ge [sflag:s12], $0x2000  }
0x1a7: {  	[sflag:s12] =	ssyncset.done $0x0  }
0x1a8: {  	s19 =	simm.s32 $0x680;
	s21 =	rddreg [dreg:$0xc];
	[sflag:s12] =	ssyncadd.s32 $0xFFFFE000  }
0x1a9: {  	v1 =	vor.u32 s19, v0;
	[hbm4b:s21+s3] =	stream.linear.scatter [tilespmem:s7], [sflag:$0x6], $0x2000, $0x38;
	[tilespmem:$0x9A00] =	vst v63  }
0x1aa: {  	v3 =	vmulhi.u32 $0x4EC4EC4F, v1;
	v2 =	vld [tilespmem:s19+$0x0];
	_ =	sdelay $0x1  }
0x1ab: {  	v3 =	vshrl.u32 v3, $0x3  }
0x1ac: {  	v3 =	vmul.u32 $0x1A, v3;
	_ =	sdelay $0x1  }
0x1ad: {  	v1 =	vsub.s32 v1, v3;
	vm15 =	vgt.s32 v2, $0x0  }
0x1ae: {  	v1 =	vmul.u32 $0x3E8, v1;
	v2 =	vnsel vm15, $0x0, v2  }
0x1af: {  	v2 =	vmin.u32 v2, $0x3E7  }
0x1b0: {  	s20 =	simm.s32 $0x690;
	s19 =	simm.s32 $0x1380;
	v2 =	vadd.s32 v1, v2  }
0x1b1: {  	s21 =	simm.s32 $0x6A0;
	v1 =	vor.u32 s20, v0;
	[tilespmem:s19+$0x0] =	vst v2  }
.LBB2_28:
0x1b2: {  	p0 =	sne.s32 s21, $0x6F0;
	v2 =	vld [tilespmem:s20+$0x0];
	v3 =	vmulhi.u32 $0x4EC4EC4F, v1;
	_ =	sdelay $0x1  }
0x1b3: {  	v3 =	vshrl.u32 v3, $0x3  }
0x1b4: {  	v3 =	vmul.u32 $0x1A, v3;
	_ =	sdelay $0x1  }
.Ltmp13:
0x1b5: {  	vm0 =	vgt.s32 v2, $0x0;
	v1 =	vsub.s32 v1, v3;
	(pc) =	sbr.rel @p0 .LBB2_28-.Ltmp13, $4  }
0x1b6: {  	v2 =	vnsel vm0, $0x0, v2;
	v1 =	vmul.u32 $0x3E8, v1  }
0x1b7: {  	v2 =	vmin.u32 v2, $0x3E7  }
0x1b8: {  	s19 =	sadd.s32 $0x10, s19;
	v2 =	vadd.s32 v1, v2  }
0x1b9: {  	s20 =	sadd.s32 $0x10, s20;
	v1 =	vor.u32 s21, v0;
	s21 =	sadd.s32 $0x10, s21;
	[tilespmem:s19+$0x0] =	vst v2  }
0x1ba: {  	v2 =	vld [tilespmem:s20+$0x0];
	v3 =	vmulhi.u32 $0x4EC4EC4F, v1;
	_ =	sdelay $0x1  }
0x1bb: {  	v3 =	vshrl.u32 v3, $0x3  }
0x1bc: {  	v3 =	vmul.u32 $0x1A, v3;
	_ =	sdelay $0x1  }
0x1bd: {  	vm0 =	vgt.s32 v2, $0x0;
	v1 =	vsub.s32 v1, v3  }
0x1be: {  	v2 =	vnsel vm0, $0x0, v2;
	v1 =	vmul.u32 $0x3E8, v1  }
0x1bf: {  	v2 =	vmin.u32 v2, $0x3E7  }
0x1c0: {  	s19 =	sadd.s32 $0x10, s19;
	v1 =	vadd.s32 v1, v2  }
0x1c1: {  	[tilespmem:s19+$0x0] =	vst v1  }
0x1c2: {  	_ =	swait.ge [sflag:s13], $0x2000  }
0x1c3: {  	[sflag:s13] =	ssyncset.done $0x0  }
0x1c4: {  	s20 =	simm.s32 $0x1380;
	[sflag:s13] =	ssyncadd.s32 $0xFFFFE000  }
0x1c5: {  	[tilespmem:s7], [sflag:$0x2] =	stream.indirect.gather [hbm4b:s1+s6], $0x40, s20, s6, $0xb8;
	[tilespmem:$0x9A00] =	vst v63  }
0x1c6: {  	_ =	swait.ge [sflag:s14], $0x2000  }
0x1c7: {  	[sflag:s14] =	ssyncset.done $0x0  }
0x1c8: {  	s19 =	simm.s32 $0x700;
	s21 =	rddreg [dreg:$0xd];
	[sflag:s14] =	ssyncadd.s32 $0xFFFFE000  }
0x1c9: {  	v1 =	vor.u32 s19, v0;
	[hbm4b:s21+s3] =	stream.linear.scatter [tilespmem:s8], [sflag:$0x7], $0x2000, $0x38;
	[tilespmem:$0x9A00] =	vst v63  }
0x1ca: {  	v3 =	vmulhi.u32 $0x4EC4EC4F, v1;
	v2 =	vld [tilespmem:s19+$0x0];
	_ =	sdelay $0x1  }
0x1cb: {  	v3 =	vshrl.u32 v3, $0x3  }
0x1cc: {  	v3 =	vmul.u32 $0x1A, v3;
	_ =	sdelay $0x1  }
0x1cd: {  	v1 =	vsub.s32 v1, v3;
	vm15 =	vgt.s32 v2, $0x0  }
0x1ce: {  	v1 =	vmul.u32 $0x3E8, v1;
	v2 =	vnsel vm15, $0x0, v2  }
0x1cf: {  	v2 =	vmin.u32 v2, $0x3E7  }
0x1d0: {  	s20 =	simm.s32 $0x710;
	s19 =	simm.s32 $0x1400;
	v2 =	vadd.s32 v1, v2  }
0x1d1: {  	s21 =	simm.s32 $0x720;
	v1 =	vor.u32 s20, v0;
	[tilespmem:s19+$0x0] =	vst v2  }
.LBB2_30:
0x1d2: {  	p0 =	sne.s32 s21, $0x770;
	v2 =	vld [tilespmem:s20+$0x0];
	v3 =	vmulhi.u32 $0x4EC4EC4F, v1;
	_ =	sdelay $0x1  }
0x1d3: {  	v3 =	vshrl.u32 v3, $0x3  }
0x1d4: {  	v3 =	vmul.u32 $0x1A, v3;
	_ =	sdelay $0x1  }
.Ltmp14:
0x1d5: {  	vm0 =	vgt.s32 v2, $0x0;
	v1 =	vsub.s32 v1, v3;
	(pc) =	sbr.rel @p0 .LBB2_30-.Ltmp14, $4  }
0x1d6: {  	v2 =	vnsel vm0, $0x0, v2;
	v1 =	vmul.u32 $0x3E8, v1  }
0x1d7: {  	v2 =	vmin.u32 v2, $0x3E7  }
0x1d8: {  	s19 =	sadd.s32 $0x10, s19;
	v2 =	vadd.s32 v1, v2  }
0x1d9: {  	s20 =	sadd.s32 $0x10, s20;
	v1 =	vor.u32 s21, v0;
	s21 =	sadd.s32 $0x10, s21;
	[tilespmem:s19+$0x0] =	vst v2  }
0x1da: {  	v2 =	vld [tilespmem:s20+$0x0];
	v3 =	vmulhi.u32 $0x4EC4EC4F, v1;
	_ =	sdelay $0x1  }
0x1db: {  	v3 =	vshrl.u32 v3, $0x3  }
0x1dc: {  	v3 =	vmul.u32 $0x1A, v3;
	_ =	sdelay $0x1  }
0x1dd: {  	vm0 =	vgt.s32 v2, $0x0;
	v1 =	vsub.s32 v1, v3  }
0x1de: {  	v2 =	vnsel vm0, $0x0, v2;
	v1 =	vmul.u32 $0x3E8, v1  }
0x1df: {  	v2 =	vmin.u32 v2, $0x3E7  }
0x1e0: {  	s19 =	sadd.s32 $0x10, s19;
	v1 =	vadd.s32 v1, v2  }
0x1e1: {  	[tilespmem:s19+$0x0] =	vst v1  }
0x1e2: {  	_ =	swait.ge [sflag:s15], $0x2000  }
0x1e3: {  	[sflag:s15] =	ssyncset.done $0x0  }
0x1e4: {  	s20 =	simm.s32 $0x1400;
	[sflag:s15] =	ssyncadd.s32 $0xFFFFE000  }
0x1e5: {  	[tilespmem:s8], [sflag:$0x3] =	stream.indirect.gather [hbm4b:s1+s6], $0x40, s20, s6, $0xb8;
	[tilespmem:$0x9A00] =	vst v63  }
0x1e6: {  	_ =	swait.ge [sflag:s16], $0x2000  }
0x1e7: {  	[sflag:s16] =	ssyncset.done $0x0  }
0x1e8: {  	s19 =	simm.s32 $0x780;
	s21 =	rddreg [dreg:$0xe];
	[sflag:s16] =	ssyncadd.s32 $0xFFFFE000  }
0x1e9: {  	v1 =	vor.u32 s19, v0;
	[hbm4b:s21+s3] =	stream.linear.scatter [tilespmem:s9], [sflag:$0x8], $0x2000, $0x38;
	[tilespmem:$0x9A00] =	vst v63  }
0x1ea: {  	v3 =	vmulhi.u32 $0x4EC4EC4F, v1;
	v2 =	vld [tilespmem:s19+$0x0];
	_ =	sdelay $0x1  }
0x1eb: {  	v3 =	vshrl.u32 v3, $0x3  }
0x1ec: {  	v3 =	vmul.u32 $0x1A, v3;
	_ =	sdelay $0x1  }
0x1ed: {  	v1 =	vsub.s32 v1, v3;
	vm15 =	vgt.s32 v2, $0x0  }
0x1ee: {  	v1 =	vmul.u32 $0x3E8, v1;
	v2 =	vnsel vm15, $0x0, v2  }
0x1ef: {  	v2 =	vmin.u32 v2, $0x3E7  }
0x1f0: {  	s20 =	simm.s32 $0x790;
	s19 =	simm.s32 $0x1480;
	v2 =	vadd.s32 v1, v2  }
0x1f1: {  	s21 =	simm.s32 $0x7A0;
	v1 =	vor.u32 s20, v0;
	[tilespmem:s19+$0x0] =	vst v2  }
.LBB2_32:
0x1f2: {  	p0 =	sne.s32 s21, $0x7F0;
	v2 =	vld [tilespmem:s20+$0x0];
	v3 =	vmulhi.u32 $0x4EC4EC4F, v1;
	_ =	sdelay $0x1  }
0x1f3: {  	v3 =	vshrl.u32 v3, $0x3  }
0x1f4: {  	v3 =	vmul.u32 $0x1A, v3;
	_ =	sdelay $0x1  }
.Ltmp15:
0x1f5: {  	vm0 =	vgt.s32 v2, $0x0;
	v1 =	vsub.s32 v1, v3;
	(pc) =	sbr.rel @p0 .LBB2_32-.Ltmp15, $4  }
0x1f6: {  	v2 =	vnsel vm0, $0x0, v2;
	v1 =	vmul.u32 $0x3E8, v1  }
0x1f7: {  	v2 =	vmin.u32 v2, $0x3E7  }
0x1f8: {  	s19 =	sadd.s32 $0x10, s19;
	v2 =	vadd.s32 v1, v2  }
0x1f9: {  	s20 =	sadd.s32 $0x10, s20;
	v1 =	vor.u32 s21, v0;
	s21 =	sadd.s32 $0x10, s21;
	[tilespmem:s19+$0x0] =	vst v2  }
0x1fa: {  	v2 =	vld [tilespmem:s20+$0x0];
	v3 =	vmulhi.u32 $0x4EC4EC4F, v1;
	_ =	sdelay $0x1  }
0x1fb: {  	v3 =	vshrl.u32 v3, $0x3  }
0x1fc: {  	v3 =	vmul.u32 $0x1A, v3;
	_ =	sdelay $0x1  }
0x1fd: {  	vm0 =	vgt.s32 v2, $0x0;
	v1 =	vsub.s32 v1, v3  }
0x1fe: {  	v2 =	vnsel vm0, $0x0, v2;
	v1 =	vmul.u32 $0x3E8, v1  }
0x1ff: {  	v2 =	vmin.u32 v2, $0x3E7  }
0x200: {  	s19 =	sadd.s32 $0x10, s19;
	v1 =	vadd.s32 v1, v2  }
0x201: {  	[tilespmem:s19+$0x0] =	vst v1  }
0x202: {  	_ =	swait.ge [sflag:s17], $0x2000  }
0x203: {  	[sflag:s17] =	ssyncset.done $0x0  }
0x204: {  	s20 =	simm.s32 $0x1480;
	[sflag:s17] =	ssyncadd.s32 $0xFFFFE000  }
0x205: {  	[tilespmem:s9], [sflag:$0x4] =	stream.indirect.gather [hbm4b:s1+s6], $0x40, s20, s6, $0xb8;
	[tilespmem:$0x9A00] =	vst v63  }
0x206: {  	_ =	swait.ge [sflag:s10], $0x2000  }
0x207: {  	[sflag:s10] =	ssyncset.done $0x0  }
0x208: {  	s19 =	simm.s32 $0x800;
	s21 =	rddreg [dreg:$0xf];
	[sflag:s10] =	ssyncadd.s32 $0xFFFFE000  }
0x209: {  	v1 =	vor.u32 s19, v0;
	[hbm4b:s21+s3] =	stream.linear.scatter [tilespmem:s4], [sflag:$0x5], $0x2000, $0x38;
	[tilespmem:$0x9A00] =	vst v63  }
0x20a: {  	v3 =	vmulhi.u32 $0x4EC4EC4F, v1;
	v2 =	vld [tilespmem:s19+$0x0];
	_ =	sdelay $0x1  }
0x20b: {  	v3 =	vshrl.u32 v3, $0x3  }
0x20c: {  	v3 =	vmul.u32 $0x1A, v3;
	_ =	sdelay $0x1  }
0x20d: {  	v1 =	vsub.s32 v1, v3;
	vm15 =	vgt.s32 v2, $0x0  }
0x20e: {  	v1 =	vmul.u32 $0x3E8, v1;
	v2 =	vnsel vm15, $0x0, v2  }
0x20f: {  	v2 =	vmin.u32 v2, $0x3E7  }
0x210: {  	s20 =	simm.s32 $0x810;
	s19 =	simm.s32 $0x1500;
	v2 =	vadd.s32 v1, v2  }
0x211: {  	s21 =	simm.s32 $0x820;
	v1 =	vor.u32 s20, v0;
	[tilespmem:s19+$0x0] =	vst v2  }
.LBB2_34:
0x212: {  	p0 =	sne.s32 s21, $0x870;
	v2 =	vld [tilespmem:s20+$0x0];
	v3 =	vmulhi.u32 $0x4EC4EC4F, v1;
	_ =	sdelay $0x1  }
0x213: {  	v3 =	vshrl.u32 v3, $0x3  }
0x214: {  	v3 =	vmul.u32 $0x1A, v3;
	_ =	sdelay $0x1  }
.Ltmp16:
0x215: {  	vm0 =	vgt.s32 v2, $0x0;
	v1 =	vsub.s32 v1, v3;
	(pc) =	sbr.rel @p0 .LBB2_34-.Ltmp16, $4  }
0x216: {  	v2 =	vnsel vm0, $0x0, v2;
	v1 =	vmul.u32 $0x3E8, v1  }
0x217: {  	v2 =	vmin.u32 v2, $0x3E7  }
0x218: {  	s19 =	sadd.s32 $0x10, s19;
	v2 =	vadd.s32 v1, v2  }
0x219: {  	s20 =	sadd.s32 $0x10, s20;
	v1 =	vor.u32 s21, v0;
	s21 =	sadd.s32 $0x10, s21;
	[tilespmem:s19+$0x0] =	vst v2  }
0x21a: {  	v2 =	vld [tilespmem:s20+$0x0];
	v3 =	vmulhi.u32 $0x4EC4EC4F, v1;
	_ =	sdelay $0x1  }
0x21b: {  	v3 =	vshrl.u32 v3, $0x3  }
0x21c: {  	v3 =	vmul.u32 $0x1A, v3;
	_ =	sdelay $0x1  }
0x21d: {  	vm0 =	vgt.s32 v2, $0x0;
	v1 =	vsub.s32 v1, v3  }
0x21e: {  	v2 =	vnsel vm0, $0x0, v2;
	v1 =	vmul.u32 $0x3E8, v1  }
0x21f: {  	v2 =	vmin.u32 v2, $0x3E7  }
0x220: {  	s19 =	sadd.s32 $0x10, s19;
	v1 =	vadd.s32 v1, v2  }
0x221: {  	[tilespmem:s19+$0x0] =	vst v1  }
0x222: {  	_ =	swait.ge [sflag:s11], $0x2000  }
0x223: {  	[sflag:s11] =	ssyncset.done $0x0  }
0x224: {  	s20 =	simm.s32 $0x1500;
	[sflag:s11] =	ssyncadd.s32 $0xFFFFE000  }
0x225: {  	[tilespmem:s4], [sflag:$0x1] =	stream.indirect.gather [hbm4b:s1+s6], $0x40, s20, s6, $0xb8;
	[tilespmem:$0x9A00] =	vst v63  }
0x226: {  	_ =	swait.ge [sflag:s12], $0x2000  }
0x227: {  	[sflag:s12] =	ssyncset.done $0x0  }
0x228: {  	s19 =	simm.s32 $0x880;
	s21 =	rddreg [dreg:$0x10];
	[sflag:s12] =	ssyncadd.s32 $0xFFFFE000  }
0x229: {  	v1 =	vor.u32 s19, v0;
	[hbm4b:s21+s3] =	stream.linear.scatter [tilespmem:s7], [sflag:$0x6], $0x2000, $0x38;
	[tilespmem:$0x9A00] =	vst v63  }
0x22a: {  	v3 =	vmulhi.u32 $0x4EC4EC4F, v1;
	v2 =	vld [tilespmem:s19+$0x0];
	_ =	sdelay $0x1  }
0x22b: {  	v3 =	vshrl.u32 v3, $0x3  }
0x22c: {  	v3 =	vmul.u32 $0x1A, v3;
	_ =	sdelay $0x1  }
0x22d: {  	v1 =	vsub.s32 v1, v3;
	vm15 =	vgt.s32 v2, $0x0  }
0x22e: {  	v1 =	vmul.u32 $0x3E8, v1;
	v2 =	vnsel vm15, $0x0, v2  }
0x22f: {  	v2 =	vmin.u32 v2, $0x3E7  }
0x230: {  	s20 =	simm.s32 $0x890;
	s19 =	simm.s32 $0x1580;
	v2 =	vadd.s32 v1, v2  }
0x231: {  	s21 =	simm.s32 $0x8A0;
	v1 =	vor.u32 s20, v0;
	[tilespmem:s19+$0x0] =	vst v2  }
.LBB2_36:
0x232: {  	p0 =	sne.s32 s21, $0x8F0;
	v2 =	vld [tilespmem:s20+$0x0];
	v3 =	vmulhi.u32 $0x4EC4EC4F, v1;
	_ =	sdelay $0x1  }
0x233: {  	v3 =	vshrl.u32 v3, $0x3  }
0x234: {  	v3 =	vmul.u32 $0x1A, v3;
	_ =	sdelay $0x1  }
.Ltmp17:
0x235: {  	vm0 =	vgt.s32 v2, $0x0;
	v1 =	vsub.s32 v1, v3;
	(pc) =	sbr.rel @p0 .LBB2_36-.Ltmp17, $4  }
0x236: {  	v2 =	vnsel vm0, $0x0, v2;
	v1 =	vmul.u32 $0x3E8, v1  }
0x237: {  	v2 =	vmin.u32 v2, $0x3E7  }
0x238: {  	s19 =	sadd.s32 $0x10, s19;
	v2 =	vadd.s32 v1, v2  }
0x239: {  	s20 =	sadd.s32 $0x10, s20;
	v1 =	vor.u32 s21, v0;
	s21 =	sadd.s32 $0x10, s21;
	[tilespmem:s19+$0x0] =	vst v2  }
0x23a: {  	v2 =	vld [tilespmem:s20+$0x0];
	v3 =	vmulhi.u32 $0x4EC4EC4F, v1;
	_ =	sdelay $0x1  }
0x23b: {  	v3 =	vshrl.u32 v3, $0x3  }
0x23c: {  	v3 =	vmul.u32 $0x1A, v3;
	_ =	sdelay $0x1  }
0x23d: {  	vm0 =	vgt.s32 v2, $0x0;
	v1 =	vsub.s32 v1, v3  }
0x23e: {  	v2 =	vnsel vm0, $0x0, v2;
	v1 =	vmul.u32 $0x3E8, v1  }
0x23f: {  	v2 =	vmin.u32 v2, $0x3E7  }
0x240: {  	s19 =	sadd.s32 $0x10, s19;
	v1 =	vadd.s32 v1, v2  }
0x241: {  	[tilespmem:s19+$0x0] =	vst v1  }
0x242: {  	_ =	swait.ge [sflag:s13], $0x2000  }
0x243: {  	[sflag:s13] =	ssyncset.done $0x0  }
0x244: {  	s20 =	simm.s32 $0x1580;
	[sflag:s13] =	ssyncadd.s32 $0xFFFFE000  }
0x245: {  	[tilespmem:s7], [sflag:$0x2] =	stream.indirect.gather [hbm4b:s1+s6], $0x40, s20, s6, $0xb8;
	[tilespmem:$0x9A00] =	vst v63  }
0x246: {  	_ =	swait.ge [sflag:s14], $0x2000  }
0x247: {  	[sflag:s14] =	ssyncset.done $0x0  }
0x248: {  	s19 =	simm.s32 $0x900;
	s21 =	rddreg [dreg:$0x11];
	[sflag:s14] =	ssyncadd.s32 $0xFFFFE000  }
0x249: {  	v1 =	vor.u32 s19, v0;
	[hbm4b:s21+s3] =	stream.linear.scatter [tilespmem:s8], [sflag:$0x7], $0x2000, $0x38;
	[tilespmem:$0x9A00] =	vst v63  }
0x24a: {  	v3 =	vmulhi.u32 $0x4EC4EC4F, v1;
	v2 =	vld [tilespmem:s19+$0x0];
	_ =	sdelay $0x1  }
0x24b: {  	v3 =	vshrl.u32 v3, $0x3  }
0x24c: {  	v3 =	vmul.u32 $0x1A, v3;
	_ =	sdelay $0x1  }
0x24d: {  	v1 =	vsub.s32 v1, v3;
	vm15 =	vgt.s32 v2, $0x0  }
0x24e: {  	v1 =	vmul.u32 $0x3E8, v1;
	v2 =	vnsel vm15, $0x0, v2  }
0x24f: {  	v2 =	vmin.u32 v2, $0x3E7  }
0x250: {  	s20 =	simm.s32 $0x910;
	s19 =	simm.s32 $0x1600;
	v2 =	vadd.s32 v1, v2  }
0x251: {  	s21 =	simm.s32 $0x920;
	v1 =	vor.u32 s20, v0;
	[tilespmem:s19+$0x0] =	vst v2  }
.LBB2_38:
0x252: {  	p0 =	sne.s32 s21, $0x970;
	v2 =	vld [tilespmem:s20+$0x0];
	v3 =	vmulhi.u32 $0x4EC4EC4F, v1;
	_ =	sdelay $0x1  }
0x253: {  	v3 =	vshrl.u32 v3, $0x3  }
0x254: {  	v3 =	vmul.u32 $0x1A, v3;
	_ =	sdelay $0x1  }
.Ltmp18:
0x255: {  	vm0 =	vgt.s32 v2, $0x0;
	v1 =	vsub.s32 v1, v3;
	(pc) =	sbr.rel @p0 .LBB2_38-.Ltmp18, $4  }
0x256: {  	v2 =	vnsel vm0, $0x0, v2;
	v1 =	vmul.u32 $0x3E8, v1  }
0x257: {  	v2 =	vmin.u32 v2, $0x3E7  }
0x258: {  	s19 =	sadd.s32 $0x10, s19;
	v2 =	vadd.s32 v1, v2  }
0x259: {  	s20 =	sadd.s32 $0x10, s20;
	v1 =	vor.u32 s21, v0;
	s21 =	sadd.s32 $0x10, s21;
	[tilespmem:s19+$0x0] =	vst v2  }
0x25a: {  	v2 =	vld [tilespmem:s20+$0x0];
	v3 =	vmulhi.u32 $0x4EC4EC4F, v1;
	_ =	sdelay $0x1  }
0x25b: {  	v3 =	vshrl.u32 v3, $0x3  }
0x25c: {  	v3 =	vmul.u32 $0x1A, v3;
	_ =	sdelay $0x1  }
0x25d: {  	vm0 =	vgt.s32 v2, $0x0;
	v1 =	vsub.s32 v1, v3  }
0x25e: {  	v2 =	vnsel vm0, $0x0, v2;
	v1 =	vmul.u32 $0x3E8, v1  }
0x25f: {  	v2 =	vmin.u32 v2, $0x3E7  }
0x260: {  	s19 =	sadd.s32 $0x10, s19;
	v1 =	vadd.s32 v1, v2  }
0x261: {  	[tilespmem:s19+$0x0] =	vst v1  }
0x262: {  	_ =	swait.ge [sflag:s15], $0x2000  }
0x263: {  	[sflag:s15] =	ssyncset.done $0x0  }
0x264: {  	s20 =	simm.s32 $0x1600;
	[sflag:s15] =	ssyncadd.s32 $0xFFFFE000  }
0x265: {  	[tilespmem:s8], [sflag:$0x3] =	stream.indirect.gather [hbm4b:s1+s6], $0x40, s20, s6, $0xb8;
	[tilespmem:$0x9A00] =	vst v63  }
0x266: {  	_ =	swait.ge [sflag:s16], $0x2000  }
0x267: {  	[sflag:s16] =	ssyncset.done $0x0  }
0x268: {  	s19 =	simm.s32 $0x980;
	s21 =	rddreg [dreg:$0x12];
	[sflag:s16] =	ssyncadd.s32 $0xFFFFE000  }
0x269: {  	v1 =	vor.u32 s19, v0;
	[hbm4b:s21+s3] =	stream.linear.scatter [tilespmem:s9], [sflag:$0x8], $0x2000, $0x38;
	[tilespmem:$0x9A00] =	vst v63  }
0x26a: {  	v3 =	vmulhi.u32 $0x4EC4EC4F, v1;
	v2 =	vld [tilespmem:s19+$0x0];
	_ =	sdelay $0x1  }
0x26b: {  	v3 =	vshrl.u32 v3, $0x3  }
0x26c: {  	v3 =	vmul.u32 $0x1A, v3;
	_ =	sdelay $0x1  }
0x26d: {  	v1 =	vsub.s32 v1, v3;
	vm15 =	vgt.s32 v2, $0x0  }
0x26e: {  	v1 =	vmul.u32 $0x3E8, v1;
	v2 =	vnsel vm15, $0x0, v2  }
0x26f: {  	v2 =	vmin.u32 v2, $0x3E7  }
0x270: {  	s20 =	simm.s32 $0x990;
	s19 =	simm.s32 $0x1680;
	v2 =	vadd.s32 v1, v2  }
0x271: {  	s21 =	simm.s32 $0x9A0;
	v1 =	vor.u32 s20, v0;
	[tilespmem:s19+$0x0] =	vst v2  }
.LBB2_40:
0x272: {  	p0 =	sne.s32 s21, $0x9F0;
	v2 =	vld [tilespmem:s20+$0x0];
	v3 =	vmulhi.u32 $0x4EC4EC4F, v1;
	_ =	sdelay $0x1  }
0x273: {  	v3 =	vshrl.u32 v3, $0x3  }
0x274: {  	v3 =	vmul.u32 $0x1A, v3;
	_ =	sdelay $0x1  }
.Ltmp19:
0x275: {  	vm0 =	vgt.s32 v2, $0x0;
	v1 =	vsub.s32 v1, v3;
	(pc) =	sbr.rel @p0 .LBB2_40-.Ltmp19, $4  }
0x276: {  	v2 =	vnsel vm0, $0x0, v2;
	v1 =	vmul.u32 $0x3E8, v1  }
0x277: {  	v2 =	vmin.u32 v2, $0x3E7  }
0x278: {  	s19 =	sadd.s32 $0x10, s19;
	v2 =	vadd.s32 v1, v2  }
0x279: {  	s20 =	sadd.s32 $0x10, s20;
	v1 =	vor.u32 s21, v0;
	s21 =	sadd.s32 $0x10, s21;
	[tilespmem:s19+$0x0] =	vst v2  }
0x27a: {  	v2 =	vld [tilespmem:s20+$0x0];
	v3 =	vmulhi.u32 $0x4EC4EC4F, v1;
	_ =	sdelay $0x1  }
0x27b: {  	v3 =	vshrl.u32 v3, $0x3  }
0x27c: {  	v3 =	vmul.u32 $0x1A, v3;
	_ =	sdelay $0x1  }
0x27d: {  	vm0 =	vgt.s32 v2, $0x0;
	v1 =	vsub.s32 v1, v3  }
0x27e: {  	v2 =	vnsel vm0, $0x0, v2;
	v1 =	vmul.u32 $0x3E8, v1  }
0x27f: {  	v2 =	vmin.u32 v2, $0x3E7  }
0x280: {  	s19 =	sadd.s32 $0x10, s19;
	v1 =	vadd.s32 v1, v2  }
0x281: {  	[tilespmem:s19+$0x0] =	vst v1  }
0x282: {  	_ =	swait.ge [sflag:s17], $0x2000  }
0x283: {  	[sflag:s17] =	ssyncset.done $0x0  }
0x284: {  	s20 =	simm.s32 $0x1680;
	[sflag:s17] =	ssyncadd.s32 $0xFFFFE000  }
0x285: {  	[tilespmem:s9], [sflag:$0x4] =	stream.indirect.gather [hbm4b:s1+s6], $0x40, s20, s6, $0xb8;
	[tilespmem:$0x9A00] =	vst v63  }
0x286: {  	_ =	swait.ge [sflag:s10], $0x2000  }
0x287: {  	[sflag:s10] =	ssyncset.done $0x0  }
0x288: {  	s19 =	simm.s32 $0xA00;
	s21 =	rddreg [dreg:$0x13];
	[sflag:s10] =	ssyncadd.s32 $0xFFFFE000  }
0x289: {  	v1 =	vor.u32 s19, v0;
	[hbm4b:s21+s3] =	stream.linear.scatter [tilespmem:s4], [sflag:$0x5], $0x2000, $0x38;
	[tilespmem:$0x9A00] =	vst v63  }
0x28a: {  	v3 =	vmulhi.u32 $0x4EC4EC4F, v1;
	v2 =	vld [tilespmem:s19+$0x0];
	_ =	sdelay $0x1  }
0x28b: {  	v3 =	vshrl.u32 v3, $0x3  }
0x28c: {  	v3 =	vmul.u32 $0x1A, v3;
	_ =	sdelay $0x1  }
0x28d: {  	v1 =	vsub.s32 v1, v3;
	vm15 =	vgt.s32 v2, $0x0  }
0x28e: {  	v1 =	vmul.u32 $0x3E8, v1;
	v2 =	vnsel vm15, $0x0, v2  }
0x28f: {  	v2 =	vmin.u32 v2, $0x3E7  }
0x290: {  	s20 =	simm.s32 $0xA10;
	s19 =	simm.s32 $0x1700;
	v2 =	vadd.s32 v1, v2  }
0x291: {  	s21 =	simm.s32 $0xA20;
	v1 =	vor.u32 s20, v0;
	[tilespmem:s19+$0x0] =	vst v2  }
.LBB2_42:
0x292: {  	p0 =	sne.s32 s21, $0xA70;
	v2 =	vld [tilespmem:s20+$0x0];
	v3 =	vmulhi.u32 $0x4EC4EC4F, v1;
	_ =	sdelay $0x1  }
0x293: {  	v3 =	vshrl.u32 v3, $0x3  }
0x294: {  	v3 =	vmul.u32 $0x1A, v3;
	_ =	sdelay $0x1  }
.Ltmp20:
0x295: {  	vm0 =	vgt.s32 v2, $0x0;
	v1 =	vsub.s32 v1, v3;
	(pc) =	sbr.rel @p0 .LBB2_42-.Ltmp20, $4  }
0x296: {  	v2 =	vnsel vm0, $0x0, v2;
	v1 =	vmul.u32 $0x3E8, v1  }
0x297: {  	v2 =	vmin.u32 v2, $0x3E7  }
0x298: {  	s19 =	sadd.s32 $0x10, s19;
	v2 =	vadd.s32 v1, v2  }
0x299: {  	s20 =	sadd.s32 $0x10, s20;
	v1 =	vor.u32 s21, v0;
	s21 =	sadd.s32 $0x10, s21;
	[tilespmem:s19+$0x0] =	vst v2  }
0x29a: {  	v2 =	vld [tilespmem:s20+$0x0];
	v3 =	vmulhi.u32 $0x4EC4EC4F, v1;
	_ =	sdelay $0x1  }
0x29b: {  	v3 =	vshrl.u32 v3, $0x3  }
0x29c: {  	v3 =	vmul.u32 $0x1A, v3;
	_ =	sdelay $0x1  }
0x29d: {  	vm0 =	vgt.s32 v2, $0x0;
	v1 =	vsub.s32 v1, v3  }
0x29e: {  	v2 =	vnsel vm0, $0x0, v2;
	v1 =	vmul.u32 $0x3E8, v1  }
0x29f: {  	v2 =	vmin.u32 v2, $0x3E7  }
0x2a0: {  	s19 =	sadd.s32 $0x10, s19;
	v1 =	vadd.s32 v1, v2  }
0x2a1: {  	[tilespmem:s19+$0x0] =	vst v1  }
0x2a2: {  	_ =	swait.ge [sflag:s11], $0x2000  }
0x2a3: {  	[sflag:s11] =	ssyncset.done $0x0  }
0x2a4: {  	s20 =	simm.s32 $0x1700;
	[sflag:s11] =	ssyncadd.s32 $0xFFFFE000  }
0x2a5: {  	[tilespmem:s4], [sflag:$0x1] =	stream.indirect.gather [hbm4b:s1+s6], $0x40, s20, s6, $0xb8;
	[tilespmem:$0x9A00] =	vst v63  }
0x2a6: {  	_ =	swait.ge [sflag:s12], $0x2000  }
0x2a7: {  	[sflag:s12] =	ssyncset.done $0x0  }
0x2a8: {  	s19 =	simm.s32 $0xA80;
	s21 =	rddreg [dreg:$0x14];
	[sflag:s12] =	ssyncadd.s32 $0xFFFFE000  }
0x2a9: {  	v1 =	vor.u32 s19, v0;
	[hbm4b:s21+s3] =	stream.linear.scatter [tilespmem:s7], [sflag:$0x6], $0x2000, $0x38;
	[tilespmem:$0x9A00] =	vst v63  }
0x2aa: {  	v3 =	vmulhi.u32 $0x4EC4EC4F, v1;
	v2 =	vld [tilespmem:s19+$0x0];
	_ =	sdelay $0x1  }
0x2ab: {  	v3 =	vshrl.u32 v3, $0x3  }
0x2ac: {  	v3 =	vmul.u32 $0x1A, v3;
	_ =	sdelay $0x1  }
0x2ad: {  	v1 =	vsub.s32 v1, v3;
	vm15 =	vgt.s32 v2, $0x0  }
0x2ae: {  	v1 =	vmul.u32 $0x3E8, v1;
	v2 =	vnsel vm15, $0x0, v2  }
0x2af: {  	v2 =	vmin.u32 v2, $0x3E7  }
0x2b0: {  	s20 =	simm.s32 $0xA90;
	s19 =	simm.s32 $0x1780;
	v2 =	vadd.s32 v1, v2  }
0x2b1: {  	s21 =	simm.s32 $0xAA0;
	v1 =	vor.u32 s20, v0;
	[tilespmem:s19+$0x0] =	vst v2  }
.LBB2_44:
0x2b2: {  	p0 =	sne.s32 s21, $0xAF0;
	v2 =	vld [tilespmem:s20+$0x0];
	v3 =	vmulhi.u32 $0x4EC4EC4F, v1;
	_ =	sdelay $0x1  }
0x2b3: {  	v3 =	vshrl.u32 v3, $0x3  }
0x2b4: {  	v3 =	vmul.u32 $0x1A, v3;
	_ =	sdelay $0x1  }
.Ltmp21:
0x2b5: {  	vm0 =	vgt.s32 v2, $0x0;
	v1 =	vsub.s32 v1, v3;
	(pc) =	sbr.rel @p0 .LBB2_44-.Ltmp21, $4  }
0x2b6: {  	v2 =	vnsel vm0, $0x0, v2;
	v1 =	vmul.u32 $0x3E8, v1  }
0x2b7: {  	v2 =	vmin.u32 v2, $0x3E7  }
0x2b8: {  	s19 =	sadd.s32 $0x10, s19;
	v2 =	vadd.s32 v1, v2  }
0x2b9: {  	s20 =	sadd.s32 $0x10, s20;
	v1 =	vor.u32 s21, v0;
	s21 =	sadd.s32 $0x10, s21;
	[tilespmem:s19+$0x0] =	vst v2  }
0x2ba: {  	v2 =	vld [tilespmem:s20+$0x0];
	v3 =	vmulhi.u32 $0x4EC4EC4F, v1;
	_ =	sdelay $0x1  }
0x2bb: {  	v3 =	vshrl.u32 v3, $0x3  }
0x2bc: {  	v3 =	vmul.u32 $0x1A, v3;
	_ =	sdelay $0x1  }
0x2bd: {  	vm0 =	vgt.s32 v2, $0x0;
	v1 =	vsub.s32 v1, v3  }
0x2be: {  	v2 =	vnsel vm0, $0x0, v2;
	v1 =	vmul.u32 $0x3E8, v1  }
0x2bf: {  	v2 =	vmin.u32 v2, $0x3E7  }
0x2c0: {  	s19 =	sadd.s32 $0x10, s19;
	v1 =	vadd.s32 v1, v2  }
0x2c1: {  	[tilespmem:s19+$0x0] =	vst v1  }
0x2c2: {  	_ =	swait.ge [sflag:s13], $0x2000  }
0x2c3: {  	[sflag:s13] =	ssyncset.done $0x0  }
0x2c4: {  	s20 =	simm.s32 $0x1780;
	[sflag:s13] =	ssyncadd.s32 $0xFFFFE000  }
0x2c5: {  	[tilespmem:s7], [sflag:$0x2] =	stream.indirect.gather [hbm4b:s1+s6], $0x40, s20, s6, $0xb8;
	[tilespmem:$0x9A00] =	vst v63  }
0x2c6: {  	_ =	swait.ge [sflag:s14], $0x2000  }
0x2c7: {  	[sflag:s14] =	ssyncset.done $0x0  }
0x2c8: {  	s21 =	simm.s32 $0xB00;
	[sflag:s14] =	ssyncadd.s32 $0xFFFFE000  }
0x2c9: {  	v1 =	vor.u32 s21, v0;
	[hbm4b:s22+s3] =	stream.linear.scatter [tilespmem:s8], [sflag:$0x7], $0x2000, $0x38;
	[tilespmem:$0x9A00] =	vst v63  }
0x2ca: {  	v3 =	vmulhi.u32 $0x4EC4EC4F, v1;
	v2 =	vld [tilespmem:s21+$0x0];
	_ =	sdelay $0x1  }
0x2cb: {  	v3 =	vshrl.u32 v3, $0x3  }
0x2cc: {  	v3 =	vmul.u32 $0x1A, v3;
	_ =	sdelay $0x1  }
0x2cd: {  	v1 =	vsub.s32 v1, v3;
	vm15 =	vgt.s32 v2, $0x0  }
0x2ce: {  	v1 =	vmul.u32 $0x3E8, v1;
	v2 =	vnsel vm15, $0x0, v2  }
0x2cf: {  	v2 =	vmin.u32 v2, $0x3E7  }
0x2d0: {  	s19 =	simm.s32 $0x1800;
	s20 =	simm.s32 $0xB10;
	v2 =	vadd.s32 v1, v2  }
0x2d1: {  	s21 =	simm.s32 $0xB20;
	v1 =	vor.u32 s20, v0;
	[tilespmem:s19+$0x0] =	vst v2  }
.LBB2_46:
0x2d2: {  	p0 =	sne.s32 s21, $0xB70;
	v2 =	vld [tilespmem:s20+$0x0];
	v3 =	vmulhi.u32 $0x4EC4EC4F, v1;
	_ =	sdelay $0x1  }
0x2d3: {  	v3 =	vshrl.u32 v3, $0x3  }
0x2d4: {  	v3 =	vmul.u32 $0x1A, v3;
	_ =	sdelay $0x1  }
.Ltmp22:
0x2d5: {  	vm0 =	vgt.s32 v2, $0x0;
	v1 =	vsub.s32 v1, v3;
	(pc) =	sbr.rel @p0 .LBB2_46-.Ltmp22, $4  }
0x2d6: {  	v2 =	vnsel vm0, $0x0, v2;
	v1 =	vmul.u32 $0x3E8, v1  }
0x2d7: {  	v2 =	vmin.u32 v2, $0x3E7  }
0x2d8: {  	s19 =	sadd.s32 $0x10, s19;
	v2 =	vadd.s32 v1, v2  }
0x2d9: {  	s20 =	sadd.s32 $0x10, s20;
	v1 =	vor.u32 s21, v0;
	s21 =	sadd.s32 $0x10, s21;
	[tilespmem:s19+$0x0] =	vst v2  }
0x2da: {  	v2 =	vld [tilespmem:s20+$0x0];
	v3 =	vmulhi.u32 $0x4EC4EC4F, v1;
	_ =	sdelay $0x1  }
0x2db: {  	v3 =	vshrl.u32 v3, $0x3  }
0x2dc: {  	v3 =	vmul.u32 $0x1A, v3;
	_ =	sdelay $0x1  }
0x2dd: {  	vm0 =	vgt.s32 v2, $0x0;
	v1 =	vsub.s32 v1, v3  }
0x2de: {  	v2 =	vnsel vm0, $0x0, v2;
	v1 =	vmul.u32 $0x3E8, v1  }
0x2df: {  	v2 =	vmin.u32 v2, $0x3E7  }
0x2e0: {  	s19 =	sadd.s32 $0x10, s19;
	v1 =	vadd.s32 v1, v2  }
0x2e1: {  	[tilespmem:s19+$0x0] =	vst v1  }
0x2e2: {  	_ =	swait.ge [sflag:s15], $0x2000  }
0x2e3: {  	[sflag:s15] =	ssyncset.done $0x0  }
0x2e4: {  	s20 =	simm.s32 $0x1800;
	[sflag:s15] =	ssyncadd.s32 $0xFFFFE000  }
0x2e5: {  	[tilespmem:s8], [sflag:$0x3] =	stream.indirect.gather [hbm4b:s1+s6], $0x40, s20, s6, $0xb8;
	[tilespmem:$0x9A00] =	vst v63  }
0x2e6: {  	_ =	swait.ge [sflag:s16], $0x2000  }
0x2e7: {  	[sflag:s16] =	ssyncset.done $0x0  }
0x2e8: {  	s21 =	simm.s32 $0xB80;
	[sflag:s16] =	ssyncadd.s32 $0xFFFFE000  }
0x2e9: {  	v1 =	vor.u32 s21, v0;
	[hbm4b:s23+s3] =	stream.linear.scatter [tilespmem:s9], [sflag:$0x8], $0x2000, $0x38;
	[tilespmem:$0x9A00] =	vst v63  }
0x2ea: {  	v3 =	vmulhi.u32 $0x4EC4EC4F, v1;
	v2 =	vld [tilespmem:s21+$0x0];
	_ =	sdelay $0x1  }
0x2eb: {  	v3 =	vshrl.u32 v3, $0x3  }
0x2ec: {  	v3 =	vmul.u32 $0x1A, v3;
	_ =	sdelay $0x1  }
0x2ed: {  	v1 =	vsub.s32 v1, v3;
	vm15 =	vgt.s32 v2, $0x0  }
0x2ee: {  	v1 =	vmul.u32 $0x3E8, v1;
	v2 =	vnsel vm15, $0x0, v2  }
0x2ef: {  	v2 =	vmin.u32 v2, $0x3E7  }
0x2f0: {  	s19 =	simm.s32 $0x1880;
	s20 =	simm.s32 $0xB90;
	v2 =	vadd.s32 v1, v2  }
0x2f1: {  	s21 =	simm.s32 $0xBA0;
	v1 =	vor.u32 s20, v0;
	[tilespmem:s19+$0x0] =	vst v2  }
.LBB2_48:
0x2f2: {  	p0 =	sne.s32 s21, $0xBF0;
	v2 =	vld [tilespmem:s20+$0x0];
	v3 =	vmulhi.u32 $0x4EC4EC4F, v1;
	_ =	sdelay $0x1  }
0x2f3: {  	v3 =	vshrl.u32 v3, $0x3  }
0x2f4: {  	v3 =	vmul.u32 $0x1A, v3;
	_ =	sdelay $0x1  }
.Ltmp23:
0x2f5: {  	vm0 =	vgt.s32 v2, $0x0;
	v1 =	vsub.s32 v1, v3;
	(pc) =	sbr.rel @p0 .LBB2_48-.Ltmp23, $4  }
0x2f6: {  	v2 =	vnsel vm0, $0x0, v2;
	v1 =	vmul.u32 $0x3E8, v1  }
0x2f7: {  	v2 =	vmin.u32 v2, $0x3E7  }
0x2f8: {  	s19 =	sadd.s32 $0x10, s19;
	v2 =	vadd.s32 v1, v2  }
0x2f9: {  	s20 =	sadd.s32 $0x10, s20;
	v1 =	vor.u32 s21, v0;
	s21 =	sadd.s32 $0x10, s21;
	[tilespmem:s19+$0x0] =	vst v2  }
0x2fa: {  	v2 =	vld [tilespmem:s20+$0x0];
	v3 =	vmulhi.u32 $0x4EC4EC4F, v1;
	_ =	sdelay $0x1  }
0x2fb: {  	v3 =	vshrl.u32 v3, $0x3  }
0x2fc: {  	v3 =	vmul.u32 $0x1A, v3;
	_ =	sdelay $0x1  }
0x2fd: {  	vm0 =	vgt.s32 v2, $0x0;
	v1 =	vsub.s32 v1, v3  }
0x2fe: {  	v2 =	vnsel vm0, $0x0, v2;
	v1 =	vmul.u32 $0x3E8, v1  }
0x2ff: {  	v2 =	vmin.u32 v2, $0x3E7  }
0x300: {  	s19 =	sadd.s32 $0x10, s19;
	v1 =	vadd.s32 v1, v2  }
0x301: {  	[tilespmem:s19+$0x0] =	vst v1  }
0x302: {  	_ =	swait.ge [sflag:s17], $0x2000  }
0x303: {  	[sflag:s17] =	ssyncset.done $0x0  }
0x304: {  	s20 =	simm.s32 $0x1880;
	[sflag:s17] =	ssyncadd.s32 $0xFFFFE000  }
0x305: {  	[tilespmem:s9], [sflag:$0x4] =	stream.indirect.gather [hbm4b:s1+s6], $0x40, s20, s6, $0xb8;
	[tilespmem:$0x9A00] =	vst v63  }
0x306: {  	_ =	swait.ge [sflag:s10], $0x2000  }
0x307: {  	[sflag:s10] =	ssyncset.done $0x0  }
0x308: {  	s21 =	simm.s32 $0xC00;
	[sflag:s10] =	ssyncadd.s32 $0xFFFFE000  }
0x309: {  	v1 =	vor.u32 s21, v0;
	[hbm4b:s24+s3] =	stream.linear.scatter [tilespmem:s4], [sflag:$0x5], $0x2000, $0x38;
	[tilespmem:$0x9A00] =	vst v63  }
0x30a: {  	v3 =	vmulhi.u32 $0x4EC4EC4F, v1;
	v2 =	vld [tilespmem:s21+$0x0];
	_ =	sdelay $0x1  }
0x30b: {  	v3 =	vshrl.u32 v3, $0x3  }
0x30c: {  	v3 =	vmul.u32 $0x1A, v3;
	_ =	sdelay $0x1  }
0x30d: {  	v1 =	vsub.s32 v1, v3;
	vm15 =	vgt.s32 v2, $0x0  }
0x30e: {  	v1 =	vmul.u32 $0x3E8, v1;
	v2 =	vnsel vm15, $0x0, v2  }
0x30f: {  	v2 =	vmin.u32 v2, $0x3E7  }
0x310: {  	s19 =	simm.s32 $0x1900;
	s20 =	simm.s32 $0xC10;
	v2 =	vadd.s32 v1, v2  }
0x311: {  	s21 =	simm.s32 $0xC20;
	v1 =	vor.u32 s20, v0;
	[tilespmem:s19+$0x0] =	vst v2  }
.LBB2_50:
0x312: {  	p0 =	sne.s32 s21, $0xC70;
	v2 =	vld [tilespmem:s20+$0x0];
	v3 =	vmulhi.u32 $0x4EC4EC4F, v1;
	_ =	sdelay $0x1  }
0x313: {  	v3 =	vshrl.u32 v3, $0x3  }
0x314: {  	v3 =	vmul.u32 $0x1A, v3;
	_ =	sdelay $0x1  }
.Ltmp24:
0x315: {  	vm0 =	vgt.s32 v2, $0x0;
	v1 =	vsub.s32 v1, v3;
	(pc) =	sbr.rel @p0 .LBB2_50-.Ltmp24, $4  }
0x316: {  	v2 =	vnsel vm0, $0x0, v2;
	v1 =	vmul.u32 $0x3E8, v1  }
0x317: {  	v2 =	vmin.u32 v2, $0x3E7  }
0x318: {  	s19 =	sadd.s32 $0x10, s19;
	v2 =	vadd.s32 v1, v2  }
0x319: {  	s20 =	sadd.s32 $0x10, s20;
	v1 =	vor.u32 s21, v0;
	s21 =	sadd.s32 $0x10, s21;
	[tilespmem:s19+$0x0] =	vst v2  }
0x31a: {  	v2 =	vld [tilespmem:s20+$0x0];
	v3 =	vmulhi.u32 $0x4EC4EC4F, v1;
	_ =	sdelay $0x1  }
0x31b: {  	v3 =	vshrl.u32 v3, $0x3  }
0x31c: {  	v3 =	vmul.u32 $0x1A, v3;
	_ =	sdelay $0x1  }
0x31d: {  	vm0 =	vgt.s32 v2, $0x0;
	v1 =	vsub.s32 v1, v3  }
0x31e: {  	v2 =	vnsel vm0, $0x0, v2;
	v1 =	vmul.u32 $0x3E8, v1  }
0x31f: {  	v2 =	vmin.u32 v2, $0x3E7  }
0x320: {  	s19 =	sadd.s32 $0x10, s19;
	v1 =	vadd.s32 v1, v2  }
0x321: {  	[tilespmem:s19+$0x0] =	vst v1  }
0x322: {  	_ =	swait.ge [sflag:s11], $0x2000  }
0x323: {  	[sflag:s11] =	ssyncset.done $0x0  }
0x324: {  	s20 =	simm.s32 $0x1900;
	[sflag:s11] =	ssyncadd.s32 $0xFFFFE000  }
0x325: {  	[tilespmem:s4], [sflag:$0x1] =	stream.indirect.gather [hbm4b:s1+s6], $0x40, s20, s6, $0xb8;
	[tilespmem:$0x9A00] =	vst v63  }
0x326: {  	_ =	swait.ge [sflag:s12], $0x2000  }
0x327: {  	[sflag:s12] =	ssyncset.done $0x0  }
0x328: {  	s21 =	simm.s32 $0xC80;
	[sflag:s12] =	ssyncadd.s32 $0xFFFFE000  }
0x329: {  	v1 =	vor.u32 s21, v0;
	[hbm4b:s25+s3] =	stream.linear.scatter [tilespmem:s7], [sflag:$0x6], $0x2000, $0x38;
	[tilespmem:$0x9A00] =	vst v63  }
0x32a: {  	v3 =	vmulhi.u32 $0x4EC4EC4F, v1;
	v2 =	vld [tilespmem:s21+$0x0];
	_ =	sdelay $0x1  }
0x32b: {  	v3 =	vshrl.u32 v3, $0x3  }
0x32c: {  	v3 =	vmul.u32 $0x1A, v3;
	_ =	sdelay $0x1  }
0x32d: {  	v1 =	vsub.s32 v1, v3;
	vm15 =	vgt.s32 v2, $0x0  }
0x32e: {  	v1 =	vmul.u32 $0x3E8, v1;
	v2 =	vnsel vm15, $0x0, v2  }
0x32f: {  	v2 =	vmin.u32 v2, $0x3E7  }
0x330: {  	s19 =	simm.s32 $0x1980;
	s20 =	simm.s32 $0xC90;
	v2 =	vadd.s32 v1, v2  }
0x331: {  	s21 =	simm.s32 $0xCA0;
	v1 =	vor.u32 s20, v0;
	[tilespmem:s19+$0x0] =	vst v2  }
.LBB2_52:
0x332: {  	p0 =	sne.s32 s21, $0xCF0;
	v2 =	vld [tilespmem:s20+$0x0];
	v3 =	vmulhi.u32 $0x4EC4EC4F, v1;
	_ =	sdelay $0x1  }
0x333: {  	v3 =	vshrl.u32 v3, $0x3  }
0x334: {  	v3 =	vmul.u32 $0x1A, v3;
	_ =	sdelay $0x1  }
.Ltmp25:
0x335: {  	vm0 =	vgt.s32 v2, $0x0;
	v1 =	vsub.s32 v1, v3;
	(pc) =	sbr.rel @p0 .LBB2_52-.Ltmp25, $4  }
0x336: {  	v2 =	vnsel vm0, $0x0, v2;
	v1 =	vmul.u32 $0x3E8, v1  }
0x337: {  	v2 =	vmin.u32 v2, $0x3E7  }
0x338: {  	s19 =	sadd.s32 $0x10, s19;
	v2 =	vadd.s32 v1, v2  }
0x339: {  	s20 =	sadd.s32 $0x10, s20;
	v1 =	vor.u32 s21, v0;
	s21 =	sadd.s32 $0x10, s21;
	[tilespmem:s19+$0x0] =	vst v2  }
0x33a: {  	v2 =	vld [tilespmem:s20+$0x0];
	v3 =	vmulhi.u32 $0x4EC4EC4F, v1;
	_ =	sdelay $0x1  }
0x33b: {  	v3 =	vshrl.u32 v3, $0x3  }
0x33c: {  	v3 =	vmul.u32 $0x1A, v3;
	_ =	sdelay $0x1  }
0x33d: {  	vm0 =	vgt.s32 v2, $0x0;
	v1 =	vsub.s32 v1, v3  }
0x33e: {  	v2 =	vnsel vm0, $0x0, v2;
	v1 =	vmul.u32 $0x3E8, v1  }
0x33f: {  	v2 =	vmin.u32 v2, $0x3E7  }
0x340: {  	s19 =	sadd.s32 $0x10, s19;
	v1 =	vadd.s32 v1, v2  }
0x341: {  	[tilespmem:s19+$0x0] =	vst v1  }
0x342: {  	_ =	swait.ge [sflag:s13], $0x2000  }
0x343: {  	[sflag:s13] =	ssyncset.done $0x0  }
0x344: {  	s21 =	simm.s32 $0x1980;
	[sflag:s13] =	ssyncadd.s32 $0xFFFFE000  }
0x345: {  	[tilespmem:s7], [sflag:$0x2] =	stream.indirect.gather [hbm4b:s1+s6], $0x40, s21, s6, $0xb8;
	[tilespmem:$0x9A00] =	vst v63  }
0x346: {  	_ =	swait.ge [sflag:s14], $0x2000  }
0x347: {  	[sflag:s14] =	ssyncset.done $0x0  }
0x348: {  	[sflag:s14] =	ssyncadd.s32 $0xFFFFE000  }
0x349: {  	[hbm4b:s26+s3] =	stream.linear.scatter [tilespmem:s8], [sflag:$0x7], $0x2000, $0x38;
	[tilespmem:$0x9A00] =	vst v63  }
0x34a: {  	_ =	swait.ge [sflag:s16], $0x2000  }
0x34b: {  	[sflag:s16] =	ssyncset.done $0x0  }
0x34c: {  	[sflag:s16] =	ssyncadd.s32 $0xFFFFE000  }
0x34d: {  	[hbm4b:s28+s3] =	stream.linear.scatter [tilespmem:s9], [sflag:$0x8], $0x2000, $0x38;
	[tilespmem:$0x9A00] =	vst v63  }
0x34e: {  	_ =	swait.ge [sflag:s10], $0x2000  }
0x34f: {  	[sflag:s10] =	ssyncset.done $0x0  }
0x350: {  	[sflag:s10] =	ssyncadd.s32 $0xFFFFE000  }
0x351: {  	[hbm4b:s29+s3] =	stream.linear.scatter [tilespmem:s4], [sflag:$0x5], $0x2000, $0x38;
	[tilespmem:$0x9A00] =	vst v63  }
0x352: {  	_ =	swait.ge [sflag:s12], $0x2000  }
0x353: {  	[sflag:s12] =	ssyncset.done $0x0  }
0x354: {  	[sflag:s12] =	ssyncadd.s32 $0xFFFFE000  }
0x355: {  	[hbm4b:s30+s3] =	stream.linear.scatter [tilespmem:s7], [sflag:$0x6], $0x2000, $0x38;
	[tilespmem:$0x9A00] =	vst v63  }
0x356: {  	_ =	swait.ge [sflag:s11], $0x2000  }
0x357: {  	[sflag:s11] =	ssyncset.done $0x0  }
0x358: {  	[sflag:s11] =	ssyncadd.s32 $0xFFFFE000  }
0x359: {  	_ =	swait.ge [sflag:s13], $0x2000  }
0x35a: {  	[sflag:s13] =	ssyncset.done $0x0  }
0x35b: {  	s18 =	sadd.s32 $0x1, s18;
	[sflag:s13] =	ssyncadd.s32 $0xFFFFE000  }
0x35c: {  	p0 =	sne.s32 s18, s31;
	_ =	swait.ge [sflag:s15], $0x2000  }
.Ltmp26:
0x35d: {  	[sflag:s15] =	ssyncset.done $0x0;
	(pc) =	sbr.rel @p0 .LBB2_1-.Ltmp26, $4  }
0x35e: {  	[sflag:s15] =	ssyncadd.s32 $0xFFFFE000  }
0x35f: {  	_ =	swait.ge [sflag:s17], $0x2000  }
0x360: {  	[sflag:s17] =	ssyncset.done $0x0  }
0x361: {  	[sflag:s17] =	ssyncadd.s32 $0xFFFFE000  }
0x362: {  	_ =	sfence.sel $0x180000  }
0x363: {  	[bflag:$0x0] =	sbarrier.arrive $0xFFFF  }
0x364: {  	_ =	strace $0x90000047  }
0x365: {  	s0 =	stileid.u32;
	[bflag:$0x2] =	sbarrier.arrive $0xFFFF  }
0x366: {  	p0 =	sne.s32 s0, $0x0;
	s0 =	rddreg [dreg:$0x3]  }
0x367: {  	s0 =	sadd.s32 @!p0 $0x100000, s0  }
0x368: {  	[sflag:s0] =	ssyncadd.tile.s32 @!p0 $0x1;
	_ =	shalt  }
.Lfunc_end2:
_tile_overlayer_lowered:
.L_overlay_start_2:
0x369: {  	(tag) =	ssettag $0x2  }
0x36a: {  	s0 =	rddreg [dreg:$0x0];
	s2 =	stileid.u32  }
0x36b: {  	s1 =	rddreg [dreg:$0x1];
	p0 =	sne.s32 s2, $0x0  }
0x36c: {  	s3 =	rddreg [dreg:$0x2];
	[bflag:$0x3] =	sbarrier.arrive $0xFFFF;
	s2 =	simm.s32 @!p0 $0x1C09  }
0x36d: {  	[timem:s3], [sflag:s2] =	dma.local @!p0 [hbm:s0], s1  }
0x36e: {  	s0 =	simm.s32 @!p0 $0x9  }
0x36f: {  	_ =	swait.ge @!p0 [sflag:s0], s1  }
0x370: {  	s1 =	ssub.s32 @!p0 $0x0, s1;
	[sflag:s0] =	ssyncset.done @!p0 $0x0  }
0x371: {  	[sflag:s0] =	ssyncadd.s32 @!p0 s1  }
0x372: {  	[bflag:$0x3] =	sbarrier.arrive $0xFFFF  }
0x373: {  	_ =	shalt  }

</sc_bundles>
